<compile_context>
chip_gen: v7x
topology: tpu7x:2x2x1
jax: 0.10.2.dev20260603
libtpu: 0.0.44.dev20260713+nightly
codegen_flags: <defaults>
</compile_context>

<pallas_src>
import functools

import jax
import jax.numpy as jnp
from jax import lax
from jax.experimental import pallas as pl
from jax.experimental.pallas import tpu as pltpu
from jax.experimental.pallas import tpu_sc as plsc

B = 16384
D = 64
NUM_AGE = 8
NUM_GENDER = 2
NUM_OCC = 21
NUM_GENRES = 19
NUM_COMBO = NUM_AGE * NUM_GENDER * NUM_OCC

_info = plsc.get_sparse_core_info()
NC, NS, L = _info.num_cores, _info.num_subcores, _info.num_lanes
NW = NC * NS
BPW = B // NW
NG = BPW // L
NV = D // L
PITCH = L + 1


def _sc_gather_kernel():
    mesh = plsc.VectorSubcoreMesh(core_axis_name="c", subcore_axis_name="s")

    @functools.partial(
        pl.kernel,
        mesh=mesh,
        compiler_params=pltpu.CompilerParams(
            needs_layout_passes=False, use_tc_tiling_on_sc=False),
        out_type=[
            jax.ShapeDtypeStruct((B, D), jnp.float32),
            jax.ShapeDtypeStruct((B,), jnp.float32),
        ],
        scratch_types=[
            pltpu.VMEM((BPW,), jnp.int32),
            pltpu.VMEM((BPW,), jnp.int32),
            pltpu.VMEM((BPW,), jnp.int32),
            pltpu.VMEM((BPW,), jnp.int32),
            pltpu.VMEM((BPW,), jnp.int32),
            pltpu.VMEM((BPW,), jnp.int32),
            pltpu.VMEM((BPW, D), jnp.float32),
            pltpu.VMEM((BPW, D), jnp.float32),
            pltpu.VMEM((BPW, D), jnp.float32),
            pltpu.VMEM((BPW,), jnp.float32),
            pltpu.VMEM((BPW,), jnp.float32),
            pltpu.VMEM((NUM_AGE * D + NUM_GENDER * D + NUM_OCC * D,),
                       jnp.float32),
            pltpu.VMEM((NUM_OCC * D,), jnp.float32),
            pltpu.VMEM((L * PITCH,), jnp.float32),
            pltpu.VMEM((BPW,), jnp.float32),
            pltpu.VMEM_SHARED((NUM_COMBO, D), jnp.float32),
            pltpu.SemaphoreType.DMA,
            pltpu.SemaphoreType.DMA,
            pltpu.SemaphoreType.DMA,
            pltpu.SemaphoreType.DMA,
            pltpu.SemaphoreType.DMA,
        ],
    )
    def sc_kernel(uidx_hbm, midx_hbm, aidx_hbm, gidx_hbm, oidx_hbm,
                  uemb_hbm, memb_hbm, tabs_hbm,
                  ubias_hbm, mbias_hbm,
                  u_out_hbm, s_out_hbm,
                  uidx_v, midx_v, aidx_v, gidx_v, oidx_v, ci_v,
                  urows_v, mrows_v, drows_v, ub_v, mb_v,
                  tabs_v, stage_v, ps_v, s_v, dtab_sh,
                  sem0, sem1, sem2, sem3, sem4):
        cid = lax.axis_index("c")
        sid = lax.axis_index("s")
        wid = sid * NC + cid
        base = wid * BPW

        pltpu.sync_copy(uidx_hbm.at[pl.ds(base, BPW)], uidx_v)
        pltpu.sync_copy(midx_hbm.at[pl.ds(base, BPW)], midx_v)
        cp_u = pltpu.async_copy(uemb_hbm.at[uidx_v], urows_v, sem0)
        cp_m = pltpu.async_copy(memb_hbm.at[midx_v], mrows_v, sem1)
        cp_ub = pltpu.async_copy(ubias_hbm.at[uidx_v], ub_v, sem2)
        cp_mb = pltpu.async_copy(mbias_hbm.at[midx_v], mb_v, sem3)

        pltpu.sync_copy(aidx_hbm.at[pl.ds(base, BPW)], aidx_v)
        pltpu.sync_copy(gidx_hbm.at[pl.ds(base, BPW)], gidx_v)
        pltpu.sync_copy(oidx_hbm.at[pl.ds(base, BPW)], oidx_v)
        pltpu.sync_copy(tabs_hbm, tabs_v)

        a_base = (sid // 2) * D
        g_base = NUM_AGE * D + (sid % 2) * D
        o_base = NUM_AGE * D + NUM_GENDER * D
        ag = [tabs_v[pl.ds(a_base + j * L, L)]
              + tabs_v[pl.ds(g_base + j * L, L)] for j in range(NV)]
        for o in range(NUM_OCC):
            for j in range(NV):
                stage_v[pl.ds(o * D + j * L, L)] = (
                    ag[j] + tabs_v[pl.ds(o_base + o * D + j * L, L)])
        for o in range(NUM_OCC):
            pltpu.sync_copy(stage_v.at[pl.ds(o * D, D)],
                            dtab_sh.at[sid * NUM_OCC + o])

        def ci_body(g, carry):
            ai = aidx_v[pl.ds(g * L, L)]
            gi = gidx_v[pl.ds(g * L, L)]
            oi = oidx_v[pl.ds(g * L, L)]
            ci_v[pl.ds(g * L, L)] = (ai * 2 + gi) * NUM_OCC + oi
            return carry
        lax.fori_loop(0, NG, ci_body, 0)

        plsc.subcore_barrier()
        cp_d = pltpu.async_copy(dtab_sh.at[ci_v], drows_v, sem4)

        cp_u.wait()
        cp_m.wait()
        cp_ub.wait()
        cp_mb.wait()
        cp_d.wait()

        cols = lax.iota(jnp.int32, L) * PITCH

        def group_body(g, carry):
            r0 = g * L
            for r in range(L):
                u = [urows_v[r0 + r, pl.ds(j * L, L)] for j in range(NV)]
                d = [drows_v[r0 + r, pl.ds(j * L, L)] for j in range(NV)]
                m = [mrows_v[r0 + r, pl.ds(j * L, L)] for j in range(NV)]
                p = None
                for j in range(NV):
                    uj = u[j] + d[j]
                    urows_v[r0 + r, pl.ds(j * L, L)] = uj
                    pj = uj * m[j]
                    p = pj if p is None else p + pj
                ps_v[pl.ds(r * PITCH, L)] = p
            acc = ub_v[pl.ds(r0, L)] + mb_v[pl.ds(r0, L)]
            for c in range(L):
                acc = acc + plsc.load_gather(ps_v, [cols + c])
            s_v[pl.ds(r0, L)] = acc
            return carry

        lax.fori_loop(0, NG, group_body, 0)

        pltpu.sync_copy(urows_v, u_out_hbm.at[pl.ds(base, BPW)])
        pltpu.sync_copy(s_v, s_out_hbm.at[pl.ds(base, BPW)])

    return sc_kernel


_BK = 2048


def _tc_body(gb_ref, u_ref, gv_ref, get_ref, s_ref, o_ref):
    t = jnp.dot(u_ref[...], get_ref[...], preferred_element_type=jnp.float32)
    o_ref[...] = s_ref[...] + gb_ref[0] + jnp.sum(t * gv_ref[...], axis=1)


def kernel(user_idx, movie_idx, occ_idx, age_idx, gender_idx, genre_vec,
           user_emb, movie_emb, age_emb, gender_emb, occ_emb, genre_emb,
           user_bias, movie_bias, global_bias):
    user_idx = user_idx.astype(jnp.int32)
    movie_idx = movie_idx.astype(jnp.int32)
    occ_idx = occ_idx.astype(jnp.int32)
    age_idx = age_idx.astype(jnp.int32)
    gender_idx = gender_idx.astype(jnp.int32)

    tabs = jnp.concatenate(
        [age_emb.reshape(-1), gender_emb.reshape(-1), occ_emb.reshape(-1)])

    u_lat, s_part = _sc_gather_kernel()(
        user_idx, movie_idx, age_idx, gender_idx, occ_idx,
        user_emb, movie_emb, tabs,
        user_bias.reshape(-1), movie_bias.reshape(-1))

    ge_t = genre_emb.T

    out = pl.pallas_call(
        _tc_body,
        grid=(B // _BK,),
        in_specs=[
            pl.BlockSpec(memory_space=pltpu.SMEM),
            pl.BlockSpec((_BK, D), lambda i: (i, 0)),
            pl.BlockSpec((_BK, NUM_GENRES), lambda i: (i, 0)),
            pl.BlockSpec((D, NUM_GENRES), lambda i: (0, 0)),
            pl.BlockSpec((_BK,), lambda i: (i,)),
        ],
        out_specs=pl.BlockSpec((_BK,), lambda i: (i,)),
        out_shape=jax.ShapeDtypeStruct((B,), jnp.float32),
    )(global_bias, u_lat, genre_vec, ge_t, s_part)
    return out

# --- scband reference (transcript-rebuilt; emitter-appended) ---
"""Pipeline reference for scband-biased-mf-8014408975068 (READ-ONLY COPY).

The authoritative reference and input builder live on the scoring server;
editing this copy changes nothing except your own understanding.
"""

import jax, jax.numpy as jnp
import numpy as np

B = 16384
NUM_USERS = 100000
NUM_MOVIES = 100000
NUM_AGE = 8
NUM_GENDER = 2
NUM_OCC = 21
NUM_GENRES = 19
D = 64


def setup_inputs(seed: int = 0) -> dict:
    key = jax.random.key(seed)
    ks = jax.random.split(key, 16)
    user_idx = jax.random.randint(ks[0], (B,), 0, NUM_USERS, dtype=jnp.int64 if jax.config.jax_enable_x64 else jnp.int32)
    movie_idx = jax.random.randint(ks[1], (B,), 0, NUM_MOVIES, dtype=jnp.int32)
    occ_idx = jax.random.randint(ks[2], (B,), 0, NUM_OCC, dtype=jnp.int32)
    age_idx = jax.random.randint(ks[3], (B,), 0, NUM_AGE, dtype=jnp.int32)
    gender_idx = jax.random.randint(ks[4], (B,), 0, NUM_GENDER, dtype=jnp.int32)
    genre_vec = jax.random.uniform(ks[5], (B, NUM_GENRES), dtype=jnp.float32)
    user_emb = jax.random.normal(ks[6], (NUM_USERS, D), dtype=jnp.float32)
    movie_emb = jax.random.normal(ks[7], (NUM_MOVIES, D), dtype=jnp.float32)
    age_emb = jax.random.normal(ks[8], (NUM_AGE, D), dtype=jnp.float32)
    gender_emb = jax.random.normal(ks[9], (NUM_GENDER, D), dtype=jnp.float32)
    occ_emb = jax.random.normal(ks[10], (NUM_OCC, D), dtype=jnp.float32)
    genre_emb = jax.random.normal(ks[11], (NUM_GENRES, D), dtype=jnp.float32)
    user_bias = jax.random.normal(ks[12], (NUM_USERS, 1), dtype=jnp.float32)
    movie_bias = jax.random.normal(ks[13], (NUM_MOVIES, 1), dtype=jnp.float32)
    global_bias = jnp.zeros((1,), dtype=jnp.float32)
    return {
        "user_idx": user_idx,
        "movie_idx": movie_idx,
        "occ_idx": occ_idx,
        "age_idx": age_idx,
        "gender_idx": gender_idx,
        "genre_vec": genre_vec,
        "user_emb": user_emb,
        "movie_emb": movie_emb,
        "age_emb": age_emb,
        "gender_emb": gender_emb,
        "occ_emb": occ_emb,
        "genre_emb": genre_emb,
        "user_bias": user_bias,
        "movie_bias": movie_bias,
        "global_bias": global_bias,
    }


def reference(user_idx, movie_idx, occ_idx, age_idx, gender_idx, genre_vec,
              user_emb, movie_emb, age_emb, gender_emb, occ_emb, genre_emb,
              user_bias, movie_bias, global_bias):
    genre_latent = genre_vec @ genre_emb
    user_latent = (jnp.take(user_emb, user_idx, axis=0)
                   + jnp.take(age_emb, age_idx, axis=0)
                   + jnp.take(gender_emb, gender_idx, axis=0)
                   + jnp.take(occ_emb, occ_idx, axis=0))
    item_latent = jnp.take(movie_emb, movie_idx, axis=0) + genre_latent
    interaction = jnp.sum(user_latent * item_latent, axis=1)
    ub = jnp.take(user_bias, user_idx, axis=0)[:, 0]
    mb = jnp.take(movie_bias, movie_idx, axis=0)[:, 0]
    return global_bias + ub + mb + interaction

if __name__ == "__main__":
    import jax
    _d = setup_inputs()
    print(jax.jit(kernel)(*tuple(_d.values())))

</pallas_src>

<mosaic_0001>
#map = affine_map<(d0, d1) -> (0)>
#map1 = affine_map<(d0, d1) -> (0, 0)>
module attributes {stable_mosaic.version = 14 : i64} {
  func.func @sc_kernel(%arg0: i32, %arg1: i32, %arg2: memref<16384xi32, #tpu.memory_space<hbm>>, %arg3: memref<16384xi32, #tpu.memory_space<hbm>>, %arg4: memref<16384xi32, #tpu.memory_space<hbm>>, %arg5: memref<16384xi32, #tpu.memory_space<hbm>>, %arg6: memref<16384xi32, #tpu.memory_space<hbm>>, %arg7: memref<100000x64xf32, #tpu.memory_space<hbm>>, %arg8: memref<100000x64xf32, #tpu.memory_space<hbm>>, %arg9: memref<1984xf32, #tpu.memory_space<hbm>>, %arg10: memref<100000xf32, #tpu.memory_space<hbm>>, %arg11: memref<100000xf32, #tpu.memory_space<hbm>>, %arg12: memref<16384x64xf32, #tpu.memory_space<hbm>>, %arg13: memref<16384xf32, #tpu.memory_space<hbm>>, %arg14: memref<512xi32, #tpu.memory_space<vmem>>, %arg15: memref<512xi32, #tpu.memory_space<vmem>>, %arg16: memref<512xi32, #tpu.memory_space<vmem>>, %arg17: memref<512xi32, #tpu.memory_space<vmem>>, %arg18: memref<512xi32, #tpu.memory_space<vmem>>, %arg19: memref<512xi32, #tpu.memory_space<vmem>>, %arg20: memref<512x64xf32, #tpu.memory_space<vmem>>, %arg21: memref<512x64xf32, #tpu.memory_space<vmem>>, %arg22: memref<512x64xf32, #tpu.memory_space<vmem>>, %arg23: memref<512xf32, #tpu.memory_space<vmem>>, %arg24: memref<512xf32, #tpu.memory_space<vmem>>, %arg25: memref<1984xf32, #tpu.memory_space<vmem>>, %arg26: memref<1344xf32, #tpu.memory_space<vmem>>, %arg27: memref<272xf32, #tpu.memory_space<vmem>>, %arg28: memref<512xf32, #tpu.memory_space<vmem>>, %arg29: memref<336x64xf32, #tpu.memory_space<vmem_shared>>, %arg30: memref<!tpu.dma_semaphore, #tpu.memory_space<semaphore_mem>>, %arg31: memref<!tpu.dma_semaphore, #tpu.memory_space<semaphore_mem>>, %arg32: memref<!tpu.dma_semaphore, #tpu.memory_space<semaphore_mem>>, %arg33: memref<!tpu.dma_semaphore, #tpu.memory_space<semaphore_mem>>, %arg34: memref<!tpu.dma_semaphore, #tpu.memory_space<semaphore_mem>>) attributes {dimension_semantics = [#tpu.dimension_semantics<core_parallel>, #tpu.dimension_semantics<subcore_parallel>], iteration_bounds = array<i64: 2, 16>, scalar_prefetch = 0 : i64, scratch_operands = 21 : i64, tpu.core_type = #tpu.core_type<sc_vector_subcore>, window_params = [{transform_indices = #map}, {transform_indices = #map}, {transform_indices = #map}, {transform_indices = #map}, {transform_indices = #map}, {transform_indices = #map1}, {transform_indices = #map1}, {transform_indices = #map}, {transform_indices = #map}, {transform_indices = #map}, {transform_indices = #map1}, {transform_indices = #map}]} {
    %mul3A = arith.constant 2 : i32
    %mul3A_0 = arith.muli %arg1, %mul3A : i32
    %add3A = arith.addi %mul3A_0, %arg0 : i32
    %mul3A_1 = arith.constant 512 : i32
    %mul3A_2 = arith.muli %add3A, %mul3A_1 : i32
    "tpu.region"() ({
      %run_scoped3A = tpu.sem_alloc : memref<!tpu.dma_semaphore, #tpu.memory_space<semaphore_mem>>
      %dma_start3A_615 = tpu.memref_slice %arg2[%mul3A_2] : memref<16384xi32, #tpu.memory_space<hbm>> -> memref<512xi32, #tpu.memory_space<hbm>>
      %dma_start3A_616 = tpu.memref_slice %arg2[%mul3A_2] : memref<16384xi32, #tpu.memory_space<hbm>> -> memref<512xi32, #tpu.memory_space<hbm>>
      tpu.enqueue_dma source(%dma_start3A_616 : memref<512xi32, #tpu.memory_space<hbm>>) target(%arg14 : memref<512xi32, #tpu.memory_space<vmem>>) target_semaphore(%run_scoped3A : memref<!tpu.dma_semaphore, #tpu.memory_space<semaphore_mem>>)
      %dma_wait3A_617 = tpu.memref_slice %arg2[%mul3A_2] : memref<16384xi32, #tpu.memory_space<hbm>> -> memref<512xi32, #tpu.memory_space<hbm>>
      %dma_wait3A_618 = tpu.memref_slice %arg2[%mul3A_2] : memref<16384xi32, #tpu.memory_space<hbm>> -> memref<512xi32, #tpu.memory_space<hbm>>
      tpu.wait_dma2 semaphore(%run_scoped3A : memref<!tpu.dma_semaphore, #tpu.memory_space<semaphore_mem>>) src(%dma_wait3A_618 : memref<512xi32, #tpu.memory_space<hbm>>) dst(%arg14 : memref<512xi32, #tpu.memory_space<vmem>>)
      tpu.yield
    }) : () -> ()
    "tpu.region"() ({
      %run_scoped3A = tpu.sem_alloc : memref<!tpu.dma_semaphore, #tpu.memory_space<semaphore_mem>>
      %dma_start3A_615 = tpu.memref_slice %arg3[%mul3A_2] : memref<16384xi32, #tpu.memory_space<hbm>> -> memref<512xi32, #tpu.memory_space<hbm>>
      %dma_start3A_616 = tpu.memref_slice %arg3[%mul3A_2] : memref<16384xi32, #tpu.memory_space<hbm>> -> memref<512xi32, #tpu.memory_space<hbm>>
      tpu.enqueue_dma source(%dma_start3A_616 : memref<512xi32, #tpu.memory_space<hbm>>) target(%arg15 : memref<512xi32, #tpu.memory_space<vmem>>) target_semaphore(%run_scoped3A : memref<!tpu.dma_semaphore, #tpu.memory_space<semaphore_mem>>)
      %dma_wait3A_617 = tpu.memref_slice %arg3[%mul3A_2] : memref<16384xi32, #tpu.memory_space<hbm>> -> memref<512xi32, #tpu.memory_space<hbm>>
      %dma_wait3A_618 = tpu.memref_slice %arg3[%mul3A_2] : memref<16384xi32, #tpu.memory_space<hbm>> -> memref<512xi32, #tpu.memory_space<hbm>>
      tpu.wait_dma2 semaphore(%run_scoped3A : memref<!tpu.dma_semaphore, #tpu.memory_space<semaphore_mem>>) src(%dma_wait3A_618 : memref<512xi32, #tpu.memory_space<hbm>>) dst(%arg15 : memref<512xi32, #tpu.memory_space<vmem>>)
      tpu.yield
    }) : () -> ()
    %dma_start3A = arith.constant 0 : i32
    %dma_start3A_3 = arith.constant 0 : i32
    %dma_start3A_4 = tpu.memref_slice %arg7[%dma_start3A, %dma_start3A_3] : memref<100000x64xf32, #tpu.memory_space<hbm>> -> memref<100000x64xf32, #tpu.memory_space<hbm>>
    tpu.enqueue_indirect_dma source(%dma_start3A_4 : memref<100000x64xf32, #tpu.memory_space<hbm>>) target(%arg20 : memref<512x64xf32, #tpu.memory_space<vmem>>) offsets(%arg14 : memref<512xi32, #tpu.memory_space<vmem>>) semaphore(%arg30 : memref<!tpu.dma_semaphore, #tpu.memory_space<semaphore_mem>>)
    %dma_start3A_5 = arith.constant 0 : i32
    %dma_start3A_6 = arith.constant 0 : i32
    %dma_start3A_7 = tpu.memref_slice %arg8[%dma_start3A_5, %dma_start3A_6] : memref<100000x64xf32, #tpu.memory_space<hbm>> -> memref<100000x64xf32, #tpu.memory_space<hbm>>
    tpu.enqueue_indirect_dma source(%dma_start3A_7 : memref<100000x64xf32, #tpu.memory_space<hbm>>) target(%arg21 : memref<512x64xf32, #tpu.memory_space<vmem>>) offsets(%arg15 : memref<512xi32, #tpu.memory_space<vmem>>) semaphore(%arg31 : memref<!tpu.dma_semaphore, #tpu.memory_space<semaphore_mem>>)
    %dma_start3A_8 = arith.constant 0 : i32
    %dma_start3A_9 = tpu.memref_slice %arg10[%dma_start3A_8] : memref<100000xf32, #tpu.memory_space<hbm>> -> memref<100000xf32, #tpu.memory_space<hbm>>
    tpu.enqueue_indirect_dma source(%dma_start3A_9 : memref<100000xf32, #tpu.memory_space<hbm>>) target(%arg23 : memref<512xf32, #tpu.memory_space<vmem>>) offsets(%arg14 : memref<512xi32, #tpu.memory_space<vmem>>) semaphore(%arg32 : memref<!tpu.dma_semaphore, #tpu.memory_space<semaphore_mem>>)
    %dma_start3A_10 = arith.constant 0 : i32
    %dma_start3A_11 = tpu.memref_slice %arg11[%dma_start3A_10] : memref<100000xf32, #tpu.memory_space<hbm>> -> memref<100000xf32, #tpu.memory_space<hbm>>
    tpu.enqueue_indirect_dma source(%dma_start3A_11 : memref<100000xf32, #tpu.memory_space<hbm>>) target(%arg24 : memref<512xf32, #tpu.memory_space<vmem>>) offsets(%arg15 : memref<512xi32, #tpu.memory_space<vmem>>) semaphore(%arg33 : memref<!tpu.dma_semaphore, #tpu.memory_space<semaphore_mem>>)
    "tpu.region"() ({
      %run_scoped3A = tpu.sem_alloc : memref<!tpu.dma_semaphore, #tpu.memory_space<semaphore_mem>>
      %dma_start3A_615 = tpu.memref_slice %arg4[%mul3A_2] : memref<16384xi32, #tpu.memory_space<hbm>> -> memref<512xi32, #tpu.memory_space<hbm>>
      %dma_start3A_616 = tpu.memref_slice %arg4[%mul3A_2] : memref<16384xi32, #tpu.memory_space<hbm>> -> memref<512xi32, #tpu.memory_space<hbm>>
      tpu.enqueue_dma source(%dma_start3A_616 : memref<512xi32, #tpu.memory_space<hbm>>) target(%arg16 : memref<512xi32, #tpu.memory_space<vmem>>) target_semaphore(%run_scoped3A : memref<!tpu.dma_semaphore, #tpu.memory_space<semaphore_mem>>)
      %dma_wait3A_617 = tpu.memref_slice %arg4[%mul3A_2] : memref<16384xi32, #tpu.memory_space<hbm>> -> memref<512xi32, #tpu.memory_space<hbm>>
      %dma_wait3A_618 = tpu.memref_slice %arg4[%mul3A_2] : memref<16384xi32, #tpu.memory_space<hbm>> -> memref<512xi32, #tpu.memory_space<hbm>>
      tpu.wait_dma2 semaphore(%run_scoped3A : memref<!tpu.dma_semaphore, #tpu.memory_space<semaphore_mem>>) src(%dma_wait3A_618 : memref<512xi32, #tpu.memory_space<hbm>>) dst(%arg16 : memref<512xi32, #tpu.memory_space<vmem>>)
      tpu.yield
    }) : () -> ()
    "tpu.region"() ({
      %run_scoped3A = tpu.sem_alloc : memref<!tpu.dma_semaphore, #tpu.memory_space<semaphore_mem>>
      %dma_start3A_615 = tpu.memref_slice %arg5[%mul3A_2] : memref<16384xi32, #tpu.memory_space<hbm>> -> memref<512xi32, #tpu.memory_space<hbm>>
      %dma_start3A_616 = tpu.memref_slice %arg5[%mul3A_2] : memref<16384xi32, #tpu.memory_space<hbm>> -> memref<512xi32, #tpu.memory_space<hbm>>
      tpu.enqueue_dma source(%dma_start3A_616 : memref<512xi32, #tpu.memory_space<hbm>>) target(%arg17 : memref<512xi32, #tpu.memory_space<vmem>>) target_semaphore(%run_scoped3A : memref<!tpu.dma_semaphore, #tpu.memory_space<semaphore_mem>>)
      %dma_wait3A_617 = tpu.memref_slice %arg5[%mul3A_2] : memref<16384xi32, #tpu.memory_space<hbm>> -> memref<512xi32, #tpu.memory_space<hbm>>
      %dma_wait3A_618 = tpu.memref_slice %arg5[%mul3A_2] : memref<16384xi32, #tpu.memory_space<hbm>> -> memref<512xi32, #tpu.memory_space<hbm>>
      tpu.wait_dma2 semaphore(%run_scoped3A : memref<!tpu.dma_semaphore, #tpu.memory_space<semaphore_mem>>) src(%dma_wait3A_618 : memref<512xi32, #tpu.memory_space<hbm>>) dst(%arg17 : memref<512xi32, #tpu.memory_space<vmem>>)
      tpu.yield
    }) : () -> ()
    "tpu.region"() ({
      %run_scoped3A = tpu.sem_alloc : memref<!tpu.dma_semaphore, #tpu.memory_space<semaphore_mem>>
      %dma_start3A_615 = tpu.memref_slice %arg6[%mul3A_2] : memref<16384xi32, #tpu.memory_space<hbm>> -> memref<512xi32, #tpu.memory_space<hbm>>
      %dma_start3A_616 = tpu.memref_slice %arg6[%mul3A_2] : memref<16384xi32, #tpu.memory_space<hbm>> -> memref<512xi32, #tpu.memory_space<hbm>>
      tpu.enqueue_dma source(%dma_start3A_616 : memref<512xi32, #tpu.memory_space<hbm>>) target(%arg18 : memref<512xi32, #tpu.memory_space<vmem>>) target_semaphore(%run_scoped3A : memref<!tpu.dma_semaphore, #tpu.memory_space<semaphore_mem>>)
      %dma_wait3A_617 = tpu.memref_slice %arg6[%mul3A_2] : memref<16384xi32, #tpu.memory_space<hbm>> -> memref<512xi32, #tpu.memory_space<hbm>>
      %dma_wait3A_618 = tpu.memref_slice %arg6[%mul3A_2] : memref<16384xi32, #tpu.memory_space<hbm>> -> memref<512xi32, #tpu.memory_space<hbm>>
      tpu.wait_dma2 semaphore(%run_scoped3A : memref<!tpu.dma_semaphore, #tpu.memory_space<semaphore_mem>>) src(%dma_wait3A_618 : memref<512xi32, #tpu.memory_space<hbm>>) dst(%arg18 : memref<512xi32, #tpu.memory_space<vmem>>)
      tpu.yield
    }) : () -> ()
    "tpu.region"() ({
      %run_scoped3A = tpu.sem_alloc : memref<!tpu.dma_semaphore, #tpu.memory_space<semaphore_mem>>
      tpu.enqueue_dma source(%arg9 : memref<1984xf32, #tpu.memory_space<hbm>>) target(%arg25 : memref<1984xf32, #tpu.memory_space<vmem>>) target_semaphore(%run_scoped3A : memref<!tpu.dma_semaphore, #tpu.memory_space<semaphore_mem>>)
      tpu.wait_dma2 semaphore(%run_scoped3A : memref<!tpu.dma_semaphore, #tpu.memory_space<semaphore_mem>>) src(%arg9 : memref<1984xf32, #tpu.memory_space<hbm>>) dst(%arg25 : memref<1984xf32, #tpu.memory_space<vmem>>)
      tpu.yield
    }) : () -> ()
    %jit3A = arith.constant 2 : i32
    %div3A = arith.divsi %arg1, %jit3A : i32
    %sign3A = arith.constant 0 : i32
    %sign3A_12 = arith.cmpi sgt, %arg1, %sign3A : i32
    %sign3A_13 = arith.extui %sign3A_12 : i1 to i32
    %sign3A_14 = arith.constant 0 : i32
    %sign3A_15 = arith.cmpi slt, %arg1, %sign3A_14 : i32
    %sign3A_16 = arith.extui %sign3A_15 : i1 to i32
    %sign3A_17 = arith.subi %sign3A_13, %sign3A_16 : i32
    %sign3A_18 = arith.constant 0 : i32
    %sign3A_19 = arith.cmpi sgt, %jit3A, %sign3A_18 : i32
    %sign3A_20 = arith.extui %sign3A_19 : i1 to i32
    %sign3A_21 = arith.constant 0 : i32
    %sign3A_22 = arith.cmpi slt, %jit3A, %sign3A_21 : i32
    %sign3A_23 = arith.extui %sign3A_22 : i1 to i32
    %sign3A_24 = arith.subi %sign3A_20, %sign3A_23 : i32
    %ne3A = arith.cmpi ne, %sign3A_17, %sign3A_24 : i32
    %rem3A = arith.remsi %arg1, %jit3A : i32
    %ne3A_25 = arith.constant 0 : i32
    %ne3A_26 = arith.cmpi ne, %rem3A, %ne3A_25 : i32
    %and3A = arith.andi %ne3A, %ne3A_26 : i1
    %sub3A = arith.constant 1 : i32
    %sub3A_27 = arith.subi %div3A, %sub3A : i32
    %select_n3A = arith.select %and3A, %sub3A_27, %div3A : i32
    %mul3A_28 = arith.constant 64 : i32
    %mul3A_29 = arith.muli %select_n3A, %mul3A_28 : i32
    %jit3A_30 = arith.constant 2 : i32
    %eq3A = arith.constant 0 : i32
    %eq3A_31 = arith.cmpi eq, %jit3A_30, %eq3A : i32
    %jit3A_32 = arith.constant 1 : i32
    %select_n3A_33 = arith.select %eq3A_31, %jit3A_32, %jit3A_30 : i32
    %rem3A_34 = arith.remsi %arg1, %select_n3A_33 : i32
    %ne3A_35 = arith.constant 0 : i32
    %ne3A_36 = arith.cmpi ne, %rem3A_34, %ne3A_35 : i32
    %lt3A = arith.constant 0 : i32
    %lt3A_37 = arith.cmpi slt, %rem3A_34, %lt3A : i32
    %lt3A_38 = arith.constant 0 : i32
    %lt3A_39 = arith.cmpi slt, %select_n3A_33, %lt3A_38 : i32
    %ne3A_40 = arith.xori %lt3A_37, %lt3A_39 : i1
    %and3A_41 = arith.andi %ne3A_40, %ne3A_36 : i1
    %add3A_42 = arith.addi %rem3A_34, %select_n3A_33 : i32
    %select_n3A_43 = arith.select %and3A_41, %add3A_42, %rem3A_34 : i32
    %mul3A_44 = arith.constant 64 : i32
    %mul3A_45 = arith.muli %select_n3A_43, %mul3A_44 : i32
    %add3A_46 = arith.constant 512 : i32
    %add3A_47 = arith.addi %add3A_46, %mul3A_45 : i32
    %add3A_48 = arith.constant 0 : i32
    %add3A_49 = arith.addi %mul3A_29, %add3A_48 : i32
    %get3A = arith.index_cast %add3A_49 : i32 to index
    %get3A_50 = tpu.vector_load %arg25[%get3A] {strides = array<i32>} : memref<1984xf32, #tpu.memory_space<vmem>>, vector<16xf32>,
    %add3A_51 = arith.constant 0 : i32
    %add3A_52 = arith.addi %add3A_47, %add3A_51 : i32
    %get3A_53 = arith.index_cast %add3A_52 : i32 to index
    %get3A_54 = tpu.vector_load %arg25[%get3A_53] {strides = array<i32>} : memref<1984xf32, #tpu.memory_space<vmem>>, vector<16xf32>,
    %add3A_55 = arith.addf %get3A_50, %get3A_54 : vector<16xf32>
    %add3A_56 = arith.constant 16 : i32
    %add3A_57 = arith.addi %mul3A_29, %add3A_56 : i32
    %get3A_58 = arith.index_cast %add3A_57 : i32 to index
    %get3A_59 = tpu.vector_load %arg25[%get3A_58] {strides = array<i32>} : memref<1984xf32, #tpu.memory_space<vmem>>, vector<16xf32>,
    %add3A_60 = arith.constant 16 : i32
    %add3A_61 = arith.addi %add3A_47, %add3A_60 : i32
    %get3A_62 = arith.index_cast %add3A_61 : i32 to index
    %get3A_63 = tpu.vector_load %arg25[%get3A_62] {strides = array<i32>} : memref<1984xf32, #tpu.memory_space<vmem>>, vector<16xf32>,
    %add3A_64 = arith.addf %get3A_59, %get3A_63 : vector<16xf32>
    %add3A_65 = arith.constant 32 : i32
    %add3A_66 = arith.addi %mul3A_29, %add3A_65 : i32
    %get3A_67 = arith.index_cast %add3A_66 : i32 to index
    %get3A_68 = tpu.vector_load %arg25[%get3A_67] {strides = array<i32>} : memref<1984xf32, #tpu.memory_space<vmem>>, vector<16xf32>,
    %add3A_69 = arith.constant 32 : i32
    %add3A_70 = arith.addi %add3A_47, %add3A_69 : i32
    %get3A_71 = arith.index_cast %add3A_70 : i32 to index
    %get3A_72 = tpu.vector_load %arg25[%get3A_71] {strides = array<i32>} : memref<1984xf32, #tpu.memory_space<vmem>>, vector<16xf32>,
    %add3A_73 = arith.addf %get3A_68, %get3A_72 : vector<16xf32>
    %add3A_74 = arith.constant 48 : i32
    %add3A_75 = arith.addi %mul3A_29, %add3A_74 : i32
    %get3A_76 = arith.index_cast %add3A_75 : i32 to index
    %get3A_77 = tpu.vector_load %arg25[%get3A_76] {strides = array<i32>} : memref<1984xf32, #tpu.memory_space<vmem>>, vector<16xf32>,
    %add3A_78 = arith.constant 48 : i32
    %add3A_79 = arith.addi %add3A_47, %add3A_78 : i32
    %get3A_80 = arith.index_cast %add3A_79 : i32 to index
    %get3A_81 = tpu.vector_load %arg25[%get3A_80] {strides = array<i32>} : memref<1984xf32, #tpu.memory_space<vmem>>, vector<16xf32>,
    %add3A_82 = arith.addf %get3A_77, %get3A_81 : vector<16xf32>
    %get3A_83 = arith.constant 640 : index
    %get3A_84 = tpu.vector_load %arg25[%get3A_83] {strides = array<i32>} : memref<1984xf32, #tpu.memory_space<vmem>>, vector<16xf32>,
    %add3A_85 = arith.addf %add3A_55, %get3A_84 : vector<16xf32>
    %swap3A = arith.constant 0 : index
    %swap3A_86 = tpu.vector_load %arg26[%swap3A] {strides = array<i32>} : memref<1344xf32, #tpu.memory_space<vmem>>, vector<16xf32>,
    tpu.vector_store %arg26[%swap3A], %add3A_85 {strides = array<i32>} : memref<1344xf32, #tpu.memory_space<vmem>>, vector<16xf32>,
    %get3A_87 = arith.constant 656 : index
    %get3A_88 = tpu.vector_load %arg25[%get3A_87] {strides = array<i32>} : memref<1984xf32, #tpu.memory_space<vmem>>, vector<16xf32>,
    %add3A_89 = arith.addf %add3A_64, %get3A_88 : vector<16xf32>
    %swap3A_90 = arith.constant 16 : index
    %swap3A_91 = tpu.vector_load %arg26[%swap3A_90] {strides = array<i32>} : memref<1344xf32, #tpu.memory_space<vmem>>, vector<16xf32>,
    tpu.vector_store %arg26[%swap3A_90], %add3A_89 {strides = array<i32>} : memref<1344xf32, #tpu.memory_space<vmem>>, vector<16xf32>,
    %get3A_92 = arith.constant 672 : index
    %get3A_93 = tpu.vector_load %arg25[%get3A_92] {strides = array<i32>} : memref<1984xf32, #tpu.memory_space<vmem>>, vector<16xf32>,
    %add3A_94 = arith.addf %add3A_73, %get3A_93 : vector<16xf32>
    %swap3A_95 = arith.constant 32 : index
    %swap3A_96 = tpu.vector_load %arg26[%swap3A_95] {strides = array<i32>} : memref<1344xf32, #tpu.memory_space<vmem>>, vector<16xf32>,
    tpu.vector_store %arg26[%swap3A_95], %add3A_94 {strides = array<i32>} : memref<1344xf32, #tpu.memory_space<vmem>>, vector<16xf32>,
    %get3A_97 = arith.constant 688 : index
    %get3A_98 = tpu.vector_load %arg25[%get3A_97] {strides = array<i32>} : memref<1984xf32, #tpu.memory_space<vmem>>, vector<16xf32>,
    %add3A_99 = arith.addf %add3A_82, %get3A_98 : vector<16xf32>
    %swap3A_100 = arith.constant 48 : index
    %swap3A_101 = tpu.vector_load %arg26[%swap3A_100] {strides = array<i32>} : memref<1344xf32, #tpu.memory_space<vmem>>, vector<16xf32>,
    tpu.vector_store %arg26[%swap3A_100], %add3A_99 {strides = array<i32>} : memref<1344xf32, #tpu.memory_space<vmem>>, vector<16xf32>,
    %get3A_102 = arith.constant 704 : index
    %get3A_103 = tpu.vector_load %arg25[%get3A_102] {strides = array<i32>} : memref<1984xf32, #tpu.memory_space<vmem>>, vector<16xf32>,
    %add3A_104 = arith.addf %add3A_55, %get3A_103 : vector<16xf32>
    %swap3A_105 = arith.constant 64 : index
    %swap3A_106 = tpu.vector_load %arg26[%swap3A_105] {strides = array<i32>} : memref<1344xf32, #tpu.memory_space<vmem>>, vector<16xf32>,
    tpu.vector_store %arg26[%swap3A_105], %add3A_104 {strides = array<i32>} : memref<1344xf32, #tpu.memory_space<vmem>>, vector<16xf32>,
    %get3A_107 = arith.constant 720 : index
    %get3A_108 = tpu.vector_load %arg25[%get3A_107] {strides = array<i32>} : memref<1984xf32, #tpu.memory_space<vmem>>, vector<16xf32>,
    %add3A_109 = arith.addf %add3A_64, %get3A_108 : vector<16xf32>
    %swap3A_110 = arith.constant 80 : index
    %swap3A_111 = tpu.vector_load %arg26[%swap3A_110] {strides = array<i32>} : memref<1344xf32, #tpu.memory_space<vmem>>, vector<16xf32>,
    tpu.vector_store %arg26[%swap3A_110], %add3A_109 {strides = array<i32>} : memref<1344xf32, #tpu.memory_space<vmem>>, vector<16xf32>,
    %get3A_112 = arith.constant 736 : index
    %get3A_113 = tpu.vector_load %arg25[%get3A_112] {strides = array<i32>} : memref<1984xf32, #tpu.memory_space<vmem>>, vector<16xf32>,
    %add3A_114 = arith.addf %add3A_73, %get3A_113 : vector<16xf32>
    %swap3A_115 = arith.constant 96 : index
    %swap3A_116 = tpu.vector_load %arg26[%swap3A_115] {strides = array<i32>} : memref<1344xf32, #tpu.memory_space<vmem>>, vector<16xf32>,
    tpu.vector_store %arg26[%swap3A_115], %add3A_114 {strides = array<i32>} : memref<1344xf32, #tpu.memory_space<vmem>>, vector<16xf32>,
    %get3A_117 = arith.constant 752 : index
    %get3A_118 = tpu.vector_load %arg25[%get3A_117] {strides = array<i32>} : memref<1984xf32, #tpu.memory_space<vmem>>, vector<16xf32>,
    %add3A_119 = arith.addf %add3A_82, %get3A_118 : vector<16xf32>
    %swap3A_120 = arith.constant 112 : index
    %swap3A_121 = tpu.vector_load %arg26[%swap3A_120] {strides = array<i32>} : memref<1344xf32, #tpu.memory_space<vmem>>, vector<16xf32>,
    tpu.vector_store %arg26[%swap3A_120], %add3A_119 {strides = array<i32>} : memref<1344xf32, #tpu.memory_space<vmem>>, vector<16xf32>,
    %get3A_122 = arith.constant 768 : index
    %get3A_123 = tpu.vector_load %arg25[%get3A_122] {strides = array<i32>} : memref<1984xf32, #tpu.memory_space<vmem>>, vector<16xf32>,
    %add3A_124 = arith.addf %add3A_55, %get3A_123 : vector<16xf32>
    %swap3A_125 = arith.constant 128 : index
    %swap3A_126 = tpu.vector_load %arg26[%swap3A_125] {strides = array<i32>} : memref<1344xf32, #tpu.memory_space<vmem>>, vector<16xf32>,
    tpu.vector_store %arg26[%swap3A_125], %add3A_124 {strides = array<i32>} : memref<1344xf32, #tpu.memory_space<vmem>>, vector<16xf32>,
    %get3A_127 = arith.constant 784 : index
    %get3A_128 = tpu.vector_load %arg25[%get3A_127] {strides = array<i32>} : memref<1984xf32, #tpu.memory_space<vmem>>, vector<16xf32>,
    %add3A_129 = arith.addf %add3A_64, %get3A_128 : vector<16xf32>
    %swap3A_130 = arith.constant 144 : index
    %swap3A_131 = tpu.vector_load %arg26[%swap3A_130] {strides = array<i32>} : memref<1344xf32, #tpu.memory_space<vmem>>, vector<16xf32>,
    tpu.vector_store %arg26[%swap3A_130], %add3A_129 {strides = array<i32>} : memref<1344xf32, #tpu.memory_space<vmem>>, vector<16xf32>,
    %get3A_132 = arith.constant 800 : index
    %get3A_133 = tpu.vector_load %arg25[%get3A_132] {strides = array<i32>} : memref<1984xf32, #tpu.memory_space<vmem>>, vector<16xf32>,
    %add3A_134 = arith.addf %add3A_73, %get3A_133 : vector<16xf32>
    %swap3A_135 = arith.constant 160 : index
    %swap3A_136 = tpu.vector_load %arg26[%swap3A_135] {strides = array<i32>} : memref<1344xf32, #tpu.memory_space<vmem>>, vector<16xf32>,
    tpu.vector_store %arg26[%swap3A_135], %add3A_134 {strides = array<i32>} : memref<1344xf32, #tpu.memory_space<vmem>>, vector<16xf32>,
    %get3A_137 = arith.constant 816 : index
    %get3A_138 = tpu.vector_load %arg25[%get3A_137] {strides = array<i32>} : memref<1984xf32, #tpu.memory_space<vmem>>, vector<16xf32>,
    %add3A_139 = arith.addf %add3A_82, %get3A_138 : vector<16xf32>
    %swap3A_140 = arith.constant 176 : index
    %swap3A_141 = tpu.vector_load %arg26[%swap3A_140] {strides = array<i32>} : memref<1344xf32, #tpu.memory_space<vmem>>, vector<16xf32>,
    tpu.vector_store %arg26[%swap3A_140], %add3A_139 {strides = array<i32>} : memref<1344xf32, #tpu.memory_space<vmem>>, vector<16xf32>,
    %get3A_142 = arith.constant 832 : index
    %get3A_143 = tpu.vector_load %arg25[%get3A_142] {strides = array<i32>} : memref<1984xf32, #tpu.memory_space<vmem>>, vector<16xf32>,
    %add3A_144 = arith.addf %add3A_55, %get3A_143 : vector<16xf32>
    %swap3A_145 = arith.constant 192 : index
    %swap3A_146 = tpu.vector_load %arg26[%swap3A_145] {strides = array<i32>} : memref<1344xf32, #tpu.memory_space<vmem>>, vector<16xf32>,
    tpu.vector_store %arg26[%swap3A_145], %add3A_144 {strides = array<i32>} : memref<1344xf32, #tpu.memory_space<vmem>>, vector<16xf32>,
    %get3A_147 = arith.constant 848 : index
    %get3A_148 = tpu.vector_load %arg25[%get3A_147] {strides = array<i32>} : memref<1984xf32, #tpu.memory_space<vmem>>, vector<16xf32>,
    %add3A_149 = arith.addf %add3A_64, %get3A_148 : vector<16xf32>
    %swap3A_150 = arith.constant 208 : index
    %swap3A_151 = tpu.vector_load %arg26[%swap3A_150] {strides = array<i32>} : memref<1344xf32, #tpu.memory_space<vmem>>, vector<16xf32>,
    tpu.vector_store %arg26[%swap3A_150], %add3A_149 {strides = array<i32>} : memref<1344xf32, #tpu.memory_space<vmem>>, vector<16xf32>,
    %get3A_152 = arith.constant 864 : index
    %get3A_153 = tpu.vector_load %arg25[%get3A_152] {strides = array<i32>} : memref<1984xf32, #tpu.memory_space<vmem>>, vector<16xf32>,
    %add3A_154 = arith.addf %add3A_73, %get3A_153 : vector<16xf32>
    %swap3A_155 = arith.constant 224 : index
    %swap3A_156 = tpu.vector_load %arg26[%swap3A_155] {strides = array<i32>} : memref<1344xf32, #tpu.memory_space<vmem>>, vector<16xf32>,
    tpu.vector_store %arg26[%swap3A_155], %add3A_154 {strides = array<i32>} : memref<1344xf32, #tpu.memory_space<vmem>>, vector<16xf32>,
    %get3A_157 = arith.constant 880 : index
    %get3A_158 = tpu.vector_load %arg25[%get3A_157] {strides = array<i32>} : memref<1984xf32, #tpu.memory_space<vmem>>, vector<16xf32>,
    %add3A_159 = arith.addf %add3A_82, %get3A_158 : vector<16xf32>
    %swap3A_160 = arith.constant 240 : index
    %swap3A_161 = tpu.vector_load %arg26[%swap3A_160] {strides = array<i32>} : memref<1344xf32, #tpu.memory_space<vmem>>, vector<16xf32>,
    tpu.vector_store %arg26[%swap3A_160], %add3A_159 {strides = array<i32>} : memref<1344xf32, #tpu.memory_space<vmem>>, vector<16xf32>,
    %get3A_162 = arith.constant 896 : index
    %get3A_163 = tpu.vector_load %arg25[%get3A_162] {strides = array<i32>} : memref<1984xf32, #tpu.memory_space<vmem>>, vector<16xf32>,
    %add3A_164 = arith.addf %add3A_55, %get3A_163 : vector<16xf32>
    %swap3A_165 = arith.constant 256 : index
    %swap3A_166 = tpu.vector_load %arg26[%swap3A_165] {strides = array<i32>} : memref<1344xf32, #tpu.memory_space<vmem>>, vector<16xf32>,
    tpu.vector_store %arg26[%swap3A_165], %add3A_164 {strides = array<i32>} : memref<1344xf32, #tpu.memory_space<vmem>>, vector<16xf32>,
    %get3A_167 = arith.constant 912 : index
    %get3A_168 = tpu.vector_load %arg25[%get3A_167] {strides = array<i32>} : memref<1984xf32, #tpu.memory_space<vmem>>, vector<16xf32>,
    %add3A_169 = arith.addf %add3A_64, %get3A_168 : vector<16xf32>
    %swap3A_170 = arith.constant 272 : index
    %swap3A_171 = tpu.vector_load %arg26[%swap3A_170] {strides = array<i32>} : memref<1344xf32, #tpu.memory_space<vmem>>, vector<16xf32>,
    tpu.vector_store %arg26[%swap3A_170], %add3A_169 {strides = array<i32>} : memref<1344xf32, #tpu.memory_space<vmem>>, vector<16xf32>,
    %get3A_172 = arith.constant 928 : index
    %get3A_173 = tpu.vector_load %arg25[%get3A_172] {strides = array<i32>} : memref<1984xf32, #tpu.memory_space<vmem>>, vector<16xf32>,
    %add3A_174 = arith.addf %add3A_73, %get3A_173 : vector<16xf32>
    %swap3A_175 = arith.constant 288 : index
    %swap3A_176 = tpu.vector_load %arg26[%swap3A_175] {strides = array<i32>} : memref<1344xf32, #tpu.memory_space<vmem>>, vector<16xf32>,
    tpu.vector_store %arg26[%swap3A_175], %add3A_174 {strides = array<i32>} : memref<1344xf32, #tpu.memory_space<vmem>>, vector<16xf32>,
    %get3A_177 = arith.constant 944 : index
    %get3A_178 = tpu.vector_load %arg25[%get3A_177] {strides = array<i32>} : memref<1984xf32, #tpu.memory_space<vmem>>, vector<16xf32>,
    %add3A_179 = arith.addf %add3A_82, %get3A_178 : vector<16xf32>
    %swap3A_180 = arith.constant 304 : index
    %swap3A_181 = tpu.vector_load %arg26[%swap3A_180] {strides = array<i32>} : memref<1344xf32, #tpu.memory_space<vmem>>, vector<16xf32>,
    tpu.vector_store %arg26[%swap3A_180], %add3A_179 {strides = array<i32>} : memref<1344xf32, #tpu.memory_space<vmem>>, vector<16xf32>,
    %get3A_182 = arith.constant 960 : index
    %get3A_183 = tpu.vector_load %arg25[%get3A_182] {strides = array<i32>} : memref<1984xf32, #tpu.memory_space<vmem>>, vector<16xf32>,
    %add3A_184 = arith.addf %add3A_55, %get3A_183 : vector<16xf32>
    %swap3A_185 = arith.constant 320 : index
    %swap3A_186 = tpu.vector_load %arg26[%swap3A_185] {strides = array<i32>} : memref<1344xf32, #tpu.memory_space<vmem>>, vector<16xf32>,
    tpu.vector_store %arg26[%swap3A_185], %add3A_184 {strides = array<i32>} : memref<1344xf32, #tpu.memory_space<vmem>>, vector<16xf32>,
    %get3A_187 = arith.constant 976 : index
    %get3A_188 = tpu.vector_load %arg25[%get3A_187] {strides = array<i32>} : memref<1984xf32, #tpu.memory_space<vmem>>, vector<16xf32>,
    %add3A_189 = arith.addf %add3A_64, %get3A_188 : vector<16xf32>
    %swap3A_190 = arith.constant 336 : index
    %swap3A_191 = tpu.vector_load %arg26[%swap3A_190] {strides = array<i32>} : memref<1344xf32, #tpu.memory_space<vmem>>, vector<16xf32>,
    tpu.vector_store %arg26[%swap3A_190], %add3A_189 {strides = array<i32>} : memref<1344xf32, #tpu.memory_space<vmem>>, vector<16xf32>,
    %get3A_192 = arith.constant 992 : index
    %get3A_193 = tpu.vector_load %arg25[%get3A_192] {strides = array<i32>} : memref<1984xf32, #tpu.memory_space<vmem>>, vector<16xf32>,
    %add3A_194 = arith.addf %add3A_73, %get3A_193 : vector<16xf32>
    %swap3A_195 = arith.constant 352 : index
    %swap3A_196 = tpu.vector_load %arg26[%swap3A_195] {strides = array<i32>} : memref<1344xf32, #tpu.memory_space<vmem>>, vector<16xf32>,
    tpu.vector_store %arg26[%swap3A_195], %add3A_194 {strides = array<i32>} : memref<1344xf32, #tpu.memory_space<vmem>>, vector<16xf32>,
    %get3A_197 = arith.constant 1008 : index
    %get3A_198 = tpu.vector_load %arg25[%get3A_197] {strides = array<i32>} : memref<1984xf32, #tpu.memory_space<vmem>>, vector<16xf32>,
    %add3A_199 = arith.addf %add3A_82, %get3A_198 : vector<16xf32>
    %swap3A_200 = arith.constant 368 : index
    %swap3A_201 = tpu.vector_load %arg26[%swap3A_200] {strides = array<i32>} : memref<1344xf32, #tpu.memory_space<vmem>>, vector<16xf32>,
    tpu.vector_store %arg26[%swap3A_200], %add3A_199 {strides = array<i32>} : memref<1344xf32, #tpu.memory_space<vmem>>, vector<16xf32>,
    %get3A_202 = arith.constant 1024 : index
    %get3A_203 = tpu.vector_load %arg25[%get3A_202] {strides = array<i32>} : memref<1984xf32, #tpu.memory_space<vmem>>, vector<16xf32>,
    %add3A_204 = arith.addf %add3A_55, %get3A_203 : vector<16xf32>
    %swap3A_205 = arith.constant 384 : index
    %swap3A_206 = tpu.vector_load %arg26[%swap3A_205] {strides = array<i32>} : memref<1344xf32, #tpu.memory_space<vmem>>, vector<16xf32>,
    tpu.vector_store %arg26[%swap3A_205], %add3A_204 {strides = array<i32>} : memref<1344xf32, #tpu.memory_space<vmem>>, vector<16xf32>,
    %get3A_207 = arith.constant 1040 : index
    %get3A_208 = tpu.vector_load %arg25[%get3A_207] {strides = array<i32>} : memref<1984xf32, #tpu.memory_space<vmem>>, vector<16xf32>,
    %add3A_209 = arith.addf %add3A_64, %get3A_208 : vector<16xf32>
    %swap3A_210 = arith.constant 400 : index
    %swap3A_211 = tpu.vector_load %arg26[%swap3A_210] {strides = array<i32>} : memref<1344xf32, #tpu.memory_space<vmem>>, vector<16xf32>,
    tpu.vector_store %arg26[%swap3A_210], %add3A_209 {strides = array<i32>} : memref<1344xf32, #tpu.memory_space<vmem>>, vector<16xf32>,
    %get3A_212 = arith.constant 1056 : index
    %get3A_213 = tpu.vector_load %arg25[%get3A_212] {strides = array<i32>} : memref<1984xf32, #tpu.memory_space<vmem>>, vector<16xf32>,
    %add3A_214 = arith.addf %add3A_73, %get3A_213 : vector<16xf32>
    %swap3A_215 = arith.constant 416 : index
    %swap3A_216 = tpu.vector_load %arg26[%swap3A_215] {strides = array<i32>} : memref<1344xf32, #tpu.memory_space<vmem>>, vector<16xf32>,
    tpu.vector_store %arg26[%swap3A_215], %add3A_214 {strides = array<i32>} : memref<1344xf32, #tpu.memory_space<vmem>>, vector<16xf32>,
    %get3A_217 = arith.constant 1072 : index
    %get3A_218 = tpu.vector_load %arg25[%get3A_217] {strides = array<i32>} : memref<1984xf32, #tpu.memory_space<vmem>>, vector<16xf32>,
    %add3A_219 = arith.addf %add3A_82, %get3A_218 : vector<16xf32>
    %swap3A_220 = arith.constant 432 : index
    %swap3A_221 = tpu.vector_load %arg26[%swap3A_220] {strides = array<i32>} : memref<1344xf32, #tpu.memory_space<vmem>>, vector<16xf32>,
    tpu.vector_store %arg26[%swap3A_220], %add3A_219 {strides = array<i32>} : memref<1344xf32, #tpu.memory_space<vmem>>, vector<16xf32>,
    %get3A_222 = arith.constant 1088 : index
    %get3A_223 = tpu.vector_load %arg25[%get3A_222] {strides = array<i32>} : memref<1984xf32, #tpu.memory_space<vmem>>, vector<16xf32>,
    %add3A_224 = arith.addf %add3A_55, %get3A_223 : vector<16xf32>
    %swap3A_225 = arith.constant 448 : index
    %swap3A_226 = tpu.vector_load %arg26[%swap3A_225] {strides = array<i32>} : memref<1344xf32, #tpu.memory_space<vmem>>, vector<16xf32>,
    tpu.vector_store %arg26[%swap3A_225], %add3A_224 {strides = array<i32>} : memref<1344xf32, #tpu.memory_space<vmem>>, vector<16xf32>,
    %get3A_227 = arith.constant 1104 : index
    %get3A_228 = tpu.vector_load %arg25[%get3A_227] {strides = array<i32>} : memref<1984xf32, #tpu.memory_space<vmem>>, vector<16xf32>,
    %add3A_229 = arith.addf %add3A_64, %get3A_228 : vector<16xf32>
    %swap3A_230 = arith.constant 464 : index
    %swap3A_231 = tpu.vector_load %arg26[%swap3A_230] {strides = array<i32>} : memref<1344xf32, #tpu.memory_space<vmem>>, vector<16xf32>,
    tpu.vector_store %arg26[%swap3A_230], %add3A_229 {strides = array<i32>} : memref<1344xf32, #tpu.memory_space<vmem>>, vector<16xf32>,
    %get3A_232 = arith.constant 1120 : index
    %get3A_233 = tpu.vector_load %arg25[%get3A_232] {strides = array<i32>} : memref<1984xf32, #tpu.memory_space<vmem>>, vector<16xf32>,
    %add3A_234 = arith.addf %add3A_73, %get3A_233 : vector<16xf32>
    %swap3A_235 = arith.constant 480 : index
    %swap3A_236 = tpu.vector_load %arg26[%swap3A_235] {strides = array<i32>} : memref<1344xf32, #tpu.memory_space<vmem>>, vector<16xf32>,
    tpu.vector_store %arg26[%swap3A_235], %add3A_234 {strides = array<i32>} : memref<1344xf32, #tpu.memory_space<vmem>>, vector<16xf32>,
    %get3A_237 = arith.constant 1136 : index
    %get3A_238 = tpu.vector_load %arg25[%get3A_237] {strides = array<i32>} : memref<1984xf32, #tpu.memory_space<vmem>>, vector<16xf32>,
    %add3A_239 = arith.addf %add3A_82, %get3A_238 : vector<16xf32>
    %swap3A_240 = arith.constant 496 : index
    %swap3A_241 = tpu.vector_load %arg26[%swap3A_240] {strides = array<i32>} : memref<1344xf32, #tpu.memory_space<vmem>>, vector<16xf32>,
    tpu.vector_store %arg26[%swap3A_240], %add3A_239 {strides = array<i32>} : memref<1344xf32, #tpu.memory_space<vmem>>, vector<16xf32>,
    %get3A_242 = arith.constant 1152 : index
    %get3A_243 = tpu.vector_load %arg25[%get3A_242] {strides = array<i32>} : memref<1984xf32, #tpu.memory_space<vmem>>, vector<16xf32>,
    %add3A_244 = arith.addf %add3A_55, %get3A_243 : vector<16xf32>
    %swap3A_245 = arith.constant 512 : index
    %swap3A_246 = tpu.vector_load %arg26[%swap3A_245] {strides = array<i32>} : memref<1344xf32, #tpu.memory_space<vmem>>, vector<16xf32>,
    tpu.vector_store %arg26[%swap3A_245], %add3A_244 {strides = array<i32>} : memref<1344xf32, #tpu.memory_space<vmem>>, vector<16xf32>,
    %get3A_247 = arith.constant 1168 : index
    %get3A_248 = tpu.vector_load %arg25[%get3A_247] {strides = array<i32>} : memref<1984xf32, #tpu.memory_space<vmem>>, vector<16xf32>,
    %add3A_249 = arith.addf %add3A_64, %get3A_248 : vector<16xf32>
    %swap3A_250 = arith.constant 528 : index
    %swap3A_251 = tpu.vector_load %arg26[%swap3A_250] {strides = array<i32>} : memref<1344xf32, #tpu.memory_space<vmem>>, vector<16xf32>,
    tpu.vector_store %arg26[%swap3A_250], %add3A_249 {strides = array<i32>} : memref<1344xf32, #tpu.memory_space<vmem>>, vector<16xf32>,
    %get3A_252 = arith.constant 1184 : index
    %get3A_253 = tpu.vector_load %arg25[%get3A_252] {strides = array<i32>} : memref<1984xf32, #tpu.memory_space<vmem>>, vector<16xf32>,
    %add3A_254 = arith.addf %add3A_73, %get3A_253 : vector<16xf32>
    %swap3A_255 = arith.constant 544 : index
    %swap3A_256 = tpu.vector_load %arg26[%swap3A_255] {strides = array<i32>} : memref<1344xf32, #tpu.memory_space<vmem>>, vector<16xf32>,
    tpu.vector_store %arg26[%swap3A_255], %add3A_254 {strides = array<i32>} : memref<1344xf32, #tpu.memory_space<vmem>>, vector<16xf32>,
    %get3A_257 = arith.constant 1200 : index
    %get3A_258 = tpu.vector_load %arg25[%get3A_257] {strides = array<i32>} : memref<1984xf32, #tpu.memory_space<vmem>>, vector<16xf32>,
    %add3A_259 = arith.addf %add3A_82, %get3A_258 : vector<16xf32>
    %swap3A_260 = arith.constant 560 : index
    %swap3A_261 = tpu.vector_load %arg26[%swap3A_260] {strides = array<i32>} : memref<1344xf32, #tpu.memory_space<vmem>>, vector<16xf32>,
    tpu.vector_store %arg26[%swap3A_260], %add3A_259 {strides = array<i32>} : memref<1344xf32, #tpu.memory_space<vmem>>, vector<16xf32>,
    %get3A_262 = arith.constant 1216 : index
    %get3A_263 = tpu.vector_load %arg25[%get3A_262] {strides = array<i32>} : memref<1984xf32, #tpu.memory_space<vmem>>, vector<16xf32>,
    %add3A_264 = arith.addf %add3A_55, %get3A_263 : vector<16xf32>
    %swap3A_265 = arith.constant 576 : index
    %swap3A_266 = tpu.vector_load %arg26[%swap3A_265] {strides = array<i32>} : memref<1344xf32, #tpu.memory_space<vmem>>, vector<16xf32>,
    tpu.vector_store %arg26[%swap3A_265], %add3A_264 {strides = array<i32>} : memref<1344xf32, #tpu.memory_space<vmem>>, vector<16xf32>,
    %get3A_267 = arith.constant 1232 : index
    %get3A_268 = tpu.vector_load %arg25[%get3A_267] {strides = array<i32>} : memref<1984xf32, #tpu.memory_space<vmem>>, vector<16xf32>,
    %add3A_269 = arith.addf %add3A_64, %get3A_268 : vector<16xf32>
    %swap3A_270 = arith.constant 592 : index
    %swap3A_271 = tpu.vector_load %arg26[%swap3A_270] {strides = array<i32>} : memref<1344xf32, #tpu.memory_space<vmem>>, vector<16xf32>,
    tpu.vector_store %arg26[%swap3A_270], %add3A_269 {strides = array<i32>} : memref<1344xf32, #tpu.memory_space<vmem>>, vector<16xf32>,
    %get3A_272 = arith.constant 1248 : index
    %get3A_273 = tpu.vector_load %arg25[%get3A_272] {strides = array<i32>} : memref<1984xf32, #tpu.memory_space<vmem>>, vector<16xf32>,
    %add3A_274 = arith.addf %add3A_73, %get3A_273 : vector<16xf32>
    %swap3A_275 = arith.constant 608 : index
    %swap3A_276 = tpu.vector_load %arg26[%swap3A_275] {strides = array<i32>} : memref<1344xf32, #tpu.memory_space<vmem>>, vector<16xf32>,
    tpu.vector_store %arg26[%swap3A_275], %add3A_274 {strides = array<i32>} : memref<1344xf32, #tpu.memory_space<vmem>>, vector<16xf32>,
    %get3A_277 = arith.constant 1264 : index
    %get3A_278 = tpu.vector_load %arg25[%get3A_277] {strides = array<i32>} : memref<1984xf32, #tpu.memory_space<vmem>>, vector<16xf32>,
    %add3A_279 = arith.addf %add3A_82, %get3A_278 : vector<16xf32>
    %swap3A_280 = arith.constant 624 : index
    %swap3A_281 = tpu.vector_load %arg26[%swap3A_280] {strides = array<i32>} : memref<1344xf32, #tpu.memory_space<vmem>>, vector<16xf32>,
    tpu.vector_store %arg26[%swap3A_280], %add3A_279 {strides = array<i32>} : memref<1344xf32, #tpu.memory_space<vmem>>, vector<16xf32>,
    %get3A_282 = arith.constant 1280 : index
    %get3A_283 = tpu.vector_load %arg25[%get3A_282] {strides = array<i32>} : memref<1984xf32, #tpu.memory_space<vmem>>, vector<16xf32>,
    %add3A_284 = arith.addf %add3A_55, %get3A_283 : vector<16xf32>
    %swap3A_285 = arith.constant 640 : index
    %swap3A_286 = tpu.vector_load %arg26[%swap3A_285] {strides = array<i32>} : memref<1344xf32, #tpu.memory_space<vmem>>, vector<16xf32>,
    tpu.vector_store %arg26[%swap3A_285], %add3A_284 {strides = array<i32>} : memref<1344xf32, #tpu.memory_space<vmem>>, vector<16xf32>,
    %get3A_287 = arith.constant 1296 : index
    %get3A_288 = tpu.vector_load %arg25[%get3A_287] {strides = array<i32>} : memref<1984xf32, #tpu.memory_space<vmem>>, vector<16xf32>,
    %add3A_289 = arith.addf %add3A_64, %get3A_288 : vector<16xf32>
    %swap3A_290 = arith.constant 656 : index
    %swap3A_291 = tpu.vector_load %arg26[%swap3A_290] {strides = array<i32>} : memref<1344xf32, #tpu.memory_space<vmem>>, vector<16xf32>,
    tpu.vector_store %arg26[%swap3A_290], %add3A_289 {strides = array<i32>} : memref<1344xf32, #tpu.memory_space<vmem>>, vector<16xf32>,
    %get3A_292 = arith.constant 1312 : index
    %get3A_293 = tpu.vector_load %arg25[%get3A_292] {strides = array<i32>} : memref<1984xf32, #tpu.memory_space<vmem>>, vector<16xf32>,
    %add3A_294 = arith.addf %add3A_73, %get3A_293 : vector<16xf32>
    %swap3A_295 = arith.constant 672 : index
    %swap3A_296 = tpu.vector_load %arg26[%swap3A_295] {strides = array<i32>} : memref<1344xf32, #tpu.memory_space<vmem>>, vector<16xf32>,
    tpu.vector_store %arg26[%swap3A_295], %add3A_294 {strides = array<i32>} : memref<1344xf32, #tpu.memory_space<vmem>>, vector<16xf32>,
    %get3A_297 = arith.constant 1328 : index
    %get3A_298 = tpu.vector_load %arg25[%get3A_297] {strides = array<i32>} : memref<1984xf32, #tpu.memory_space<vmem>>, vector<16xf32>,
    %add3A_299 = arith.addf %add3A_82, %get3A_298 : vector<16xf32>
    %swap3A_300 = arith.constant 688 : index
    %swap3A_301 = tpu.vector_load %arg26[%swap3A_300] {strides = array<i32>} : memref<1344xf32, #tpu.memory_space<vmem>>, vector<16xf32>,
    tpu.vector_store %arg26[%swap3A_300], %add3A_299 {strides = array<i32>} : memref<1344xf32, #tpu.memory_space<vmem>>, vector<16xf32>,
    %get3A_302 = arith.constant 1344 : index
    %get3A_303 = tpu.vector_load %arg25[%get3A_302] {strides = array<i32>} : memref<1984xf32, #tpu.memory_space<vmem>>, vector<16xf32>,
    %add3A_304 = arith.addf %add3A_55, %get3A_303 : vector<16xf32>
    %swap3A_305 = arith.constant 704 : index
    %swap3A_306 = tpu.vector_load %arg26[%swap3A_305] {strides = array<i32>} : memref<1344xf32, #tpu.memory_space<vmem>>, vector<16xf32>,
    tpu.vector_store %arg26[%swap3A_305], %add3A_304 {strides = array<i32>} : memref<1344xf32, #tpu.memory_space<vmem>>, vector<16xf32>,
    %get3A_307 = arith.constant 1360 : index
    %get3A_308 = tpu.vector_load %arg25[%get3A_307] {strides = array<i32>} : memref<1984xf32, #tpu.memory_space<vmem>>, vector<16xf32>,
    %add3A_309 = arith.addf %add3A_64, %get3A_308 : vector<16xf32>
    %swap3A_310 = arith.constant 720 : index
    %swap3A_311 = tpu.vector_load %arg26[%swap3A_310] {strides = array<i32>} : memref<1344xf32, #tpu.memory_space<vmem>>, vector<16xf32>,
    tpu.vector_store %arg26[%swap3A_310], %add3A_309 {strides = array<i32>} : memref<1344xf32, #tpu.memory_space<vmem>>, vector<16xf32>,
    %get3A_312 = arith.constant 1376 : index
    %get3A_313 = tpu.vector_load %arg25[%get3A_312] {strides = array<i32>} : memref<1984xf32, #tpu.memory_space<vmem>>, vector<16xf32>,
    %add3A_314 = arith.addf %add3A_73, %get3A_313 : vector<16xf32>
    %swap3A_315 = arith.constant 736 : index
    %swap3A_316 = tpu.vector_load %arg26[%swap3A_315] {strides = array<i32>} : memref<1344xf32, #tpu.memory_space<vmem>>, vector<16xf32>,
    tpu.vector_store %arg26[%swap3A_315], %add3A_314 {strides = array<i32>} : memref<1344xf32, #tpu.memory_space<vmem>>, vector<16xf32>,
    %get3A_317 = arith.constant 1392 : index
    %get3A_318 = tpu.vector_load %arg25[%get3A_317] {strides = array<i32>} : memref<1984xf32, #tpu.memory_space<vmem>>, vector<16xf32>,
    %add3A_319 = arith.addf %add3A_82, %get3A_318 : vector<16xf32>
    %swap3A_320 = arith.constant 752 : index
    %swap3A_321 = tpu.vector_load %arg26[%swap3A_320] {strides = array<i32>} : memref<1344xf32, #tpu.memory_space<vmem>>, vector<16xf32>,
    tpu.vector_store %arg26[%swap3A_320], %add3A_319 {strides = array<i32>} : memref<1344xf32, #tpu.memory_space<vmem>>, vector<16xf32>,
    %get3A_322 = arith.constant 1408 : index
    %get3A_323 = tpu.vector_load %arg25[%get3A_322] {strides = array<i32>} : memref<1984xf32, #tpu.memory_space<vmem>>, vector<16xf32>,
    %add3A_324 = arith.addf %add3A_55, %get3A_323 : vector<16xf32>
    %swap3A_325 = arith.constant 768 : index
    %swap3A_326 = tpu.vector_load %arg26[%swap3A_325] {strides = array<i32>} : memref<1344xf32, #tpu.memory_space<vmem>>, vector<16xf32>,
    tpu.vector_store %arg26[%swap3A_325], %add3A_324 {strides = array<i32>} : memref<1344xf32, #tpu.memory_space<vmem>>, vector<16xf32>,
    %get3A_327 = arith.constant 1424 : index
    %get3A_328 = tpu.vector_load %arg25[%get3A_327] {strides = array<i32>} : memref<1984xf32, #tpu.memory_space<vmem>>, vector<16xf32>,
    %add3A_329 = arith.addf %add3A_64, %get3A_328 : vector<16xf32>
    %swap3A_330 = arith.constant 784 : index
    %swap3A_331 = tpu.vector_load %arg26[%swap3A_330] {strides = array<i32>} : memref<1344xf32, #tpu.memory_space<vmem>>, vector<16xf32>,
    tpu.vector_store %arg26[%swap3A_330], %add3A_329 {strides = array<i32>} : memref<1344xf32, #tpu.memory_space<vmem>>, vector<16xf32>,
    %get3A_332 = arith.constant 1440 : index
    %get3A_333 = tpu.vector_load %arg25[%get3A_332] {strides = array<i32>} : memref<1984xf32, #tpu.memory_space<vmem>>, vector<16xf32>,
    %add3A_334 = arith.addf %add3A_73, %get3A_333 : vector<16xf32>
    %swap3A_335 = arith.constant 800 : index
    %swap3A_336 = tpu.vector_load %arg26[%swap3A_335] {strides = array<i32>} : memref<1344xf32, #tpu.memory_space<vmem>>, vector<16xf32>,
    tpu.vector_store %arg26[%swap3A_335], %add3A_334 {strides = array<i32>} : memref<1344xf32, #tpu.memory_space<vmem>>, vector<16xf32>,
    %get3A_337 = arith.constant 1456 : index
    %get3A_338 = tpu.vector_load %arg25[%get3A_337] {strides = array<i32>} : memref<1984xf32, #tpu.memory_space<vmem>>, vector<16xf32>,
    %add3A_339 = arith.addf %add3A_82, %get3A_338 : vector<16xf32>
    %swap3A_340 = arith.constant 816 : index
    %swap3A_341 = tpu.vector_load %arg26[%swap3A_340] {strides = array<i32>} : memref<1344xf32, #tpu.memory_space<vmem>>, vector<16xf32>,
    tpu.vector_store %arg26[%swap3A_340], %add3A_339 {strides = array<i32>} : memref<1344xf32, #tpu.memory_space<vmem>>, vector<16xf32>,
    %get3A_342 = arith.constant 1472 : index
    %get3A_343 = tpu.vector_load %arg25[%get3A_342] {strides = array<i32>} : memref<1984xf32, #tpu.memory_space<vmem>>, vector<16xf32>,
    %add3A_344 = arith.addf %add3A_55, %get3A_343 : vector<16xf32>
    %swap3A_345 = arith.constant 832 : index
    %swap3A_346 = tpu.vector_load %arg26[%swap3A_345] {strides = array<i32>} : memref<1344xf32, #tpu.memory_space<vmem>>, vector<16xf32>,
    tpu.vector_store %arg26[%swap3A_345], %add3A_344 {strides = array<i32>} : memref<1344xf32, #tpu.memory_space<vmem>>, vector<16xf32>,
    %get3A_347 = arith.constant 1488 : index
    %get3A_348 = tpu.vector_load %arg25[%get3A_347] {strides = array<i32>} : memref<1984xf32, #tpu.memory_space<vmem>>, vector<16xf32>,
    %add3A_349 = arith.addf %add3A_64, %get3A_348 : vector<16xf32>
    %swap3A_350 = arith.constant 848 : index
    %swap3A_351 = tpu.vector_load %arg26[%swap3A_350] {strides = array<i32>} : memref<1344xf32, #tpu.memory_space<vmem>>, vector<16xf32>,
    tpu.vector_store %arg26[%swap3A_350], %add3A_349 {strides = array<i32>} : memref<1344xf32, #tpu.memory_space<vmem>>, vector<16xf32>,
    %get3A_352 = arith.constant 1504 : index
    %get3A_353 = tpu.vector_load %arg25[%get3A_352] {strides = array<i32>} : memref<1984xf32, #tpu.memory_space<vmem>>, vector<16xf32>,
    %add3A_354 = arith.addf %add3A_73, %get3A_353 : vector<16xf32>
    %swap3A_355 = arith.constant 864 : index
    %swap3A_356 = tpu.vector_load %arg26[%swap3A_355] {strides = array<i32>} : memref<1344xf32, #tpu.memory_space<vmem>>, vector<16xf32>,
    tpu.vector_store %arg26[%swap3A_355], %add3A_354 {strides = array<i32>} : memref<1344xf32, #tpu.memory_space<vmem>>, vector<16xf32>,
    %get3A_357 = arith.constant 1520 : index
    %get3A_358 = tpu.vector_load %arg25[%get3A_357] {strides = array<i32>} : memref<1984xf32, #tpu.memory_space<vmem>>, vector<16xf32>,
    %add3A_359 = arith.addf %add3A_82, %get3A_358 : vector<16xf32>
    %swap3A_360 = arith.constant 880 : index
    %swap3A_361 = tpu.vector_load %arg26[%swap3A_360] {strides = array<i32>} : memref<1344xf32, #tpu.memory_space<vmem>>, vector<16xf32>,
    tpu.vector_store %arg26[%swap3A_360], %add3A_359 {strides = array<i32>} : memref<1344xf32, #tpu.memory_space<vmem>>, vector<16xf32>,
    %get3A_362 = arith.constant 1536 : index
    %get3A_363 = tpu.vector_load %arg25[%get3A_362] {strides = array<i32>} : memref<1984xf32, #tpu.memory_space<vmem>>, vector<16xf32>,
    %add3A_364 = arith.addf %add3A_55, %get3A_363 : vector<16xf32>
    %swap3A_365 = arith.constant 896 : index
    %swap3A_366 = tpu.vector_load %arg26[%swap3A_365] {strides = array<i32>} : memref<1344xf32, #tpu.memory_space<vmem>>, vector<16xf32>,
    tpu.vector_store %arg26[%swap3A_365], %add3A_364 {strides = array<i32>} : memref<1344xf32, #tpu.memory_space<vmem>>, vector<16xf32>,
    %get3A_367 = arith.constant 1552 : index
    %get3A_368 = tpu.vector_load %arg25[%get3A_367] {strides = array<i32>} : memref<1984xf32, #tpu.memory_space<vmem>>, vector<16xf32>,
    %add3A_369 = arith.addf %add3A_64, %get3A_368 : vector<16xf32>
    %swap3A_370 = arith.constant 912 : index
    %swap3A_371 = tpu.vector_load %arg26[%swap3A_370] {strides = array<i32>} : memref<1344xf32, #tpu.memory_space<vmem>>, vector<16xf32>,
    tpu.vector_store %arg26[%swap3A_370], %add3A_369 {strides = array<i32>} : memref<1344xf32, #tpu.memory_space<vmem>>, vector<16xf32>,
    %get3A_372 = arith.constant 1568 : index
    %get3A_373 = tpu.vector_load %arg25[%get3A_372] {strides = array<i32>} : memref<1984xf32, #tpu.memory_space<vmem>>, vector<16xf32>,
    %add3A_374 = arith.addf %add3A_73, %get3A_373 : vector<16xf32>
    %swap3A_375 = arith.constant 928 : index
    %swap3A_376 = tpu.vector_load %arg26[%swap3A_375] {strides = array<i32>} : memref<1344xf32, #tpu.memory_space<vmem>>, vector<16xf32>,
    tpu.vector_store %arg26[%swap3A_375], %add3A_374 {strides = array<i32>} : memref<1344xf32, #tpu.memory_space<vmem>>, vector<16xf32>,
    %get3A_377 = arith.constant 1584 : index
    %get3A_378 = tpu.vector_load %arg25[%get3A_377] {strides = array<i32>} : memref<1984xf32, #tpu.memory_space<vmem>>, vector<16xf32>,
    %add3A_379 = arith.addf %add3A_82, %get3A_378 : vector<16xf32>
    %swap3A_380 = arith.constant 944 : index
    %swap3A_381 = tpu.vector_load %arg26[%swap3A_380] {strides = array<i32>} : memref<1344xf32, #tpu.memory_space<vmem>>, vector<16xf32>,
    tpu.vector_store %arg26[%swap3A_380], %add3A_379 {strides = array<i32>} : memref<1344xf32, #tpu.memory_space<vmem>>, vector<16xf32>,
    %get3A_382 = arith.constant 1600 : index
    %get3A_383 = tpu.vector_load %arg25[%get3A_382] {strides = array<i32>} : memref<1984xf32, #tpu.memory_space<vmem>>, vector<16xf32>,
    %add3A_384 = arith.addf %add3A_55, %get3A_383 : vector<16xf32>
    %swap3A_385 = arith.constant 960 : index
    %swap3A_386 = tpu.vector_load %arg26[%swap3A_385] {strides = array<i32>} : memref<1344xf32, #tpu.memory_space<vmem>>, vector<16xf32>,
    tpu.vector_store %arg26[%swap3A_385], %add3A_384 {strides = array<i32>} : memref<1344xf32, #tpu.memory_space<vmem>>, vector<16xf32>,
    %get3A_387 = arith.constant 1616 : index
    %get3A_388 = tpu.vector_load %arg25[%get3A_387] {strides = array<i32>} : memref<1984xf32, #tpu.memory_space<vmem>>, vector<16xf32>,
    %add3A_389 = arith.addf %add3A_64, %get3A_388 : vector<16xf32>
    %swap3A_390 = arith.constant 976 : index
    %swap3A_391 = tpu.vector_load %arg26[%swap3A_390] {strides = array<i32>} : memref<1344xf32, #tpu.memory_space<vmem>>, vector<16xf32>,
    tpu.vector_store %arg26[%swap3A_390], %add3A_389 {strides = array<i32>} : memref<1344xf32, #tpu.memory_space<vmem>>, vector<16xf32>,
    %get3A_392 = arith.constant 1632 : index
    %get3A_393 = tpu.vector_load %arg25[%get3A_392] {strides = array<i32>} : memref<1984xf32, #tpu.memory_space<vmem>>, vector<16xf32>,
    %add3A_394 = arith.addf %add3A_73, %get3A_393 : vector<16xf32>
    %swap3A_395 = arith.constant 992 : index
    %swap3A_396 = tpu.vector_load %arg26[%swap3A_395] {strides = array<i32>} : memref<1344xf32, #tpu.memory_space<vmem>>, vector<16xf32>,
    tpu.vector_store %arg26[%swap3A_395], %add3A_394 {strides = array<i32>} : memref<1344xf32, #tpu.memory_space<vmem>>, vector<16xf32>,
    %get3A_397 = arith.constant 1648 : index
    %get3A_398 = tpu.vector_load %arg25[%get3A_397] {strides = array<i32>} : memref<1984xf32, #tpu.memory_space<vmem>>, vector<16xf32>,
    %add3A_399 = arith.addf %add3A_82, %get3A_398 : vector<16xf32>
    %swap3A_400 = arith.constant 1008 : index
    %swap3A_401 = tpu.vector_load %arg26[%swap3A_400] {strides = array<i32>} : memref<1344xf32, #tpu.memory_space<vmem>>, vector<16xf32>,
    tpu.vector_store %arg26[%swap3A_400], %add3A_399 {strides = array<i32>} : memref<1344xf32, #tpu.memory_space<vmem>>, vector<16xf32>,
    %get3A_402 = arith.constant 1664 : index
    %get3A_403 = tpu.vector_load %arg25[%get3A_402] {strides = array<i32>} : memref<1984xf32, #tpu.memory_space<vmem>>, vector<16xf32>,
    %add3A_404 = arith.addf %add3A_55, %get3A_403 : vector<16xf32>
    %swap3A_405 = arith.constant 1024 : index
    %swap3A_406 = tpu.vector_load %arg26[%swap3A_405] {strides = array<i32>} : memref<1344xf32, #tpu.memory_space<vmem>>, vector<16xf32>,
    tpu.vector_store %arg26[%swap3A_405], %add3A_404 {strides = array<i32>} : memref<1344xf32, #tpu.memory_space<vmem>>, vector<16xf32>,
    %get3A_407 = arith.constant 1680 : index
    %get3A_408 = tpu.vector_load %arg25[%get3A_407] {strides = array<i32>} : memref<1984xf32, #tpu.memory_space<vmem>>, vector<16xf32>,
    %add3A_409 = arith.addf %add3A_64, %get3A_408 : vector<16xf32>
    %swap3A_410 = arith.constant 1040 : index
    %swap3A_411 = tpu.vector_load %arg26[%swap3A_410] {strides = array<i32>} : memref<1344xf32, #tpu.memory_space<vmem>>, vector<16xf32>,
    tpu.vector_store %arg26[%swap3A_410], %add3A_409 {strides = array<i32>} : memref<1344xf32, #tpu.memory_space<vmem>>, vector<16xf32>,
    %get3A_412 = arith.constant 1696 : index
    %get3A_413 = tpu.vector_load %arg25[%get3A_412] {strides = array<i32>} : memref<1984xf32, #tpu.memory_space<vmem>>, vector<16xf32>,
    %add3A_414 = arith.addf %add3A_73, %get3A_413 : vector<16xf32>
    %swap3A_415 = arith.constant 1056 : index
    %swap3A_416 = tpu.vector_load %arg26[%swap3A_415] {strides = array<i32>} : memref<1344xf32, #tpu.memory_space<vmem>>, vector<16xf32>,
    tpu.vector_store %arg26[%swap3A_415], %add3A_414 {strides = array<i32>} : memref<1344xf32, #tpu.memory_space<vmem>>, vector<16xf32>,
    %get3A_417 = arith.constant 1712 : index
    %get3A_418 = tpu.vector_load %arg25[%get3A_417] {strides = array<i32>} : memref<1984xf32, #tpu.memory_space<vmem>>, vector<16xf32>,
    %add3A_419 = arith.addf %add3A_82, %get3A_418 : vector<16xf32>
    %swap3A_420 = arith.constant 1072 : index
    %swap3A_421 = tpu.vector_load %arg26[%swap3A_420] {strides = array<i32>} : memref<1344xf32, #tpu.memory_space<vmem>>, vector<16xf32>,
    tpu.vector_store %arg26[%swap3A_420], %add3A_419 {strides = array<i32>} : memref<1344xf32, #tpu.memory_space<vmem>>, vector<16xf32>,
    %get3A_422 = arith.constant 1728 : index
    %get3A_423 = tpu.vector_load %arg25[%get3A_422] {strides = array<i32>} : memref<1984xf32, #tpu.memory_space<vmem>>, vector<16xf32>,
    %add3A_424 = arith.addf %add3A_55, %get3A_423 : vector<16xf32>
    %swap3A_425 = arith.constant 1088 : index
    %swap3A_426 = tpu.vector_load %arg26[%swap3A_425] {strides = array<i32>} : memref<1344xf32, #tpu.memory_space<vmem>>, vector<16xf32>,
    tpu.vector_store %arg26[%swap3A_425], %add3A_424 {strides = array<i32>} : memref<1344xf32, #tpu.memory_space<vmem>>, vector<16xf32>,
    %get3A_427 = arith.constant 1744 : index
    %get3A_428 = tpu.vector_load %arg25[%get3A_427] {strides = array<i32>} : memref<1984xf32, #tpu.memory_space<vmem>>, vector<16xf32>,
    %add3A_429 = arith.addf %add3A_64, %get3A_428 : vector<16xf32>
    %swap3A_430 = arith.constant 1104 : index
    %swap3A_431 = tpu.vector_load %arg26[%swap3A_430] {strides = array<i32>} : memref<1344xf32, #tpu.memory_space<vmem>>, vector<16xf32>,
    tpu.vector_store %arg26[%swap3A_430], %add3A_429 {strides = array<i32>} : memref<1344xf32, #tpu.memory_space<vmem>>, vector<16xf32>,
    %get3A_432 = arith.constant 1760 : index
    %get3A_433 = tpu.vector_load %arg25[%get3A_432] {strides = array<i32>} : memref<1984xf32, #tpu.memory_space<vmem>>, vector<16xf32>,
    %add3A_434 = arith.addf %add3A_73, %get3A_433 : vector<16xf32>
    %swap3A_435 = arith.constant 1120 : index
    %swap3A_436 = tpu.vector_load %arg26[%swap3A_435] {strides = array<i32>} : memref<1344xf32, #tpu.memory_space<vmem>>, vector<16xf32>,
    tpu.vector_store %arg26[%swap3A_435], %add3A_434 {strides = array<i32>} : memref<1344xf32, #tpu.memory_space<vmem>>, vector<16xf32>,
    %get3A_437 = arith.constant 1776 : index
    %get3A_438 = tpu.vector_load %arg25[%get3A_437] {strides = array<i32>} : memref<1984xf32, #tpu.memory_space<vmem>>, vector<16xf32>,
    %add3A_439 = arith.addf %add3A_82, %get3A_438 : vector<16xf32>
    %swap3A_440 = arith.constant 1136 : index
    %swap3A_441 = tpu.vector_load %arg26[%swap3A_440] {strides = array<i32>} : memref<1344xf32, #tpu.memory_space<vmem>>, vector<16xf32>,
    tpu.vector_store %arg26[%swap3A_440], %add3A_439 {strides = array<i32>} : memref<1344xf32, #tpu.memory_space<vmem>>, vector<16xf32>,
    %get3A_442 = arith.constant 1792 : index
    %get3A_443 = tpu.vector_load %arg25[%get3A_442] {strides = array<i32>} : memref<1984xf32, #tpu.memory_space<vmem>>, vector<16xf32>,
    %add3A_444 = arith.addf %add3A_55, %get3A_443 : vector<16xf32>
    %swap3A_445 = arith.constant 1152 : index
    %swap3A_446 = tpu.vector_load %arg26[%swap3A_445] {strides = array<i32>} : memref<1344xf32, #tpu.memory_space<vmem>>, vector<16xf32>,
    tpu.vector_store %arg26[%swap3A_445], %add3A_444 {strides = array<i32>} : memref<1344xf32, #tpu.memory_space<vmem>>, vector<16xf32>,
    %get3A_447 = arith.constant 1808 : index
    %get3A_448 = tpu.vector_load %arg25[%get3A_447] {strides = array<i32>} : memref<1984xf32, #tpu.memory_space<vmem>>, vector<16xf32>,
    %add3A_449 = arith.addf %add3A_64, %get3A_448 : vector<16xf32>
    %swap3A_450 = arith.constant 1168 : index
    %swap3A_451 = tpu.vector_load %arg26[%swap3A_450] {strides = array<i32>} : memref<1344xf32, #tpu.memory_space<vmem>>, vector<16xf32>,
    tpu.vector_store %arg26[%swap3A_450], %add3A_449 {strides = array<i32>} : memref<1344xf32, #tpu.memory_space<vmem>>, vector<16xf32>,
    %get3A_452 = arith.constant 1824 : index
    %get3A_453 = tpu.vector_load %arg25[%get3A_452] {strides = array<i32>} : memref<1984xf32, #tpu.memory_space<vmem>>, vector<16xf32>,
    %add3A_454 = arith.addf %add3A_73, %get3A_453 : vector<16xf32>
    %swap3A_455 = arith.constant 1184 : index
    %swap3A_456 = tpu.vector_load %arg26[%swap3A_455] {strides = array<i32>} : memref<1344xf32, #tpu.memory_space<vmem>>, vector<16xf32>,
    tpu.vector_store %arg26[%swap3A_455], %add3A_454 {strides = array<i32>} : memref<1344xf32, #tpu.memory_space<vmem>>, vector<16xf32>,
    %get3A_457 = arith.constant 1840 : index
    %get3A_458 = tpu.vector_load %arg25[%get3A_457] {strides = array<i32>} : memref<1984xf32, #tpu.memory_space<vmem>>, vector<16xf32>,
    %add3A_459 = arith.addf %add3A_82, %get3A_458 : vector<16xf32>
    %swap3A_460 = arith.constant 1200 : index
    %swap3A_461 = tpu.vector_load %arg26[%swap3A_460] {strides = array<i32>} : memref<1344xf32, #tpu.memory_space<vmem>>, vector<16xf32>,
    tpu.vector_store %arg26[%swap3A_460], %add3A_459 {strides = array<i32>} : memref<1344xf32, #tpu.memory_space<vmem>>, vector<16xf32>,
    %get3A_462 = arith.constant 1856 : index
    %get3A_463 = tpu.vector_load %arg25[%get3A_462] {strides = array<i32>} : memref<1984xf32, #tpu.memory_space<vmem>>, vector<16xf32>,
    %add3A_464 = arith.addf %add3A_55, %get3A_463 : vector<16xf32>
    %swap3A_465 = arith.constant 1216 : index
    %swap3A_466 = tpu.vector_load %arg26[%swap3A_465] {strides = array<i32>} : memref<1344xf32, #tpu.memory_space<vmem>>, vector<16xf32>,
    tpu.vector_store %arg26[%swap3A_465], %add3A_464 {strides = array<i32>} : memref<1344xf32, #tpu.memory_space<vmem>>, vector<16xf32>,
    %get3A_467 = arith.constant 1872 : index
    %get3A_468 = tpu.vector_load %arg25[%get3A_467] {strides = array<i32>} : memref<1984xf32, #tpu.memory_space<vmem>>, vector<16xf32>,
    %add3A_469 = arith.addf %add3A_64, %get3A_468 : vector<16xf32>
    %swap3A_470 = arith.constant 1232 : index
    %swap3A_471 = tpu.vector_load %arg26[%swap3A_470] {strides = array<i32>} : memref<1344xf32, #tpu.memory_space<vmem>>, vector<16xf32>,
    tpu.vector_store %arg26[%swap3A_470], %add3A_469 {strides = array<i32>} : memref<1344xf32, #tpu.memory_space<vmem>>, vector<16xf32>,
    %get3A_472 = arith.constant 1888 : index
    %get3A_473 = tpu.vector_load %arg25[%get3A_472] {strides = array<i32>} : memref<1984xf32, #tpu.memory_space<vmem>>, vector<16xf32>,
    %add3A_474 = arith.addf %add3A_73, %get3A_473 : vector<16xf32>
    %swap3A_475 = arith.constant 1248 : index
    %swap3A_476 = tpu.vector_load %arg26[%swap3A_475] {strides = array<i32>} : memref<1344xf32, #tpu.memory_space<vmem>>, vector<16xf32>,
    tpu.vector_store %arg26[%swap3A_475], %add3A_474 {strides = array<i32>} : memref<1344xf32, #tpu.memory_space<vmem>>, vector<16xf32>,
    %get3A_477 = arith.constant 1904 : index
    %get3A_478 = tpu.vector_load %arg25[%get3A_477] {strides = array<i32>} : memref<1984xf32, #tpu.memory_space<vmem>>, vector<16xf32>,
    %add3A_479 = arith.addf %add3A_82, %get3A_478 : vector<16xf32>
    %swap3A_480 = arith.constant 1264 : index
    %swap3A_481 = tpu.vector_load %arg26[%swap3A_480] {strides = array<i32>} : memref<1344xf32, #tpu.memory_space<vmem>>, vector<16xf32>,
    tpu.vector_store %arg26[%swap3A_480], %add3A_479 {strides = array<i32>} : memref<1344xf32, #tpu.memory_space<vmem>>, vector<16xf32>,
    %get3A_482 = arith.constant 1920 : index
    %get3A_483 = tpu.vector_load %arg25[%get3A_482] {strides = array<i32>} : memref<1984xf32, #tpu.memory_space<vmem>>, vector<16xf32>,
    %add3A_484 = arith.addf %add3A_55, %get3A_483 : vector<16xf32>
    %swap3A_485 = arith.constant 1280 : index
    %swap3A_486 = tpu.vector_load %arg26[%swap3A_485] {strides = array<i32>} : memref<1344xf32, #tpu.memory_space<vmem>>, vector<16xf32>,
    tpu.vector_store %arg26[%swap3A_485], %add3A_484 {strides = array<i32>} : memref<1344xf32, #tpu.memory_space<vmem>>, vector<16xf32>,
    %get3A_487 = arith.constant 1936 : index
    %get3A_488 = tpu.vector_load %arg25[%get3A_487] {strides = array<i32>} : memref<1984xf32, #tpu.memory_space<vmem>>, vector<16xf32>,
    %add3A_489 = arith.addf %add3A_64, %get3A_488 : vector<16xf32>
    %swap3A_490 = arith.constant 1296 : index
    %swap3A_491 = tpu.vector_load %arg26[%swap3A_490] {strides = array<i32>} : memref<1344xf32, #tpu.memory_space<vmem>>, vector<16xf32>,
    tpu.vector_store %arg26[%swap3A_490], %add3A_489 {strides = array<i32>} : memref<1344xf32, #tpu.memory_space<vmem>>, vector<16xf32>,
    %get3A_492 = arith.constant 1952 : index
    %get3A_493 = tpu.vector_load %arg25[%get3A_492] {strides = array<i32>} : memref<1984xf32, #tpu.memory_space<vmem>>, vector<16xf32>,
    %add3A_494 = arith.addf %add3A_73, %get3A_493 : vector<16xf32>
    %swap3A_495 = arith.constant 1312 : index
    %swap3A_496 = tpu.vector_load %arg26[%swap3A_495] {strides = array<i32>} : memref<1344xf32, #tpu.memory_space<vmem>>, vector<16xf32>,
    tpu.vector_store %arg26[%swap3A_495], %add3A_494 {strides = array<i32>} : memref<1344xf32, #tpu.memory_space<vmem>>, vector<16xf32>,
    %get3A_497 = arith.constant 1968 : index
    %get3A_498 = tpu.vector_load %arg25[%get3A_497] {strides = array<i32>} : memref<1984xf32, #tpu.memory_space<vmem>>, vector<16xf32>,
    %add3A_499 = arith.addf %add3A_82, %get3A_498 : vector<16xf32>
    %swap3A_500 = arith.constant 1328 : index
    %swap3A_501 = tpu.vector_load %arg26[%swap3A_500] {strides = array<i32>} : memref<1344xf32, #tpu.memory_space<vmem>>, vector<16xf32>,
    tpu.vector_store %arg26[%swap3A_500], %add3A_499 {strides = array<i32>} : memref<1344xf32, #tpu.memory_space<vmem>>, vector<16xf32>,
    %mul3A_502 = arith.constant 21 : i32
    %mul3A_503 = arith.muli %arg1, %mul3A_502 : i32
    %add3A_504 = arith.constant 0 : i32
    %add3A_505 = arith.addi %mul3A_503, %add3A_504 : i32
    "tpu.region"() ({
      %run_scoped3A = tpu.sem_alloc : memref<!tpu.dma_semaphore, #tpu.memory_space<semaphore_mem>>
      %dma_start3A_615 = arith.constant 0 : i32
      %dma_start3A_616 = tpu.memref_slice %arg26[%dma_start3A_615] : memref<1344xf32, #tpu.memory_space<vmem>> -> memref<64xf32, #tpu.memory_space<vmem>>
      %dma_start3A_617 = arith.constant 0 : i32
      %dma_start3A_618 = tpu.memref_slice %arg29[%add3A_505, %dma_start3A_617] : memref<336x64xf32, #tpu.memory_space<vmem_shared>> -> memref<1x64xf32, #tpu.memory_space<vmem_shared>>
      %dma_start3A_619 = tpu.memref_squeeze %dma_start3A_618 : memref<1x64xf32, #tpu.memory_space<vmem_shared>> -> memref<64xf32, #tpu.memory_space<vmem_shared>>
      %dma_start3A_620 = arith.constant 0 : i32
      %dma_start3A_621 = tpu.memref_slice %arg29[%add3A_505, %dma_start3A_620] : memref<336x64xf32, #tpu.memory_space<vmem_shared>> -> memref<1x64xf32, #tpu.memory_space<vmem_shared>>
      %dma_start3A_622 = tpu.memref_squeeze %dma_start3A_621 : memref<1x64xf32, #tpu.memory_space<vmem_shared>> -> memref<64xf32, #tpu.memory_space<vmem_shared>>
      %dma_start3A_623 = arith.constant 0 : i32
      %dma_start3A_624 = tpu.memref_slice %arg26[%dma_start3A_623] : memref<1344xf32, #tpu.memory_space<vmem>> -> memref<64xf32, #tpu.memory_space<vmem>>
      tpu.enqueue_dma source(%dma_start3A_624 : memref<64xf32, #tpu.memory_space<vmem>>) target(%dma_start3A_622 : memref<64xf32, #tpu.memory_space<vmem_shared>>) target_semaphore(%run_scoped3A : memref<!tpu.dma_semaphore, #tpu.memory_space<semaphore_mem>>)
      %dma_wait3A_625 = arith.constant 0 : i32
      %dma_wait3A_626 = tpu.memref_slice %arg26[%dma_wait3A_625] : memref<1344xf32, #tpu.memory_space<vmem>> -> memref<64xf32, #tpu.memory_space<vmem>>
      %dma_wait3A_627 = arith.constant 0 : i32
      %dma_wait3A_628 = tpu.memref_slice %arg29[%add3A_505, %dma_wait3A_627] : memref<336x64xf32, #tpu.memory_space<vmem_shared>> -> memref<1x64xf32, #tpu.memory_space<vmem_shared>>
      %dma_wait3A_629 = tpu.memref_squeeze %dma_wait3A_628 : memref<1x64xf32, #tpu.memory_space<vmem_shared>> -> memref<64xf32, #tpu.memory_space<vmem_shared>>
      %dma_wait3A_630 = arith.constant 0 : i32
      %dma_wait3A_631 = tpu.memref_slice %arg29[%add3A_505, %dma_wait3A_630] : memref<336x64xf32, #tpu.memory_space<vmem_shared>> -> memref<1x64xf32, #tpu.memory_space<vmem_shared>>
      %dma_wait3A_632 = tpu.memref_squeeze %dma_wait3A_631 : memref<1x64xf32, #tpu.memory_space<vmem_shared>> -> memref<64xf32, #tpu.memory_space<vmem_shared>>
      %dma_wait3A_633 = arith.constant 0 : i32
      %dma_wait3A_634 = tpu.memref_slice %arg26[%dma_wait3A_633] : memref<1344xf32, #tpu.memory_space<vmem>> -> memref<64xf32, #tpu.memory_space<vmem>>
      tpu.wait_dma2 semaphore(%run_scoped3A : memref<!tpu.dma_semaphore, #tpu.memory_space<semaphore_mem>>) src(%dma_wait3A_634 : memref<64xf32, #tpu.memory_space<vmem>>) dst(%dma_wait3A_632 : memref<64xf32, #tpu.memory_space<vmem_shared>>)
      tpu.yield
    }) : () -> ()
    %mul3A_506 = arith.constant 21 : i32
    %mul3A_507 = arith.muli %arg1, %mul3A_506 : i32
    %add3A_508 = arith.constant 1 : i32
    %add3A_509 = arith.addi %mul3A_507, %add3A_508 : i32
    "tpu.region"() ({
      %run_scoped3A = tpu.sem_alloc : memref<!tpu.dma_semaphore, #tpu.memory_space<semaphore_mem>>
      %dma_start3A_615 = arith.constant 64 : i32
      %dma_start3A_616 = tpu.memref_slice %arg26[%dma_start3A_615] : memref<1344xf32, #tpu.memory_space<vmem>> -> memref<64xf32, #tpu.memory_space<vmem>>
      %dma_start3A_617 = arith.constant 0 : i32
      %dma_start3A_618 = tpu.memref_slice %arg29[%add3A_509, %dma_start3A_617] : memref<336x64xf32, #tpu.memory_space<vmem_shared>> -> memref<1x64xf32, #tpu.memory_space<vmem_shared>>
      %dma_start3A_619 = tpu.memref_squeeze %dma_start3A_618 : memref<1x64xf32, #tpu.memory_space<vmem_shared>> -> memref<64xf32, #tpu.memory_space<vmem_shared>>
      %dma_start3A_620 = arith.constant 0 : i32
      %dma_start3A_621 = tpu.memref_slice %arg29[%add3A_509, %dma_start3A_620] : memref<336x64xf32, #tpu.memory_space<vmem_shared>> -> memref<1x64xf32, #tpu.memory_space<vmem_shared>>
      %dma_start3A_622 = tpu.memref_squeeze %dma_start3A_621 : memref<1x64xf32, #tpu.memory_space<vmem_shared>> -> memref<64xf32, #tpu.memory_space<vmem_shared>>
      %dma_start3A_623 = arith.constant 64 : i32
      %dma_start3A_624 = tpu.memref_slice %arg26[%dma_start3A_623] : memref<1344xf32, #tpu.memory_space<vmem>> -> memref<64xf32, #tpu.memory_space<vmem>>
      tpu.enqueue_dma source(%dma_start3A_624 : memref<64xf32, #tpu.memory_space<vmem>>) target(%dma_start3A_622 : memref<64xf32, #tpu.memory_space<vmem_shared>>) target_semaphore(%run_scoped3A : memref<!tpu.dma_semaphore, #tpu.memory_space<semaphore_mem>>)
      %dma_wait3A_625 = arith.constant 64 : i32
      %dma_wait3A_626 = tpu.memref_slice %arg26[%dma_wait3A_625] : memref<1344xf32, #tpu.memory_space<vmem>> -> memref<64xf32, #tpu.memory_space<vmem>>
      %dma_wait3A_627 = arith.constant 0 : i32
      %dma_wait3A_628 = tpu.memref_slice %arg29[%add3A_509, %dma_wait3A_627] : memref<336x64xf32, #tpu.memory_space<vmem_shared>> -> memref<1x64xf32, #tpu.memory_space<vmem_shared>>
      %dma_wait3A_629 = tpu.memref_squeeze %dma_wait3A_628 : memref<1x64xf32, #tpu.memory_space<vmem_shared>> -> memref<64xf32, #tpu.memory_space<vmem_shared>>
      %dma_wait3A_630 = arith.constant 0 : i32
      %dma_wait3A_631 = tpu.memref_slice %arg29[%add3A_509, %dma_wait3A_630] : memref<336x64xf32, #tpu.memory_space<vmem_shared>> -> memref<1x64xf32, #tpu.memory_space<vmem_shared>>
      %dma_wait3A_632 = tpu.memref_squeeze %dma_wait3A_631 : memref<1x64xf32, #tpu.memory_space<vmem_shared>> -> memref<64xf32, #tpu.memory_space<vmem_shared>>
      %dma_wait3A_633 = arith.constant 64 : i32
      %dma_wait3A_634 = tpu.memref_slice %arg26[%dma_wait3A_633] : memref<1344xf32, #tpu.memory_space<vmem>> -> memref<64xf32, #tpu.memory_space<vmem>>
      tpu.wait_dma2 semaphore(%run_scoped3A : memref<!tpu.dma_semaphore, #tpu.memory_space<semaphore_mem>>) src(%dma_wait3A_634 : memref<64xf32, #tpu.memory_space<vmem>>) dst(%dma_wait3A_632 : memref<64xf32, #tpu.memory_space<vmem_shared>>)
      tpu.yield
    }) : () -> ()
    %mul3A_510 = arith.constant 21 : i32
    %mul3A_511 = arith.muli %arg1, %mul3A_510 : i32
    %add3A_512 = arith.constant 2 : i32
    %add3A_513 = arith.addi %mul3A_511, %add3A_512 : i32
    "tpu.region"() ({
      %run_scoped3A = tpu.sem_alloc : memref<!tpu.dma_semaphore, #tpu.memory_space<semaphore_mem>>
      %dma_start3A_615 = arith.constant 128 : i32
      %dma_start3A_616 = tpu.memref_slice %arg26[%dma_start3A_615] : memref<1344xf32, #tpu.memory_space<vmem>> -> memref<64xf32, #tpu.memory_space<vmem>>
      %dma_start3A_617 = arith.constant 0 : i32
      %dma_start3A_618 = tpu.memref_slice %arg29[%add3A_513, %dma_start3A_617] : memref<336x64xf32, #tpu.memory_space<vmem_shared>> -> memref<1x64xf32, #tpu.memory_space<vmem_shared>>
      %dma_start3A_619 = tpu.memref_squeeze %dma_start3A_618 : memref<1x64xf32, #tpu.memory_space<vmem_shared>> -> memref<64xf32, #tpu.memory_space<vmem_shared>>
      %dma_start3A_620 = arith.constant 0 : i32
      %dma_start3A_621 = tpu.memref_slice %arg29[%add3A_513, %dma_start3A_620] : memref<336x64xf32, #tpu.memory_space<vmem_shared>> -> memref<1x64xf32, #tpu.memory_space<vmem_shared>>
      %dma_start3A_622 = tpu.memref_squeeze %dma_start3A_621 : memref<1x64xf32, #tpu.memory_space<vmem_shared>> -> memref<64xf32, #tpu.memory_space<vmem_shared>>
      %dma_start3A_623 = arith.constant 128 : i32
      %dma_start3A_624 = tpu.memref_slice %arg26[%dma_start3A_623] : memref<1344xf32, #tpu.memory_space<vmem>> -> memref<64xf32, #tpu.memory_space<vmem>>
      tpu.enqueue_dma source(%dma_start3A_624 : memref<64xf32, #tpu.memory_space<vmem>>) target(%dma_start3A_622 : memref<64xf32, #tpu.memory_space<vmem_shared>>) target_semaphore(%run_scoped3A : memref<!tpu.dma_semaphore, #tpu.memory_space<semaphore_mem>>)
      %dma_wait3A_625 = arith.constant 128 : i32
      %dma_wait3A_626 = tpu.memref_slice %arg26[%dma_wait3A_625] : memref<1344xf32, #tpu.memory_space<vmem>> -> memref<64xf32, #tpu.memory_space<vmem>>
      %dma_wait3A_627 = arith.constant 0 : i32
      %dma_wait3A_628 = tpu.memref_slice %arg29[%add3A_513, %dma_wait3A_627] : memref<336x64xf32, #tpu.memory_space<vmem_shared>> -> memref<1x64xf32, #tpu.memory_space<vmem_shared>>
      %dma_wait3A_629 = tpu.memref_squeeze %dma_wait3A_628 : memref<1x64xf32, #tpu.memory_space<vmem_shared>> -> memref<64xf32, #tpu.memory_space<vmem_shared>>
      %dma_wait3A_630 = arith.constant 0 : i32
      %dma_wait3A_631 = tpu.memref_slice %arg29[%add3A_513, %dma_wait3A_630] : memref<336x64xf32, #tpu.memory_space<vmem_shared>> -> memref<1x64xf32, #tpu.memory_space<vmem_shared>>
      %dma_wait3A_632 = tpu.memref_squeeze %dma_wait3A_631 : memref<1x64xf32, #tpu.memory_space<vmem_shared>> -> memref<64xf32, #tpu.memory_space<vmem_shared>>
      %dma_wait3A_633 = arith.constant 128 : i32
      %dma_wait3A_634 = tpu.memref_slice %arg26[%dma_wait3A_633] : memref<1344xf32, #tpu.memory_space<vmem>> -> memref<64xf32, #tpu.memory_space<vmem>>
      tpu.wait_dma2 semaphore(%run_scoped3A : memref<!tpu.dma_semaphore, #tpu.memory_space<semaphore_mem>>) src(%dma_wait3A_634 : memref<64xf32, #tpu.memory_space<vmem>>) dst(%dma_wait3A_632 : memref<64xf32, #tpu.memory_space<vmem_shared>>)
      tpu.yield
    }) : () -> ()
    %mul3A_514 = arith.constant 21 : i32
    %mul3A_515 = arith.muli %arg1, %mul3A_514 : i32
    %add3A_516 = arith.constant 3 : i32
    %add3A_517 = arith.addi %mul3A_515, %add3A_516 : i32
    "tpu.region"() ({
      %run_scoped3A = tpu.sem_alloc : memref<!tpu.dma_semaphore, #tpu.memory_space<semaphore_mem>>
      %dma_start3A_615 = arith.constant 192 : i32
      %dma_start3A_616 = tpu.memref_slice %arg26[%dma_start3A_615] : memref<1344xf32, #tpu.memory_space<vmem>> -> memref<64xf32, #tpu.memory_space<vmem>>
      %dma_start3A_617 = arith.constant 0 : i32
      %dma_start3A_618 = tpu.memref_slice %arg29[%add3A_517, %dma_start3A_617] : memref<336x64xf32, #tpu.memory_space<vmem_shared>> -> memref<1x64xf32, #tpu.memory_space<vmem_shared>>
      %dma_start3A_619 = tpu.memref_squeeze %dma_start3A_618 : memref<1x64xf32, #tpu.memory_space<vmem_shared>> -> memref<64xf32, #tpu.memory_space<vmem_shared>>
      %dma_start3A_620 = arith.constant 0 : i32
      %dma_start3A_621 = tpu.memref_slice %arg29[%add3A_517, %dma_start3A_620] : memref<336x64xf32, #tpu.memory_space<vmem_shared>> -> memref<1x64xf32, #tpu.memory_space<vmem_shared>>
      %dma_start3A_622 = tpu.memref_squeeze %dma_start3A_621 : memref<1x64xf32, #tpu.memory_space<vmem_shared>> -> memref<64xf32, #tpu.memory_space<vmem_shared>>
      %dma_start3A_623 = arith.constant 192 : i32
      %dma_start3A_624 = tpu.memref_slice %arg26[%dma_start3A_623] : memref<1344xf32, #tpu.memory_space<vmem>> -> memref<64xf32, #tpu.memory_space<vmem>>
      tpu.enqueue_dma source(%dma_start3A_624 : memref<64xf32, #tpu.memory_space<vmem>>) target(%dma_start3A_622 : memref<64xf32, #tpu.memory_space<vmem_shared>>) target_semaphore(%run_scoped3A : memref<!tpu.dma_semaphore, #tpu.memory_space<semaphore_mem>>)
      %dma_wait3A_625 = arith.constant 192 : i32
      %dma_wait3A_626 = tpu.memref_slice %arg26[%dma_wait3A_625] : memref<1344xf32, #tpu.memory_space<vmem>> -> memref<64xf32, #tpu.memory_space<vmem>>
      %dma_wait3A_627 = arith.constant 0 : i32
      %dma_wait3A_628 = tpu.memref_slice %arg29[%add3A_517, %dma_wait3A_627] : memref<336x64xf32, #tpu.memory_space<vmem_shared>> -> memref<1x64xf32, #tpu.memory_space<vmem_shared>>
      %dma_wait3A_629 = tpu.memref_squeeze %dma_wait3A_628 : memref<1x64xf32, #tpu.memory_space<vmem_shared>> -> memref<64xf32, #tpu.memory_space<vmem_shared>>
      %dma_wait3A_630 = arith.constant 0 : i32
      %dma_wait3A_631 = tpu.memref_slice %arg29[%add3A_517, %dma_wait3A_630] : memref<336x64xf32, #tpu.memory_space<vmem_shared>> -> memref<1x64xf32, #tpu.memory_space<vmem_shared>>
      %dma_wait3A_632 = tpu.memref_squeeze %dma_wait3A_631 : memref<1x64xf32, #tpu.memory_space<vmem_shared>> -> memref<64xf32, #tpu.memory_space<vmem_shared>>
      %dma_wait3A_633 = arith.constant 192 : i32
      %dma_wait3A_634 = tpu.memref_slice %arg26[%dma_wait3A_633] : memref<1344xf32, #tpu.memory_space<vmem>> -> memref<64xf32, #tpu.memory_space<vmem>>
      tpu.wait_dma2 semaphore(%run_scoped3A : memref<!tpu.dma_semaphore, #tpu.memory_space<semaphore_mem>>) src(%dma_wait3A_634 : memref<64xf32, #tpu.memory_space<vmem>>) dst(%dma_wait3A_632 : memref<64xf32, #tpu.memory_space<vmem_shared>>)
      tpu.yield
    }) : () -> ()
    %mul3A_518 = arith.constant 21 : i32
    %mul3A_519 = arith.muli %arg1, %mul3A_518 : i32
    %add3A_520 = arith.constant 4 : i32
    %add3A_521 = arith.addi %mul3A_519, %add3A_520 : i32
    "tpu.region"() ({
      %run_scoped3A = tpu.sem_alloc : memref<!tpu.dma_semaphore, #tpu.memory_space<semaphore_mem>>
      %dma_start3A_615 = arith.constant 256 : i32
      %dma_start3A_616 = tpu.memref_slice %arg26[%dma_start3A_615] : memref<1344xf32, #tpu.memory_space<vmem>> -> memref<64xf32, #tpu.memory_space<vmem>>
      %dma_start3A_617 = arith.constant 0 : i32
      %dma_start3A_618 = tpu.memref_slice %arg29[%add3A_521, %dma_start3A_617] : memref<336x64xf32, #tpu.memory_space<vmem_shared>> -> memref<1x64xf32, #tpu.memory_space<vmem_shared>>
      %dma_start3A_619 = tpu.memref_squeeze %dma_start3A_618 : memref<1x64xf32, #tpu.memory_space<vmem_shared>> -> memref<64xf32, #tpu.memory_space<vmem_shared>>
      %dma_start3A_620 = arith.constant 0 : i32
      %dma_start3A_621 = tpu.memref_slice %arg29[%add3A_521, %dma_start3A_620] : memref<336x64xf32, #tpu.memory_space<vmem_shared>> -> memref<1x64xf32, #tpu.memory_space<vmem_shared>>
      %dma_start3A_622 = tpu.memref_squeeze %dma_start3A_621 : memref<1x64xf32, #tpu.memory_space<vmem_shared>> -> memref<64xf32, #tpu.memory_space<vmem_shared>>
      %dma_start3A_623 = arith.constant 256 : i32
      %dma_start3A_624 = tpu.memref_slice %arg26[%dma_start3A_623] : memref<1344xf32, #tpu.memory_space<vmem>> -> memref<64xf32, #tpu.memory_space<vmem>>
      tpu.enqueue_dma source(%dma_start3A_624 : memref<64xf32, #tpu.memory_space<vmem>>) target(%dma_start3A_622 : memref<64xf32, #tpu.memory_space<vmem_shared>>) target_semaphore(%run_scoped3A : memref<!tpu.dma_semaphore, #tpu.memory_space<semaphore_mem>>)
      %dma_wait3A_625 = arith.constant 256 : i32
      %dma_wait3A_626 = tpu.memref_slice %arg26[%dma_wait3A_625] : memref<1344xf32, #tpu.memory_space<vmem>> -> memref<64xf32, #tpu.memory_space<vmem>>
      %dma_wait3A_627 = arith.constant 0 : i32
      %dma_wait3A_628 = tpu.memref_slice %arg29[%add3A_521, %dma_wait3A_627] : memref<336x64xf32, #tpu.memory_space<vmem_shared>> -> memref<1x64xf32, #tpu.memory_space<vmem_shared>>
      %dma_wait3A_629 = tpu.memref_squeeze %dma_wait3A_628 : memref<1x64xf32, #tpu.memory_space<vmem_shared>> -> memref<64xf32, #tpu.memory_space<vmem_shared>>
      %dma_wait3A_630 = arith.constant 0 : i32
      %dma_wait3A_631 = tpu.memref_slice %arg29[%add3A_521, %dma_wait3A_630] : memref<336x64xf32, #tpu.memory_space<vmem_shared>> -> memref<1x64xf32, #tpu.memory_space<vmem_shared>>
      %dma_wait3A_632 = tpu.memref_squeeze %dma_wait3A_631 : memref<1x64xf32, #tpu.memory_space<vmem_shared>> -> memref<64xf32, #tpu.memory_space<vmem_shared>>
      %dma_wait3A_633 = arith.constant 256 : i32
      %dma_wait3A_634 = tpu.memref_slice %arg26[%dma_wait3A_633] : memref<1344xf32, #tpu.memory_space<vmem>> -> memref<64xf32, #tpu.memory_space<vmem>>
      tpu.wait_dma2 semaphore(%run_scoped3A : memref<!tpu.dma_semaphore, #tpu.memory_space<semaphore_mem>>) src(%dma_wait3A_634 : memref<64xf32, #tpu.memory_space<vmem>>) dst(%dma_wait3A_632 : memref<64xf32, #tpu.memory_space<vmem_shared>>)
      tpu.yield
    }) : () -> ()
    %mul3A_522 = arith.constant 21 : i32
    %mul3A_523 = arith.muli %arg1, %mul3A_522 : i32
    %add3A_524 = arith.constant 5 : i32
    %add3A_525 = arith.addi %mul3A_523, %add3A_524 : i32
    "tpu.region"() ({
      %run_scoped3A = tpu.sem_alloc : memref<!tpu.dma_semaphore, #tpu.memory_space<semaphore_mem>>
      %dma_start3A_615 = arith.constant 320 : i32
      %dma_start3A_616 = tpu.memref_slice %arg26[%dma_start3A_615] : memref<1344xf32, #tpu.memory_space<vmem>> -> memref<64xf32, #tpu.memory_space<vmem>>
      %dma_start3A_617 = arith.constant 0 : i32
      %dma_start3A_618 = tpu.memref_slice %arg29[%add3A_525, %dma_start3A_617] : memref<336x64xf32, #tpu.memory_space<vmem_shared>> -> memref<1x64xf32, #tpu.memory_space<vmem_shared>>
      %dma_start3A_619 = tpu.memref_squeeze %dma_start3A_618 : memref<1x64xf32, #tpu.memory_space<vmem_shared>> -> memref<64xf32, #tpu.memory_space<vmem_shared>>
      %dma_start3A_620 = arith.constant 0 : i32
      %dma_start3A_621 = tpu.memref_slice %arg29[%add3A_525, %dma_start3A_620] : memref<336x64xf32, #tpu.memory_space<vmem_shared>> -> memref<1x64xf32, #tpu.memory_space<vmem_shared>>
      %dma_start3A_622 = tpu.memref_squeeze %dma_start3A_621 : memref<1x64xf32, #tpu.memory_space<vmem_shared>> -> memref<64xf32, #tpu.memory_space<vmem_shared>>
      %dma_start3A_623 = arith.constant 320 : i32
      %dma_start3A_624 = tpu.memref_slice %arg26[%dma_start3A_623] : memref<1344xf32, #tpu.memory_space<vmem>> -> memref<64xf32, #tpu.memory_space<vmem>>
      tpu.enqueue_dma source(%dma_start3A_624 : memref<64xf32, #tpu.memory_space<vmem>>) target(%dma_start3A_622 : memref<64xf32, #tpu.memory_space<vmem_shared>>) target_semaphore(%run_scoped3A : memref<!tpu.dma_semaphore, #tpu.memory_space<semaphore_mem>>)
      %dma_wait3A_625 = arith.constant 320 : i32
      %dma_wait3A_626 = tpu.memref_slice %arg26[%dma_wait3A_625] : memref<1344xf32, #tpu.memory_space<vmem>> -> memref<64xf32, #tpu.memory_space<vmem>>
      %dma_wait3A_627 = arith.constant 0 : i32
      %dma_wait3A_628 = tpu.memref_slice %arg29[%add3A_525, %dma_wait3A_627] : memref<336x64xf32, #tpu.memory_space<vmem_shared>> -> memref<1x64xf32, #tpu.memory_space<vmem_shared>>
      %dma_wait3A_629 = tpu.memref_squeeze %dma_wait3A_628 : memref<1x64xf32, #tpu.memory_space<vmem_shared>> -> memref<64xf32, #tpu.memory_space<vmem_shared>>
      %dma_wait3A_630 = arith.constant 0 : i32
      %dma_wait3A_631 = tpu.memref_slice %arg29[%add3A_525, %dma_wait3A_630] : memref<336x64xf32, #tpu.memory_space<vmem_shared>> -> memref<1x64xf32, #tpu.memory_space<vmem_shared>>
      %dma_wait3A_632 = tpu.memref_squeeze %dma_wait3A_631 : memref<1x64xf32, #tpu.memory_space<vmem_shared>> -> memref<64xf32, #tpu.memory_space<vmem_shared>>
      %dma_wait3A_633 = arith.constant 320 : i32
      %dma_wait3A_634 = tpu.memref_slice %arg26[%dma_wait3A_633] : memref<1344xf32, #tpu.memory_space<vmem>> -> memref<64xf32, #tpu.memory_space<vmem>>
      tpu.wait_dma2 semaphore(%run_scoped3A : memref<!tpu.dma_semaphore, #tpu.memory_space<semaphore_mem>>) src(%dma_wait3A_634 : memref<64xf32, #tpu.memory_space<vmem>>) dst(%dma_wait3A_632 : memref<64xf32, #tpu.memory_space<vmem_shared>>)
      tpu.yield
    }) : () -> ()
    %mul3A_526 = arith.constant 21 : i32
    %mul3A_527 = arith.muli %arg1, %mul3A_526 : i32
    %add3A_528 = arith.constant 6 : i32
    %add3A_529 = arith.addi %mul3A_527, %add3A_528 : i32
    "tpu.region"() ({
      %run_scoped3A = tpu.sem_alloc : memref<!tpu.dma_semaphore, #tpu.memory_space<semaphore_mem>>
      %dma_start3A_615 = arith.constant 384 : i32
      %dma_start3A_616 = tpu.memref_slice %arg26[%dma_start3A_615] : memref<1344xf32, #tpu.memory_space<vmem>> -> memref<64xf32, #tpu.memory_space<vmem>>
      %dma_start3A_617 = arith.constant 0 : i32
      %dma_start3A_618 = tpu.memref_slice %arg29[%add3A_529, %dma_start3A_617] : memref<336x64xf32, #tpu.memory_space<vmem_shared>> -> memref<1x64xf32, #tpu.memory_space<vmem_shared>>
      %dma_start3A_619 = tpu.memref_squeeze %dma_start3A_618 : memref<1x64xf32, #tpu.memory_space<vmem_shared>> -> memref<64xf32, #tpu.memory_space<vmem_shared>>
      %dma_start3A_620 = arith.constant 0 : i32
      %dma_start3A_621 = tpu.memref_slice %arg29[%add3A_529, %dma_start3A_620] : memref<336x64xf32, #tpu.memory_space<vmem_shared>> -> memref<1x64xf32, #tpu.memory_space<vmem_shared>>
      %dma_start3A_622 = tpu.memref_squeeze %dma_start3A_621 : memref<1x64xf32, #tpu.memory_space<vmem_shared>> -> memref<64xf32, #tpu.memory_space<vmem_shared>>
      %dma_start3A_623 = arith.constant 384 : i32
      %dma_start3A_624 = tpu.memref_slice %arg26[%dma_start3A_623] : memref<1344xf32, #tpu.memory_space<vmem>> -> memref<64xf32, #tpu.memory_space<vmem>>
      tpu.enqueue_dma source(%dma_start3A_624 : memref<64xf32, #tpu.memory_space<vmem>>) target(%dma_start3A_622 : memref<64xf32, #tpu.memory_space<vmem_shared>>) target_semaphore(%run_scoped3A : memref<!tpu.dma_semaphore, #tpu.memory_space<semaphore_mem>>)
      %dma_wait3A_625 = arith.constant 384 : i32
      %dma_wait3A_626 = tpu.memref_slice %arg26[%dma_wait3A_625] : memref<1344xf32, #tpu.memory_space<vmem>> -> memref<64xf32, #tpu.memory_space<vmem>>
      %dma_wait3A_627 = arith.constant 0 : i32
      %dma_wait3A_628 = tpu.memref_slice %arg29[%add3A_529, %dma_wait3A_627] : memref<336x64xf32, #tpu.memory_space<vmem_shared>> -> memref<1x64xf32, #tpu.memory_space<vmem_shared>>
      %dma_wait3A_629 = tpu.memref_squeeze %dma_wait3A_628 : memref<1x64xf32, #tpu.memory_space<vmem_shared>> -> memref<64xf32, #tpu.memory_space<vmem_shared>>
      %dma_wait3A_630 = arith.constant 0 : i32
      %dma_wait3A_631 = tpu.memref_slice %arg29[%add3A_529, %dma_wait3A_630] : memref<336x64xf32, #tpu.memory_space<vmem_shared>> -> memref<1x64xf32, #tpu.memory_space<vmem_shared>>
      %dma_wait3A_632 = tpu.memref_squeeze %dma_wait3A_631 : memref<1x64xf32, #tpu.memory_space<vmem_shared>> -> memref<64xf32, #tpu.memory_space<vmem_shared>>
      %dma_wait3A_633 = arith.constant 384 : i32
      %dma_wait3A_634 = tpu.memref_slice %arg26[%dma_wait3A_633] : memref<1344xf32, #tpu.memory_space<vmem>> -> memref<64xf32, #tpu.memory_space<vmem>>
      tpu.wait_dma2 semaphore(%run_scoped3A : memref<!tpu.dma_semaphore, #tpu.memory_space<semaphore_mem>>) src(%dma_wait3A_634 : memref<64xf32, #tpu.memory_space<vmem>>) dst(%dma_wait3A_632 : memref<64xf32, #tpu.memory_space<vmem_shared>>)
      tpu.yield
    }) : () -> ()
    %mul3A_530 = arith.constant 21 : i32
    %mul3A_531 = arith.muli %arg1, %mul3A_530 : i32
    %add3A_532 = arith.constant 7 : i32
    %add3A_533 = arith.addi %mul3A_531, %add3A_532 : i32
    "tpu.region"() ({
      %run_scoped3A = tpu.sem_alloc : memref<!tpu.dma_semaphore, #tpu.memory_space<semaphore_mem>>
      %dma_start3A_615 = arith.constant 448 : i32
      %dma_start3A_616 = tpu.memref_slice %arg26[%dma_start3A_615] : memref<1344xf32, #tpu.memory_space<vmem>> -> memref<64xf32, #tpu.memory_space<vmem>>
      %dma_start3A_617 = arith.constant 0 : i32
      %dma_start3A_618 = tpu.memref_slice %arg29[%add3A_533, %dma_start3A_617] : memref<336x64xf32, #tpu.memory_space<vmem_shared>> -> memref<1x64xf32, #tpu.memory_space<vmem_shared>>
      %dma_start3A_619 = tpu.memref_squeeze %dma_start3A_618 : memref<1x64xf32, #tpu.memory_space<vmem_shared>> -> memref<64xf32, #tpu.memory_space<vmem_shared>>
      %dma_start3A_620 = arith.constant 0 : i32
      %dma_start3A_621 = tpu.memref_slice %arg29[%add3A_533, %dma_start3A_620] : memref<336x64xf32, #tpu.memory_space<vmem_shared>> -> memref<1x64xf32, #tpu.memory_space<vmem_shared>>
      %dma_start3A_622 = tpu.memref_squeeze %dma_start3A_621 : memref<1x64xf32, #tpu.memory_space<vmem_shared>> -> memref<64xf32, #tpu.memory_space<vmem_shared>>
      %dma_start3A_623 = arith.constant 448 : i32
      %dma_start3A_624 = tpu.memref_slice %arg26[%dma_start3A_623] : memref<1344xf32, #tpu.memory_space<vmem>> -> memref<64xf32, #tpu.memory_space<vmem>>
      tpu.enqueue_dma source(%dma_start3A_624 : memref<64xf32, #tpu.memory_space<vmem>>) target(%dma_start3A_622 : memref<64xf32, #tpu.memory_space<vmem_shared>>) target_semaphore(%run_scoped3A : memref<!tpu.dma_semaphore, #tpu.memory_space<semaphore_mem>>)
      %dma_wait3A_625 = arith.constant 448 : i32
      %dma_wait3A_626 = tpu.memref_slice %arg26[%dma_wait3A_625] : memref<1344xf32, #tpu.memory_space<vmem>> -> memref<64xf32, #tpu.memory_space<vmem>>
      %dma_wait3A_627 = arith.constant 0 : i32
      %dma_wait3A_628 = tpu.memref_slice %arg29[%add3A_533, %dma_wait3A_627] : memref<336x64xf32, #tpu.memory_space<vmem_shared>> -> memref<1x64xf32, #tpu.memory_space<vmem_shared>>
      %dma_wait3A_629 = tpu.memref_squeeze %dma_wait3A_628 : memref<1x64xf32, #tpu.memory_space<vmem_shared>> -> memref<64xf32, #tpu.memory_space<vmem_shared>>
      %dma_wait3A_630 = arith.constant 0 : i32
      %dma_wait3A_631 = tpu.memref_slice %arg29[%add3A_533, %dma_wait3A_630] : memref<336x64xf32, #tpu.memory_space<vmem_shared>> -> memref<1x64xf32, #tpu.memory_space<vmem_shared>>
      %dma_wait3A_632 = tpu.memref_squeeze %dma_wait3A_631 : memref<1x64xf32, #tpu.memory_space<vmem_shared>> -> memref<64xf32, #tpu.memory_space<vmem_shared>>
      %dma_wait3A_633 = arith.constant 448 : i32
      %dma_wait3A_634 = tpu.memref_slice %arg26[%dma_wait3A_633] : memref<1344xf32, #tpu.memory_space<vmem>> -> memref<64xf32, #tpu.memory_space<vmem>>
      tpu.wait_dma2 semaphore(%run_scoped3A : memref<!tpu.dma_semaphore, #tpu.memory_space<semaphore_mem>>) src(%dma_wait3A_634 : memref<64xf32, #tpu.memory_space<vmem>>) dst(%dma_wait3A_632 : memref<64xf32, #tpu.memory_space<vmem_shared>>)
      tpu.yield
    }) : () -> ()
    %mul3A_534 = arith.constant 21 : i32
    %mul3A_535 = arith.muli %arg1, %mul3A_534 : i32
    %add3A_536 = arith.constant 8 : i32
    %add3A_537 = arith.addi %mul3A_535, %add3A_536 : i32
    "tpu.region"() ({
      %run_scoped3A = tpu.sem_alloc : memref<!tpu.dma_semaphore, #tpu.memory_space<semaphore_mem>>
      %dma_start3A_615 = arith.constant 512 : i32
      %dma_start3A_616 = tpu.memref_slice %arg26[%dma_start3A_615] : memref<1344xf32, #tpu.memory_space<vmem>> -> memref<64xf32, #tpu.memory_space<vmem>>
      %dma_start3A_617 = arith.constant 0 : i32
      %dma_start3A_618 = tpu.memref_slice %arg29[%add3A_537, %dma_start3A_617] : memref<336x64xf32, #tpu.memory_space<vmem_shared>> -> memref<1x64xf32, #tpu.memory_space<vmem_shared>>
      %dma_start3A_619 = tpu.memref_squeeze %dma_start3A_618 : memref<1x64xf32, #tpu.memory_space<vmem_shared>> -> memref<64xf32, #tpu.memory_space<vmem_shared>>
      %dma_start3A_620 = arith.constant 0 : i32
      %dma_start3A_621 = tpu.memref_slice %arg29[%add3A_537, %dma_start3A_620] : memref<336x64xf32, #tpu.memory_space<vmem_shared>> -> memref<1x64xf32, #tpu.memory_space<vmem_shared>>
      %dma_start3A_622 = tpu.memref_squeeze %dma_start3A_621 : memref<1x64xf32, #tpu.memory_space<vmem_shared>> -> memref<64xf32, #tpu.memory_space<vmem_shared>>
      %dma_start3A_623 = arith.constant 512 : i32
      %dma_start3A_624 = tpu.memref_slice %arg26[%dma_start3A_623] : memref<1344xf32, #tpu.memory_space<vmem>> -> memref<64xf32, #tpu.memory_space<vmem>>
      tpu.enqueue_dma source(%dma_start3A_624 : memref<64xf32, #tpu.memory_space<vmem>>) target(%dma_start3A_622 : memref<64xf32, #tpu.memory_space<vmem_shared>>) target_semaphore(%run_scoped3A : memref<!tpu.dma_semaphore, #tpu.memory_space<semaphore_mem>>)
      %dma_wait3A_625 = arith.constant 512 : i32
      %dma_wait3A_626 = tpu.memref_slice %arg26[%dma_wait3A_625] : memref<1344xf32, #tpu.memory_space<vmem>> -> memref<64xf32, #tpu.memory_space<vmem>>
      %dma_wait3A_627 = arith.constant 0 : i32
      %dma_wait3A_628 = tpu.memref_slice %arg29[%add3A_537, %dma_wait3A_627] : memref<336x64xf32, #tpu.memory_space<vmem_shared>> -> memref<1x64xf32, #tpu.memory_space<vmem_shared>>
      %dma_wait3A_629 = tpu.memref_squeeze %dma_wait3A_628 : memref<1x64xf32, #tpu.memory_space<vmem_shared>> -> memref<64xf32, #tpu.memory_space<vmem_shared>>
      %dma_wait3A_630 = arith.constant 0 : i32
      %dma_wait3A_631 = tpu.memref_slice %arg29[%add3A_537, %dma_wait3A_630] : memref<336x64xf32, #tpu.memory_space<vmem_shared>> -> memref<1x64xf32, #tpu.memory_space<vmem_shared>>
      %dma_wait3A_632 = tpu.memref_squeeze %dma_wait3A_631 : memref<1x64xf32, #tpu.memory_space<vmem_shared>> -> memref<64xf32, #tpu.memory_space<vmem_shared>>
      %dma_wait3A_633 = arith.constant 512 : i32
      %dma_wait3A_634 = tpu.memref_slice %arg26[%dma_wait3A_633] : memref<1344xf32, #tpu.memory_space<vmem>> -> memref<64xf32, #tpu.memory_space<vmem>>
      tpu.wait_dma2 semaphore(%run_scoped3A : memref<!tpu.dma_semaphore, #tpu.memory_space<semaphore_mem>>) src(%dma_wait3A_634 : memref<64xf32, #tpu.memory_space<vmem>>) dst(%dma_wait3A_632 : memref<64xf32, #tpu.memory_space<vmem_shared>>)
      tpu.yield
    }) : () -> ()
    %mul3A_538 = arith.constant 21 : i32
    %mul3A_539 = arith.muli %arg1, %mul3A_538 : i32
    %add3A_540 = arith.constant 9 : i32
    %add3A_541 = arith.addi %mul3A_539, %add3A_540 : i32
    "tpu.region"() ({
      %run_scoped3A = tpu.sem_alloc : memref<!tpu.dma_semaphore, #tpu.memory_space<semaphore_mem>>
      %dma_start3A_615 = arith.constant 576 : i32
      %dma_start3A_616 = tpu.memref_slice %arg26[%dma_start3A_615] : memref<1344xf32, #tpu.memory_space<vmem>> -> memref<64xf32, #tpu.memory_space<vmem>>
      %dma_start3A_617 = arith.constant 0 : i32
      %dma_start3A_618 = tpu.memref_slice %arg29[%add3A_541, %dma_start3A_617] : memref<336x64xf32, #tpu.memory_space<vmem_shared>> -> memref<1x64xf32, #tpu.memory_space<vmem_shared>>
      %dma_start3A_619 = tpu.memref_squeeze %dma_start3A_618 : memref<1x64xf32, #tpu.memory_space<vmem_shared>> -> memref<64xf32, #tpu.memory_space<vmem_shared>>
      %dma_start3A_620 = arith.constant 0 : i32
      %dma_start3A_621 = tpu.memref_slice %arg29[%add3A_541, %dma_start3A_620] : memref<336x64xf32, #tpu.memory_space<vmem_shared>> -> memref<1x64xf32, #tpu.memory_space<vmem_shared>>
      %dma_start3A_622 = tpu.memref_squeeze %dma_start3A_621 : memref<1x64xf32, #tpu.memory_space<vmem_shared>> -> memref<64xf32, #tpu.memory_space<vmem_shared>>
      %dma_start3A_623 = arith.constant 576 : i32
      %dma_start3A_624 = tpu.memref_slice %arg26[%dma_start3A_623] : memref<1344xf32, #tpu.memory_space<vmem>> -> memref<64xf32, #tpu.memory_space<vmem>>
      tpu.enqueue_dma source(%dma_start3A_624 : memref<64xf32, #tpu.memory_space<vmem>>) target(%dma_start3A_622 : memref<64xf32, #tpu.memory_space<vmem_shared>>) target_semaphore(%run_scoped3A : memref<!tpu.dma_semaphore, #tpu.memory_space<semaphore_mem>>)
      %dma_wait3A_625 = arith.constant 576 : i32
      %dma_wait3A_626 = tpu.memref_slice %arg26[%dma_wait3A_625] : memref<1344xf32, #tpu.memory_space<vmem>> -> memref<64xf32, #tpu.memory_space<vmem>>
      %dma_wait3A_627 = arith.constant 0 : i32
      %dma_wait3A_628 = tpu.memref_slice %arg29[%add3A_541, %dma_wait3A_627] : memref<336x64xf32, #tpu.memory_space<vmem_shared>> -> memref<1x64xf32, #tpu.memory_space<vmem_shared>>
      %dma_wait3A_629 = tpu.memref_squeeze %dma_wait3A_628 : memref<1x64xf32, #tpu.memory_space<vmem_shared>> -> memref<64xf32, #tpu.memory_space<vmem_shared>>
      %dma_wait3A_630 = arith.constant 0 : i32
      %dma_wait3A_631 = tpu.memref_slice %arg29[%add3A_541, %dma_wait3A_630] : memref<336x64xf32, #tpu.memory_space<vmem_shared>> -> memref<1x64xf32, #tpu.memory_space<vmem_shared>>
      %dma_wait3A_632 = tpu.memref_squeeze %dma_wait3A_631 : memref<1x64xf32, #tpu.memory_space<vmem_shared>> -> memref<64xf32, #tpu.memory_space<vmem_shared>>
      %dma_wait3A_633 = arith.constant 576 : i32
      %dma_wait3A_634 = tpu.memref_slice %arg26[%dma_wait3A_633] : memref<1344xf32, #tpu.memory_space<vmem>> -> memref<64xf32, #tpu.memory_space<vmem>>
      tpu.wait_dma2 semaphore(%run_scoped3A : memref<!tpu.dma_semaphore, #tpu.memory_space<semaphore_mem>>) src(%dma_wait3A_634 : memref<64xf32, #tpu.memory_space<vmem>>) dst(%dma_wait3A_632 : memref<64xf32, #tpu.memory_space<vmem_shared>>)
      tpu.yield
    }) : () -> ()
    %mul3A_542 = arith.constant 21 : i32
    %mul3A_543 = arith.muli %arg1, %mul3A_542 : i32
    %add3A_544 = arith.constant 10 : i32
    %add3A_545 = arith.addi %mul3A_543, %add3A_544 : i32
    "tpu.region"() ({
      %run_scoped3A = tpu.sem_alloc : memref<!tpu.dma_semaphore, #tpu.memory_space<semaphore_mem>>
      %dma_start3A_615 = arith.constant 640 : i32
      %dma_start3A_616 = tpu.memref_slice %arg26[%dma_start3A_615] : memref<1344xf32, #tpu.memory_space<vmem>> -> memref<64xf32, #tpu.memory_space<vmem>>
      %dma_start3A_617 = arith.constant 0 : i32
      %dma_start3A_618 = tpu.memref_slice %arg29[%add3A_545, %dma_start3A_617] : memref<336x64xf32, #tpu.memory_space<vmem_shared>> -> memref<1x64xf32, #tpu.memory_space<vmem_shared>>
      %dma_start3A_619 = tpu.memref_squeeze %dma_start3A_618 : memref<1x64xf32, #tpu.memory_space<vmem_shared>> -> memref<64xf32, #tpu.memory_space<vmem_shared>>
      %dma_start3A_620 = arith.constant 0 : i32
      %dma_start3A_621 = tpu.memref_slice %arg29[%add3A_545, %dma_start3A_620] : memref<336x64xf32, #tpu.memory_space<vmem_shared>> -> memref<1x64xf32, #tpu.memory_space<vmem_shared>>
      %dma_start3A_622 = tpu.memref_squeeze %dma_start3A_621 : memref<1x64xf32, #tpu.memory_space<vmem_shared>> -> memref<64xf32, #tpu.memory_space<vmem_shared>>
      %dma_start3A_623 = arith.constant 640 : i32
      %dma_start3A_624 = tpu.memref_slice %arg26[%dma_start3A_623] : memref<1344xf32, #tpu.memory_space<vmem>> -> memref<64xf32, #tpu.memory_space<vmem>>
      tpu.enqueue_dma source(%dma_start3A_624 : memref<64xf32, #tpu.memory_space<vmem>>) target(%dma_start3A_622 : memref<64xf32, #tpu.memory_space<vmem_shared>>) target_semaphore(%run_scoped3A : memref<!tpu.dma_semaphore, #tpu.memory_space<semaphore_mem>>)
      %dma_wait3A_625 = arith.constant 640 : i32
      %dma_wait3A_626 = tpu.memref_slice %arg26[%dma_wait3A_625] : memref<1344xf32, #tpu.memory_space<vmem>> -> memref<64xf32, #tpu.memory_space<vmem>>
      %dma_wait3A_627 = arith.constant 0 : i32
      %dma_wait3A_628 = tpu.memref_slice %arg29[%add3A_545, %dma_wait3A_627] : memref<336x64xf32, #tpu.memory_space<vmem_shared>> -> memref<1x64xf32, #tpu.memory_space<vmem_shared>>
      %dma_wait3A_629 = tpu.memref_squeeze %dma_wait3A_628 : memref<1x64xf32, #tpu.memory_space<vmem_shared>> -> memref<64xf32, #tpu.memory_space<vmem_shared>>
      %dma_wait3A_630 = arith.constant 0 : i32
      %dma_wait3A_631 = tpu.memref_slice %arg29[%add3A_545, %dma_wait3A_630] : memref<336x64xf32, #tpu.memory_space<vmem_shared>> -> memref<1x64xf32, #tpu.memory_space<vmem_shared>>
      %dma_wait3A_632 = tpu.memref_squeeze %dma_wait3A_631 : memref<1x64xf32, #tpu.memory_space<vmem_shared>> -> memref<64xf32, #tpu.memory_space<vmem_shared>>
      %dma_wait3A_633 = arith.constant 640 : i32
      %dma_wait3A_634 = tpu.memref_slice %arg26[%dma_wait3A_633] : memref<1344xf32, #tpu.memory_space<vmem>> -> memref<64xf32, #tpu.memory_space<vmem>>
      tpu.wait_dma2 semaphore(%run_scoped3A : memref<!tpu.dma_semaphore, #tpu.memory_space<semaphore_mem>>) src(%dma_wait3A_634 : memref<64xf32, #tpu.memory_space<vmem>>) dst(%dma_wait3A_632 : memref<64xf32, #tpu.memory_space<vmem_shared>>)
      tpu.yield
    }) : () -> ()
    %mul3A_546 = arith.constant 21 : i32
    %mul3A_547 = arith.muli %arg1, %mul3A_546 : i32
    %add3A_548 = arith.constant 11 : i32
    %add3A_549 = arith.addi %mul3A_547, %add3A_548 : i32
    "tpu.region"() ({
      %run_scoped3A = tpu.sem_alloc : memref<!tpu.dma_semaphore, #tpu.memory_space<semaphore_mem>>
      %dma_start3A_615 = arith.constant 704 : i32
      %dma_start3A_616 = tpu.memref_slice %arg26[%dma_start3A_615] : memref<1344xf32, #tpu.memory_space<vmem>> -> memref<64xf32, #tpu.memory_space<vmem>>
      %dma_start3A_617 = arith.constant 0 : i32
      %dma_start3A_618 = tpu.memref_slice %arg29[%add3A_549, %dma_start3A_617] : memref<336x64xf32, #tpu.memory_space<vmem_shared>> -> memref<1x64xf32, #tpu.memory_space<vmem_shared>>
      %dma_start3A_619 = tpu.memref_squeeze %dma_start3A_618 : memref<1x64xf32, #tpu.memory_space<vmem_shared>> -> memref<64xf32, #tpu.memory_space<vmem_shared>>
      %dma_start3A_620 = arith.constant 0 : i32
      %dma_start3A_621 = tpu.memref_slice %arg29[%add3A_549, %dma_start3A_620] : memref<336x64xf32, #tpu.memory_space<vmem_shared>> -> memref<1x64xf32, #tpu.memory_space<vmem_shared>>
      %dma_start3A_622 = tpu.memref_squeeze %dma_start3A_621 : memref<1x64xf32, #tpu.memory_space<vmem_shared>> -> memref<64xf32, #tpu.memory_space<vmem_shared>>
      %dma_start3A_623 = arith.constant 704 : i32
      %dma_start3A_624 = tpu.memref_slice %arg26[%dma_start3A_623] : memref<1344xf32, #tpu.memory_space<vmem>> -> memref<64xf32, #tpu.memory_space<vmem>>
      tpu.enqueue_dma source(%dma_start3A_624 : memref<64xf32, #tpu.memory_space<vmem>>) target(%dma_start3A_622 : memref<64xf32, #tpu.memory_space<vmem_shared>>) target_semaphore(%run_scoped3A : memref<!tpu.dma_semaphore, #tpu.memory_space<semaphore_mem>>)
      %dma_wait3A_625 = arith.constant 704 : i32
      %dma_wait3A_626 = tpu.memref_slice %arg26[%dma_wait3A_625] : memref<1344xf32, #tpu.memory_space<vmem>> -> memref<64xf32, #tpu.memory_space<vmem>>
      %dma_wait3A_627 = arith.constant 0 : i32
      %dma_wait3A_628 = tpu.memref_slice %arg29[%add3A_549, %dma_wait3A_627] : memref<336x64xf32, #tpu.memory_space<vmem_shared>> -> memref<1x64xf32, #tpu.memory_space<vmem_shared>>
      %dma_wait3A_629 = tpu.memref_squeeze %dma_wait3A_628 : memref<1x64xf32, #tpu.memory_space<vmem_shared>> -> memref<64xf32, #tpu.memory_space<vmem_shared>>
      %dma_wait3A_630 = arith.constant 0 : i32
      %dma_wait3A_631 = tpu.memref_slice %arg29[%add3A_549, %dma_wait3A_630] : memref<336x64xf32, #tpu.memory_space<vmem_shared>> -> memref<1x64xf32, #tpu.memory_space<vmem_shared>>
      %dma_wait3A_632 = tpu.memref_squeeze %dma_wait3A_631 : memref<1x64xf32, #tpu.memory_space<vmem_shared>> -> memref<64xf32, #tpu.memory_space<vmem_shared>>
      %dma_wait3A_633 = arith.constant 704 : i32
      %dma_wait3A_634 = tpu.memref_slice %arg26[%dma_wait3A_633] : memref<1344xf32, #tpu.memory_space<vmem>> -> memref<64xf32, #tpu.memory_space<vmem>>
      tpu.wait_dma2 semaphore(%run_scoped3A : memref<!tpu.dma_semaphore, #tpu.memory_space<semaphore_mem>>) src(%dma_wait3A_634 : memref<64xf32, #tpu.memory_space<vmem>>) dst(%dma_wait3A_632 : memref<64xf32, #tpu.memory_space<vmem_shared>>)
      tpu.yield
    }) : () -> ()
    %mul3A_550 = arith.constant 21 : i32
    %mul3A_551 = arith.muli %arg1, %mul3A_550 : i32
    %add3A_552 = arith.constant 12 : i32
    %add3A_553 = arith.addi %mul3A_551, %add3A_552 : i32
    "tpu.region"() ({
      %run_scoped3A = tpu.sem_alloc : memref<!tpu.dma_semaphore, #tpu.memory_space<semaphore_mem>>
      %dma_start3A_615 = arith.constant 768 : i32
      %dma_start3A_616 = tpu.memref_slice %arg26[%dma_start3A_615] : memref<1344xf32, #tpu.memory_space<vmem>> -> memref<64xf32, #tpu.memory_space<vmem>>
      %dma_start3A_617 = arith.constant 0 : i32
      %dma_start3A_618 = tpu.memref_slice %arg29[%add3A_553, %dma_start3A_617] : memref<336x64xf32, #tpu.memory_space<vmem_shared>> -> memref<1x64xf32, #tpu.memory_space<vmem_shared>>
      %dma_start3A_619 = tpu.memref_squeeze %dma_start3A_618 : memref<1x64xf32, #tpu.memory_space<vmem_shared>> -> memref<64xf32, #tpu.memory_space<vmem_shared>>
      %dma_start3A_620 = arith.constant 0 : i32
      %dma_start3A_621 = tpu.memref_slice %arg29[%add3A_553, %dma_start3A_620] : memref<336x64xf32, #tpu.memory_space<vmem_shared>> -> memref<1x64xf32, #tpu.memory_space<vmem_shared>>
      %dma_start3A_622 = tpu.memref_squeeze %dma_start3A_621 : memref<1x64xf32, #tpu.memory_space<vmem_shared>> -> memref<64xf32, #tpu.memory_space<vmem_shared>>
      %dma_start3A_623 = arith.constant 768 : i32
      %dma_start3A_624 = tpu.memref_slice %arg26[%dma_start3A_623] : memref<1344xf32, #tpu.memory_space<vmem>> -> memref<64xf32, #tpu.memory_space<vmem>>
      tpu.enqueue_dma source(%dma_start3A_624 : memref<64xf32, #tpu.memory_space<vmem>>) target(%dma_start3A_622 : memref<64xf32, #tpu.memory_space<vmem_shared>>) target_semaphore(%run_scoped3A : memref<!tpu.dma_semaphore, #tpu.memory_space<semaphore_mem>>)
      %dma_wait3A_625 = arith.constant 768 : i32
      %dma_wait3A_626 = tpu.memref_slice %arg26[%dma_wait3A_625] : memref<1344xf32, #tpu.memory_space<vmem>> -> memref<64xf32, #tpu.memory_space<vmem>>
      %dma_wait3A_627 = arith.constant 0 : i32
      %dma_wait3A_628 = tpu.memref_slice %arg29[%add3A_553, %dma_wait3A_627] : memref<336x64xf32, #tpu.memory_space<vmem_shared>> -> memref<1x64xf32, #tpu.memory_space<vmem_shared>>
      %dma_wait3A_629 = tpu.memref_squeeze %dma_wait3A_628 : memref<1x64xf32, #tpu.memory_space<vmem_shared>> -> memref<64xf32, #tpu.memory_space<vmem_shared>>
      %dma_wait3A_630 = arith.constant 0 : i32
      %dma_wait3A_631 = tpu.memref_slice %arg29[%add3A_553, %dma_wait3A_630] : memref<336x64xf32, #tpu.memory_space<vmem_shared>> -> memref<1x64xf32, #tpu.memory_space<vmem_shared>>
      %dma_wait3A_632 = tpu.memref_squeeze %dma_wait3A_631 : memref<1x64xf32, #tpu.memory_space<vmem_shared>> -> memref<64xf32, #tpu.memory_space<vmem_shared>>
      %dma_wait3A_633 = arith.constant 768 : i32
      %dma_wait3A_634 = tpu.memref_slice %arg26[%dma_wait3A_633] : memref<1344xf32, #tpu.memory_space<vmem>> -> memref<64xf32, #tpu.memory_space<vmem>>
      tpu.wait_dma2 semaphore(%run_scoped3A : memref<!tpu.dma_semaphore, #tpu.memory_space<semaphore_mem>>) src(%dma_wait3A_634 : memref<64xf32, #tpu.memory_space<vmem>>) dst(%dma_wait3A_632 : memref<64xf32, #tpu.memory_space<vmem_shared>>)
      tpu.yield
    }) : () -> ()
    %mul3A_554 = arith.constant 21 : i32
    %mul3A_555 = arith.muli %arg1, %mul3A_554 : i32
    %add3A_556 = arith.constant 13 : i32
    %add3A_557 = arith.addi %mul3A_555, %add3A_556 : i32
    "tpu.region"() ({
      %run_scoped3A = tpu.sem_alloc : memref<!tpu.dma_semaphore, #tpu.memory_space<semaphore_mem>>
      %dma_start3A_615 = arith.constant 832 : i32
      %dma_start3A_616 = tpu.memref_slice %arg26[%dma_start3A_615] : memref<1344xf32, #tpu.memory_space<vmem>> -> memref<64xf32, #tpu.memory_space<vmem>>
      %dma_start3A_617 = arith.constant 0 : i32
      %dma_start3A_618 = tpu.memref_slice %arg29[%add3A_557, %dma_start3A_617] : memref<336x64xf32, #tpu.memory_space<vmem_shared>> -> memref<1x64xf32, #tpu.memory_space<vmem_shared>>
      %dma_start3A_619 = tpu.memref_squeeze %dma_start3A_618 : memref<1x64xf32, #tpu.memory_space<vmem_shared>> -> memref<64xf32, #tpu.memory_space<vmem_shared>>
      %dma_start3A_620 = arith.constant 0 : i32
      %dma_start3A_621 = tpu.memref_slice %arg29[%add3A_557, %dma_start3A_620] : memref<336x64xf32, #tpu.memory_space<vmem_shared>> -> memref<1x64xf32, #tpu.memory_space<vmem_shared>>
      %dma_start3A_622 = tpu.memref_squeeze %dma_start3A_621 : memref<1x64xf32, #tpu.memory_space<vmem_shared>> -> memref<64xf32, #tpu.memory_space<vmem_shared>>
      %dma_start3A_623 = arith.constant 832 : i32
      %dma_start3A_624 = tpu.memref_slice %arg26[%dma_start3A_623] : memref<1344xf32, #tpu.memory_space<vmem>> -> memref<64xf32, #tpu.memory_space<vmem>>
      tpu.enqueue_dma source(%dma_start3A_624 : memref<64xf32, #tpu.memory_space<vmem>>) target(%dma_start3A_622 : memref<64xf32, #tpu.memory_space<vmem_shared>>) target_semaphore(%run_scoped3A : memref<!tpu.dma_semaphore, #tpu.memory_space<semaphore_mem>>)
      %dma_wait3A_625 = arith.constant 832 : i32
      %dma_wait3A_626 = tpu.memref_slice %arg26[%dma_wait3A_625] : memref<1344xf32, #tpu.memory_space<vmem>> -> memref<64xf32, #tpu.memory_space<vmem>>
      %dma_wait3A_627 = arith.constant 0 : i32
      %dma_wait3A_628 = tpu.memref_slice %arg29[%add3A_557, %dma_wait3A_627] : memref<336x64xf32, #tpu.memory_space<vmem_shared>> -> memref<1x64xf32, #tpu.memory_space<vmem_shared>>
      %dma_wait3A_629 = tpu.memref_squeeze %dma_wait3A_628 : memref<1x64xf32, #tpu.memory_space<vmem_shared>> -> memref<64xf32, #tpu.memory_space<vmem_shared>>
      %dma_wait3A_630 = arith.constant 0 : i32
      %dma_wait3A_631 = tpu.memref_slice %arg29[%add3A_557, %dma_wait3A_630] : memref<336x64xf32, #tpu.memory_space<vmem_shared>> -> memref<1x64xf32, #tpu.memory_space<vmem_shared>>
      %dma_wait3A_632 = tpu.memref_squeeze %dma_wait3A_631 : memref<1x64xf32, #tpu.memory_space<vmem_shared>> -> memref<64xf32, #tpu.memory_space<vmem_shared>>
      %dma_wait3A_633 = arith.constant 832 : i32
      %dma_wait3A_634 = tpu.memref_slice %arg26[%dma_wait3A_633] : memref<1344xf32, #tpu.memory_space<vmem>> -> memref<64xf32, #tpu.memory_space<vmem>>
      tpu.wait_dma2 semaphore(%run_scoped3A : memref<!tpu.dma_semaphore, #tpu.memory_space<semaphore_mem>>) src(%dma_wait3A_634 : memref<64xf32, #tpu.memory_space<vmem>>) dst(%dma_wait3A_632 : memref<64xf32, #tpu.memory_space<vmem_shared>>)
      tpu.yield
    }) : () -> ()
    %mul3A_558 = arith.constant 21 : i32
    %mul3A_559 = arith.muli %arg1, %mul3A_558 : i32
    %add3A_560 = arith.constant 14 : i32
    %add3A_561 = arith.addi %mul3A_559, %add3A_560 : i32
    "tpu.region"() ({
      %run_scoped3A = tpu.sem_alloc : memref<!tpu.dma_semaphore, #tpu.memory_space<semaphore_mem>>
      %dma_start3A_615 = arith.constant 896 : i32
      %dma_start3A_616 = tpu.memref_slice %arg26[%dma_start3A_615] : memref<1344xf32, #tpu.memory_space<vmem>> -> memref<64xf32, #tpu.memory_space<vmem>>
      %dma_start3A_617 = arith.constant 0 : i32
      %dma_start3A_618 = tpu.memref_slice %arg29[%add3A_561, %dma_start3A_617] : memref<336x64xf32, #tpu.memory_space<vmem_shared>> -> memref<1x64xf32, #tpu.memory_space<vmem_shared>>
      %dma_start3A_619 = tpu.memref_squeeze %dma_start3A_618 : memref<1x64xf32, #tpu.memory_space<vmem_shared>> -> memref<64xf32, #tpu.memory_space<vmem_shared>>
      %dma_start3A_620 = arith.constant 0 : i32
      %dma_start3A_621 = tpu.memref_slice %arg29[%add3A_561, %dma_start3A_620] : memref<336x64xf32, #tpu.memory_space<vmem_shared>> -> memref<1x64xf32, #tpu.memory_space<vmem_shared>>
      %dma_start3A_622 = tpu.memref_squeeze %dma_start3A_621 : memref<1x64xf32, #tpu.memory_space<vmem_shared>> -> memref<64xf32, #tpu.memory_space<vmem_shared>>
      %dma_start3A_623 = arith.constant 896 : i32
      %dma_start3A_624 = tpu.memref_slice %arg26[%dma_start3A_623] : memref<1344xf32, #tpu.memory_space<vmem>> -> memref<64xf32, #tpu.memory_space<vmem>>
      tpu.enqueue_dma source(%dma_start3A_624 : memref<64xf32, #tpu.memory_space<vmem>>) target(%dma_start3A_622 : memref<64xf32, #tpu.memory_space<vmem_shared>>) target_semaphore(%run_scoped3A : memref<!tpu.dma_semaphore, #tpu.memory_space<semaphore_mem>>)
      %dma_wait3A_625 = arith.constant 896 : i32
      %dma_wait3A_626 = tpu.memref_slice %arg26[%dma_wait3A_625] : memref<1344xf32, #tpu.memory_space<vmem>> -> memref<64xf32, #tpu.memory_space<vmem>>
      %dma_wait3A_627 = arith.constant 0 : i32
      %dma_wait3A_628 = tpu.memref_slice %arg29[%add3A_561, %dma_wait3A_627] : memref<336x64xf32, #tpu.memory_space<vmem_shared>> -> memref<1x64xf32, #tpu.memory_space<vmem_shared>>
      %dma_wait3A_629 = tpu.memref_squeeze %dma_wait3A_628 : memref<1x64xf32, #tpu.memory_space<vmem_shared>> -> memref<64xf32, #tpu.memory_space<vmem_shared>>
      %dma_wait3A_630 = arith.constant 0 : i32
      %dma_wait3A_631 = tpu.memref_slice %arg29[%add3A_561, %dma_wait3A_630] : memref<336x64xf32, #tpu.memory_space<vmem_shared>> -> memref<1x64xf32, #tpu.memory_space<vmem_shared>>
      %dma_wait3A_632 = tpu.memref_squeeze %dma_wait3A_631 : memref<1x64xf32, #tpu.memory_space<vmem_shared>> -> memref<64xf32, #tpu.memory_space<vmem_shared>>
      %dma_wait3A_633 = arith.constant 896 : i32
      %dma_wait3A_634 = tpu.memref_slice %arg26[%dma_wait3A_633] : memref<1344xf32, #tpu.memory_space<vmem>> -> memref<64xf32, #tpu.memory_space<vmem>>
      tpu.wait_dma2 semaphore(%run_scoped3A : memref<!tpu.dma_semaphore, #tpu.memory_space<semaphore_mem>>) src(%dma_wait3A_634 : memref<64xf32, #tpu.memory_space<vmem>>) dst(%dma_wait3A_632 : memref<64xf32, #tpu.memory_space<vmem_shared>>)
      tpu.yield
    }) : () -> ()
    %mul3A_562 = arith.constant 21 : i32
    %mul3A_563 = arith.muli %arg1, %mul3A_562 : i32
    %add3A_564 = arith.constant 15 : i32
    %add3A_565 = arith.addi %mul3A_563, %add3A_564 : i32
    "tpu.region"() ({
      %run_scoped3A = tpu.sem_alloc : memref<!tpu.dma_semaphore, #tpu.memory_space<semaphore_mem>>
      %dma_start3A_615 = arith.constant 960 : i32
      %dma_start3A_616 = tpu.memref_slice %arg26[%dma_start3A_615] : memref<1344xf32, #tpu.memory_space<vmem>> -> memref<64xf32, #tpu.memory_space<vmem>>
      %dma_start3A_617 = arith.constant 0 : i32
      %dma_start3A_618 = tpu.memref_slice %arg29[%add3A_565, %dma_start3A_617] : memref<336x64xf32, #tpu.memory_space<vmem_shared>> -> memref<1x64xf32, #tpu.memory_space<vmem_shared>>
      %dma_start3A_619 = tpu.memref_squeeze %dma_start3A_618 : memref<1x64xf32, #tpu.memory_space<vmem_shared>> -> memref<64xf32, #tpu.memory_space<vmem_shared>>
      %dma_start3A_620 = arith.constant 0 : i32
      %dma_start3A_621 = tpu.memref_slice %arg29[%add3A_565, %dma_start3A_620] : memref<336x64xf32, #tpu.memory_space<vmem_shared>> -> memref<1x64xf32, #tpu.memory_space<vmem_shared>>
      %dma_start3A_622 = tpu.memref_squeeze %dma_start3A_621 : memref<1x64xf32, #tpu.memory_space<vmem_shared>> -> memref<64xf32, #tpu.memory_space<vmem_shared>>
      %dma_start3A_623 = arith.constant 960 : i32
      %dma_start3A_624 = tpu.memref_slice %arg26[%dma_start3A_623] : memref<1344xf32, #tpu.memory_space<vmem>> -> memref<64xf32, #tpu.memory_space<vmem>>
      tpu.enqueue_dma source(%dma_start3A_624 : memref<64xf32, #tpu.memory_space<vmem>>) target(%dma_start3A_622 : memref<64xf32, #tpu.memory_space<vmem_shared>>) target_semaphore(%run_scoped3A : memref<!tpu.dma_semaphore, #tpu.memory_space<semaphore_mem>>)
      %dma_wait3A_625 = arith.constant 960 : i32
      %dma_wait3A_626 = tpu.memref_slice %arg26[%dma_wait3A_625] : memref<1344xf32, #tpu.memory_space<vmem>> -> memref<64xf32, #tpu.memory_space<vmem>>
      %dma_wait3A_627 = arith.constant 0 : i32
      %dma_wait3A_628 = tpu.memref_slice %arg29[%add3A_565, %dma_wait3A_627] : memref<336x64xf32, #tpu.memory_space<vmem_shared>> -> memref<1x64xf32, #tpu.memory_space<vmem_shared>>
      %dma_wait3A_629 = tpu.memref_squeeze %dma_wait3A_628 : memref<1x64xf32, #tpu.memory_space<vmem_shared>> -> memref<64xf32, #tpu.memory_space<vmem_shared>>
      %dma_wait3A_630 = arith.constant 0 : i32
      %dma_wait3A_631 = tpu.memref_slice %arg29[%add3A_565, %dma_wait3A_630] : memref<336x64xf32, #tpu.memory_space<vmem_shared>> -> memref<1x64xf32, #tpu.memory_space<vmem_shared>>
      %dma_wait3A_632 = tpu.memref_squeeze %dma_wait3A_631 : memref<1x64xf32, #tpu.memory_space<vmem_shared>> -> memref<64xf32, #tpu.memory_space<vmem_shared>>
      %dma_wait3A_633 = arith.constant 960 : i32
      %dma_wait3A_634 = tpu.memref_slice %arg26[%dma_wait3A_633] : memref<1344xf32, #tpu.memory_space<vmem>> -> memref<64xf32, #tpu.memory_space<vmem>>
      tpu.wait_dma2 semaphore(%run_scoped3A : memref<!tpu.dma_semaphore, #tpu.memory_space<semaphore_mem>>) src(%dma_wait3A_634 : memref<64xf32, #tpu.memory_space<vmem>>) dst(%dma_wait3A_632 : memref<64xf32, #tpu.memory_space<vmem_shared>>)
      tpu.yield
    }) : () -> ()
    %mul3A_566 = arith.constant 21 : i32
    %mul3A_567 = arith.muli %arg1, %mul3A_566 : i32
    %add3A_568 = arith.constant 16 : i32
    %add3A_569 = arith.addi %mul3A_567, %add3A_568 : i32
    "tpu.region"() ({
      %run_scoped3A = tpu.sem_alloc : memref<!tpu.dma_semaphore, #tpu.memory_space<semaphore_mem>>
      %dma_start3A_615 = arith.constant 1024 : i32
      %dma_start3A_616 = tpu.memref_slice %arg26[%dma_start3A_615] : memref<1344xf32, #tpu.memory_space<vmem>> -> memref<64xf32, #tpu.memory_space<vmem>>
      %dma_start3A_617 = arith.constant 0 : i32
      %dma_start3A_618 = tpu.memref_slice %arg29[%add3A_569, %dma_start3A_617] : memref<336x64xf32, #tpu.memory_space<vmem_shared>> -> memref<1x64xf32, #tpu.memory_space<vmem_shared>>
      %dma_start3A_619 = tpu.memref_squeeze %dma_start3A_618 : memref<1x64xf32, #tpu.memory_space<vmem_shared>> -> memref<64xf32, #tpu.memory_space<vmem_shared>>
      %dma_start3A_620 = arith.constant 0 : i32
      %dma_start3A_621 = tpu.memref_slice %arg29[%add3A_569, %dma_start3A_620] : memref<336x64xf32, #tpu.memory_space<vmem_shared>> -> memref<1x64xf32, #tpu.memory_space<vmem_shared>>
      %dma_start3A_622 = tpu.memref_squeeze %dma_start3A_621 : memref<1x64xf32, #tpu.memory_space<vmem_shared>> -> memref<64xf32, #tpu.memory_space<vmem_shared>>
      %dma_start3A_623 = arith.constant 1024 : i32
      %dma_start3A_624 = tpu.memref_slice %arg26[%dma_start3A_623] : memref<1344xf32, #tpu.memory_space<vmem>> -> memref<64xf32, #tpu.memory_space<vmem>>
      tpu.enqueue_dma source(%dma_start3A_624 : memref<64xf32, #tpu.memory_space<vmem>>) target(%dma_start3A_622 : memref<64xf32, #tpu.memory_space<vmem_shared>>) target_semaphore(%run_scoped3A : memref<!tpu.dma_semaphore, #tpu.memory_space<semaphore_mem>>)
      %dma_wait3A_625 = arith.constant 1024 : i32
      %dma_wait3A_626 = tpu.memref_slice %arg26[%dma_wait3A_625] : memref<1344xf32, #tpu.memory_space<vmem>> -> memref<64xf32, #tpu.memory_space<vmem>>
      %dma_wait3A_627 = arith.constant 0 : i32
      %dma_wait3A_628 = tpu.memref_slice %arg29[%add3A_569, %dma_wait3A_627] : memref<336x64xf32, #tpu.memory_space<vmem_shared>> -> memref<1x64xf32, #tpu.memory_space<vmem_shared>>
      %dma_wait3A_629 = tpu.memref_squeeze %dma_wait3A_628 : memref<1x64xf32, #tpu.memory_space<vmem_shared>> -> memref<64xf32, #tpu.memory_space<vmem_shared>>
      %dma_wait3A_630 = arith.constant 0 : i32
      %dma_wait3A_631 = tpu.memref_slice %arg29[%add3A_569, %dma_wait3A_630] : memref<336x64xf32, #tpu.memory_space<vmem_shared>> -> memref<1x64xf32, #tpu.memory_space<vmem_shared>>
      %dma_wait3A_632 = tpu.memref_squeeze %dma_wait3A_631 : memref<1x64xf32, #tpu.memory_space<vmem_shared>> -> memref<64xf32, #tpu.memory_space<vmem_shared>>
      %dma_wait3A_633 = arith.constant 1024 : i32
      %dma_wait3A_634 = tpu.memref_slice %arg26[%dma_wait3A_633] : memref<1344xf32, #tpu.memory_space<vmem>> -> memref<64xf32, #tpu.memory_space<vmem>>
      tpu.wait_dma2 semaphore(%run_scoped3A : memref<!tpu.dma_semaphore, #tpu.memory_space<semaphore_mem>>) src(%dma_wait3A_634 : memref<64xf32, #tpu.memory_space<vmem>>) dst(%dma_wait3A_632 : memref<64xf32, #tpu.memory_space<vmem_shared>>)
      tpu.yield
    }) : () -> ()
    %mul3A_570 = arith.constant 21 : i32
    %mul3A_571 = arith.muli %arg1, %mul3A_570 : i32
    %add3A_572 = arith.constant 17 : i32
    %add3A_573 = arith.addi %mul3A_571, %add3A_572 : i32
    "tpu.region"() ({
      %run_scoped3A = tpu.sem_alloc : memref<!tpu.dma_semaphore, #tpu.memory_space<semaphore_mem>>
      %dma_start3A_615 = arith.constant 1088 : i32
      %dma_start3A_616 = tpu.memref_slice %arg26[%dma_start3A_615] : memref<1344xf32, #tpu.memory_space<vmem>> -> memref<64xf32, #tpu.memory_space<vmem>>
      %dma_start3A_617 = arith.constant 0 : i32
      %dma_start3A_618 = tpu.memref_slice %arg29[%add3A_573, %dma_start3A_617] : memref<336x64xf32, #tpu.memory_space<vmem_shared>> -> memref<1x64xf32, #tpu.memory_space<vmem_shared>>
      %dma_start3A_619 = tpu.memref_squeeze %dma_start3A_618 : memref<1x64xf32, #tpu.memory_space<vmem_shared>> -> memref<64xf32, #tpu.memory_space<vmem_shared>>
      %dma_start3A_620 = arith.constant 0 : i32
      %dma_start3A_621 = tpu.memref_slice %arg29[%add3A_573, %dma_start3A_620] : memref<336x64xf32, #tpu.memory_space<vmem_shared>> -> memref<1x64xf32, #tpu.memory_space<vmem_shared>>
      %dma_start3A_622 = tpu.memref_squeeze %dma_start3A_621 : memref<1x64xf32, #tpu.memory_space<vmem_shared>> -> memref<64xf32, #tpu.memory_space<vmem_shared>>
      %dma_start3A_623 = arith.constant 1088 : i32
      %dma_start3A_624 = tpu.memref_slice %arg26[%dma_start3A_623] : memref<1344xf32, #tpu.memory_space<vmem>> -> memref<64xf32, #tpu.memory_space<vmem>>
      tpu.enqueue_dma source(%dma_start3A_624 : memref<64xf32, #tpu.memory_space<vmem>>) target(%dma_start3A_622 : memref<64xf32, #tpu.memory_space<vmem_shared>>) target_semaphore(%run_scoped3A : memref<!tpu.dma_semaphore, #tpu.memory_space<semaphore_mem>>)
      %dma_wait3A_625 = arith.constant 1088 : i32
      %dma_wait3A_626 = tpu.memref_slice %arg26[%dma_wait3A_625] : memref<1344xf32, #tpu.memory_space<vmem>> -> memref<64xf32, #tpu.memory_space<vmem>>
      %dma_wait3A_627 = arith.constant 0 : i32
      %dma_wait3A_628 = tpu.memref_slice %arg29[%add3A_573, %dma_wait3A_627] : memref<336x64xf32, #tpu.memory_space<vmem_shared>> -> memref<1x64xf32, #tpu.memory_space<vmem_shared>>
      %dma_wait3A_629 = tpu.memref_squeeze %dma_wait3A_628 : memref<1x64xf32, #tpu.memory_space<vmem_shared>> -> memref<64xf32, #tpu.memory_space<vmem_shared>>
      %dma_wait3A_630 = arith.constant 0 : i32
      %dma_wait3A_631 = tpu.memref_slice %arg29[%add3A_573, %dma_wait3A_630] : memref<336x64xf32, #tpu.memory_space<vmem_shared>> -> memref<1x64xf32, #tpu.memory_space<vmem_shared>>
      %dma_wait3A_632 = tpu.memref_squeeze %dma_wait3A_631 : memref<1x64xf32, #tpu.memory_space<vmem_shared>> -> memref<64xf32, #tpu.memory_space<vmem_shared>>
      %dma_wait3A_633 = arith.constant 1088 : i32
      %dma_wait3A_634 = tpu.memref_slice %arg26[%dma_wait3A_633] : memref<1344xf32, #tpu.memory_space<vmem>> -> memref<64xf32, #tpu.memory_space<vmem>>
      tpu.wait_dma2 semaphore(%run_scoped3A : memref<!tpu.dma_semaphore, #tpu.memory_space<semaphore_mem>>) src(%dma_wait3A_634 : memref<64xf32, #tpu.memory_space<vmem>>) dst(%dma_wait3A_632 : memref<64xf32, #tpu.memory_space<vmem_shared>>)
      tpu.yield
    }) : () -> ()
    %mul3A_574 = arith.constant 21 : i32
    %mul3A_575 = arith.muli %arg1, %mul3A_574 : i32
    %add3A_576 = arith.constant 18 : i32
    %add3A_577 = arith.addi %mul3A_575, %add3A_576 : i32
    "tpu.region"() ({
      %run_scoped3A = tpu.sem_alloc : memref<!tpu.dma_semaphore, #tpu.memory_space<semaphore_mem>>
      %dma_start3A_615 = arith.constant 1152 : i32
      %dma_start3A_616 = tpu.memref_slice %arg26[%dma_start3A_615] : memref<1344xf32, #tpu.memory_space<vmem>> -> memref<64xf32, #tpu.memory_space<vmem>>
      %dma_start3A_617 = arith.constant 0 : i32
      %dma_start3A_618 = tpu.memref_slice %arg29[%add3A_577, %dma_start3A_617] : memref<336x64xf32, #tpu.memory_space<vmem_shared>> -> memref<1x64xf32, #tpu.memory_space<vmem_shared>>
      %dma_start3A_619 = tpu.memref_squeeze %dma_start3A_618 : memref<1x64xf32, #tpu.memory_space<vmem_shared>> -> memref<64xf32, #tpu.memory_space<vmem_shared>>
      %dma_start3A_620 = arith.constant 0 : i32
      %dma_start3A_621 = tpu.memref_slice %arg29[%add3A_577, %dma_start3A_620] : memref<336x64xf32, #tpu.memory_space<vmem_shared>> -> memref<1x64xf32, #tpu.memory_space<vmem_shared>>
      %dma_start3A_622 = tpu.memref_squeeze %dma_start3A_621 : memref<1x64xf32, #tpu.memory_space<vmem_shared>> -> memref<64xf32, #tpu.memory_space<vmem_shared>>
      %dma_start3A_623 = arith.constant 1152 : i32
      %dma_start3A_624 = tpu.memref_slice %arg26[%dma_start3A_623] : memref<1344xf32, #tpu.memory_space<vmem>> -> memref<64xf32, #tpu.memory_space<vmem>>
      tpu.enqueue_dma source(%dma_start3A_624 : memref<64xf32, #tpu.memory_space<vmem>>) target(%dma_start3A_622 : memref<64xf32, #tpu.memory_space<vmem_shared>>) target_semaphore(%run_scoped3A : memref<!tpu.dma_semaphore, #tpu.memory_space<semaphore_mem>>)
      %dma_wait3A_625 = arith.constant 1152 : i32
      %dma_wait3A_626 = tpu.memref_slice %arg26[%dma_wait3A_625] : memref<1344xf32, #tpu.memory_space<vmem>> -> memref<64xf32, #tpu.memory_space<vmem>>
      %dma_wait3A_627 = arith.constant 0 : i32
      %dma_wait3A_628 = tpu.memref_slice %arg29[%add3A_577, %dma_wait3A_627] : memref<336x64xf32, #tpu.memory_space<vmem_shared>> -> memref<1x64xf32, #tpu.memory_space<vmem_shared>>
      %dma_wait3A_629 = tpu.memref_squeeze %dma_wait3A_628 : memref<1x64xf32, #tpu.memory_space<vmem_shared>> -> memref<64xf32, #tpu.memory_space<vmem_shared>>
      %dma_wait3A_630 = arith.constant 0 : i32
      %dma_wait3A_631 = tpu.memref_slice %arg29[%add3A_577, %dma_wait3A_630] : memref<336x64xf32, #tpu.memory_space<vmem_shared>> -> memref<1x64xf32, #tpu.memory_space<vmem_shared>>
      %dma_wait3A_632 = tpu.memref_squeeze %dma_wait3A_631 : memref<1x64xf32, #tpu.memory_space<vmem_shared>> -> memref<64xf32, #tpu.memory_space<vmem_shared>>
      %dma_wait3A_633 = arith.constant 1152 : i32
      %dma_wait3A_634 = tpu.memref_slice %arg26[%dma_wait3A_633] : memref<1344xf32, #tpu.memory_space<vmem>> -> memref<64xf32, #tpu.memory_space<vmem>>
      tpu.wait_dma2 semaphore(%run_scoped3A : memref<!tpu.dma_semaphore, #tpu.memory_space<semaphore_mem>>) src(%dma_wait3A_634 : memref<64xf32, #tpu.memory_space<vmem>>) dst(%dma_wait3A_632 : memref<64xf32, #tpu.memory_space<vmem_shared>>)
      tpu.yield
    }) : () -> ()
    %mul3A_578 = arith.constant 21 : i32
    %mul3A_579 = arith.muli %arg1, %mul3A_578 : i32
    %add3A_580 = arith.constant 19 : i32
    %add3A_581 = arith.addi %mul3A_579, %add3A_580 : i32
    "tpu.region"() ({
      %run_scoped3A = tpu.sem_alloc : memref<!tpu.dma_semaphore, #tpu.memory_space<semaphore_mem>>
      %dma_start3A_615 = arith.constant 1216 : i32
      %dma_start3A_616 = tpu.memref_slice %arg26[%dma_start3A_615] : memref<1344xf32, #tpu.memory_space<vmem>> -> memref<64xf32, #tpu.memory_space<vmem>>
      %dma_start3A_617 = arith.constant 0 : i32
      %dma_start3A_618 = tpu.memref_slice %arg29[%add3A_581, %dma_start3A_617] : memref<336x64xf32, #tpu.memory_space<vmem_shared>> -> memref<1x64xf32, #tpu.memory_space<vmem_shared>>
      %dma_start3A_619 = tpu.memref_squeeze %dma_start3A_618 : memref<1x64xf32, #tpu.memory_space<vmem_shared>> -> memref<64xf32, #tpu.memory_space<vmem_shared>>
      %dma_start3A_620 = arith.constant 0 : i32
      %dma_start3A_621 = tpu.memref_slice %arg29[%add3A_581, %dma_start3A_620] : memref<336x64xf32, #tpu.memory_space<vmem_shared>> -> memref<1x64xf32, #tpu.memory_space<vmem_shared>>
      %dma_start3A_622 = tpu.memref_squeeze %dma_start3A_621 : memref<1x64xf32, #tpu.memory_space<vmem_shared>> -> memref<64xf32, #tpu.memory_space<vmem_shared>>
      %dma_start3A_623 = arith.constant 1216 : i32
      %dma_start3A_624 = tpu.memref_slice %arg26[%dma_start3A_623] : memref<1344xf32, #tpu.memory_space<vmem>> -> memref<64xf32, #tpu.memory_space<vmem>>
      tpu.enqueue_dma source(%dma_start3A_624 : memref<64xf32, #tpu.memory_space<vmem>>) target(%dma_start3A_622 : memref<64xf32, #tpu.memory_space<vmem_shared>>) target_semaphore(%run_scoped3A : memref<!tpu.dma_semaphore, #tpu.memory_space<semaphore_mem>>)
      %dma_wait3A_625 = arith.constant 1216 : i32
      %dma_wait3A_626 = tpu.memref_slice %arg26[%dma_wait3A_625] : memref<1344xf32, #tpu.memory_space<vmem>> -> memref<64xf32, #tpu.memory_space<vmem>>
      %dma_wait3A_627 = arith.constant 0 : i32
      %dma_wait3A_628 = tpu.memref_slice %arg29[%add3A_581, %dma_wait3A_627] : memref<336x64xf32, #tpu.memory_space<vmem_shared>> -> memref<1x64xf32, #tpu.memory_space<vmem_shared>>
      %dma_wait3A_629 = tpu.memref_squeeze %dma_wait3A_628 : memref<1x64xf32, #tpu.memory_space<vmem_shared>> -> memref<64xf32, #tpu.memory_space<vmem_shared>>
      %dma_wait3A_630 = arith.constant 0 : i32
      %dma_wait3A_631 = tpu.memref_slice %arg29[%add3A_581, %dma_wait3A_630] : memref<336x64xf32, #tpu.memory_space<vmem_shared>> -> memref<1x64xf32, #tpu.memory_space<vmem_shared>>
      %dma_wait3A_632 = tpu.memref_squeeze %dma_wait3A_631 : memref<1x64xf32, #tpu.memory_space<vmem_shared>> -> memref<64xf32, #tpu.memory_space<vmem_shared>>
      %dma_wait3A_633 = arith.constant 1216 : i32
      %dma_wait3A_634 = tpu.memref_slice %arg26[%dma_wait3A_633] : memref<1344xf32, #tpu.memory_space<vmem>> -> memref<64xf32, #tpu.memory_space<vmem>>
      tpu.wait_dma2 semaphore(%run_scoped3A : memref<!tpu.dma_semaphore, #tpu.memory_space<semaphore_mem>>) src(%dma_wait3A_634 : memref<64xf32, #tpu.memory_space<vmem>>) dst(%dma_wait3A_632 : memref<64xf32, #tpu.memory_space<vmem_shared>>)
      tpu.yield
    }) : () -> ()
    %mul3A_582 = arith.constant 21 : i32
    %mul3A_583 = arith.muli %arg1, %mul3A_582 : i32
    %add3A_584 = arith.constant 20 : i32
    %add3A_585 = arith.addi %mul3A_583, %add3A_584 : i32
    "tpu.region"() ({
      %run_scoped3A = tpu.sem_alloc : memref<!tpu.dma_semaphore, #tpu.memory_space<semaphore_mem>>
      %dma_start3A_615 = arith.constant 1280 : i32
      %dma_start3A_616 = tpu.memref_slice %arg26[%dma_start3A_615] : memref<1344xf32, #tpu.memory_space<vmem>> -> memref<64xf32, #tpu.memory_space<vmem>>
      %dma_start3A_617 = arith.constant 0 : i32
      %dma_start3A_618 = tpu.memref_slice %arg29[%add3A_585, %dma_start3A_617] : memref<336x64xf32, #tpu.memory_space<vmem_shared>> -> memref<1x64xf32, #tpu.memory_space<vmem_shared>>
      %dma_start3A_619 = tpu.memref_squeeze %dma_start3A_618 : memref<1x64xf32, #tpu.memory_space<vmem_shared>> -> memref<64xf32, #tpu.memory_space<vmem_shared>>
      %dma_start3A_620 = arith.constant 0 : i32
      %dma_start3A_621 = tpu.memref_slice %arg29[%add3A_585, %dma_start3A_620] : memref<336x64xf32, #tpu.memory_space<vmem_shared>> -> memref<1x64xf32, #tpu.memory_space<vmem_shared>>
      %dma_start3A_622 = tpu.memref_squeeze %dma_start3A_621 : memref<1x64xf32, #tpu.memory_space<vmem_shared>> -> memref<64xf32, #tpu.memory_space<vmem_shared>>
      %dma_start3A_623 = arith.constant 1280 : i32
      %dma_start3A_624 = tpu.memref_slice %arg26[%dma_start3A_623] : memref<1344xf32, #tpu.memory_space<vmem>> -> memref<64xf32, #tpu.memory_space<vmem>>
      tpu.enqueue_dma source(%dma_start3A_624 : memref<64xf32, #tpu.memory_space<vmem>>) target(%dma_start3A_622 : memref<64xf32, #tpu.memory_space<vmem_shared>>) target_semaphore(%run_scoped3A : memref<!tpu.dma_semaphore, #tpu.memory_space<semaphore_mem>>)
      %dma_wait3A_625 = arith.constant 1280 : i32
      %dma_wait3A_626 = tpu.memref_slice %arg26[%dma_wait3A_625] : memref<1344xf32, #tpu.memory_space<vmem>> -> memref<64xf32, #tpu.memory_space<vmem>>
      %dma_wait3A_627 = arith.constant 0 : i32
      %dma_wait3A_628 = tpu.memref_slice %arg29[%add3A_585, %dma_wait3A_627] : memref<336x64xf32, #tpu.memory_space<vmem_shared>> -> memref<1x64xf32, #tpu.memory_space<vmem_shared>>
      %dma_wait3A_629 = tpu.memref_squeeze %dma_wait3A_628 : memref<1x64xf32, #tpu.memory_space<vmem_shared>> -> memref<64xf32, #tpu.memory_space<vmem_shared>>
      %dma_wait3A_630 = arith.constant 0 : i32
      %dma_wait3A_631 = tpu.memref_slice %arg29[%add3A_585, %dma_wait3A_630] : memref<336x64xf32, #tpu.memory_space<vmem_shared>> -> memref<1x64xf32, #tpu.memory_space<vmem_shared>>
      %dma_wait3A_632 = tpu.memref_squeeze %dma_wait3A_631 : memref<1x64xf32, #tpu.memory_space<vmem_shared>> -> memref<64xf32, #tpu.memory_space<vmem_shared>>
      %dma_wait3A_633 = arith.constant 1280 : i32
      %dma_wait3A_634 = tpu.memref_slice %arg26[%dma_wait3A_633] : memref<1344xf32, #tpu.memory_space<vmem>> -> memref<64xf32, #tpu.memory_space<vmem>>
      tpu.wait_dma2 semaphore(%run_scoped3A : memref<!tpu.dma_semaphore, #tpu.memory_space<semaphore_mem>>) src(%dma_wait3A_634 : memref<64xf32, #tpu.memory_space<vmem>>) dst(%dma_wait3A_632 : memref<64xf32, #tpu.memory_space<vmem_shared>>)
      tpu.yield
    }) : () -> ()
    %scan3A = arith.constant 0 : i32
    %scan3A_586 = arith.constant 0 : i32
    %scan3A_587 = arith.constant 32 : i32
    %scan3A_588 = arith.addi %scan3A_586, %scan3A_587 : i32
    %scan3A_589 = arith.constant 1 : i32
    scf.for %scan3A_615 = %scan3A_586 to %scan3A_588 step %scan3A_589  : i32 {
      %mul3A_616 = arith.constant 16 : i32
      %mul3A_617 = arith.muli %scan3A_615, %mul3A_616 : i32
      %get3A_618 = arith.index_cast %mul3A_617 : i32 to index
      %get3A_619 = tpu.vector_load %arg16[%get3A_618] {strides = array<i32>} : memref<512xi32, #tpu.memory_space<vmem>>, vector<16xi32>,
      %mul3A_620 = arith.constant 16 : i32
      %mul3A_621 = arith.muli %scan3A_615, %mul3A_620 : i32
      %get3A_622 = arith.index_cast %mul3A_621 : i32 to index
      %get3A_623 = tpu.vector_load %arg17[%get3A_622] {strides = array<i32>} : memref<512xi32, #tpu.memory_space<vmem>>, vector<16xi32>,
      %mul3A_624 = arith.constant 16 : i32
      %mul3A_625 = arith.muli %scan3A_615, %mul3A_624 : i32
      %get3A_626 = arith.index_cast %mul3A_625 : i32 to index
      %get3A_627 = tpu.vector_load %arg18[%get3A_626] {strides = array<i32>} : memref<512xi32, #tpu.memory_space<vmem>>, vector<16xi32>,
      %mul3A_628 = arith.constant 2 : i32
      %mul3A_629 = vector.broadcast %mul3A_628 : i32 to vector<16xi32>
      %mul3A_630 = arith.muli %get3A_619, %mul3A_629 : vector<16xi32>
      %add3A_631 = arith.addi %mul3A_630, %get3A_623 : vector<16xi32>
      %mul3A_632 = arith.constant 21 : i32
      %mul3A_633 = vector.broadcast %mul3A_632 : i32 to vector<16xi32>
      %mul3A_634 = arith.muli %add3A_631, %mul3A_633 : vector<16xi32>
      %add3A_635 = arith.addi %mul3A_634, %get3A_627 : vector<16xi32>
      %mul3A_636 = arith.constant 16 : i32
      %mul3A_637 = arith.muli %scan3A_615, %mul3A_636 : i32
      %swap3A_638 = arith.index_cast %mul3A_637 : i32 to index
      %swap3A_639 = tpu.vector_load %arg19[%swap3A_638] {strides = array<i32>} : memref<512xi32, #tpu.memory_space<vmem>>, vector<16xi32>,
      tpu.vector_store %arg19[%swap3A_638], %add3A_635 {strides = array<i32>} : memref<512xi32, #tpu.memory_space<vmem>>, vector<16xi32>,
    }
    %scan3A_590 = arith.constant 32 : i32
    %barrier3A = arith.constant 0 : index
    tpu.barrier barrier_id(%barrier3A)
    %dma_start3A_591 = arith.constant 0 : i32
    %dma_start3A_592 = arith.constant 0 : i32
    %dma_start3A_593 = tpu.memref_slice %arg29[%dma_start3A_591, %dma_start3A_592] : memref<336x64xf32, #tpu.memory_space<vmem_shared>> -> memref<336x64xf32, #tpu.memory_space<vmem_shared>>
    tpu.enqueue_indirect_dma source(%dma_start3A_593 : memref<336x64xf32, #tpu.memory_space<vmem_shared>>) target(%arg22 : memref<512x64xf32, #tpu.memory_space<vmem>>) offsets(%arg19 : memref<512xi32, #tpu.memory_space<vmem>>) semaphore(%arg34 : memref<!tpu.dma_semaphore, #tpu.memory_space<semaphore_mem>>)
    %dma_wait3A = arith.constant 0 : i32
    %dma_wait3A_594 = arith.constant 0 : i32
    %dma_wait3A_595 = tpu.memref_slice %arg7[%dma_wait3A, %dma_wait3A_594] : memref<100000x64xf32, #tpu.memory_space<hbm>> -> memref<100000x64xf32, #tpu.memory_space<hbm>>
    tpu.wait_indirect_dma semaphore(%arg30 : memref<!tpu.dma_semaphore, #tpu.memory_space<semaphore_mem>>) src(%dma_wait3A_595 : memref<100000x64xf32, #tpu.memory_space<hbm>>) dst(%arg20 : memref<512x64xf32, #tpu.memory_space<vmem>>)
    %dma_wait3A_596 = arith.constant 0 : i32
    %dma_wait3A_597 = arith.constant 0 : i32
    %dma_wait3A_598 = tpu.memref_slice %arg8[%dma_wait3A_596, %dma_wait3A_597] : memref<100000x64xf32, #tpu.memory_space<hbm>> -> memref<100000x64xf32, #tpu.memory_space<hbm>>
    tpu.wait_indirect_dma semaphore(%arg31 : memref<!tpu.dma_semaphore, #tpu.memory_space<semaphore_mem>>) src(%dma_wait3A_598 : memref<100000x64xf32, #tpu.memory_space<hbm>>) dst(%arg21 : memref<512x64xf32, #tpu.memory_space<vmem>>)
    %dma_wait3A_599 = arith.constant 0 : i32
    %dma_wait3A_600 = tpu.memref_slice %arg10[%dma_wait3A_599] : memref<100000xf32, #tpu.memory_space<hbm>> -> memref<100000xf32, #tpu.memory_space<hbm>>
    tpu.wait_indirect_dma semaphore(%arg32 : memref<!tpu.dma_semaphore, #tpu.memory_space<semaphore_mem>>) src(%dma_wait3A_600 : memref<100000xf32, #tpu.memory_space<hbm>>) dst(%arg23 : memref<512xf32, #tpu.memory_space<vmem>>)
    %dma_wait3A_601 = arith.constant 0 : i32
    %dma_wait3A_602 = tpu.memref_slice %arg11[%dma_wait3A_601] : memref<100000xf32, #tpu.memory_space<hbm>> -> memref<100000xf32, #tpu.memory_space<hbm>>
    tpu.wait_indirect_dma semaphore(%arg33 : memref<!tpu.dma_semaphore, #tpu.memory_space<semaphore_mem>>) src(%dma_wait3A_602 : memref<100000xf32, #tpu.memory_space<hbm>>) dst(%arg24 : memref<512xf32, #tpu.memory_space<vmem>>)
    %dma_wait3A_603 = arith.constant 0 : i32
    %dma_wait3A_604 = arith.constant 0 : i32
    %dma_wait3A_605 = tpu.memref_slice %arg29[%dma_wait3A_603, %dma_wait3A_604] : memref<336x64xf32, #tpu.memory_space<vmem_shared>> -> memref<336x64xf32, #tpu.memory_space<vmem_shared>>
    tpu.wait_indirect_dma semaphore(%arg34 : memref<!tpu.dma_semaphore, #tpu.memory_space<semaphore_mem>>) src(%dma_wait3A_605 : memref<336x64xf32, #tpu.memory_space<vmem_shared>>) dst(%arg22 : memref<512x64xf32, #tpu.memory_space<vmem>>)
    %iota3A = tpu.iota {dimensions = array<i32: 0>} : vector<16xi32>
    %mul3A_606 = arith.constant 17 : i32
    %mul3A_607 = vector.broadcast %mul3A_606 : i32 to vector<16xi32>
    %mul3A_608 = arith.muli %iota3A, %mul3A_607 : vector<16xi32>
    %scan3A_609 = arith.constant 0 : i32
    %scan3A_610 = arith.constant 0 : i32
    %scan3A_611 = arith.constant 32 : i32
    %scan3A_612 = arith.addi %scan3A_610, %scan3A_611 : i32
    %scan3A_613 = arith.constant 1 : i32
    scf.for %scan3A_615 = %scan3A_610 to %scan3A_612 step %scan3A_613  : i32 {
      %mul3A_616 = arith.constant 16 : i32
      %mul3A_617 = arith.muli %scan3A_615, %mul3A_616 : i32
      %add3A_618 = arith.constant 0 : i32
      %add3A_619 = arith.addi %mul3A_617, %add3A_618 : i32
      %get3A_620 = arith.index_cast %add3A_619 : i32 to index
      %get3A_621 = arith.constant 0 : index
      %get3A_622 = tpu.vector_load %arg20[%get3A_620, %get3A_621] {strides = array<i32>} : memref<512x64xf32, #tpu.memory_space<vmem>>, vector<16xf32>,
      %add3A_623 = arith.constant 0 : i32
      %add3A_624 = arith.addi %mul3A_617, %add3A_623 : i32
      %get3A_625 = arith.index_cast %add3A_624 : i32 to index
      %get3A_626 = arith.constant 16 : index
      %get3A_627 = tpu.vector_load %arg20[%get3A_625, %get3A_626] {strides = array<i32>} : memref<512x64xf32, #tpu.memory_space<vmem>>, vector<16xf32>,
      %add3A_628 = arith.constant 0 : i32
      %add3A_629 = arith.addi %mul3A_617, %add3A_628 : i32
      %get3A_630 = arith.index_cast %add3A_629 : i32 to index
      %get3A_631 = arith.constant 32 : index
      %get3A_632 = tpu.vector_load %arg20[%get3A_630, %get3A_631] {strides = array<i32>} : memref<512x64xf32, #tpu.memory_space<vmem>>, vector<16xf32>,
      %add3A_633 = arith.constant 0 : i32
      %add3A_634 = arith.addi %mul3A_617, %add3A_633 : i32
      %get3A_635 = arith.index_cast %add3A_634 : i32 to index
      %get3A_636 = arith.constant 48 : index
      %get3A_637 = tpu.vector_load %arg20[%get3A_635, %get3A_636] {strides = array<i32>} : memref<512x64xf32, #tpu.memory_space<vmem>>, vector<16xf32>,
      %add3A_638 = arith.constant 0 : i32
      %add3A_639 = arith.addi %mul3A_617, %add3A_638 : i32
      %get3A_640 = arith.index_cast %add3A_639 : i32 to index
      %get3A_641 = arith.constant 0 : index
      %get3A_642 = tpu.vector_load %arg22[%get3A_640, %get3A_641] {strides = array<i32>} : memref<512x64xf32, #tpu.memory_space<vmem>>, vector<16xf32>,
      %add3A_643 = arith.constant 0 : i32
      %add3A_644 = arith.addi %mul3A_617, %add3A_643 : i32
      %get3A_645 = arith.index_cast %add3A_644 : i32 to index
      %get3A_646 = arith.constant 16 : index
      %get3A_647 = tpu.vector_load %arg22[%get3A_645, %get3A_646] {strides = array<i32>} : memref<512x64xf32, #tpu.memory_space<vmem>>, vector<16xf32>,
      %add3A_648 = arith.constant 0 : i32
      %add3A_649 = arith.addi %mul3A_617, %add3A_648 : i32
      %get3A_650 = arith.index_cast %add3A_649 : i32 to index
      %get3A_651 = arith.constant 32 : index
      %get3A_652 = tpu.vector_load %arg22[%get3A_650, %get3A_651] {strides = array<i32>} : memref<512x64xf32, #tpu.memory_space<vmem>>, vector<16xf32>,
      %add3A_653 = arith.constant 0 : i32
      %add3A_654 = arith.addi %mul3A_617, %add3A_653 : i32
      %get3A_655 = arith.index_cast %add3A_654 : i32 to index
      %get3A_656 = arith.constant 48 : index
      %get3A_657 = tpu.vector_load %arg22[%get3A_655, %get3A_656] {strides = array<i32>} : memref<512x64xf32, #tpu.memory_space<vmem>>, vector<16xf32>,
      %add3A_658 = arith.constant 0 : i32
      %add3A_659 = arith.addi %mul3A_617, %add3A_658 : i32
      %get3A_660 = arith.index_cast %add3A_659 : i32 to index
      %get3A_661 = arith.constant 0 : index
      %get3A_662 = tpu.vector_load %arg21[%get3A_660, %get3A_661] {strides = array<i32>} : memref<512x64xf32, #tpu.memory_space<vmem>>, vector<16xf32>,
      %add3A_663 = arith.constant 0 : i32
      %add3A_664 = arith.addi %mul3A_617, %add3A_663 : i32
      %get3A_665 = arith.index_cast %add3A_664 : i32 to index
      %get3A_666 = arith.constant 16 : index
      %get3A_667 = tpu.vector_load %arg21[%get3A_665, %get3A_666] {strides = array<i32>} : memref<512x64xf32, #tpu.memory_space<vmem>>, vector<16xf32>,
      %add3A_668 = arith.constant 0 : i32
      %add3A_669 = arith.addi %mul3A_617, %add3A_668 : i32
      %get3A_670 = arith.index_cast %add3A_669 : i32 to index
      %get3A_671 = arith.constant 32 : index
      %get3A_672 = tpu.vector_load %arg21[%get3A_670, %get3A_671] {strides = array<i32>} : memref<512x64xf32, #tpu.memory_space<vmem>>, vector<16xf32>,
      %add3A_673 = arith.constant 0 : i32
      %add3A_674 = arith.addi %mul3A_617, %add3A_673 : i32
      %get3A_675 = arith.index_cast %add3A_674 : i32 to index
      %get3A_676 = arith.constant 48 : index
      %get3A_677 = tpu.vector_load %arg21[%get3A_675, %get3A_676] {strides = array<i32>} : memref<512x64xf32, #tpu.memory_space<vmem>>, vector<16xf32>,
      %add3A_678 = arith.addf %get3A_622, %get3A_642 : vector<16xf32>
      %add3A_679 = arith.constant 0 : i32
      %add3A_680 = arith.addi %mul3A_617, %add3A_679 : i32
      %swap3A_681 = arith.index_cast %add3A_680 : i32 to index
      %swap3A_682 = arith.constant 0 : index
      %swap3A_683 = tpu.vector_load %arg20[%swap3A_681, %swap3A_682] {strides = array<i32>} : memref<512x64xf32, #tpu.memory_space<vmem>>, vector<16xf32>,
      tpu.vector_store %arg20[%swap3A_681, %swap3A_682], %add3A_678 {strides = array<i32>} : memref<512x64xf32, #tpu.memory_space<vmem>>, vector<16xf32>,
      %mul3A_684 = arith.mulf %add3A_678, %get3A_662 : vector<16xf32>
      %add3A_685 = arith.addf %get3A_627, %get3A_647 : vector<16xf32>
      %add3A_686 = arith.constant 0 : i32
      %add3A_687 = arith.addi %mul3A_617, %add3A_686 : i32
      %swap3A_688 = arith.index_cast %add3A_687 : i32 to index
      %swap3A_689 = arith.constant 16 : index
      %swap3A_690 = tpu.vector_load %arg20[%swap3A_688, %swap3A_689] {strides = array<i32>} : memref<512x64xf32, #tpu.memory_space<vmem>>, vector<16xf32>,
      tpu.vector_store %arg20[%swap3A_688, %swap3A_689], %add3A_685 {strides = array<i32>} : memref<512x64xf32, #tpu.memory_space<vmem>>, vector<16xf32>,
      %mul3A_691 = arith.mulf %add3A_685, %get3A_667 : vector<16xf32>
      %add3A_692 = arith.addf %mul3A_684, %mul3A_691 : vector<16xf32>
      %add3A_693 = arith.addf %get3A_632, %get3A_652 : vector<16xf32>
      %add3A_694 = arith.constant 0 : i32
      %add3A_695 = arith.addi %mul3A_617, %add3A_694 : i32
      %swap3A_696 = arith.index_cast %add3A_695 : i32 to index
      %swap3A_697 = arith.constant 32 : index
      %swap3A_698 = tpu.vector_load %arg20[%swap3A_696, %swap3A_697] {strides = array<i32>} : memref<512x64xf32, #tpu.memory_space<vmem>>, vector<16xf32>,
      tpu.vector_store %arg20[%swap3A_696, %swap3A_697], %add3A_693 {strides = array<i32>} : memref<512x64xf32, #tpu.memory_space<vmem>>, vector<16xf32>,
      %mul3A_699 = arith.mulf %add3A_693, %get3A_672 : vector<16xf32>
      %add3A_700 = arith.addf %add3A_692, %mul3A_699 : vector<16xf32>
      %add3A_701 = arith.addf %get3A_637, %get3A_657 : vector<16xf32>
      %add3A_702 = arith.constant 0 : i32
      %add3A_703 = arith.addi %mul3A_617, %add3A_702 : i32
      %swap3A_704 = arith.index_cast %add3A_703 : i32 to index
      %swap3A_705 = arith.constant 48 : index
      %swap3A_706 = tpu.vector_load %arg20[%swap3A_704, %swap3A_705] {strides = array<i32>} : memref<512x64xf32, #tpu.memory_space<vmem>>, vector<16xf32>,
      tpu.vector_store %arg20[%swap3A_704, %swap3A_705], %add3A_701 {strides = array<i32>} : memref<512x64xf32, #tpu.memory_space<vmem>>, vector<16xf32>,
      %mul3A_707 = arith.mulf %add3A_701, %get3A_677 : vector<16xf32>
      %add3A_708 = arith.addf %add3A_700, %mul3A_707 : vector<16xf32>
      %swap3A_709 = arith.constant 0 : index
      %swap3A_710 = tpu.vector_load %arg27[%swap3A_709] {strides = array<i32>} : memref<272xf32, #tpu.memory_space<vmem>>, vector<16xf32>,
      tpu.vector_store %arg27[%swap3A_709], %add3A_708 {strides = array<i32>} : memref<272xf32, #tpu.memory_space<vmem>>, vector<16xf32>,
      %add3A_711 = arith.constant 1 : i32
      %add3A_712 = arith.addi %mul3A_617, %add3A_711 : i32
      %get3A_713 = arith.index_cast %add3A_712 : i32 to index
      %get3A_714 = arith.constant 0 : index
      %get3A_715 = tpu.vector_load %arg20[%get3A_713, %get3A_714] {strides = array<i32>} : memref<512x64xf32, #tpu.memory_space<vmem>>, vector<16xf32>,
      %add3A_716 = arith.constant 1 : i32
      %add3A_717 = arith.addi %mul3A_617, %add3A_716 : i32
      %get3A_718 = arith.index_cast %add3A_717 : i32 to index
      %get3A_719 = arith.constant 16 : index
      %get3A_720 = tpu.vector_load %arg20[%get3A_718, %get3A_719] {strides = array<i32>} : memref<512x64xf32, #tpu.memory_space<vmem>>, vector<16xf32>,
      %add3A_721 = arith.constant 1 : i32
      %add3A_722 = arith.addi %mul3A_617, %add3A_721 : i32
      %get3A_723 = arith.index_cast %add3A_722 : i32 to index
      %get3A_724 = arith.constant 32 : index
      %get3A_725 = tpu.vector_load %arg20[%get3A_723, %get3A_724] {strides = array<i32>} : memref<512x64xf32, #tpu.memory_space<vmem>>, vector<16xf32>,
      %add3A_726 = arith.constant 1 : i32
      %add3A_727 = arith.addi %mul3A_617, %add3A_726 : i32
      %get3A_728 = arith.index_cast %add3A_727 : i32 to index
      %get3A_729 = arith.constant 48 : index
      %get3A_730 = tpu.vector_load %arg20[%get3A_728, %get3A_729] {strides = array<i32>} : memref<512x64xf32, #tpu.memory_space<vmem>>, vector<16xf32>,
      %add3A_731 = arith.constant 1 : i32
      %add3A_732 = arith.addi %mul3A_617, %add3A_731 : i32
      %get3A_733 = arith.index_cast %add3A_732 : i32 to index
      %get3A_734 = arith.constant 0 : index
      %get3A_735 = tpu.vector_load %arg22[%get3A_733, %get3A_734] {strides = array<i32>} : memref<512x64xf32, #tpu.memory_space<vmem>>, vector<16xf32>,
      %add3A_736 = arith.constant 1 : i32
      %add3A_737 = arith.addi %mul3A_617, %add3A_736 : i32
      %get3A_738 = arith.index_cast %add3A_737 : i32 to index
      %get3A_739 = arith.constant 16 : index
      %get3A_740 = tpu.vector_load %arg22[%get3A_738, %get3A_739] {strides = array<i32>} : memref<512x64xf32, #tpu.memory_space<vmem>>, vector<16xf32>,
      %add3A_741 = arith.constant 1 : i32
      %add3A_742 = arith.addi %mul3A_617, %add3A_741 : i32
      %get3A_743 = arith.index_cast %add3A_742 : i32 to index
      %get3A_744 = arith.constant 32 : index
      %get3A_745 = tpu.vector_load %arg22[%get3A_743, %get3A_744] {strides = array<i32>} : memref<512x64xf32, #tpu.memory_space<vmem>>, vector<16xf32>,
      %add3A_746 = arith.constant 1 : i32
      %add3A_747 = arith.addi %mul3A_617, %add3A_746 : i32
      %get3A_748 = arith.index_cast %add3A_747 : i32 to index
      %get3A_749 = arith.constant 48 : index
      %get3A_750 = tpu.vector_load %arg22[%get3A_748, %get3A_749] {strides = array<i32>} : memref<512x64xf32, #tpu.memory_space<vmem>>, vector<16xf32>,
      %add3A_751 = arith.constant 1 : i32
      %add3A_752 = arith.addi %mul3A_617, %add3A_751 : i32
      %get3A_753 = arith.index_cast %add3A_752 : i32 to index
      %get3A_754 = arith.constant 0 : index
      %get3A_755 = tpu.vector_load %arg21[%get3A_753, %get3A_754] {strides = array<i32>} : memref<512x64xf32, #tpu.memory_space<vmem>>, vector<16xf32>,
      %add3A_756 = arith.constant 1 : i32
      %add3A_757 = arith.addi %mul3A_617, %add3A_756 : i32
      %get3A_758 = arith.index_cast %add3A_757 : i32 to index
      %get3A_759 = arith.constant 16 : index
      %get3A_760 = tpu.vector_load %arg21[%get3A_758, %get3A_759] {strides = array<i32>} : memref<512x64xf32, #tpu.memory_space<vmem>>, vector<16xf32>,
      %add3A_761 = arith.constant 1 : i32
      %add3A_762 = arith.addi %mul3A_617, %add3A_761 : i32
      %get3A_763 = arith.index_cast %add3A_762 : i32 to index
      %get3A_764 = arith.constant 32 : index
      %get3A_765 = tpu.vector_load %arg21[%get3A_763, %get3A_764] {strides = array<i32>} : memref<512x64xf32, #tpu.memory_space<vmem>>, vector<16xf32>,
      %add3A_766 = arith.constant 1 : i32
      %add3A_767 = arith.addi %mul3A_617, %add3A_766 : i32
      %get3A_768 = arith.index_cast %add3A_767 : i32 to index
      %get3A_769 = arith.constant 48 : index
      %get3A_770 = tpu.vector_load %arg21[%get3A_768, %get3A_769] {strides = array<i32>} : memref<512x64xf32, #tpu.memory_space<vmem>>, vector<16xf32>,
      %add3A_771 = arith.addf %get3A_715, %get3A_735 : vector<16xf32>
      %add3A_772 = arith.constant 1 : i32
      %add3A_773 = arith.addi %mul3A_617, %add3A_772 : i32
      %swap3A_774 = arith.index_cast %add3A_773 : i32 to index
      %swap3A_775 = arith.constant 0 : index
      %swap3A_776 = tpu.vector_load %arg20[%swap3A_774, %swap3A_775] {strides = array<i32>} : memref<512x64xf32, #tpu.memory_space<vmem>>, vector<16xf32>,
      tpu.vector_store %arg20[%swap3A_774, %swap3A_775], %add3A_771 {strides = array<i32>} : memref<512x64xf32, #tpu.memory_space<vmem>>, vector<16xf32>,
      %mul3A_777 = arith.mulf %add3A_771, %get3A_755 : vector<16xf32>
      %add3A_778 = arith.addf %get3A_720, %get3A_740 : vector<16xf32>
      %add3A_779 = arith.constant 1 : i32
      %add3A_780 = arith.addi %mul3A_617, %add3A_779 : i32
      %swap3A_781 = arith.index_cast %add3A_780 : i32 to index
      %swap3A_782 = arith.constant 16 : index
      %swap3A_783 = tpu.vector_load %arg20[%swap3A_781, %swap3A_782] {strides = array<i32>} : memref<512x64xf32, #tpu.memory_space<vmem>>, vector<16xf32>,
      tpu.vector_store %arg20[%swap3A_781, %swap3A_782], %add3A_778 {strides = array<i32>} : memref<512x64xf32, #tpu.memory_space<vmem>>, vector<16xf32>,
      %mul3A_784 = arith.mulf %add3A_778, %get3A_760 : vector<16xf32>
      %add3A_785 = arith.addf %mul3A_777, %mul3A_784 : vector<16xf32>
      %add3A_786 = arith.addf %get3A_725, %get3A_745 : vector<16xf32>
      %add3A_787 = arith.constant 1 : i32
      %add3A_788 = arith.addi %mul3A_617, %add3A_787 : i32
      %swap3A_789 = arith.index_cast %add3A_788 : i32 to index
      %swap3A_790 = arith.constant 32 : index
      %swap3A_791 = tpu.vector_load %arg20[%swap3A_789, %swap3A_790] {strides = array<i32>} : memref<512x64xf32, #tpu.memory_space<vmem>>, vector<16xf32>,
      tpu.vector_store %arg20[%swap3A_789, %swap3A_790], %add3A_786 {strides = array<i32>} : memref<512x64xf32, #tpu.memory_space<vmem>>, vector<16xf32>,
      %mul3A_792 = arith.mulf %add3A_786, %get3A_765 : vector<16xf32>
      %add3A_793 = arith.addf %add3A_785, %mul3A_792 : vector<16xf32>
      %add3A_794 = arith.addf %get3A_730, %get3A_750 : vector<16xf32>
      %add3A_795 = arith.constant 1 : i32
      %add3A_796 = arith.addi %mul3A_617, %add3A_795 : i32
      %swap3A_797 = arith.index_cast %add3A_796 : i32 to index
      %swap3A_798 = arith.constant 48 : index
      %swap3A_799 = tpu.vector_load %arg20[%swap3A_797, %swap3A_798] {strides = array<i32>} : memref<512x64xf32, #tpu.memory_space<vmem>>, vector<16xf32>,
      tpu.vector_store %arg20[%swap3A_797, %swap3A_798], %add3A_794 {strides = array<i32>} : memref<512x64xf32, #tpu.memory_space<vmem>>, vector<16xf32>,
      %mul3A_800 = arith.mulf %add3A_794, %get3A_770 : vector<16xf32>
      %add3A_801 = arith.addf %add3A_793, %mul3A_800 : vector<16xf32>
      %swap3A_802 = arith.constant 17 : index
      %swap3A_803 = tpu.vector_load %arg27[%swap3A_802] {strides = array<i32>} : memref<272xf32, #tpu.memory_space<vmem>>, vector<16xf32>,
      tpu.vector_store %arg27[%swap3A_802], %add3A_801 {strides = array<i32>} : memref<272xf32, #tpu.memory_space<vmem>>, vector<16xf32>,
      %add3A_804 = arith.constant 2 : i32
      %add3A_805 = arith.addi %mul3A_617, %add3A_804 : i32
      %get3A_806 = arith.index_cast %add3A_805 : i32 to index
      %get3A_807 = arith.constant 0 : index
      %get3A_808 = tpu.vector_load %arg20[%get3A_806, %get3A_807] {strides = array<i32>} : memref<512x64xf32, #tpu.memory_space<vmem>>, vector<16xf32>,
      %add3A_809 = arith.constant 2 : i32
      %add3A_810 = arith.addi %mul3A_617, %add3A_809 : i32
      %get3A_811 = arith.index_cast %add3A_810 : i32 to index
      %get3A_812 = arith.constant 16 : index
      %get3A_813 = tpu.vector_load %arg20[%get3A_811, %get3A_812] {strides = array<i32>} : memref<512x64xf32, #tpu.memory_space<vmem>>, vector<16xf32>,
      %add3A_814 = arith.constant 2 : i32
      %add3A_815 = arith.addi %mul3A_617, %add3A_814 : i32
      %get3A_816 = arith.index_cast %add3A_815 : i32 to index
      %get3A_817 = arith.constant 32 : index
      %get3A_818 = tpu.vector_load %arg20[%get3A_816, %get3A_817] {strides = array<i32>} : memref<512x64xf32, #tpu.memory_space<vmem>>, vector<16xf32>,
      %add3A_819 = arith.constant 2 : i32
      %add3A_820 = arith.addi %mul3A_617, %add3A_819 : i32
      %get3A_821 = arith.index_cast %add3A_820 : i32 to index
      %get3A_822 = arith.constant 48 : index
      %get3A_823 = tpu.vector_load %arg20[%get3A_821, %get3A_822] {strides = array<i32>} : memref<512x64xf32, #tpu.memory_space<vmem>>, vector<16xf32>,
      %add3A_824 = arith.constant 2 : i32
      %add3A_825 = arith.addi %mul3A_617, %add3A_824 : i32
      %get3A_826 = arith.index_cast %add3A_825 : i32 to index
      %get3A_827 = arith.constant 0 : index
      %get3A_828 = tpu.vector_load %arg22[%get3A_826, %get3A_827] {strides = array<i32>} : memref<512x64xf32, #tpu.memory_space<vmem>>, vector<16xf32>,
      %add3A_829 = arith.constant 2 : i32
      %add3A_830 = arith.addi %mul3A_617, %add3A_829 : i32
      %get3A_831 = arith.index_cast %add3A_830 : i32 to index
      %get3A_832 = arith.constant 16 : index
      %get3A_833 = tpu.vector_load %arg22[%get3A_831, %get3A_832] {strides = array<i32>} : memref<512x64xf32, #tpu.memory_space<vmem>>, vector<16xf32>,
      %add3A_834 = arith.constant 2 : i32
      %add3A_835 = arith.addi %mul3A_617, %add3A_834 : i32
      %get3A_836 = arith.index_cast %add3A_835 : i32 to index
      %get3A_837 = arith.constant 32 : index
      %get3A_838 = tpu.vector_load %arg22[%get3A_836, %get3A_837] {strides = array<i32>} : memref<512x64xf32, #tpu.memory_space<vmem>>, vector<16xf32>,
      %add3A_839 = arith.constant 2 : i32
      %add3A_840 = arith.addi %mul3A_617, %add3A_839 : i32
      %get3A_841 = arith.index_cast %add3A_840 : i32 to index
      %get3A_842 = arith.constant 48 : index
      %get3A_843 = tpu.vector_load %arg22[%get3A_841, %get3A_842] {strides = array<i32>} : memref<512x64xf32, #tpu.memory_space<vmem>>, vector<16xf32>,
      %add3A_844 = arith.constant 2 : i32
      %add3A_845 = arith.addi %mul3A_617, %add3A_844 : i32
      %get3A_846 = arith.index_cast %add3A_845 : i32 to index
      %get3A_847 = arith.constant 0 : index
      %get3A_848 = tpu.vector_load %arg21[%get3A_846, %get3A_847] {strides = array<i32>} : memref<512x64xf32, #tpu.memory_space<vmem>>, vector<16xf32>,
      %add3A_849 = arith.constant 2 : i32
      %add3A_850 = arith.addi %mul3A_617, %add3A_849 : i32
      %get3A_851 = arith.index_cast %add3A_850 : i32 to index
      %get3A_852 = arith.constant 16 : index
      %get3A_853 = tpu.vector_load %arg21[%get3A_851, %get3A_852] {strides = array<i32>} : memref<512x64xf32, #tpu.memory_space<vmem>>, vector<16xf32>,
      %add3A_854 = arith.constant 2 : i32
      %add3A_855 = arith.addi %mul3A_617, %add3A_854 : i32
      %get3A_856 = arith.index_cast %add3A_855 : i32 to index
      %get3A_857 = arith.constant 32 : index
      %get3A_858 = tpu.vector_load %arg21[%get3A_856, %get3A_857] {strides = array<i32>} : memref<512x64xf32, #tpu.memory_space<vmem>>, vector<16xf32>,
      %add3A_859 = arith.constant 2 : i32
      %add3A_860 = arith.addi %mul3A_617, %add3A_859 : i32
      %get3A_861 = arith.index_cast %add3A_860 : i32 to index
      %get3A_862 = arith.constant 48 : index
      %get3A_863 = tpu.vector_load %arg21[%get3A_861, %get3A_862] {strides = array<i32>} : memref<512x64xf32, #tpu.memory_space<vmem>>, vector<16xf32>,
      %add3A_864 = arith.addf %get3A_808, %get3A_828 : vector<16xf32>
      %add3A_865 = arith.constant 2 : i32
      %add3A_866 = arith.addi %mul3A_617, %add3A_865 : i32
      %swap3A_867 = arith.index_cast %add3A_866 : i32 to index
      %swap3A_868 = arith.constant 0 : index
      %swap3A_869 = tpu.vector_load %arg20[%swap3A_867, %swap3A_868] {strides = array<i32>} : memref<512x64xf32, #tpu.memory_space<vmem>>, vector<16xf32>,
      tpu.vector_store %arg20[%swap3A_867, %swap3A_868], %add3A_864 {strides = array<i32>} : memref<512x64xf32, #tpu.memory_space<vmem>>, vector<16xf32>,
      %mul3A_870 = arith.mulf %add3A_864, %get3A_848 : vector<16xf32>
      %add3A_871 = arith.addf %get3A_813, %get3A_833 : vector<16xf32>
      %add3A_872 = arith.constant 2 : i32
      %add3A_873 = arith.addi %mul3A_617, %add3A_872 : i32
      %swap3A_874 = arith.index_cast %add3A_873 : i32 to index
      %swap3A_875 = arith.constant 16 : index
      %swap3A_876 = tpu.vector_load %arg20[%swap3A_874, %swap3A_875] {strides = array<i32>} : memref<512x64xf32, #tpu.memory_space<vmem>>, vector<16xf32>,
      tpu.vector_store %arg20[%swap3A_874, %swap3A_875], %add3A_871 {strides = array<i32>} : memref<512x64xf32, #tpu.memory_space<vmem>>, vector<16xf32>,
      %mul3A_877 = arith.mulf %add3A_871, %get3A_853 : vector<16xf32>
      %add3A_878 = arith.addf %mul3A_870, %mul3A_877 : vector<16xf32>
      %add3A_879 = arith.addf %get3A_818, %get3A_838 : vector<16xf32>
      %add3A_880 = arith.constant 2 : i32
      %add3A_881 = arith.addi %mul3A_617, %add3A_880 : i32
      %swap3A_882 = arith.index_cast %add3A_881 : i32 to index
      %swap3A_883 = arith.constant 32 : index
      %swap3A_884 = tpu.vector_load %arg20[%swap3A_882, %swap3A_883] {strides = array<i32>} : memref<512x64xf32, #tpu.memory_space<vmem>>, vector<16xf32>,
      tpu.vector_store %arg20[%swap3A_882, %swap3A_883], %add3A_879 {strides = array<i32>} : memref<512x64xf32, #tpu.memory_space<vmem>>, vector<16xf32>,
      %mul3A_885 = arith.mulf %add3A_879, %get3A_858 : vector<16xf32>
      %add3A_886 = arith.addf %add3A_878, %mul3A_885 : vector<16xf32>
      %add3A_887 = arith.addf %get3A_823, %get3A_843 : vector<16xf32>
      %add3A_888 = arith.constant 2 : i32
      %add3A_889 = arith.addi %mul3A_617, %add3A_888 : i32
      %swap3A_890 = arith.index_cast %add3A_889 : i32 to index
      %swap3A_891 = arith.constant 48 : index
      %swap3A_892 = tpu.vector_load %arg20[%swap3A_890, %swap3A_891] {strides = array<i32>} : memref<512x64xf32, #tpu.memory_space<vmem>>, vector<16xf32>,
      tpu.vector_store %arg20[%swap3A_890, %swap3A_891], %add3A_887 {strides = array<i32>} : memref<512x64xf32, #tpu.memory_space<vmem>>, vector<16xf32>,
      %mul3A_893 = arith.mulf %add3A_887, %get3A_863 : vector<16xf32>
      %add3A_894 = arith.addf %add3A_886, %mul3A_893 : vector<16xf32>
      %swap3A_895 = arith.constant 34 : index
      %swap3A_896 = tpu.vector_load %arg27[%swap3A_895] {strides = array<i32>} : memref<272xf32, #tpu.memory_space<vmem>>, vector<16xf32>,
      tpu.vector_store %arg27[%swap3A_895], %add3A_894 {strides = array<i32>} : memref<272xf32, #tpu.memory_space<vmem>>, vector<16xf32>,
      %add3A_897 = arith.constant 3 : i32
      %add3A_898 = arith.addi %mul3A_617, %add3A_897 : i32
      %get3A_899 = arith.index_cast %add3A_898 : i32 to index
      %get3A_900 = arith.constant 0 : index
      %get3A_901 = tpu.vector_load %arg20[%get3A_899, %get3A_900] {strides = array<i32>} : memref<512x64xf32, #tpu.memory_space<vmem>>, vector<16xf32>,
      %add3A_902 = arith.constant 3 : i32
      %add3A_903 = arith.addi %mul3A_617, %add3A_902 : i32
      %get3A_904 = arith.index_cast %add3A_903 : i32 to index
      %get3A_905 = arith.constant 16 : index
      %get3A_906 = tpu.vector_load %arg20[%get3A_904, %get3A_905] {strides = array<i32>} : memref<512x64xf32, #tpu.memory_space<vmem>>, vector<16xf32>,
      %add3A_907 = arith.constant 3 : i32
      %add3A_908 = arith.addi %mul3A_617, %add3A_907 : i32
      %get3A_909 = arith.index_cast %add3A_908 : i32 to index
      %get3A_910 = arith.constant 32 : index
      %get3A_911 = tpu.vector_load %arg20[%get3A_909, %get3A_910] {strides = array<i32>} : memref<512x64xf32, #tpu.memory_space<vmem>>, vector<16xf32>,
      %add3A_912 = arith.constant 3 : i32
      %add3A_913 = arith.addi %mul3A_617, %add3A_912 : i32
      %get3A_914 = arith.index_cast %add3A_913 : i32 to index
      %get3A_915 = arith.constant 48 : index
      %get3A_916 = tpu.vector_load %arg20[%get3A_914, %get3A_915] {strides = array<i32>} : memref<512x64xf32, #tpu.memory_space<vmem>>, vector<16xf32>,
      %add3A_917 = arith.constant 3 : i32
      %add3A_918 = arith.addi %mul3A_617, %add3A_917 : i32
      %get3A_919 = arith.index_cast %add3A_918 : i32 to index
      %get3A_920 = arith.constant 0 : index
      %get3A_921 = tpu.vector_load %arg22[%get3A_919, %get3A_920] {strides = array<i32>} : memref<512x64xf32, #tpu.memory_space<vmem>>, vector<16xf32>,
      %add3A_922 = arith.constant 3 : i32
      %add3A_923 = arith.addi %mul3A_617, %add3A_922 : i32
      %get3A_924 = arith.index_cast %add3A_923 : i32 to index
      %get3A_925 = arith.constant 16 : index
      %get3A_926 = tpu.vector_load %arg22[%get3A_924, %get3A_925] {strides = array<i32>} : memref<512x64xf32, #tpu.memory_space<vmem>>, vector<16xf32>,
      %add3A_927 = arith.constant 3 : i32
      %add3A_928 = arith.addi %mul3A_617, %add3A_927 : i32
      %get3A_929 = arith.index_cast %add3A_928 : i32 to index
      %get3A_930 = arith.constant 32 : index
      %get3A_931 = tpu.vector_load %arg22[%get3A_929, %get3A_930] {strides = array<i32>} : memref<512x64xf32, #tpu.memory_space<vmem>>, vector<16xf32>,
      %add3A_932 = arith.constant 3 : i32
      %add3A_933 = arith.addi %mul3A_617, %add3A_932 : i32
      %get3A_934 = arith.index_cast %add3A_933 : i32 to index
      %get3A_935 = arith.constant 48 : index
      %get3A_936 = tpu.vector_load %arg22[%get3A_934, %get3A_935] {strides = array<i32>} : memref<512x64xf32, #tpu.memory_space<vmem>>, vector<16xf32>,
      %add3A_937 = arith.constant 3 : i32
      %add3A_938 = arith.addi %mul3A_617, %add3A_937 : i32
      %get3A_939 = arith.index_cast %add3A_938 : i32 to index
      %get3A_940 = arith.constant 0 : index
      %get3A_941 = tpu.vector_load %arg21[%get3A_939, %get3A_940] {strides = array<i32>} : memref<512x64xf32, #tpu.memory_space<vmem>>, vector<16xf32>,
      %add3A_942 = arith.constant 3 : i32
      %add3A_943 = arith.addi %mul3A_617, %add3A_942 : i32
      %get3A_944 = arith.index_cast %add3A_943 : i32 to index
      %get3A_945 = arith.constant 16 : index
      %get3A_946 = tpu.vector_load %arg21[%get3A_944, %get3A_945] {strides = array<i32>} : memref<512x64xf32, #tpu.memory_space<vmem>>, vector<16xf32>,
      %add3A_947 = arith.constant 3 : i32
      %add3A_948 = arith.addi %mul3A_617, %add3A_947 : i32
      %get3A_949 = arith.index_cast %add3A_948 : i32 to index
      %get3A_950 = arith.constant 32 : index
      %get3A_951 = tpu.vector_load %arg21[%get3A_949, %get3A_950] {strides = array<i32>} : memref<512x64xf32, #tpu.memory_space<vmem>>, vector<16xf32>,
      %add3A_952 = arith.constant 3 : i32
      %add3A_953 = arith.addi %mul3A_617, %add3A_952 : i32
      %get3A_954 = arith.index_cast %add3A_953 : i32 to index
      %get3A_955 = arith.constant 48 : index
      %get3A_956 = tpu.vector_load %arg21[%get3A_954, %get3A_955] {strides = array<i32>} : memref<512x64xf32, #tpu.memory_space<vmem>>, vector<16xf32>,
      %add3A_957 = arith.addf %get3A_901, %get3A_921 : vector<16xf32>
      %add3A_958 = arith.constant 3 : i32
      %add3A_959 = arith.addi %mul3A_617, %add3A_958 : i32
      %swap3A_960 = arith.index_cast %add3A_959 : i32 to index
      %swap3A_961 = arith.constant 0 : index
      %swap3A_962 = tpu.vector_load %arg20[%swap3A_960, %swap3A_961] {strides = array<i32>} : memref<512x64xf32, #tpu.memory_space<vmem>>, vector<16xf32>,
      tpu.vector_store %arg20[%swap3A_960, %swap3A_961], %add3A_957 {strides = array<i32>} : memref<512x64xf32, #tpu.memory_space<vmem>>, vector<16xf32>,
      %mul3A_963 = arith.mulf %add3A_957, %get3A_941 : vector<16xf32>
      %add3A_964 = arith.addf %get3A_906, %get3A_926 : vector<16xf32>
      %add3A_965 = arith.constant 3 : i32
      %add3A_966 = arith.addi %mul3A_617, %add3A_965 : i32
      %swap3A_967 = arith.index_cast %add3A_966 : i32 to index
      %swap3A_968 = arith.constant 16 : index
      %swap3A_969 = tpu.vector_load %arg20[%swap3A_967, %swap3A_968] {strides = array<i32>} : memref<512x64xf32, #tpu.memory_space<vmem>>, vector<16xf32>,
      tpu.vector_store %arg20[%swap3A_967, %swap3A_968], %add3A_964 {strides = array<i32>} : memref<512x64xf32, #tpu.memory_space<vmem>>, vector<16xf32>,
      %mul3A_970 = arith.mulf %add3A_964, %get3A_946 : vector<16xf32>
      %add3A_971 = arith.addf %mul3A_963, %mul3A_970 : vector<16xf32>
      %add3A_972 = arith.addf %get3A_911, %get3A_931 : vector<16xf32>
      %add3A_973 = arith.constant 3 : i32
      %add3A_974 = arith.addi %mul3A_617, %add3A_973 : i32
      %swap3A_975 = arith.index_cast %add3A_974 : i32 to index
      %swap3A_976 = arith.constant 32 : index
      %swap3A_977 = tpu.vector_load %arg20[%swap3A_975, %swap3A_976] {strides = array<i32>} : memref<512x64xf32, #tpu.memory_space<vmem>>, vector<16xf32>,
      tpu.vector_store %arg20[%swap3A_975, %swap3A_976], %add3A_972 {strides = array<i32>} : memref<512x64xf32, #tpu.memory_space<vmem>>, vector<16xf32>,
      %mul3A_978 = arith.mulf %add3A_972, %get3A_951 : vector<16xf32>
      %add3A_979 = arith.addf %add3A_971, %mul3A_978 : vector<16xf32>
      %add3A_980 = arith.addf %get3A_916, %get3A_936 : vector<16xf32>
      %add3A_981 = arith.constant 3 : i32
      %add3A_982 = arith.addi %mul3A_617, %add3A_981 : i32
      %swap3A_983 = arith.index_cast %add3A_982 : i32 to index
      %swap3A_984 = arith.constant 48 : index
      %swap3A_985 = tpu.vector_load %arg20[%swap3A_983, %swap3A_984] {strides = array<i32>} : memref<512x64xf32, #tpu.memory_space<vmem>>, vector<16xf32>,
      tpu.vector_store %arg20[%swap3A_983, %swap3A_984], %add3A_980 {strides = array<i32>} : memref<512x64xf32, #tpu.memory_space<vmem>>, vector<16xf32>,
      %mul3A_986 = arith.mulf %add3A_980, %get3A_956 : vector<16xf32>
      %add3A_987 = arith.addf %add3A_979, %mul3A_986 : vector<16xf32>
      %swap3A_988 = arith.constant 51 : index
      %swap3A_989 = tpu.vector_load %arg27[%swap3A_988] {strides = array<i32>} : memref<272xf32, #tpu.memory_space<vmem>>, vector<16xf32>,
      tpu.vector_store %arg27[%swap3A_988], %add3A_987 {strides = array<i32>} : memref<272xf32, #tpu.memory_space<vmem>>, vector<16xf32>,
      %add3A_990 = arith.constant 4 : i32
      %add3A_991 = arith.addi %mul3A_617, %add3A_990 : i32
      %get3A_992 = arith.index_cast %add3A_991 : i32 to index
      %get3A_993 = arith.constant 0 : index
      %get3A_994 = tpu.vector_load %arg20[%get3A_992, %get3A_993] {strides = array<i32>} : memref<512x64xf32, #tpu.memory_space<vmem>>, vector<16xf32>,
      %add3A_995 = arith.constant 4 : i32
      %add3A_996 = arith.addi %mul3A_617, %add3A_995 : i32
      %get3A_997 = arith.index_cast %add3A_996 : i32 to index
      %get3A_998 = arith.constant 16 : index
      %get3A_999 = tpu.vector_load %arg20[%get3A_997, %get3A_998] {strides = array<i32>} : memref<512x64xf32, #tpu.memory_space<vmem>>, vector<16xf32>,
      %add3A_1000 = arith.constant 4 : i32
      %add3A_1001 = arith.addi %mul3A_617, %add3A_1000 : i32
      %get3A_1002 = arith.index_cast %add3A_1001 : i32 to index
      %get3A_1003 = arith.constant 32 : index
      %get3A_1004 = tpu.vector_load %arg20[%get3A_1002, %get3A_1003] {strides = array<i32>} : memref<512x64xf32, #tpu.memory_space<vmem>>, vector<16xf32>,
      %add3A_1005 = arith.constant 4 : i32
      %add3A_1006 = arith.addi %mul3A_617, %add3A_1005 : i32
      %get3A_1007 = arith.index_cast %add3A_1006 : i32 to index
      %get3A_1008 = arith.constant 48 : index
      %get3A_1009 = tpu.vector_load %arg20[%get3A_1007, %get3A_1008] {strides = array<i32>} : memref<512x64xf32, #tpu.memory_space<vmem>>, vector<16xf32>,
      %add3A_1010 = arith.constant 4 : i32
      %add3A_1011 = arith.addi %mul3A_617, %add3A_1010 : i32
      %get3A_1012 = arith.index_cast %add3A_1011 : i32 to index
      %get3A_1013 = arith.constant 0 : index
      %get3A_1014 = tpu.vector_load %arg22[%get3A_1012, %get3A_1013] {strides = array<i32>} : memref<512x64xf32, #tpu.memory_space<vmem>>, vector<16xf32>,
      %add3A_1015 = arith.constant 4 : i32
      %add3A_1016 = arith.addi %mul3A_617, %add3A_1015 : i32
      %get3A_1017 = arith.index_cast %add3A_1016 : i32 to index
      %get3A_1018 = arith.constant 16 : index
      %get3A_1019 = tpu.vector_load %arg22[%get3A_1017, %get3A_1018] {strides = array<i32>} : memref<512x64xf32, #tpu.memory_space<vmem>>, vector<16xf32>,
      %add3A_1020 = arith.constant 4 : i32
      %add3A_1021 = arith.addi %mul3A_617, %add3A_1020 : i32
      %get3A_1022 = arith.index_cast %add3A_1021 : i32 to index
      %get3A_1023 = arith.constant 32 : index
      %get3A_1024 = tpu.vector_load %arg22[%get3A_1022, %get3A_1023] {strides = array<i32>} : memref<512x64xf32, #tpu.memory_space<vmem>>, vector<16xf32>,
      %add3A_1025 = arith.constant 4 : i32
      %add3A_1026 = arith.addi %mul3A_617, %add3A_1025 : i32
      %get3A_1027 = arith.index_cast %add3A_1026 : i32 to index
      %get3A_1028 = arith.constant 48 : index
      %get3A_1029 = tpu.vector_load %arg22[%get3A_1027, %get3A_1028] {strides = array<i32>} : memref<512x64xf32, #tpu.memory_space<vmem>>, vector<16xf32>,
      %add3A_1030 = arith.constant 4 : i32
      %add3A_1031 = arith.addi %mul3A_617, %add3A_1030 : i32
      %get3A_1032 = arith.index_cast %add3A_1031 : i32 to index
      %get3A_1033 = arith.constant 0 : index
      %get3A_1034 = tpu.vector_load %arg21[%get3A_1032, %get3A_1033] {strides = array<i32>} : memref<512x64xf32, #tpu.memory_space<vmem>>, vector<16xf32>,
      %add3A_1035 = arith.constant 4 : i32
      %add3A_1036 = arith.addi %mul3A_617, %add3A_1035 : i32
      %get3A_1037 = arith.index_cast %add3A_1036 : i32 to index
      %get3A_1038 = arith.constant 16 : index
      %get3A_1039 = tpu.vector_load %arg21[%get3A_1037, %get3A_1038] {strides = array<i32>} : memref<512x64xf32, #tpu.memory_space<vmem>>, vector<16xf32>,
      %add3A_1040 = arith.constant 4 : i32
      %add3A_1041 = arith.addi %mul3A_617, %add3A_1040 : i32
      %get3A_1042 = arith.index_cast %add3A_1041 : i32 to index
      %get3A_1043 = arith.constant 32 : index
      %get3A_1044 = tpu.vector_load %arg21[%get3A_1042, %get3A_1043] {strides = array<i32>} : memref<512x64xf32, #tpu.memory_space<vmem>>, vector<16xf32>,
      %add3A_1045 = arith.constant 4 : i32
      %add3A_1046 = arith.addi %mul3A_617, %add3A_1045 : i32
      %get3A_1047 = arith.index_cast %add3A_1046 : i32 to index
      %get3A_1048 = arith.constant 48 : index
      %get3A_1049 = tpu.vector_load %arg21[%get3A_1047, %get3A_1048] {strides = array<i32>} : memref<512x64xf32, #tpu.memory_space<vmem>>, vector<16xf32>,
      %add3A_1050 = arith.addf %get3A_994, %get3A_1014 : vector<16xf32>
      %add3A_1051 = arith.constant 4 : i32
      %add3A_1052 = arith.addi %mul3A_617, %add3A_1051 : i32
      %swap3A_1053 = arith.index_cast %add3A_1052 : i32 to index
      %swap3A_1054 = arith.constant 0 : index
      %swap3A_1055 = tpu.vector_load %arg20[%swap3A_1053, %swap3A_1054] {strides = array<i32>} : memref<512x64xf32, #tpu.memory_space<vmem>>, vector<16xf32>,
      tpu.vector_store %arg20[%swap3A_1053, %swap3A_1054], %add3A_1050 {strides = array<i32>} : memref<512x64xf32, #tpu.memory_space<vmem>>, vector<16xf32>,
      %mul3A_1056 = arith.mulf %add3A_1050, %get3A_1034 : vector<16xf32>
      %add3A_1057 = arith.addf %get3A_999, %get3A_1019 : vector<16xf32>
      %add3A_1058 = arith.constant 4 : i32
      %add3A_1059 = arith.addi %mul3A_617, %add3A_1058 : i32
      %swap3A_1060 = arith.index_cast %add3A_1059 : i32 to index
      %swap3A_1061 = arith.constant 16 : index
      %swap3A_1062 = tpu.vector_load %arg20[%swap3A_1060, %swap3A_1061] {strides = array<i32>} : memref<512x64xf32, #tpu.memory_space<vmem>>, vector<16xf32>,
      tpu.vector_store %arg20[%swap3A_1060, %swap3A_1061], %add3A_1057 {strides = array<i32>} : memref<512x64xf32, #tpu.memory_space<vmem>>, vector<16xf32>,
      %mul3A_1063 = arith.mulf %add3A_1057, %get3A_1039 : vector<16xf32>
      %add3A_1064 = arith.addf %mul3A_1056, %mul3A_1063 : vector<16xf32>
      %add3A_1065 = arith.addf %get3A_1004, %get3A_1024 : vector<16xf32>
      %add3A_1066 = arith.constant 4 : i32
      %add3A_1067 = arith.addi %mul3A_617, %add3A_1066 : i32
      %swap3A_1068 = arith.index_cast %add3A_1067 : i32 to index
      %swap3A_1069 = arith.constant 32 : index
      %swap3A_1070 = tpu.vector_load %arg20[%swap3A_1068, %swap3A_1069] {strides = array<i32>} : memref<512x64xf32, #tpu.memory_space<vmem>>, vector<16xf32>,
      tpu.vector_store %arg20[%swap3A_1068, %swap3A_1069], %add3A_1065 {strides = array<i32>} : memref<512x64xf32, #tpu.memory_space<vmem>>, vector<16xf32>,
      %mul3A_1071 = arith.mulf %add3A_1065, %get3A_1044 : vector<16xf32>
      %add3A_1072 = arith.addf %add3A_1064, %mul3A_1071 : vector<16xf32>
      %add3A_1073 = arith.addf %get3A_1009, %get3A_1029 : vector<16xf32>
      %add3A_1074 = arith.constant 4 : i32
      %add3A_1075 = arith.addi %mul3A_617, %add3A_1074 : i32
      %swap3A_1076 = arith.index_cast %add3A_1075 : i32 to index
      %swap3A_1077 = arith.constant 48 : index
      %swap3A_1078 = tpu.vector_load %arg20[%swap3A_1076, %swap3A_1077] {strides = array<i32>} : memref<512x64xf32, #tpu.memory_space<vmem>>, vector<16xf32>,
      tpu.vector_store %arg20[%swap3A_1076, %swap3A_1077], %add3A_1073 {strides = array<i32>} : memref<512x64xf32, #tpu.memory_space<vmem>>, vector<16xf32>,
      %mul3A_1079 = arith.mulf %add3A_1073, %get3A_1049 : vector<16xf32>
      %add3A_1080 = arith.addf %add3A_1072, %mul3A_1079 : vector<16xf32>
      %swap3A_1081 = arith.constant 68 : index
      %swap3A_1082 = tpu.vector_load %arg27[%swap3A_1081] {strides = array<i32>} : memref<272xf32, #tpu.memory_space<vmem>>, vector<16xf32>,
      tpu.vector_store %arg27[%swap3A_1081], %add3A_1080 {strides = array<i32>} : memref<272xf32, #tpu.memory_space<vmem>>, vector<16xf32>,
      %add3A_1083 = arith.constant 5 : i32
      %add3A_1084 = arith.addi %mul3A_617, %add3A_1083 : i32
      %get3A_1085 = arith.index_cast %add3A_1084 : i32 to index
      %get3A_1086 = arith.constant 0 : index
      %get3A_1087 = tpu.vector_load %arg20[%get3A_1085, %get3A_1086] {strides = array<i32>} : memref<512x64xf32, #tpu.memory_space<vmem>>, vector<16xf32>,
      %add3A_1088 = arith.constant 5 : i32
      %add3A_1089 = arith.addi %mul3A_617, %add3A_1088 : i32
      %get3A_1090 = arith.index_cast %add3A_1089 : i32 to index
      %get3A_1091 = arith.constant 16 : index
      %get3A_1092 = tpu.vector_load %arg20[%get3A_1090, %get3A_1091] {strides = array<i32>} : memref<512x64xf32, #tpu.memory_space<vmem>>, vector<16xf32>,
      %add3A_1093 = arith.constant 5 : i32
      %add3A_1094 = arith.addi %mul3A_617, %add3A_1093 : i32
      %get3A_1095 = arith.index_cast %add3A_1094 : i32 to index
      %get3A_1096 = arith.constant 32 : index
      %get3A_1097 = tpu.vector_load %arg20[%get3A_1095, %get3A_1096] {strides = array<i32>} : memref<512x64xf32, #tpu.memory_space<vmem>>, vector<16xf32>,
      %add3A_1098 = arith.constant 5 : i32
      %add3A_1099 = arith.addi %mul3A_617, %add3A_1098 : i32
      %get3A_1100 = arith.index_cast %add3A_1099 : i32 to index
      %get3A_1101 = arith.constant 48 : index
      %get3A_1102 = tpu.vector_load %arg20[%get3A_1100, %get3A_1101] {strides = array<i32>} : memref<512x64xf32, #tpu.memory_space<vmem>>, vector<16xf32>,
      %add3A_1103 = arith.constant 5 : i32
      %add3A_1104 = arith.addi %mul3A_617, %add3A_1103 : i32
      %get3A_1105 = arith.index_cast %add3A_1104 : i32 to index
      %get3A_1106 = arith.constant 0 : index
      %get3A_1107 = tpu.vector_load %arg22[%get3A_1105, %get3A_1106] {strides = array<i32>} : memref<512x64xf32, #tpu.memory_space<vmem>>, vector<16xf32>,
      %add3A_1108 = arith.constant 5 : i32
      %add3A_1109 = arith.addi %mul3A_617, %add3A_1108 : i32
      %get3A_1110 = arith.index_cast %add3A_1109 : i32 to index
      %get3A_1111 = arith.constant 16 : index
      %get3A_1112 = tpu.vector_load %arg22[%get3A_1110, %get3A_1111] {strides = array<i32>} : memref<512x64xf32, #tpu.memory_space<vmem>>, vector<16xf32>,
      %add3A_1113 = arith.constant 5 : i32
      %add3A_1114 = arith.addi %mul3A_617, %add3A_1113 : i32
      %get3A_1115 = arith.index_cast %add3A_1114 : i32 to index
      %get3A_1116 = arith.constant 32 : index
      %get3A_1117 = tpu.vector_load %arg22[%get3A_1115, %get3A_1116] {strides = array<i32>} : memref<512x64xf32, #tpu.memory_space<vmem>>, vector<16xf32>,
      %add3A_1118 = arith.constant 5 : i32
      %add3A_1119 = arith.addi %mul3A_617, %add3A_1118 : i32
      %get3A_1120 = arith.index_cast %add3A_1119 : i32 to index
      %get3A_1121 = arith.constant 48 : index
      %get3A_1122 = tpu.vector_load %arg22[%get3A_1120, %get3A_1121] {strides = array<i32>} : memref<512x64xf32, #tpu.memory_space<vmem>>, vector<16xf32>,
      %add3A_1123 = arith.constant 5 : i32
      %add3A_1124 = arith.addi %mul3A_617, %add3A_1123 : i32
      %get3A_1125 = arith.index_cast %add3A_1124 : i32 to index
      %get3A_1126 = arith.constant 0 : index
      %get3A_1127 = tpu.vector_load %arg21[%get3A_1125, %get3A_1126] {strides = array<i32>} : memref<512x64xf32, #tpu.memory_space<vmem>>, vector<16xf32>,
      %add3A_1128 = arith.constant 5 : i32
      %add3A_1129 = arith.addi %mul3A_617, %add3A_1128 : i32
      %get3A_1130 = arith.index_cast %add3A_1129 : i32 to index
      %get3A_1131 = arith.constant 16 : index
      %get3A_1132 = tpu.vector_load %arg21[%get3A_1130, %get3A_1131] {strides = array<i32>} : memref<512x64xf32, #tpu.memory_space<vmem>>, vector<16xf32>,
      %add3A_1133 = arith.constant 5 : i32
      %add3A_1134 = arith.addi %mul3A_617, %add3A_1133 : i32
      %get3A_1135 = arith.index_cast %add3A_1134 : i32 to index
      %get3A_1136 = arith.constant 32 : index
      %get3A_1137 = tpu.vector_load %arg21[%get3A_1135, %get3A_1136] {strides = array<i32>} : memref<512x64xf32, #tpu.memory_space<vmem>>, vector<16xf32>,
      %add3A_1138 = arith.constant 5 : i32
      %add3A_1139 = arith.addi %mul3A_617, %add3A_1138 : i32
      %get3A_1140 = arith.index_cast %add3A_1139 : i32 to index
      %get3A_1141 = arith.constant 48 : index
      %get3A_1142 = tpu.vector_load %arg21[%get3A_1140, %get3A_1141] {strides = array<i32>} : memref<512x64xf32, #tpu.memory_space<vmem>>, vector<16xf32>,
      %add3A_1143 = arith.addf %get3A_1087, %get3A_1107 : vector<16xf32>
      %add3A_1144 = arith.constant 5 : i32
      %add3A_1145 = arith.addi %mul3A_617, %add3A_1144 : i32
      %swap3A_1146 = arith.index_cast %add3A_1145 : i32 to index
      %swap3A_1147 = arith.constant 0 : index
      %swap3A_1148 = tpu.vector_load %arg20[%swap3A_1146, %swap3A_1147] {strides = array<i32>} : memref<512x64xf32, #tpu.memory_space<vmem>>, vector<16xf32>,
      tpu.vector_store %arg20[%swap3A_1146, %swap3A_1147], %add3A_1143 {strides = array<i32>} : memref<512x64xf32, #tpu.memory_space<vmem>>, vector<16xf32>,
      %mul3A_1149 = arith.mulf %add3A_1143, %get3A_1127 : vector<16xf32>
      %add3A_1150 = arith.addf %get3A_1092, %get3A_1112 : vector<16xf32>
      %add3A_1151 = arith.constant 5 : i32
      %add3A_1152 = arith.addi %mul3A_617, %add3A_1151 : i32
      %swap3A_1153 = arith.index_cast %add3A_1152 : i32 to index
      %swap3A_1154 = arith.constant 16 : index
      %swap3A_1155 = tpu.vector_load %arg20[%swap3A_1153, %swap3A_1154] {strides = array<i32>} : memref<512x64xf32, #tpu.memory_space<vmem>>, vector<16xf32>,
      tpu.vector_store %arg20[%swap3A_1153, %swap3A_1154], %add3A_1150 {strides = array<i32>} : memref<512x64xf32, #tpu.memory_space<vmem>>, vector<16xf32>,
      %mul3A_1156 = arith.mulf %add3A_1150, %get3A_1132 : vector<16xf32>
      %add3A_1157 = arith.addf %mul3A_1149, %mul3A_1156 : vector<16xf32>
      %add3A_1158 = arith.addf %get3A_1097, %get3A_1117 : vector<16xf32>
      %add3A_1159 = arith.constant 5 : i32
      %add3A_1160 = arith.addi %mul3A_617, %add3A_1159 : i32
      %swap3A_1161 = arith.index_cast %add3A_1160 : i32 to index
      %swap3A_1162 = arith.constant 32 : index
      %swap3A_1163 = tpu.vector_load %arg20[%swap3A_1161, %swap3A_1162] {strides = array<i32>} : memref<512x64xf32, #tpu.memory_space<vmem>>, vector<16xf32>,
      tpu.vector_store %arg20[%swap3A_1161, %swap3A_1162], %add3A_1158 {strides = array<i32>} : memref<512x64xf32, #tpu.memory_space<vmem>>, vector<16xf32>,
      %mul3A_1164 = arith.mulf %add3A_1158, %get3A_1137 : vector<16xf32>
      %add3A_1165 = arith.addf %add3A_1157, %mul3A_1164 : vector<16xf32>
      %add3A_1166 = arith.addf %get3A_1102, %get3A_1122 : vector<16xf32>
      %add3A_1167 = arith.constant 5 : i32
      %add3A_1168 = arith.addi %mul3A_617, %add3A_1167 : i32
      %swap3A_1169 = arith.index_cast %add3A_1168 : i32 to index
      %swap3A_1170 = arith.constant 48 : index
      %swap3A_1171 = tpu.vector_load %arg20[%swap3A_1169, %swap3A_1170] {strides = array<i32>} : memref<512x64xf32, #tpu.memory_space<vmem>>, vector<16xf32>,
      tpu.vector_store %arg20[%swap3A_1169, %swap3A_1170], %add3A_1166 {strides = array<i32>} : memref<512x64xf32, #tpu.memory_space<vmem>>, vector<16xf32>,
      %mul3A_1172 = arith.mulf %add3A_1166, %get3A_1142 : vector<16xf32>
      %add3A_1173 = arith.addf %add3A_1165, %mul3A_1172 : vector<16xf32>
      %swap3A_1174 = arith.constant 85 : index
      %swap3A_1175 = tpu.vector_load %arg27[%swap3A_1174] {strides = array<i32>} : memref<272xf32, #tpu.memory_space<vmem>>, vector<16xf32>,
      tpu.vector_store %arg27[%swap3A_1174], %add3A_1173 {strides = array<i32>} : memref<272xf32, #tpu.memory_space<vmem>>, vector<16xf32>,
      %add3A_1176 = arith.constant 6 : i32
      %add3A_1177 = arith.addi %mul3A_617, %add3A_1176 : i32
      %get3A_1178 = arith.index_cast %add3A_1177 : i32 to index
      %get3A_1179 = arith.constant 0 : index
      %get3A_1180 = tpu.vector_load %arg20[%get3A_1178, %get3A_1179] {strides = array<i32>} : memref<512x64xf32, #tpu.memory_space<vmem>>, vector<16xf32>,
      %add3A_1181 = arith.constant 6 : i32
      %add3A_1182 = arith.addi %mul3A_617, %add3A_1181 : i32
      %get3A_1183 = arith.index_cast %add3A_1182 : i32 to index
      %get3A_1184 = arith.constant 16 : index
      %get3A_1185 = tpu.vector_load %arg20[%get3A_1183, %get3A_1184] {strides = array<i32>} : memref<512x64xf32, #tpu.memory_space<vmem>>, vector<16xf32>,
      %add3A_1186 = arith.constant 6 : i32
      %add3A_1187 = arith.addi %mul3A_617, %add3A_1186 : i32
      %get3A_1188 = arith.index_cast %add3A_1187 : i32 to index
      %get3A_1189 = arith.constant 32 : index
      %get3A_1190 = tpu.vector_load %arg20[%get3A_1188, %get3A_1189] {strides = array<i32>} : memref<512x64xf32, #tpu.memory_space<vmem>>, vector<16xf32>,
      %add3A_1191 = arith.constant 6 : i32
      %add3A_1192 = arith.addi %mul3A_617, %add3A_1191 : i32
      %get3A_1193 = arith.index_cast %add3A_1192 : i32 to index
      %get3A_1194 = arith.constant 48 : index
      %get3A_1195 = tpu.vector_load %arg20[%get3A_1193, %get3A_1194] {strides = array<i32>} : memref<512x64xf32, #tpu.memory_space<vmem>>, vector<16xf32>,
      %add3A_1196 = arith.constant 6 : i32
      %add3A_1197 = arith.addi %mul3A_617, %add3A_1196 : i32
      %get3A_1198 = arith.index_cast %add3A_1197 : i32 to index
      %get3A_1199 = arith.constant 0 : index
      %get3A_1200 = tpu.vector_load %arg22[%get3A_1198, %get3A_1199] {strides = array<i32>} : memref<512x64xf32, #tpu.memory_space<vmem>>, vector<16xf32>,
      %add3A_1201 = arith.constant 6 : i32
      %add3A_1202 = arith.addi %mul3A_617, %add3A_1201 : i32
      %get3A_1203 = arith.index_cast %add3A_1202 : i32 to index
      %get3A_1204 = arith.constant 16 : index
      %get3A_1205 = tpu.vector_load %arg22[%get3A_1203, %get3A_1204] {strides = array<i32>} : memref<512x64xf32, #tpu.memory_space<vmem>>, vector<16xf32>,
      %add3A_1206 = arith.constant 6 : i32
      %add3A_1207 = arith.addi %mul3A_617, %add3A_1206 : i32
      %get3A_1208 = arith.index_cast %add3A_1207 : i32 to index
      %get3A_1209 = arith.constant 32 : index
      %get3A_1210 = tpu.vector_load %arg22[%get3A_1208, %get3A_1209] {strides = array<i32>} : memref<512x64xf32, #tpu.memory_space<vmem>>, vector<16xf32>,
      %add3A_1211 = arith.constant 6 : i32
      %add3A_1212 = arith.addi %mul3A_617, %add3A_1211 : i32
      %get3A_1213 = arith.index_cast %add3A_1212 : i32 to index
      %get3A_1214 = arith.constant 48 : index
      %get3A_1215 = tpu.vector_load %arg22[%get3A_1213, %get3A_1214] {strides = array<i32>} : memref<512x64xf32, #tpu.memory_space<vmem>>, vector<16xf32>,
      %add3A_1216 = arith.constant 6 : i32
      %add3A_1217 = arith.addi %mul3A_617, %add3A_1216 : i32
      %get3A_1218 = arith.index_cast %add3A_1217 : i32 to index
      %get3A_1219 = arith.constant 0 : index
      %get3A_1220 = tpu.vector_load %arg21[%get3A_1218, %get3A_1219] {strides = array<i32>} : memref<512x64xf32, #tpu.memory_space<vmem>>, vector<16xf32>,
      %add3A_1221 = arith.constant 6 : i32
      %add3A_1222 = arith.addi %mul3A_617, %add3A_1221 : i32
      %get3A_1223 = arith.index_cast %add3A_1222 : i32 to index
      %get3A_1224 = arith.constant 16 : index
      %get3A_1225 = tpu.vector_load %arg21[%get3A_1223, %get3A_1224] {strides = array<i32>} : memref<512x64xf32, #tpu.memory_space<vmem>>, vector<16xf32>,
      %add3A_1226 = arith.constant 6 : i32
      %add3A_1227 = arith.addi %mul3A_617, %add3A_1226 : i32
      %get3A_1228 = arith.index_cast %add3A_1227 : i32 to index
      %get3A_1229 = arith.constant 32 : index
      %get3A_1230 = tpu.vector_load %arg21[%get3A_1228, %get3A_1229] {strides = array<i32>} : memref<512x64xf32, #tpu.memory_space<vmem>>, vector<16xf32>,
      %add3A_1231 = arith.constant 6 : i32
      %add3A_1232 = arith.addi %mul3A_617, %add3A_1231 : i32
      %get3A_1233 = arith.index_cast %add3A_1232 : i32 to index
      %get3A_1234 = arith.constant 48 : index
      %get3A_1235 = tpu.vector_load %arg21[%get3A_1233, %get3A_1234] {strides = array<i32>} : memref<512x64xf32, #tpu.memory_space<vmem>>, vector<16xf32>,
      %add3A_1236 = arith.addf %get3A_1180, %get3A_1200 : vector<16xf32>
      %add3A_1237 = arith.constant 6 : i32
      %add3A_1238 = arith.addi %mul3A_617, %add3A_1237 : i32
      %swap3A_1239 = arith.index_cast %add3A_1238 : i32 to index
      %swap3A_1240 = arith.constant 0 : index
      %swap3A_1241 = tpu.vector_load %arg20[%swap3A_1239, %swap3A_1240] {strides = array<i32>} : memref<512x64xf32, #tpu.memory_space<vmem>>, vector<16xf32>,
      tpu.vector_store %arg20[%swap3A_1239, %swap3A_1240], %add3A_1236 {strides = array<i32>} : memref<512x64xf32, #tpu.memory_space<vmem>>, vector<16xf32>,
      %mul3A_1242 = arith.mulf %add3A_1236, %get3A_1220 : vector<16xf32>
      %add3A_1243 = arith.addf %get3A_1185, %get3A_1205 : vector<16xf32>
      %add3A_1244 = arith.constant 6 : i32
      %add3A_1245 = arith.addi %mul3A_617, %add3A_1244 : i32
      %swap3A_1246 = arith.index_cast %add3A_1245 : i32 to index
      %swap3A_1247 = arith.constant 16 : index
      %swap3A_1248 = tpu.vector_load %arg20[%swap3A_1246, %swap3A_1247] {strides = array<i32>} : memref<512x64xf32, #tpu.memory_space<vmem>>, vector<16xf32>,
      tpu.vector_store %arg20[%swap3A_1246, %swap3A_1247], %add3A_1243 {strides = array<i32>} : memref<512x64xf32, #tpu.memory_space<vmem>>, vector<16xf32>,
      %mul3A_1249 = arith.mulf %add3A_1243, %get3A_1225 : vector<16xf32>
      %add3A_1250 = arith.addf %mul3A_1242, %mul3A_1249 : vector<16xf32>
      %add3A_1251 = arith.addf %get3A_1190, %get3A_1210 : vector<16xf32>
      %add3A_1252 = arith.constant 6 : i32
      %add3A_1253 = arith.addi %mul3A_617, %add3A_1252 : i32
      %swap3A_1254 = arith.index_cast %add3A_1253 : i32 to index
      %swap3A_1255 = arith.constant 32 : index
      %swap3A_1256 = tpu.vector_load %arg20[%swap3A_1254, %swap3A_1255] {strides = array<i32>} : memref<512x64xf32, #tpu.memory_space<vmem>>, vector<16xf32>,
      tpu.vector_store %arg20[%swap3A_1254, %swap3A_1255], %add3A_1251 {strides = array<i32>} : memref<512x64xf32, #tpu.memory_space<vmem>>, vector<16xf32>,
      %mul3A_1257 = arith.mulf %add3A_1251, %get3A_1230 : vector<16xf32>
      %add3A_1258 = arith.addf %add3A_1250, %mul3A_1257 : vector<16xf32>
      %add3A_1259 = arith.addf %get3A_1195, %get3A_1215 : vector<16xf32>
      %add3A_1260 = arith.constant 6 : i32
      %add3A_1261 = arith.addi %mul3A_617, %add3A_1260 : i32
      %swap3A_1262 = arith.index_cast %add3A_1261 : i32 to index
      %swap3A_1263 = arith.constant 48 : index
      %swap3A_1264 = tpu.vector_load %arg20[%swap3A_1262, %swap3A_1263] {strides = array<i32>} : memref<512x64xf32, #tpu.memory_space<vmem>>, vector<16xf32>,
      tpu.vector_store %arg20[%swap3A_1262, %swap3A_1263], %add3A_1259 {strides = array<i32>} : memref<512x64xf32, #tpu.memory_space<vmem>>, vector<16xf32>,
      %mul3A_1265 = arith.mulf %add3A_1259, %get3A_1235 : vector<16xf32>
      %add3A_1266 = arith.addf %add3A_1258, %mul3A_1265 : vector<16xf32>
      %swap3A_1267 = arith.constant 102 : index
      %swap3A_1268 = tpu.vector_load %arg27[%swap3A_1267] {strides = array<i32>} : memref<272xf32, #tpu.memory_space<vmem>>, vector<16xf32>,
      tpu.vector_store %arg27[%swap3A_1267], %add3A_1266 {strides = array<i32>} : memref<272xf32, #tpu.memory_space<vmem>>, vector<16xf32>,
      %add3A_1269 = arith.constant 7 : i32
      %add3A_1270 = arith.addi %mul3A_617, %add3A_1269 : i32
      %get3A_1271 = arith.index_cast %add3A_1270 : i32 to index
      %get3A_1272 = arith.constant 0 : index
      %get3A_1273 = tpu.vector_load %arg20[%get3A_1271, %get3A_1272] {strides = array<i32>} : memref<512x64xf32, #tpu.memory_space<vmem>>, vector<16xf32>,
      %add3A_1274 = arith.constant 7 : i32
      %add3A_1275 = arith.addi %mul3A_617, %add3A_1274 : i32
      %get3A_1276 = arith.index_cast %add3A_1275 : i32 to index
      %get3A_1277 = arith.constant 16 : index
      %get3A_1278 = tpu.vector_load %arg20[%get3A_1276, %get3A_1277] {strides = array<i32>} : memref<512x64xf32, #tpu.memory_space<vmem>>, vector<16xf32>,
      %add3A_1279 = arith.constant 7 : i32
      %add3A_1280 = arith.addi %mul3A_617, %add3A_1279 : i32
      %get3A_1281 = arith.index_cast %add3A_1280 : i32 to index
      %get3A_1282 = arith.constant 32 : index
      %get3A_1283 = tpu.vector_load %arg20[%get3A_1281, %get3A_1282] {strides = array<i32>} : memref<512x64xf32, #tpu.memory_space<vmem>>, vector<16xf32>,
      %add3A_1284 = arith.constant 7 : i32
      %add3A_1285 = arith.addi %mul3A_617, %add3A_1284 : i32
      %get3A_1286 = arith.index_cast %add3A_1285 : i32 to index
      %get3A_1287 = arith.constant 48 : index
      %get3A_1288 = tpu.vector_load %arg20[%get3A_1286, %get3A_1287] {strides = array<i32>} : memref<512x64xf32, #tpu.memory_space<vmem>>, vector<16xf32>,
      %add3A_1289 = arith.constant 7 : i32
      %add3A_1290 = arith.addi %mul3A_617, %add3A_1289 : i32
      %get3A_1291 = arith.index_cast %add3A_1290 : i32 to index
      %get3A_1292 = arith.constant 0 : index
      %get3A_1293 = tpu.vector_load %arg22[%get3A_1291, %get3A_1292] {strides = array<i32>} : memref<512x64xf32, #tpu.memory_space<vmem>>, vector<16xf32>,
      %add3A_1294 = arith.constant 7 : i32
      %add3A_1295 = arith.addi %mul3A_617, %add3A_1294 : i32
      %get3A_1296 = arith.index_cast %add3A_1295 : i32 to index
      %get3A_1297 = arith.constant 16 : index
      %get3A_1298 = tpu.vector_load %arg22[%get3A_1296, %get3A_1297] {strides = array<i32>} : memref<512x64xf32, #tpu.memory_space<vmem>>, vector<16xf32>,
      %add3A_1299 = arith.constant 7 : i32
      %add3A_1300 = arith.addi %mul3A_617, %add3A_1299 : i32
      %get3A_1301 = arith.index_cast %add3A_1300 : i32 to index
      %get3A_1302 = arith.constant 32 : index
      %get3A_1303 = tpu.vector_load %arg22[%get3A_1301, %get3A_1302] {strides = array<i32>} : memref<512x64xf32, #tpu.memory_space<vmem>>, vector<16xf32>,
      %add3A_1304 = arith.constant 7 : i32
      %add3A_1305 = arith.addi %mul3A_617, %add3A_1304 : i32
      %get3A_1306 = arith.index_cast %add3A_1305 : i32 to index
      %get3A_1307 = arith.constant 48 : index
      %get3A_1308 = tpu.vector_load %arg22[%get3A_1306, %get3A_1307] {strides = array<i32>} : memref<512x64xf32, #tpu.memory_space<vmem>>, vector<16xf32>,
      %add3A_1309 = arith.constant 7 : i32
      %add3A_1310 = arith.addi %mul3A_617, %add3A_1309 : i32
      %get3A_1311 = arith.index_cast %add3A_1310 : i32 to index
      %get3A_1312 = arith.constant 0 : index
      %get3A_1313 = tpu.vector_load %arg21[%get3A_1311, %get3A_1312] {strides = array<i32>} : memref<512x64xf32, #tpu.memory_space<vmem>>, vector<16xf32>,
      %add3A_1314 = arith.constant 7 : i32
      %add3A_1315 = arith.addi %mul3A_617, %add3A_1314 : i32
      %get3A_1316 = arith.index_cast %add3A_1315 : i32 to index
      %get3A_1317 = arith.constant 16 : index
      %get3A_1318 = tpu.vector_load %arg21[%get3A_1316, %get3A_1317] {strides = array<i32>} : memref<512x64xf32, #tpu.memory_space<vmem>>, vector<16xf32>,
      %add3A_1319 = arith.constant 7 : i32
      %add3A_1320 = arith.addi %mul3A_617, %add3A_1319 : i32
      %get3A_1321 = arith.index_cast %add3A_1320 : i32 to index
      %get3A_1322 = arith.constant 32 : index
      %get3A_1323 = tpu.vector_load %arg21[%get3A_1321, %get3A_1322] {strides = array<i32>} : memref<512x64xf32, #tpu.memory_space<vmem>>, vector<16xf32>,
      %add3A_1324 = arith.constant 7 : i32
      %add3A_1325 = arith.addi %mul3A_617, %add3A_1324 : i32
      %get3A_1326 = arith.index_cast %add3A_1325 : i32 to index
      %get3A_1327 = arith.constant 48 : index
      %get3A_1328 = tpu.vector_load %arg21[%get3A_1326, %get3A_1327] {strides = array<i32>} : memref<512x64xf32, #tpu.memory_space<vmem>>, vector<16xf32>,
      %add3A_1329 = arith.addf %get3A_1273, %get3A_1293 : vector<16xf32>
      %add3A_1330 = arith.constant 7 : i32
      %add3A_1331 = arith.addi %mul3A_617, %add3A_1330 : i32
      %swap3A_1332 = arith.index_cast %add3A_1331 : i32 to index
      %swap3A_1333 = arith.constant 0 : index
      %swap3A_1334 = tpu.vector_load %arg20[%swap3A_1332, %swap3A_1333] {strides = array<i32>} : memref<512x64xf32, #tpu.memory_space<vmem>>, vector<16xf32>,
      tpu.vector_store %arg20[%swap3A_1332, %swap3A_1333], %add3A_1329 {strides = array<i32>} : memref<512x64xf32, #tpu.memory_space<vmem>>, vector<16xf32>,
      %mul3A_1335 = arith.mulf %add3A_1329, %get3A_1313 : vector<16xf32>
      %add3A_1336 = arith.addf %get3A_1278, %get3A_1298 : vector<16xf32>
      %add3A_1337 = arith.constant 7 : i32
      %add3A_1338 = arith.addi %mul3A_617, %add3A_1337 : i32
      %swap3A_1339 = arith.index_cast %add3A_1338 : i32 to index
      %swap3A_1340 = arith.constant 16 : index
      %swap3A_1341 = tpu.vector_load %arg20[%swap3A_1339, %swap3A_1340] {strides = array<i32>} : memref<512x64xf32, #tpu.memory_space<vmem>>, vector<16xf32>,
      tpu.vector_store %arg20[%swap3A_1339, %swap3A_1340], %add3A_1336 {strides = array<i32>} : memref<512x64xf32, #tpu.memory_space<vmem>>, vector<16xf32>,
      %mul3A_1342 = arith.mulf %add3A_1336, %get3A_1318 : vector<16xf32>
      %add3A_1343 = arith.addf %mul3A_1335, %mul3A_1342 : vector<16xf32>
      %add3A_1344 = arith.addf %get3A_1283, %get3A_1303 : vector<16xf32>
      %add3A_1345 = arith.constant 7 : i32
      %add3A_1346 = arith.addi %mul3A_617, %add3A_1345 : i32
      %swap3A_1347 = arith.index_cast %add3A_1346 : i32 to index
      %swap3A_1348 = arith.constant 32 : index
      %swap3A_1349 = tpu.vector_load %arg20[%swap3A_1347, %swap3A_1348] {strides = array<i32>} : memref<512x64xf32, #tpu.memory_space<vmem>>, vector<16xf32>,
      tpu.vector_store %arg20[%swap3A_1347, %swap3A_1348], %add3A_1344 {strides = array<i32>} : memref<512x64xf32, #tpu.memory_space<vmem>>, vector<16xf32>,
      %mul3A_1350 = arith.mulf %add3A_1344, %get3A_1323 : vector<16xf32>
      %add3A_1351 = arith.addf %add3A_1343, %mul3A_1350 : vector<16xf32>
      %add3A_1352 = arith.addf %get3A_1288, %get3A_1308 : vector<16xf32>
      %add3A_1353 = arith.constant 7 : i32
      %add3A_1354 = arith.addi %mul3A_617, %add3A_1353 : i32
      %swap3A_1355 = arith.index_cast %add3A_1354 : i32 to index
      %swap3A_1356 = arith.constant 48 : index
      %swap3A_1357 = tpu.vector_load %arg20[%swap3A_1355, %swap3A_1356] {strides = array<i32>} : memref<512x64xf32, #tpu.memory_space<vmem>>, vector<16xf32>,
      tpu.vector_store %arg20[%swap3A_1355, %swap3A_1356], %add3A_1352 {strides = array<i32>} : memref<512x64xf32, #tpu.memory_space<vmem>>, vector<16xf32>,
      %mul3A_1358 = arith.mulf %add3A_1352, %get3A_1328 : vector<16xf32>
      %add3A_1359 = arith.addf %add3A_1351, %mul3A_1358 : vector<16xf32>
      %swap3A_1360 = arith.constant 119 : index
      %swap3A_1361 = tpu.vector_load %arg27[%swap3A_1360] {strides = array<i32>} : memref<272xf32, #tpu.memory_space<vmem>>, vector<16xf32>,
      tpu.vector_store %arg27[%swap3A_1360], %add3A_1359 {strides = array<i32>} : memref<272xf32, #tpu.memory_space<vmem>>, vector<16xf32>,
      %add3A_1362 = arith.constant 8 : i32
      %add3A_1363 = arith.addi %mul3A_617, %add3A_1362 : i32
      %get3A_1364 = arith.index_cast %add3A_1363 : i32 to index
      %get3A_1365 = arith.constant 0 : index
      %get3A_1366 = tpu.vector_load %arg20[%get3A_1364, %get3A_1365] {strides = array<i32>} : memref<512x64xf32, #tpu.memory_space<vmem>>, vector<16xf32>,
      %add3A_1367 = arith.constant 8 : i32
      %add3A_1368 = arith.addi %mul3A_617, %add3A_1367 : i32
      %get3A_1369 = arith.index_cast %add3A_1368 : i32 to index
      %get3A_1370 = arith.constant 16 : index
      %get3A_1371 = tpu.vector_load %arg20[%get3A_1369, %get3A_1370] {strides = array<i32>} : memref<512x64xf32, #tpu.memory_space<vmem>>, vector<16xf32>,
      %add3A_1372 = arith.constant 8 : i32
      %add3A_1373 = arith.addi %mul3A_617, %add3A_1372 : i32
      %get3A_1374 = arith.index_cast %add3A_1373 : i32 to index
      %get3A_1375 = arith.constant 32 : index
      %get3A_1376 = tpu.vector_load %arg20[%get3A_1374, %get3A_1375] {strides = array<i32>} : memref<512x64xf32, #tpu.memory_space<vmem>>, vector<16xf32>,
      %add3A_1377 = arith.constant 8 : i32
      %add3A_1378 = arith.addi %mul3A_617, %add3A_1377 : i32
      %get3A_1379 = arith.index_cast %add3A_1378 : i32 to index
      %get3A_1380 = arith.constant 48 : index
      %get3A_1381 = tpu.vector_load %arg20[%get3A_1379, %get3A_1380] {strides = array<i32>} : memref<512x64xf32, #tpu.memory_space<vmem>>, vector<16xf32>,
      %add3A_1382 = arith.constant 8 : i32
      %add3A_1383 = arith.addi %mul3A_617, %add3A_1382 : i32
      %get3A_1384 = arith.index_cast %add3A_1383 : i32 to index
      %get3A_1385 = arith.constant 0 : index
      %get3A_1386 = tpu.vector_load %arg22[%get3A_1384, %get3A_1385] {strides = array<i32>} : memref<512x64xf32, #tpu.memory_space<vmem>>, vector<16xf32>,
      %add3A_1387 = arith.constant 8 : i32
      %add3A_1388 = arith.addi %mul3A_617, %add3A_1387 : i32
      %get3A_1389 = arith.index_cast %add3A_1388 : i32 to index
      %get3A_1390 = arith.constant 16 : index
      %get3A_1391 = tpu.vector_load %arg22[%get3A_1389, %get3A_1390] {strides = array<i32>} : memref<512x64xf32, #tpu.memory_space<vmem>>, vector<16xf32>,
      %add3A_1392 = arith.constant 8 : i32
      %add3A_1393 = arith.addi %mul3A_617, %add3A_1392 : i32
      %get3A_1394 = arith.index_cast %add3A_1393 : i32 to index
      %get3A_1395 = arith.constant 32 : index
      %get3A_1396 = tpu.vector_load %arg22[%get3A_1394, %get3A_1395] {strides = array<i32>} : memref<512x64xf32, #tpu.memory_space<vmem>>, vector<16xf32>,
      %add3A_1397 = arith.constant 8 : i32
      %add3A_1398 = arith.addi %mul3A_617, %add3A_1397 : i32
      %get3A_1399 = arith.index_cast %add3A_1398 : i32 to index
      %get3A_1400 = arith.constant 48 : index
      %get3A_1401 = tpu.vector_load %arg22[%get3A_1399, %get3A_1400] {strides = array<i32>} : memref<512x64xf32, #tpu.memory_space<vmem>>, vector<16xf32>,
      %add3A_1402 = arith.constant 8 : i32
      %add3A_1403 = arith.addi %mul3A_617, %add3A_1402 : i32
      %get3A_1404 = arith.index_cast %add3A_1403 : i32 to index
      %get3A_1405 = arith.constant 0 : index
      %get3A_1406 = tpu.vector_load %arg21[%get3A_1404, %get3A_1405] {strides = array<i32>} : memref<512x64xf32, #tpu.memory_space<vmem>>, vector<16xf32>,
      %add3A_1407 = arith.constant 8 : i32
      %add3A_1408 = arith.addi %mul3A_617, %add3A_1407 : i32
      %get3A_1409 = arith.index_cast %add3A_1408 : i32 to index
      %get3A_1410 = arith.constant 16 : index
      %get3A_1411 = tpu.vector_load %arg21[%get3A_1409, %get3A_1410] {strides = array<i32>} : memref<512x64xf32, #tpu.memory_space<vmem>>, vector<16xf32>,
      %add3A_1412 = arith.constant 8 : i32
      %add3A_1413 = arith.addi %mul3A_617, %add3A_1412 : i32
      %get3A_1414 = arith.index_cast %add3A_1413 : i32 to index
      %get3A_1415 = arith.constant 32 : index
      %get3A_1416 = tpu.vector_load %arg21[%get3A_1414, %get3A_1415] {strides = array<i32>} : memref<512x64xf32, #tpu.memory_space<vmem>>, vector<16xf32>,
      %add3A_1417 = arith.constant 8 : i32
      %add3A_1418 = arith.addi %mul3A_617, %add3A_1417 : i32
      %get3A_1419 = arith.index_cast %add3A_1418 : i32 to index
      %get3A_1420 = arith.constant 48 : index
      %get3A_1421 = tpu.vector_load %arg21[%get3A_1419, %get3A_1420] {strides = array<i32>} : memref<512x64xf32, #tpu.memory_space<vmem>>, vector<16xf32>,
      %add3A_1422 = arith.addf %get3A_1366, %get3A_1386 : vector<16xf32>
      %add3A_1423 = arith.constant 8 : i32
      %add3A_1424 = arith.addi %mul3A_617, %add3A_1423 : i32
      %swap3A_1425 = arith.index_cast %add3A_1424 : i32 to index
      %swap3A_1426 = arith.constant 0 : index
      %swap3A_1427 = tpu.vector_load %arg20[%swap3A_1425, %swap3A_1426] {strides = array<i32>} : memref<512x64xf32, #tpu.memory_space<vmem>>, vector<16xf32>,
      tpu.vector_store %arg20[%swap3A_1425, %swap3A_1426], %add3A_1422 {strides = array<i32>} : memref<512x64xf32, #tpu.memory_space<vmem>>, vector<16xf32>,
      %mul3A_1428 = arith.mulf %add3A_1422, %get3A_1406 : vector<16xf32>
      %add3A_1429 = arith.addf %get3A_1371, %get3A_1391 : vector<16xf32>
      %add3A_1430 = arith.constant 8 : i32
      %add3A_1431 = arith.addi %mul3A_617, %add3A_1430 : i32
      %swap3A_1432 = arith.index_cast %add3A_1431 : i32 to index
      %swap3A_1433 = arith.constant 16 : index
      %swap3A_1434 = tpu.vector_load %arg20[%swap3A_1432, %swap3A_1433] {strides = array<i32>} : memref<512x64xf32, #tpu.memory_space<vmem>>, vector<16xf32>,
      tpu.vector_store %arg20[%swap3A_1432, %swap3A_1433], %add3A_1429 {strides = array<i32>} : memref<512x64xf32, #tpu.memory_space<vmem>>, vector<16xf32>,
      %mul3A_1435 = arith.mulf %add3A_1429, %get3A_1411 : vector<16xf32>
      %add3A_1436 = arith.addf %mul3A_1428, %mul3A_1435 : vector<16xf32>
      %add3A_1437 = arith.addf %get3A_1376, %get3A_1396 : vector<16xf32>
      %add3A_1438 = arith.constant 8 : i32
      %add3A_1439 = arith.addi %mul3A_617, %add3A_1438 : i32
      %swap3A_1440 = arith.index_cast %add3A_1439 : i32 to index
      %swap3A_1441 = arith.constant 32 : index
      %swap3A_1442 = tpu.vector_load %arg20[%swap3A_1440, %swap3A_1441] {strides = array<i32>} : memref<512x64xf32, #tpu.memory_space<vmem>>, vector<16xf32>,
      tpu.vector_store %arg20[%swap3A_1440, %swap3A_1441], %add3A_1437 {strides = array<i32>} : memref<512x64xf32, #tpu.memory_space<vmem>>, vector<16xf32>,
      %mul3A_1443 = arith.mulf %add3A_1437, %get3A_1416 : vector<16xf32>
      %add3A_1444 = arith.addf %add3A_1436, %mul3A_1443 : vector<16xf32>
      %add3A_1445 = arith.addf %get3A_1381, %get3A_1401 : vector<16xf32>
      %add3A_1446 = arith.constant 8 : i32
      %add3A_1447 = arith.addi %mul3A_617, %add3A_1446 : i32
      %swap3A_1448 = arith.index_cast %add3A_1447 : i32 to index
      %swap3A_1449 = arith.constant 48 : index
      %swap3A_1450 = tpu.vector_load %arg20[%swap3A_1448, %swap3A_1449] {strides = array<i32>} : memref<512x64xf32, #tpu.memory_space<vmem>>, vector<16xf32>,
      tpu.vector_store %arg20[%swap3A_1448, %swap3A_1449], %add3A_1445 {strides = array<i32>} : memref<512x64xf32, #tpu.memory_space<vmem>>, vector<16xf32>,
      %mul3A_1451 = arith.mulf %add3A_1445, %get3A_1421 : vector<16xf32>
      %add3A_1452 = arith.addf %add3A_1444, %mul3A_1451 : vector<16xf32>
      %swap3A_1453 = arith.constant 136 : index
      %swap3A_1454 = tpu.vector_load %arg27[%swap3A_1453] {strides = array<i32>} : memref<272xf32, #tpu.memory_space<vmem>>, vector<16xf32>,
      tpu.vector_store %arg27[%swap3A_1453], %add3A_1452 {strides = array<i32>} : memref<272xf32, #tpu.memory_space<vmem>>, vector<16xf32>,
      %add3A_1455 = arith.constant 9 : i32
      %add3A_1456 = arith.addi %mul3A_617, %add3A_1455 : i32
      %get3A_1457 = arith.index_cast %add3A_1456 : i32 to index
      %get3A_1458 = arith.constant 0 : index
      %get3A_1459 = tpu.vector_load %arg20[%get3A_1457, %get3A_1458] {strides = array<i32>} : memref<512x64xf32, #tpu.memory_space<vmem>>, vector<16xf32>,
      %add3A_1460 = arith.constant 9 : i32
      %add3A_1461 = arith.addi %mul3A_617, %add3A_1460 : i32
      %get3A_1462 = arith.index_cast %add3A_1461 : i32 to index
      %get3A_1463 = arith.constant 16 : index
      %get3A_1464 = tpu.vector_load %arg20[%get3A_1462, %get3A_1463] {strides = array<i32>} : memref<512x64xf32, #tpu.memory_space<vmem>>, vector<16xf32>,
      %add3A_1465 = arith.constant 9 : i32
      %add3A_1466 = arith.addi %mul3A_617, %add3A_1465 : i32
      %get3A_1467 = arith.index_cast %add3A_1466 : i32 to index
      %get3A_1468 = arith.constant 32 : index
      %get3A_1469 = tpu.vector_load %arg20[%get3A_1467, %get3A_1468] {strides = array<i32>} : memref<512x64xf32, #tpu.memory_space<vmem>>, vector<16xf32>,
      %add3A_1470 = arith.constant 9 : i32
      %add3A_1471 = arith.addi %mul3A_617, %add3A_1470 : i32
      %get3A_1472 = arith.index_cast %add3A_1471 : i32 to index
      %get3A_1473 = arith.constant 48 : index
      %get3A_1474 = tpu.vector_load %arg20[%get3A_1472, %get3A_1473] {strides = array<i32>} : memref<512x64xf32, #tpu.memory_space<vmem>>, vector<16xf32>,
      %add3A_1475 = arith.constant 9 : i32
      %add3A_1476 = arith.addi %mul3A_617, %add3A_1475 : i32
      %get3A_1477 = arith.index_cast %add3A_1476 : i32 to index
      %get3A_1478 = arith.constant 0 : index
      %get3A_1479 = tpu.vector_load %arg22[%get3A_1477, %get3A_1478] {strides = array<i32>} : memref<512x64xf32, #tpu.memory_space<vmem>>, vector<16xf32>,
      %add3A_1480 = arith.constant 9 : i32
      %add3A_1481 = arith.addi %mul3A_617, %add3A_1480 : i32
      %get3A_1482 = arith.index_cast %add3A_1481 : i32 to index
      %get3A_1483 = arith.constant 16 : index
      %get3A_1484 = tpu.vector_load %arg22[%get3A_1482, %get3A_1483] {strides = array<i32>} : memref<512x64xf32, #tpu.memory_space<vmem>>, vector<16xf32>,
      %add3A_1485 = arith.constant 9 : i32
      %add3A_1486 = arith.addi %mul3A_617, %add3A_1485 : i32
      %get3A_1487 = arith.index_cast %add3A_1486 : i32 to index
      %get3A_1488 = arith.constant 32 : index
      %get3A_1489 = tpu.vector_load %arg22[%get3A_1487, %get3A_1488] {strides = array<i32>} : memref<512x64xf32, #tpu.memory_space<vmem>>, vector<16xf32>,
      %add3A_1490 = arith.constant 9 : i32
      %add3A_1491 = arith.addi %mul3A_617, %add3A_1490 : i32
      %get3A_1492 = arith.index_cast %add3A_1491 : i32 to index
      %get3A_1493 = arith.constant 48 : index
      %get3A_1494 = tpu.vector_load %arg22[%get3A_1492, %get3A_1493] {strides = array<i32>} : memref<512x64xf32, #tpu.memory_space<vmem>>, vector<16xf32>,
      %add3A_1495 = arith.constant 9 : i32
      %add3A_1496 = arith.addi %mul3A_617, %add3A_1495 : i32
      %get3A_1497 = arith.index_cast %add3A_1496 : i32 to index
      %get3A_1498 = arith.constant 0 : index
      %get3A_1499 = tpu.vector_load %arg21[%get3A_1497, %get3A_1498] {strides = array<i32>} : memref<512x64xf32, #tpu.memory_space<vmem>>, vector<16xf32>,
      %add3A_1500 = arith.constant 9 : i32
      %add3A_1501 = arith.addi %mul3A_617, %add3A_1500 : i32
      %get3A_1502 = arith.index_cast %add3A_1501 : i32 to index
      %get3A_1503 = arith.constant 16 : index
      %get3A_1504 = tpu.vector_load %arg21[%get3A_1502, %get3A_1503] {strides = array<i32>} : memref<512x64xf32, #tpu.memory_space<vmem>>, vector<16xf32>,
      %add3A_1505 = arith.constant 9 : i32
      %add3A_1506 = arith.addi %mul3A_617, %add3A_1505 : i32
      %get3A_1507 = arith.index_cast %add3A_1506 : i32 to index
      %get3A_1508 = arith.constant 32 : index
      %get3A_1509 = tpu.vector_load %arg21[%get3A_1507, %get3A_1508] {strides = array<i32>} : memref<512x64xf32, #tpu.memory_space<vmem>>, vector<16xf32>,
      %add3A_1510 = arith.constant 9 : i32
      %add3A_1511 = arith.addi %mul3A_617, %add3A_1510 : i32
      %get3A_1512 = arith.index_cast %add3A_1511 : i32 to index
      %get3A_1513 = arith.constant 48 : index
      %get3A_1514 = tpu.vector_load %arg21[%get3A_1512, %get3A_1513] {strides = array<i32>} : memref<512x64xf32, #tpu.memory_space<vmem>>, vector<16xf32>,
      %add3A_1515 = arith.addf %get3A_1459, %get3A_1479 : vector<16xf32>
      %add3A_1516 = arith.constant 9 : i32
      %add3A_1517 = arith.addi %mul3A_617, %add3A_1516 : i32
      %swap3A_1518 = arith.index_cast %add3A_1517 : i32 to index
      %swap3A_1519 = arith.constant 0 : index
      %swap3A_1520 = tpu.vector_load %arg20[%swap3A_1518, %swap3A_1519] {strides = array<i32>} : memref<512x64xf32, #tpu.memory_space<vmem>>, vector<16xf32>,
      tpu.vector_store %arg20[%swap3A_1518, %swap3A_1519], %add3A_1515 {strides = array<i32>} : memref<512x64xf32, #tpu.memory_space<vmem>>, vector<16xf32>,
      %mul3A_1521 = arith.mulf %add3A_1515, %get3A_1499 : vector<16xf32>
      %add3A_1522 = arith.addf %get3A_1464, %get3A_1484 : vector<16xf32>
      %add3A_1523 = arith.constant 9 : i32
      %add3A_1524 = arith.addi %mul3A_617, %add3A_1523 : i32
      %swap3A_1525 = arith.index_cast %add3A_1524 : i32 to index
      %swap3A_1526 = arith.constant 16 : index
      %swap3A_1527 = tpu.vector_load %arg20[%swap3A_1525, %swap3A_1526] {strides = array<i32>} : memref<512x64xf32, #tpu.memory_space<vmem>>, vector<16xf32>,
      tpu.vector_store %arg20[%swap3A_1525, %swap3A_1526], %add3A_1522 {strides = array<i32>} : memref<512x64xf32, #tpu.memory_space<vmem>>, vector<16xf32>,
      %mul3A_1528 = arith.mulf %add3A_1522, %get3A_1504 : vector<16xf32>
      %add3A_1529 = arith.addf %mul3A_1521, %mul3A_1528 : vector<16xf32>
      %add3A_1530 = arith.addf %get3A_1469, %get3A_1489 : vector<16xf32>
      %add3A_1531 = arith.constant 9 : i32
      %add3A_1532 = arith.addi %mul3A_617, %add3A_1531 : i32
      %swap3A_1533 = arith.index_cast %add3A_1532 : i32 to index
      %swap3A_1534 = arith.constant 32 : index
      %swap3A_1535 = tpu.vector_load %arg20[%swap3A_1533, %swap3A_1534] {strides = array<i32>} : memref<512x64xf32, #tpu.memory_space<vmem>>, vector<16xf32>,
      tpu.vector_store %arg20[%swap3A_1533, %swap3A_1534], %add3A_1530 {strides = array<i32>} : memref<512x64xf32, #tpu.memory_space<vmem>>, vector<16xf32>,
      %mul3A_1536 = arith.mulf %add3A_1530, %get3A_1509 : vector<16xf32>
      %add3A_1537 = arith.addf %add3A_1529, %mul3A_1536 : vector<16xf32>
      %add3A_1538 = arith.addf %get3A_1474, %get3A_1494 : vector<16xf32>
      %add3A_1539 = arith.constant 9 : i32
      %add3A_1540 = arith.addi %mul3A_617, %add3A_1539 : i32
      %swap3A_1541 = arith.index_cast %add3A_1540 : i32 to index
      %swap3A_1542 = arith.constant 48 : index
      %swap3A_1543 = tpu.vector_load %arg20[%swap3A_1541, %swap3A_1542] {strides = array<i32>} : memref<512x64xf32, #tpu.memory_space<vmem>>, vector<16xf32>,
      tpu.vector_store %arg20[%swap3A_1541, %swap3A_1542], %add3A_1538 {strides = array<i32>} : memref<512x64xf32, #tpu.memory_space<vmem>>, vector<16xf32>,
      %mul3A_1544 = arith.mulf %add3A_1538, %get3A_1514 : vector<16xf32>
      %add3A_1545 = arith.addf %add3A_1537, %mul3A_1544 : vector<16xf32>
      %swap3A_1546 = arith.constant 153 : index
      %swap3A_1547 = tpu.vector_load %arg27[%swap3A_1546] {strides = array<i32>} : memref<272xf32, #tpu.memory_space<vmem>>, vector<16xf32>,
      tpu.vector_store %arg27[%swap3A_1546], %add3A_1545 {strides = array<i32>} : memref<272xf32, #tpu.memory_space<vmem>>, vector<16xf32>,
      %add3A_1548 = arith.constant 10 : i32
      %add3A_1549 = arith.addi %mul3A_617, %add3A_1548 : i32
      %get3A_1550 = arith.index_cast %add3A_1549 : i32 to index
      %get3A_1551 = arith.constant 0 : index
      %get3A_1552 = tpu.vector_load %arg20[%get3A_1550, %get3A_1551] {strides = array<i32>} : memref<512x64xf32, #tpu.memory_space<vmem>>, vector<16xf32>,
      %add3A_1553 = arith.constant 10 : i32
      %add3A_1554 = arith.addi %mul3A_617, %add3A_1553 : i32
      %get3A_1555 = arith.index_cast %add3A_1554 : i32 to index
      %get3A_1556 = arith.constant 16 : index
      %get3A_1557 = tpu.vector_load %arg20[%get3A_1555, %get3A_1556] {strides = array<i32>} : memref<512x64xf32, #tpu.memory_space<vmem>>, vector<16xf32>,
      %add3A_1558 = arith.constant 10 : i32
      %add3A_1559 = arith.addi %mul3A_617, %add3A_1558 : i32
      %get3A_1560 = arith.index_cast %add3A_1559 : i32 to index
      %get3A_1561 = arith.constant 32 : index
      %get3A_1562 = tpu.vector_load %arg20[%get3A_1560, %get3A_1561] {strides = array<i32>} : memref<512x64xf32, #tpu.memory_space<vmem>>, vector<16xf32>,
      %add3A_1563 = arith.constant 10 : i32
      %add3A_1564 = arith.addi %mul3A_617, %add3A_1563 : i32
      %get3A_1565 = arith.index_cast %add3A_1564 : i32 to index
      %get3A_1566 = arith.constant 48 : index
      %get3A_1567 = tpu.vector_load %arg20[%get3A_1565, %get3A_1566] {strides = array<i32>} : memref<512x64xf32, #tpu.memory_space<vmem>>, vector<16xf32>,
      %add3A_1568 = arith.constant 10 : i32
      %add3A_1569 = arith.addi %mul3A_617, %add3A_1568 : i32
      %get3A_1570 = arith.index_cast %add3A_1569 : i32 to index
      %get3A_1571 = arith.constant 0 : index
      %get3A_1572 = tpu.vector_load %arg22[%get3A_1570, %get3A_1571] {strides = array<i32>} : memref<512x64xf32, #tpu.memory_space<vmem>>, vector<16xf32>,
      %add3A_1573 = arith.constant 10 : i32
      %add3A_1574 = arith.addi %mul3A_617, %add3A_1573 : i32
      %get3A_1575 = arith.index_cast %add3A_1574 : i32 to index
      %get3A_1576 = arith.constant 16 : index
      %get3A_1577 = tpu.vector_load %arg22[%get3A_1575, %get3A_1576] {strides = array<i32>} : memref<512x64xf32, #tpu.memory_space<vmem>>, vector<16xf32>,
      %add3A_1578 = arith.constant 10 : i32
      %add3A_1579 = arith.addi %mul3A_617, %add3A_1578 : i32
      %get3A_1580 = arith.index_cast %add3A_1579 : i32 to index
      %get3A_1581 = arith.constant 32 : index
      %get3A_1582 = tpu.vector_load %arg22[%get3A_1580, %get3A_1581] {strides = array<i32>} : memref<512x64xf32, #tpu.memory_space<vmem>>, vector<16xf32>,
      %add3A_1583 = arith.constant 10 : i32
      %add3A_1584 = arith.addi %mul3A_617, %add3A_1583 : i32
      %get3A_1585 = arith.index_cast %add3A_1584 : i32 to index
      %get3A_1586 = arith.constant 48 : index
      %get3A_1587 = tpu.vector_load %arg22[%get3A_1585, %get3A_1586] {strides = array<i32>} : memref<512x64xf32, #tpu.memory_space<vmem>>, vector<16xf32>,
      %add3A_1588 = arith.constant 10 : i32
      %add3A_1589 = arith.addi %mul3A_617, %add3A_1588 : i32
      %get3A_1590 = arith.index_cast %add3A_1589 : i32 to index
      %get3A_1591 = arith.constant 0 : index
      %get3A_1592 = tpu.vector_load %arg21[%get3A_1590, %get3A_1591] {strides = array<i32>} : memref<512x64xf32, #tpu.memory_space<vmem>>, vector<16xf32>,
      %add3A_1593 = arith.constant 10 : i32
      %add3A_1594 = arith.addi %mul3A_617, %add3A_1593 : i32
      %get3A_1595 = arith.index_cast %add3A_1594 : i32 to index
      %get3A_1596 = arith.constant 16 : index
      %get3A_1597 = tpu.vector_load %arg21[%get3A_1595, %get3A_1596] {strides = array<i32>} : memref<512x64xf32, #tpu.memory_space<vmem>>, vector<16xf32>,
      %add3A_1598 = arith.constant 10 : i32
      %add3A_1599 = arith.addi %mul3A_617, %add3A_1598 : i32
      %get3A_1600 = arith.index_cast %add3A_1599 : i32 to index
      %get3A_1601 = arith.constant 32 : index
      %get3A_1602 = tpu.vector_load %arg21[%get3A_1600, %get3A_1601] {strides = array<i32>} : memref<512x64xf32, #tpu.memory_space<vmem>>, vector<16xf32>,
      %add3A_1603 = arith.constant 10 : i32
      %add3A_1604 = arith.addi %mul3A_617, %add3A_1603 : i32
      %get3A_1605 = arith.index_cast %add3A_1604 : i32 to index
      %get3A_1606 = arith.constant 48 : index
      %get3A_1607 = tpu.vector_load %arg21[%get3A_1605, %get3A_1606] {strides = array<i32>} : memref<512x64xf32, #tpu.memory_space<vmem>>, vector<16xf32>,
      %add3A_1608 = arith.addf %get3A_1552, %get3A_1572 : vector<16xf32>
      %add3A_1609 = arith.constant 10 : i32
      %add3A_1610 = arith.addi %mul3A_617, %add3A_1609 : i32
      %swap3A_1611 = arith.index_cast %add3A_1610 : i32 to index
      %swap3A_1612 = arith.constant 0 : index
      %swap3A_1613 = tpu.vector_load %arg20[%swap3A_1611, %swap3A_1612] {strides = array<i32>} : memref<512x64xf32, #tpu.memory_space<vmem>>, vector<16xf32>,
      tpu.vector_store %arg20[%swap3A_1611, %swap3A_1612], %add3A_1608 {strides = array<i32>} : memref<512x64xf32, #tpu.memory_space<vmem>>, vector<16xf32>,
      %mul3A_1614 = arith.mulf %add3A_1608, %get3A_1592 : vector<16xf32>
      %add3A_1615 = arith.addf %get3A_1557, %get3A_1577 : vector<16xf32>
      %add3A_1616 = arith.constant 10 : i32
      %add3A_1617 = arith.addi %mul3A_617, %add3A_1616 : i32
      %swap3A_1618 = arith.index_cast %add3A_1617 : i32 to index
      %swap3A_1619 = arith.constant 16 : index
      %swap3A_1620 = tpu.vector_load %arg20[%swap3A_1618, %swap3A_1619] {strides = array<i32>} : memref<512x64xf32, #tpu.memory_space<vmem>>, vector<16xf32>,
      tpu.vector_store %arg20[%swap3A_1618, %swap3A_1619], %add3A_1615 {strides = array<i32>} : memref<512x64xf32, #tpu.memory_space<vmem>>, vector<16xf32>,
      %mul3A_1621 = arith.mulf %add3A_1615, %get3A_1597 : vector<16xf32>
      %add3A_1622 = arith.addf %mul3A_1614, %mul3A_1621 : vector<16xf32>
      %add3A_1623 = arith.addf %get3A_1562, %get3A_1582 : vector<16xf32>
      %add3A_1624 = arith.constant 10 : i32
      %add3A_1625 = arith.addi %mul3A_617, %add3A_1624 : i32
      %swap3A_1626 = arith.index_cast %add3A_1625 : i32 to index
      %swap3A_1627 = arith.constant 32 : index
      %swap3A_1628 = tpu.vector_load %arg20[%swap3A_1626, %swap3A_1627] {strides = array<i32>} : memref<512x64xf32, #tpu.memory_space<vmem>>, vector<16xf32>,
      tpu.vector_store %arg20[%swap3A_1626, %swap3A_1627], %add3A_1623 {strides = array<i32>} : memref<512x64xf32, #tpu.memory_space<vmem>>, vector<16xf32>,
      %mul3A_1629 = arith.mulf %add3A_1623, %get3A_1602 : vector<16xf32>
      %add3A_1630 = arith.addf %add3A_1622, %mul3A_1629 : vector<16xf32>
      %add3A_1631 = arith.addf %get3A_1567, %get3A_1587 : vector<16xf32>
      %add3A_1632 = arith.constant 10 : i32
      %add3A_1633 = arith.addi %mul3A_617, %add3A_1632 : i32
      %swap3A_1634 = arith.index_cast %add3A_1633 : i32 to index
      %swap3A_1635 = arith.constant 48 : index
      %swap3A_1636 = tpu.vector_load %arg20[%swap3A_1634, %swap3A_1635] {strides = array<i32>} : memref<512x64xf32, #tpu.memory_space<vmem>>, vector<16xf32>,
      tpu.vector_store %arg20[%swap3A_1634, %swap3A_1635], %add3A_1631 {strides = array<i32>} : memref<512x64xf32, #tpu.memory_space<vmem>>, vector<16xf32>,
      %mul3A_1637 = arith.mulf %add3A_1631, %get3A_1607 : vector<16xf32>
      %add3A_1638 = arith.addf %add3A_1630, %mul3A_1637 : vector<16xf32>
      %swap3A_1639 = arith.constant 170 : index
      %swap3A_1640 = tpu.vector_load %arg27[%swap3A_1639] {strides = array<i32>} : memref<272xf32, #tpu.memory_space<vmem>>, vector<16xf32>,
      tpu.vector_store %arg27[%swap3A_1639], %add3A_1638 {strides = array<i32>} : memref<272xf32, #tpu.memory_space<vmem>>, vector<16xf32>,
      %add3A_1641 = arith.constant 11 : i32
      %add3A_1642 = arith.addi %mul3A_617, %add3A_1641 : i32
      %get3A_1643 = arith.index_cast %add3A_1642 : i32 to index
      %get3A_1644 = arith.constant 0 : index
      %get3A_1645 = tpu.vector_load %arg20[%get3A_1643, %get3A_1644] {strides = array<i32>} : memref<512x64xf32, #tpu.memory_space<vmem>>, vector<16xf32>,
      %add3A_1646 = arith.constant 11 : i32
      %add3A_1647 = arith.addi %mul3A_617, %add3A_1646 : i32
      %get3A_1648 = arith.index_cast %add3A_1647 : i32 to index
      %get3A_1649 = arith.constant 16 : index
      %get3A_1650 = tpu.vector_load %arg20[%get3A_1648, %get3A_1649] {strides = array<i32>} : memref<512x64xf32, #tpu.memory_space<vmem>>, vector<16xf32>,
      %add3A_1651 = arith.constant 11 : i32
      %add3A_1652 = arith.addi %mul3A_617, %add3A_1651 : i32
      %get3A_1653 = arith.index_cast %add3A_1652 : i32 to index
      %get3A_1654 = arith.constant 32 : index
      %get3A_1655 = tpu.vector_load %arg20[%get3A_1653, %get3A_1654] {strides = array<i32>} : memref<512x64xf32, #tpu.memory_space<vmem>>, vector<16xf32>,
      %add3A_1656 = arith.constant 11 : i32
      %add3A_1657 = arith.addi %mul3A_617, %add3A_1656 : i32
      %get3A_1658 = arith.index_cast %add3A_1657 : i32 to index
      %get3A_1659 = arith.constant 48 : index
      %get3A_1660 = tpu.vector_load %arg20[%get3A_1658, %get3A_1659] {strides = array<i32>} : memref<512x64xf32, #tpu.memory_space<vmem>>, vector<16xf32>,
      %add3A_1661 = arith.constant 11 : i32
      %add3A_1662 = arith.addi %mul3A_617, %add3A_1661 : i32
      %get3A_1663 = arith.index_cast %add3A_1662 : i32 to index
      %get3A_1664 = arith.constant 0 : index
      %get3A_1665 = tpu.vector_load %arg22[%get3A_1663, %get3A_1664] {strides = array<i32>} : memref<512x64xf32, #tpu.memory_space<vmem>>, vector<16xf32>,
      %add3A_1666 = arith.constant 11 : i32
      %add3A_1667 = arith.addi %mul3A_617, %add3A_1666 : i32
      %get3A_1668 = arith.index_cast %add3A_1667 : i32 to index
      %get3A_1669 = arith.constant 16 : index
      %get3A_1670 = tpu.vector_load %arg22[%get3A_1668, %get3A_1669] {strides = array<i32>} : memref<512x64xf32, #tpu.memory_space<vmem>>, vector<16xf32>,
      %add3A_1671 = arith.constant 11 : i32
      %add3A_1672 = arith.addi %mul3A_617, %add3A_1671 : i32
      %get3A_1673 = arith.index_cast %add3A_1672 : i32 to index
      %get3A_1674 = arith.constant 32 : index
      %get3A_1675 = tpu.vector_load %arg22[%get3A_1673, %get3A_1674] {strides = array<i32>} : memref<512x64xf32, #tpu.memory_space<vmem>>, vector<16xf32>,
      %add3A_1676 = arith.constant 11 : i32
      %add3A_1677 = arith.addi %mul3A_617, %add3A_1676 : i32
      %get3A_1678 = arith.index_cast %add3A_1677 : i32 to index
      %get3A_1679 = arith.constant 48 : index
      %get3A_1680 = tpu.vector_load %arg22[%get3A_1678, %get3A_1679] {strides = array<i32>} : memref<512x64xf32, #tpu.memory_space<vmem>>, vector<16xf32>,
      %add3A_1681 = arith.constant 11 : i32
      %add3A_1682 = arith.addi %mul3A_617, %add3A_1681 : i32
      %get3A_1683 = arith.index_cast %add3A_1682 : i32 to index
      %get3A_1684 = arith.constant 0 : index
      %get3A_1685 = tpu.vector_load %arg21[%get3A_1683, %get3A_1684] {strides = array<i32>} : memref<512x64xf32, #tpu.memory_space<vmem>>, vector<16xf32>,
      %add3A_1686 = arith.constant 11 : i32
      %add3A_1687 = arith.addi %mul3A_617, %add3A_1686 : i32
      %get3A_1688 = arith.index_cast %add3A_1687 : i32 to index
      %get3A_1689 = arith.constant 16 : index
      %get3A_1690 = tpu.vector_load %arg21[%get3A_1688, %get3A_1689] {strides = array<i32>} : memref<512x64xf32, #tpu.memory_space<vmem>>, vector<16xf32>,
      %add3A_1691 = arith.constant 11 : i32
      %add3A_1692 = arith.addi %mul3A_617, %add3A_1691 : i32
      %get3A_1693 = arith.index_cast %add3A_1692 : i32 to index
      %get3A_1694 = arith.constant 32 : index
      %get3A_1695 = tpu.vector_load %arg21[%get3A_1693, %get3A_1694] {strides = array<i32>} : memref<512x64xf32, #tpu.memory_space<vmem>>, vector<16xf32>,
      %add3A_1696 = arith.constant 11 : i32
      %add3A_1697 = arith.addi %mul3A_617, %add3A_1696 : i32
      %get3A_1698 = arith.index_cast %add3A_1697 : i32 to index
      %get3A_1699 = arith.constant 48 : index
      %get3A_1700 = tpu.vector_load %arg21[%get3A_1698, %get3A_1699] {strides = array<i32>} : memref<512x64xf32, #tpu.memory_space<vmem>>, vector<16xf32>,
      %add3A_1701 = arith.addf %get3A_1645, %get3A_1665 : vector<16xf32>
      %add3A_1702 = arith.constant 11 : i32
      %add3A_1703 = arith.addi %mul3A_617, %add3A_1702 : i32
      %swap3A_1704 = arith.index_cast %add3A_1703 : i32 to index
      %swap3A_1705 = arith.constant 0 : index
      %swap3A_1706 = tpu.vector_load %arg20[%swap3A_1704, %swap3A_1705] {strides = array<i32>} : memref<512x64xf32, #tpu.memory_space<vmem>>, vector<16xf32>,
      tpu.vector_store %arg20[%swap3A_1704, %swap3A_1705], %add3A_1701 {strides = array<i32>} : memref<512x64xf32, #tpu.memory_space<vmem>>, vector<16xf32>,
      %mul3A_1707 = arith.mulf %add3A_1701, %get3A_1685 : vector<16xf32>
      %add3A_1708 = arith.addf %get3A_1650, %get3A_1670 : vector<16xf32>
      %add3A_1709 = arith.constant 11 : i32
      %add3A_1710 = arith.addi %mul3A_617, %add3A_1709 : i32
      %swap3A_1711 = arith.index_cast %add3A_1710 : i32 to index
      %swap3A_1712 = arith.constant 16 : index
      %swap3A_1713 = tpu.vector_load %arg20[%swap3A_1711, %swap3A_1712] {strides = array<i32>} : memref<512x64xf32, #tpu.memory_space<vmem>>, vector<16xf32>,
      tpu.vector_store %arg20[%swap3A_1711, %swap3A_1712], %add3A_1708 {strides = array<i32>} : memref<512x64xf32, #tpu.memory_space<vmem>>, vector<16xf32>,
      %mul3A_1714 = arith.mulf %add3A_1708, %get3A_1690 : vector<16xf32>
      %add3A_1715 = arith.addf %mul3A_1707, %mul3A_1714 : vector<16xf32>
      %add3A_1716 = arith.addf %get3A_1655, %get3A_1675 : vector<16xf32>
      %add3A_1717 = arith.constant 11 : i32
      %add3A_1718 = arith.addi %mul3A_617, %add3A_1717 : i32
      %swap3A_1719 = arith.index_cast %add3A_1718 : i32 to index
      %swap3A_1720 = arith.constant 32 : index
      %swap3A_1721 = tpu.vector_load %arg20[%swap3A_1719, %swap3A_1720] {strides = array<i32>} : memref<512x64xf32, #tpu.memory_space<vmem>>, vector<16xf32>,
      tpu.vector_store %arg20[%swap3A_1719, %swap3A_1720], %add3A_1716 {strides = array<i32>} : memref<512x64xf32, #tpu.memory_space<vmem>>, vector<16xf32>,
      %mul3A_1722 = arith.mulf %add3A_1716, %get3A_1695 : vector<16xf32>
      %add3A_1723 = arith.addf %add3A_1715, %mul3A_1722 : vector<16xf32>
      %add3A_1724 = arith.addf %get3A_1660, %get3A_1680 : vector<16xf32>
      %add3A_1725 = arith.constant 11 : i32
      %add3A_1726 = arith.addi %mul3A_617, %add3A_1725 : i32
      %swap3A_1727 = arith.index_cast %add3A_1726 : i32 to index
      %swap3A_1728 = arith.constant 48 : index
      %swap3A_1729 = tpu.vector_load %arg20[%swap3A_1727, %swap3A_1728] {strides = array<i32>} : memref<512x64xf32, #tpu.memory_space<vmem>>, vector<16xf32>,
      tpu.vector_store %arg20[%swap3A_1727, %swap3A_1728], %add3A_1724 {strides = array<i32>} : memref<512x64xf32, #tpu.memory_space<vmem>>, vector<16xf32>,
      %mul3A_1730 = arith.mulf %add3A_1724, %get3A_1700 : vector<16xf32>
      %add3A_1731 = arith.addf %add3A_1723, %mul3A_1730 : vector<16xf32>
      %swap3A_1732 = arith.constant 187 : index
      %swap3A_1733 = tpu.vector_load %arg27[%swap3A_1732] {strides = array<i32>} : memref<272xf32, #tpu.memory_space<vmem>>, vector<16xf32>,
      tpu.vector_store %arg27[%swap3A_1732], %add3A_1731 {strides = array<i32>} : memref<272xf32, #tpu.memory_space<vmem>>, vector<16xf32>,
      %add3A_1734 = arith.constant 12 : i32
      %add3A_1735 = arith.addi %mul3A_617, %add3A_1734 : i32
      %get3A_1736 = arith.index_cast %add3A_1735 : i32 to index
      %get3A_1737 = arith.constant 0 : index
      %get3A_1738 = tpu.vector_load %arg20[%get3A_1736, %get3A_1737] {strides = array<i32>} : memref<512x64xf32, #tpu.memory_space<vmem>>, vector<16xf32>,
      %add3A_1739 = arith.constant 12 : i32
      %add3A_1740 = arith.addi %mul3A_617, %add3A_1739 : i32
      %get3A_1741 = arith.index_cast %add3A_1740 : i32 to index
      %get3A_1742 = arith.constant 16 : index
      %get3A_1743 = tpu.vector_load %arg20[%get3A_1741, %get3A_1742] {strides = array<i32>} : memref<512x64xf32, #tpu.memory_space<vmem>>, vector<16xf32>,
      %add3A_1744 = arith.constant 12 : i32
      %add3A_1745 = arith.addi %mul3A_617, %add3A_1744 : i32
      %get3A_1746 = arith.index_cast %add3A_1745 : i32 to index
      %get3A_1747 = arith.constant 32 : index
      %get3A_1748 = tpu.vector_load %arg20[%get3A_1746, %get3A_1747] {strides = array<i32>} : memref<512x64xf32, #tpu.memory_space<vmem>>, vector<16xf32>,
      %add3A_1749 = arith.constant 12 : i32
      %add3A_1750 = arith.addi %mul3A_617, %add3A_1749 : i32
      %get3A_1751 = arith.index_cast %add3A_1750 : i32 to index
      %get3A_1752 = arith.constant 48 : index
      %get3A_1753 = tpu.vector_load %arg20[%get3A_1751, %get3A_1752] {strides = array<i32>} : memref<512x64xf32, #tpu.memory_space<vmem>>, vector<16xf32>,
      %add3A_1754 = arith.constant 12 : i32
      %add3A_1755 = arith.addi %mul3A_617, %add3A_1754 : i32
      %get3A_1756 = arith.index_cast %add3A_1755 : i32 to index
      %get3A_1757 = arith.constant 0 : index
      %get3A_1758 = tpu.vector_load %arg22[%get3A_1756, %get3A_1757] {strides = array<i32>} : memref<512x64xf32, #tpu.memory_space<vmem>>, vector<16xf32>,
      %add3A_1759 = arith.constant 12 : i32
      %add3A_1760 = arith.addi %mul3A_617, %add3A_1759 : i32
      %get3A_1761 = arith.index_cast %add3A_1760 : i32 to index
      %get3A_1762 = arith.constant 16 : index
      %get3A_1763 = tpu.vector_load %arg22[%get3A_1761, %get3A_1762] {strides = array<i32>} : memref<512x64xf32, #tpu.memory_space<vmem>>, vector<16xf32>,
      %add3A_1764 = arith.constant 12 : i32
      %add3A_1765 = arith.addi %mul3A_617, %add3A_1764 : i32
      %get3A_1766 = arith.index_cast %add3A_1765 : i32 to index
      %get3A_1767 = arith.constant 32 : index
      %get3A_1768 = tpu.vector_load %arg22[%get3A_1766, %get3A_1767] {strides = array<i32>} : memref<512x64xf32, #tpu.memory_space<vmem>>, vector<16xf32>,
      %add3A_1769 = arith.constant 12 : i32
      %add3A_1770 = arith.addi %mul3A_617, %add3A_1769 : i32
      %get3A_1771 = arith.index_cast %add3A_1770 : i32 to index
      %get3A_1772 = arith.constant 48 : index
      %get3A_1773 = tpu.vector_load %arg22[%get3A_1771, %get3A_1772] {strides = array<i32>} : memref<512x64xf32, #tpu.memory_space<vmem>>, vector<16xf32>,
      %add3A_1774 = arith.constant 12 : i32
      %add3A_1775 = arith.addi %mul3A_617, %add3A_1774 : i32
      %get3A_1776 = arith.index_cast %add3A_1775 : i32 to index
      %get3A_1777 = arith.constant 0 : index
      %get3A_1778 = tpu.vector_load %arg21[%get3A_1776, %get3A_1777] {strides = array<i32>} : memref<512x64xf32, #tpu.memory_space<vmem>>, vector<16xf32>,
      %add3A_1779 = arith.constant 12 : i32
      %add3A_1780 = arith.addi %mul3A_617, %add3A_1779 : i32
      %get3A_1781 = arith.index_cast %add3A_1780 : i32 to index
      %get3A_1782 = arith.constant 16 : index
      %get3A_1783 = tpu.vector_load %arg21[%get3A_1781, %get3A_1782] {strides = array<i32>} : memref<512x64xf32, #tpu.memory_space<vmem>>, vector<16xf32>,
      %add3A_1784 = arith.constant 12 : i32
      %add3A_1785 = arith.addi %mul3A_617, %add3A_1784 : i32
      %get3A_1786 = arith.index_cast %add3A_1785 : i32 to index
      %get3A_1787 = arith.constant 32 : index
      %get3A_1788 = tpu.vector_load %arg21[%get3A_1786, %get3A_1787] {strides = array<i32>} : memref<512x64xf32, #tpu.memory_space<vmem>>, vector<16xf32>,
      %add3A_1789 = arith.constant 12 : i32
      %add3A_1790 = arith.addi %mul3A_617, %add3A_1789 : i32
      %get3A_1791 = arith.index_cast %add3A_1790 : i32 to index
      %get3A_1792 = arith.constant 48 : index
      %get3A_1793 = tpu.vector_load %arg21[%get3A_1791, %get3A_1792] {strides = array<i32>} : memref<512x64xf32, #tpu.memory_space<vmem>>, vector<16xf32>,
      %add3A_1794 = arith.addf %get3A_1738, %get3A_1758 : vector<16xf32>
      %add3A_1795 = arith.constant 12 : i32
      %add3A_1796 = arith.addi %mul3A_617, %add3A_1795 : i32
      %swap3A_1797 = arith.index_cast %add3A_1796 : i32 to index
      %swap3A_1798 = arith.constant 0 : index
      %swap3A_1799 = tpu.vector_load %arg20[%swap3A_1797, %swap3A_1798] {strides = array<i32>} : memref<512x64xf32, #tpu.memory_space<vmem>>, vector<16xf32>,
      tpu.vector_store %arg20[%swap3A_1797, %swap3A_1798], %add3A_1794 {strides = array<i32>} : memref<512x64xf32, #tpu.memory_space<vmem>>, vector<16xf32>,
      %mul3A_1800 = arith.mulf %add3A_1794, %get3A_1778 : vector<16xf32>
      %add3A_1801 = arith.addf %get3A_1743, %get3A_1763 : vector<16xf32>
      %add3A_1802 = arith.constant 12 : i32
      %add3A_1803 = arith.addi %mul3A_617, %add3A_1802 : i32
      %swap3A_1804 = arith.index_cast %add3A_1803 : i32 to index
      %swap3A_1805 = arith.constant 16 : index
      %swap3A_1806 = tpu.vector_load %arg20[%swap3A_1804, %swap3A_1805] {strides = array<i32>} : memref<512x64xf32, #tpu.memory_space<vmem>>, vector<16xf32>,
      tpu.vector_store %arg20[%swap3A_1804, %swap3A_1805], %add3A_1801 {strides = array<i32>} : memref<512x64xf32, #tpu.memory_space<vmem>>, vector<16xf32>,
      %mul3A_1807 = arith.mulf %add3A_1801, %get3A_1783 : vector<16xf32>
      %add3A_1808 = arith.addf %mul3A_1800, %mul3A_1807 : vector<16xf32>
      %add3A_1809 = arith.addf %get3A_1748, %get3A_1768 : vector<16xf32>
      %add3A_1810 = arith.constant 12 : i32
      %add3A_1811 = arith.addi %mul3A_617, %add3A_1810 : i32
      %swap3A_1812 = arith.index_cast %add3A_1811 : i32 to index
      %swap3A_1813 = arith.constant 32 : index
      %swap3A_1814 = tpu.vector_load %arg20[%swap3A_1812, %swap3A_1813] {strides = array<i32>} : memref<512x64xf32, #tpu.memory_space<vmem>>, vector<16xf32>,
      tpu.vector_store %arg20[%swap3A_1812, %swap3A_1813], %add3A_1809 {strides = array<i32>} : memref<512x64xf32, #tpu.memory_space<vmem>>, vector<16xf32>,
      %mul3A_1815 = arith.mulf %add3A_1809, %get3A_1788 : vector<16xf32>
      %add3A_1816 = arith.addf %add3A_1808, %mul3A_1815 : vector<16xf32>
      %add3A_1817 = arith.addf %get3A_1753, %get3A_1773 : vector<16xf32>
      %add3A_1818 = arith.constant 12 : i32
      %add3A_1819 = arith.addi %mul3A_617, %add3A_1818 : i32
      %swap3A_1820 = arith.index_cast %add3A_1819 : i32 to index
      %swap3A_1821 = arith.constant 48 : index
      %swap3A_1822 = tpu.vector_load %arg20[%swap3A_1820, %swap3A_1821] {strides = array<i32>} : memref<512x64xf32, #tpu.memory_space<vmem>>, vector<16xf32>,
      tpu.vector_store %arg20[%swap3A_1820, %swap3A_1821], %add3A_1817 {strides = array<i32>} : memref<512x64xf32, #tpu.memory_space<vmem>>, vector<16xf32>,
      %mul3A_1823 = arith.mulf %add3A_1817, %get3A_1793 : vector<16xf32>
      %add3A_1824 = arith.addf %add3A_1816, %mul3A_1823 : vector<16xf32>
      %swap3A_1825 = arith.constant 204 : index
      %swap3A_1826 = tpu.vector_load %arg27[%swap3A_1825] {strides = array<i32>} : memref<272xf32, #tpu.memory_space<vmem>>, vector<16xf32>,
      tpu.vector_store %arg27[%swap3A_1825], %add3A_1824 {strides = array<i32>} : memref<272xf32, #tpu.memory_space<vmem>>, vector<16xf32>,
      %add3A_1827 = arith.constant 13 : i32
      %add3A_1828 = arith.addi %mul3A_617, %add3A_1827 : i32
      %get3A_1829 = arith.index_cast %add3A_1828 : i32 to index
      %get3A_1830 = arith.constant 0 : index
      %get3A_1831 = tpu.vector_load %arg20[%get3A_1829, %get3A_1830] {strides = array<i32>} : memref<512x64xf32, #tpu.memory_space<vmem>>, vector<16xf32>,
      %add3A_1832 = arith.constant 13 : i32
      %add3A_1833 = arith.addi %mul3A_617, %add3A_1832 : i32
      %get3A_1834 = arith.index_cast %add3A_1833 : i32 to index
      %get3A_1835 = arith.constant 16 : index
      %get3A_1836 = tpu.vector_load %arg20[%get3A_1834, %get3A_1835] {strides = array<i32>} : memref<512x64xf32, #tpu.memory_space<vmem>>, vector<16xf32>,
      %add3A_1837 = arith.constant 13 : i32
      %add3A_1838 = arith.addi %mul3A_617, %add3A_1837 : i32
      %get3A_1839 = arith.index_cast %add3A_1838 : i32 to index
      %get3A_1840 = arith.constant 32 : index
      %get3A_1841 = tpu.vector_load %arg20[%get3A_1839, %get3A_1840] {strides = array<i32>} : memref<512x64xf32, #tpu.memory_space<vmem>>, vector<16xf32>,
      %add3A_1842 = arith.constant 13 : i32
      %add3A_1843 = arith.addi %mul3A_617, %add3A_1842 : i32
      %get3A_1844 = arith.index_cast %add3A_1843 : i32 to index
      %get3A_1845 = arith.constant 48 : index
      %get3A_1846 = tpu.vector_load %arg20[%get3A_1844, %get3A_1845] {strides = array<i32>} : memref<512x64xf32, #tpu.memory_space<vmem>>, vector<16xf32>,
      %add3A_1847 = arith.constant 13 : i32
      %add3A_1848 = arith.addi %mul3A_617, %add3A_1847 : i32
      %get3A_1849 = arith.index_cast %add3A_1848 : i32 to index
      %get3A_1850 = arith.constant 0 : index
      %get3A_1851 = tpu.vector_load %arg22[%get3A_1849, %get3A_1850] {strides = array<i32>} : memref<512x64xf32, #tpu.memory_space<vmem>>, vector<16xf32>,
      %add3A_1852 = arith.constant 13 : i32
      %add3A_1853 = arith.addi %mul3A_617, %add3A_1852 : i32
      %get3A_1854 = arith.index_cast %add3A_1853 : i32 to index
      %get3A_1855 = arith.constant 16 : index
      %get3A_1856 = tpu.vector_load %arg22[%get3A_1854, %get3A_1855] {strides = array<i32>} : memref<512x64xf32, #tpu.memory_space<vmem>>, vector<16xf32>,
      %add3A_1857 = arith.constant 13 : i32
      %add3A_1858 = arith.addi %mul3A_617, %add3A_1857 : i32
      %get3A_1859 = arith.index_cast %add3A_1858 : i32 to index
      %get3A_1860 = arith.constant 32 : index
      %get3A_1861 = tpu.vector_load %arg22[%get3A_1859, %get3A_1860] {strides = array<i32>} : memref<512x64xf32, #tpu.memory_space<vmem>>, vector<16xf32>,
      %add3A_1862 = arith.constant 13 : i32
      %add3A_1863 = arith.addi %mul3A_617, %add3A_1862 : i32
      %get3A_1864 = arith.index_cast %add3A_1863 : i32 to index
      %get3A_1865 = arith.constant 48 : index
      %get3A_1866 = tpu.vector_load %arg22[%get3A_1864, %get3A_1865] {strides = array<i32>} : memref<512x64xf32, #tpu.memory_space<vmem>>, vector<16xf32>,
      %add3A_1867 = arith.constant 13 : i32
      %add3A_1868 = arith.addi %mul3A_617, %add3A_1867 : i32
      %get3A_1869 = arith.index_cast %add3A_1868 : i32 to index
      %get3A_1870 = arith.constant 0 : index
      %get3A_1871 = tpu.vector_load %arg21[%get3A_1869, %get3A_1870] {strides = array<i32>} : memref<512x64xf32, #tpu.memory_space<vmem>>, vector<16xf32>,
      %add3A_1872 = arith.constant 13 : i32
      %add3A_1873 = arith.addi %mul3A_617, %add3A_1872 : i32
      %get3A_1874 = arith.index_cast %add3A_1873 : i32 to index
      %get3A_1875 = arith.constant 16 : index
      %get3A_1876 = tpu.vector_load %arg21[%get3A_1874, %get3A_1875] {strides = array<i32>} : memref<512x64xf32, #tpu.memory_space<vmem>>, vector<16xf32>,
      %add3A_1877 = arith.constant 13 : i32
      %add3A_1878 = arith.addi %mul3A_617, %add3A_1877 : i32
      %get3A_1879 = arith.index_cast %add3A_1878 : i32 to index
      %get3A_1880 = arith.constant 32 : index
      %get3A_1881 = tpu.vector_load %arg21[%get3A_1879, %get3A_1880] {strides = array<i32>} : memref<512x64xf32, #tpu.memory_space<vmem>>, vector<16xf32>,
      %add3A_1882 = arith.constant 13 : i32
      %add3A_1883 = arith.addi %mul3A_617, %add3A_1882 : i32
      %get3A_1884 = arith.index_cast %add3A_1883 : i32 to index
      %get3A_1885 = arith.constant 48 : index
      %get3A_1886 = tpu.vector_load %arg21[%get3A_1884, %get3A_1885] {strides = array<i32>} : memref<512x64xf32, #tpu.memory_space<vmem>>, vector<16xf32>,
      %add3A_1887 = arith.addf %get3A_1831, %get3A_1851 : vector<16xf32>
      %add3A_1888 = arith.constant 13 : i32
      %add3A_1889 = arith.addi %mul3A_617, %add3A_1888 : i32
      %swap3A_1890 = arith.index_cast %add3A_1889 : i32 to index
      %swap3A_1891 = arith.constant 0 : index
      %swap3A_1892 = tpu.vector_load %arg20[%swap3A_1890, %swap3A_1891] {strides = array<i32>} : memref<512x64xf32, #tpu.memory_space<vmem>>, vector<16xf32>,
      tpu.vector_store %arg20[%swap3A_1890, %swap3A_1891], %add3A_1887 {strides = array<i32>} : memref<512x64xf32, #tpu.memory_space<vmem>>, vector<16xf32>,
      %mul3A_1893 = arith.mulf %add3A_1887, %get3A_1871 : vector<16xf32>
      %add3A_1894 = arith.addf %get3A_1836, %get3A_1856 : vector<16xf32>
      %add3A_1895 = arith.constant 13 : i32
      %add3A_1896 = arith.addi %mul3A_617, %add3A_1895 : i32
      %swap3A_1897 = arith.index_cast %add3A_1896 : i32 to index
      %swap3A_1898 = arith.constant 16 : index
      %swap3A_1899 = tpu.vector_load %arg20[%swap3A_1897, %swap3A_1898] {strides = array<i32>} : memref<512x64xf32, #tpu.memory_space<vmem>>, vector<16xf32>,
      tpu.vector_store %arg20[%swap3A_1897, %swap3A_1898], %add3A_1894 {strides = array<i32>} : memref<512x64xf32, #tpu.memory_space<vmem>>, vector<16xf32>,
      %mul3A_1900 = arith.mulf %add3A_1894, %get3A_1876 : vector<16xf32>
      %add3A_1901 = arith.addf %mul3A_1893, %mul3A_1900 : vector<16xf32>
      %add3A_1902 = arith.addf %get3A_1841, %get3A_1861 : vector<16xf32>
      %add3A_1903 = arith.constant 13 : i32
      %add3A_1904 = arith.addi %mul3A_617, %add3A_1903 : i32
      %swap3A_1905 = arith.index_cast %add3A_1904 : i32 to index
      %swap3A_1906 = arith.constant 32 : index
      %swap3A_1907 = tpu.vector_load %arg20[%swap3A_1905, %swap3A_1906] {strides = array<i32>} : memref<512x64xf32, #tpu.memory_space<vmem>>, vector<16xf32>,
      tpu.vector_store %arg20[%swap3A_1905, %swap3A_1906], %add3A_1902 {strides = array<i32>} : memref<512x64xf32, #tpu.memory_space<vmem>>, vector<16xf32>,
      %mul3A_1908 = arith.mulf %add3A_1902, %get3A_1881 : vector<16xf32>
      %add3A_1909 = arith.addf %add3A_1901, %mul3A_1908 : vector<16xf32>
      %add3A_1910 = arith.addf %get3A_1846, %get3A_1866 : vector<16xf32>
      %add3A_1911 = arith.constant 13 : i32
      %add3A_1912 = arith.addi %mul3A_617, %add3A_1911 : i32
      %swap3A_1913 = arith.index_cast %add3A_1912 : i32 to index
      %swap3A_1914 = arith.constant 48 : index
      %swap3A_1915 = tpu.vector_load %arg20[%swap3A_1913, %swap3A_1914] {strides = array<i32>} : memref<512x64xf32, #tpu.memory_space<vmem>>, vector<16xf32>,
      tpu.vector_store %arg20[%swap3A_1913, %swap3A_1914], %add3A_1910 {strides = array<i32>} : memref<512x64xf32, #tpu.memory_space<vmem>>, vector<16xf32>,
      %mul3A_1916 = arith.mulf %add3A_1910, %get3A_1886 : vector<16xf32>
      %add3A_1917 = arith.addf %add3A_1909, %mul3A_1916 : vector<16xf32>
      %swap3A_1918 = arith.constant 221 : index
      %swap3A_1919 = tpu.vector_load %arg27[%swap3A_1918] {strides = array<i32>} : memref<272xf32, #tpu.memory_space<vmem>>, vector<16xf32>,
      tpu.vector_store %arg27[%swap3A_1918], %add3A_1917 {strides = array<i32>} : memref<272xf32, #tpu.memory_space<vmem>>, vector<16xf32>,
      %add3A_1920 = arith.constant 14 : i32
      %add3A_1921 = arith.addi %mul3A_617, %add3A_1920 : i32
      %get3A_1922 = arith.index_cast %add3A_1921 : i32 to index
      %get3A_1923 = arith.constant 0 : index
      %get3A_1924 = tpu.vector_load %arg20[%get3A_1922, %get3A_1923] {strides = array<i32>} : memref<512x64xf32, #tpu.memory_space<vmem>>, vector<16xf32>,
      %add3A_1925 = arith.constant 14 : i32
      %add3A_1926 = arith.addi %mul3A_617, %add3A_1925 : i32
      %get3A_1927 = arith.index_cast %add3A_1926 : i32 to index
      %get3A_1928 = arith.constant 16 : index
      %get3A_1929 = tpu.vector_load %arg20[%get3A_1927, %get3A_1928] {strides = array<i32>} : memref<512x64xf32, #tpu.memory_space<vmem>>, vector<16xf32>,
      %add3A_1930 = arith.constant 14 : i32
      %add3A_1931 = arith.addi %mul3A_617, %add3A_1930 : i32
      %get3A_1932 = arith.index_cast %add3A_1931 : i32 to index
      %get3A_1933 = arith.constant 32 : index
      %get3A_1934 = tpu.vector_load %arg20[%get3A_1932, %get3A_1933] {strides = array<i32>} : memref<512x64xf32, #tpu.memory_space<vmem>>, vector<16xf32>,
      %add3A_1935 = arith.constant 14 : i32
      %add3A_1936 = arith.addi %mul3A_617, %add3A_1935 : i32
      %get3A_1937 = arith.index_cast %add3A_1936 : i32 to index
      %get3A_1938 = arith.constant 48 : index
      %get3A_1939 = tpu.vector_load %arg20[%get3A_1937, %get3A_1938] {strides = array<i32>} : memref<512x64xf32, #tpu.memory_space<vmem>>, vector<16xf32>,
      %add3A_1940 = arith.constant 14 : i32
      %add3A_1941 = arith.addi %mul3A_617, %add3A_1940 : i32
      %get3A_1942 = arith.index_cast %add3A_1941 : i32 to index
      %get3A_1943 = arith.constant 0 : index
      %get3A_1944 = tpu.vector_load %arg22[%get3A_1942, %get3A_1943] {strides = array<i32>} : memref<512x64xf32, #tpu.memory_space<vmem>>, vector<16xf32>,
      %add3A_1945 = arith.constant 14 : i32
      %add3A_1946 = arith.addi %mul3A_617, %add3A_1945 : i32
      %get3A_1947 = arith.index_cast %add3A_1946 : i32 to index
      %get3A_1948 = arith.constant 16 : index
      %get3A_1949 = tpu.vector_load %arg22[%get3A_1947, %get3A_1948] {strides = array<i32>} : memref<512x64xf32, #tpu.memory_space<vmem>>, vector<16xf32>,
      %add3A_1950 = arith.constant 14 : i32
      %add3A_1951 = arith.addi %mul3A_617, %add3A_1950 : i32
      %get3A_1952 = arith.index_cast %add3A_1951 : i32 to index
      %get3A_1953 = arith.constant 32 : index
      %get3A_1954 = tpu.vector_load %arg22[%get3A_1952, %get3A_1953] {strides = array<i32>} : memref<512x64xf32, #tpu.memory_space<vmem>>, vector<16xf32>,
      %add3A_1955 = arith.constant 14 : i32
      %add3A_1956 = arith.addi %mul3A_617, %add3A_1955 : i32
      %get3A_1957 = arith.index_cast %add3A_1956 : i32 to index
      %get3A_1958 = arith.constant 48 : index
      %get3A_1959 = tpu.vector_load %arg22[%get3A_1957, %get3A_1958] {strides = array<i32>} : memref<512x64xf32, #tpu.memory_space<vmem>>, vector<16xf32>,
      %add3A_1960 = arith.constant 14 : i32
      %add3A_1961 = arith.addi %mul3A_617, %add3A_1960 : i32
      %get3A_1962 = arith.index_cast %add3A_1961 : i32 to index
      %get3A_1963 = arith.constant 0 : index
      %get3A_1964 = tpu.vector_load %arg21[%get3A_1962, %get3A_1963] {strides = array<i32>} : memref<512x64xf32, #tpu.memory_space<vmem>>, vector<16xf32>,
      %add3A_1965 = arith.constant 14 : i32
      %add3A_1966 = arith.addi %mul3A_617, %add3A_1965 : i32
      %get3A_1967 = arith.index_cast %add3A_1966 : i32 to index
      %get3A_1968 = arith.constant 16 : index
      %get3A_1969 = tpu.vector_load %arg21[%get3A_1967, %get3A_1968] {strides = array<i32>} : memref<512x64xf32, #tpu.memory_space<vmem>>, vector<16xf32>,
      %add3A_1970 = arith.constant 14 : i32
      %add3A_1971 = arith.addi %mul3A_617, %add3A_1970 : i32
      %get3A_1972 = arith.index_cast %add3A_1971 : i32 to index
      %get3A_1973 = arith.constant 32 : index
      %get3A_1974 = tpu.vector_load %arg21[%get3A_1972, %get3A_1973] {strides = array<i32>} : memref<512x64xf32, #tpu.memory_space<vmem>>, vector<16xf32>,
      %add3A_1975 = arith.constant 14 : i32
      %add3A_1976 = arith.addi %mul3A_617, %add3A_1975 : i32
      %get3A_1977 = arith.index_cast %add3A_1976 : i32 to index
      %get3A_1978 = arith.constant 48 : index
      %get3A_1979 = tpu.vector_load %arg21[%get3A_1977, %get3A_1978] {strides = array<i32>} : memref<512x64xf32, #tpu.memory_space<vmem>>, vector<16xf32>,
      %add3A_1980 = arith.addf %get3A_1924, %get3A_1944 : vector<16xf32>
      %add3A_1981 = arith.constant 14 : i32
      %add3A_1982 = arith.addi %mul3A_617, %add3A_1981 : i32
      %swap3A_1983 = arith.index_cast %add3A_1982 : i32 to index
      %swap3A_1984 = arith.constant 0 : index
      %swap3A_1985 = tpu.vector_load %arg20[%swap3A_1983, %swap3A_1984] {strides = array<i32>} : memref<512x64xf32, #tpu.memory_space<vmem>>, vector<16xf32>,
      tpu.vector_store %arg20[%swap3A_1983, %swap3A_1984], %add3A_1980 {strides = array<i32>} : memref<512x64xf32, #tpu.memory_space<vmem>>, vector<16xf32>,
      %mul3A_1986 = arith.mulf %add3A_1980, %get3A_1964 : vector<16xf32>
      %add3A_1987 = arith.addf %get3A_1929, %get3A_1949 : vector<16xf32>
      %add3A_1988 = arith.constant 14 : i32
      %add3A_1989 = arith.addi %mul3A_617, %add3A_1988 : i32
      %swap3A_1990 = arith.index_cast %add3A_1989 : i32 to index
      %swap3A_1991 = arith.constant 16 : index
      %swap3A_1992 = tpu.vector_load %arg20[%swap3A_1990, %swap3A_1991] {strides = array<i32>} : memref<512x64xf32, #tpu.memory_space<vmem>>, vector<16xf32>,
      tpu.vector_store %arg20[%swap3A_1990, %swap3A_1991], %add3A_1987 {strides = array<i32>} : memref<512x64xf32, #tpu.memory_space<vmem>>, vector<16xf32>,
      %mul3A_1993 = arith.mulf %add3A_1987, %get3A_1969 : vector<16xf32>
      %add3A_1994 = arith.addf %mul3A_1986, %mul3A_1993 : vector<16xf32>
      %add3A_1995 = arith.addf %get3A_1934, %get3A_1954 : vector<16xf32>
      %add3A_1996 = arith.constant 14 : i32
      %add3A_1997 = arith.addi %mul3A_617, %add3A_1996 : i32
      %swap3A_1998 = arith.index_cast %add3A_1997 : i32 to index
      %swap3A_1999 = arith.constant 32 : index
      %swap3A_2000 = tpu.vector_load %arg20[%swap3A_1998, %swap3A_1999] {strides = array<i32>} : memref<512x64xf32, #tpu.memory_space<vmem>>, vector<16xf32>,
      tpu.vector_store %arg20[%swap3A_1998, %swap3A_1999], %add3A_1995 {strides = array<i32>} : memref<512x64xf32, #tpu.memory_space<vmem>>, vector<16xf32>,
      %mul3A_2001 = arith.mulf %add3A_1995, %get3A_1974 : vector<16xf32>
      %add3A_2002 = arith.addf %add3A_1994, %mul3A_2001 : vector<16xf32>
      %add3A_2003 = arith.addf %get3A_1939, %get3A_1959 : vector<16xf32>
      %add3A_2004 = arith.constant 14 : i32
      %add3A_2005 = arith.addi %mul3A_617, %add3A_2004 : i32
      %swap3A_2006 = arith.index_cast %add3A_2005 : i32 to index
      %swap3A_2007 = arith.constant 48 : index
      %swap3A_2008 = tpu.vector_load %arg20[%swap3A_2006, %swap3A_2007] {strides = array<i32>} : memref<512x64xf32, #tpu.memory_space<vmem>>, vector<16xf32>,
      tpu.vector_store %arg20[%swap3A_2006, %swap3A_2007], %add3A_2003 {strides = array<i32>} : memref<512x64xf32, #tpu.memory_space<vmem>>, vector<16xf32>,
      %mul3A_2009 = arith.mulf %add3A_2003, %get3A_1979 : vector<16xf32>
      %add3A_2010 = arith.addf %add3A_2002, %mul3A_2009 : vector<16xf32>
      %swap3A_2011 = arith.constant 238 : index
      %swap3A_2012 = tpu.vector_load %arg27[%swap3A_2011] {strides = array<i32>} : memref<272xf32, #tpu.memory_space<vmem>>, vector<16xf32>,
      tpu.vector_store %arg27[%swap3A_2011], %add3A_2010 {strides = array<i32>} : memref<272xf32, #tpu.memory_space<vmem>>, vector<16xf32>,
      %add3A_2013 = arith.constant 15 : i32
      %add3A_2014 = arith.addi %mul3A_617, %add3A_2013 : i32
      %get3A_2015 = arith.index_cast %add3A_2014 : i32 to index
      %get3A_2016 = arith.constant 0 : index
      %get3A_2017 = tpu.vector_load %arg20[%get3A_2015, %get3A_2016] {strides = array<i32>} : memref<512x64xf32, #tpu.memory_space<vmem>>, vector<16xf32>,
      %add3A_2018 = arith.constant 15 : i32
      %add3A_2019 = arith.addi %mul3A_617, %add3A_2018 : i32
      %get3A_2020 = arith.index_cast %add3A_2019 : i32 to index
      %get3A_2021 = arith.constant 16 : index
      %get3A_2022 = tpu.vector_load %arg20[%get3A_2020, %get3A_2021] {strides = array<i32>} : memref<512x64xf32, #tpu.memory_space<vmem>>, vector<16xf32>,
      %add3A_2023 = arith.constant 15 : i32
      %add3A_2024 = arith.addi %mul3A_617, %add3A_2023 : i32
      %get3A_2025 = arith.index_cast %add3A_2024 : i32 to index
      %get3A_2026 = arith.constant 32 : index
      %get3A_2027 = tpu.vector_load %arg20[%get3A_2025, %get3A_2026] {strides = array<i32>} : memref<512x64xf32, #tpu.memory_space<vmem>>, vector<16xf32>,
      %add3A_2028 = arith.constant 15 : i32
      %add3A_2029 = arith.addi %mul3A_617, %add3A_2028 : i32
      %get3A_2030 = arith.index_cast %add3A_2029 : i32 to index
      %get3A_2031 = arith.constant 48 : index
      %get3A_2032 = tpu.vector_load %arg20[%get3A_2030, %get3A_2031] {strides = array<i32>} : memref<512x64xf32, #tpu.memory_space<vmem>>, vector<16xf32>,
      %add3A_2033 = arith.constant 15 : i32
      %add3A_2034 = arith.addi %mul3A_617, %add3A_2033 : i32
      %get3A_2035 = arith.index_cast %add3A_2034 : i32 to index
      %get3A_2036 = arith.constant 0 : index
      %get3A_2037 = tpu.vector_load %arg22[%get3A_2035, %get3A_2036] {strides = array<i32>} : memref<512x64xf32, #tpu.memory_space<vmem>>, vector<16xf32>,
      %add3A_2038 = arith.constant 15 : i32
      %add3A_2039 = arith.addi %mul3A_617, %add3A_2038 : i32
      %get3A_2040 = arith.index_cast %add3A_2039 : i32 to index
      %get3A_2041 = arith.constant 16 : index
      %get3A_2042 = tpu.vector_load %arg22[%get3A_2040, %get3A_2041] {strides = array<i32>} : memref<512x64xf32, #tpu.memory_space<vmem>>, vector<16xf32>,
      %add3A_2043 = arith.constant 15 : i32
      %add3A_2044 = arith.addi %mul3A_617, %add3A_2043 : i32
      %get3A_2045 = arith.index_cast %add3A_2044 : i32 to index
      %get3A_2046 = arith.constant 32 : index
      %get3A_2047 = tpu.vector_load %arg22[%get3A_2045, %get3A_2046] {strides = array<i32>} : memref<512x64xf32, #tpu.memory_space<vmem>>, vector<16xf32>,
      %add3A_2048 = arith.constant 15 : i32
      %add3A_2049 = arith.addi %mul3A_617, %add3A_2048 : i32
      %get3A_2050 = arith.index_cast %add3A_2049 : i32 to index
      %get3A_2051 = arith.constant 48 : index
      %get3A_2052 = tpu.vector_load %arg22[%get3A_2050, %get3A_2051] {strides = array<i32>} : memref<512x64xf32, #tpu.memory_space<vmem>>, vector<16xf32>,
      %add3A_2053 = arith.constant 15 : i32
      %add3A_2054 = arith.addi %mul3A_617, %add3A_2053 : i32
      %get3A_2055 = arith.index_cast %add3A_2054 : i32 to index
      %get3A_2056 = arith.constant 0 : index
      %get3A_2057 = tpu.vector_load %arg21[%get3A_2055, %get3A_2056] {strides = array<i32>} : memref<512x64xf32, #tpu.memory_space<vmem>>, vector<16xf32>,
      %add3A_2058 = arith.constant 15 : i32
      %add3A_2059 = arith.addi %mul3A_617, %add3A_2058 : i32
      %get3A_2060 = arith.index_cast %add3A_2059 : i32 to index
      %get3A_2061 = arith.constant 16 : index
      %get3A_2062 = tpu.vector_load %arg21[%get3A_2060, %get3A_2061] {strides = array<i32>} : memref<512x64xf32, #tpu.memory_space<vmem>>, vector<16xf32>,
      %add3A_2063 = arith.constant 15 : i32
      %add3A_2064 = arith.addi %mul3A_617, %add3A_2063 : i32
      %get3A_2065 = arith.index_cast %add3A_2064 : i32 to index
      %get3A_2066 = arith.constant 32 : index
      %get3A_2067 = tpu.vector_load %arg21[%get3A_2065, %get3A_2066] {strides = array<i32>} : memref<512x64xf32, #tpu.memory_space<vmem>>, vector<16xf32>,
      %add3A_2068 = arith.constant 15 : i32
      %add3A_2069 = arith.addi %mul3A_617, %add3A_2068 : i32
      %get3A_2070 = arith.index_cast %add3A_2069 : i32 to index
      %get3A_2071 = arith.constant 48 : index
      %get3A_2072 = tpu.vector_load %arg21[%get3A_2070, %get3A_2071] {strides = array<i32>} : memref<512x64xf32, #tpu.memory_space<vmem>>, vector<16xf32>,
      %add3A_2073 = arith.addf %get3A_2017, %get3A_2037 : vector<16xf32>
      %add3A_2074 = arith.constant 15 : i32
      %add3A_2075 = arith.addi %mul3A_617, %add3A_2074 : i32
      %swap3A_2076 = arith.index_cast %add3A_2075 : i32 to index
      %swap3A_2077 = arith.constant 0 : index
      %swap3A_2078 = tpu.vector_load %arg20[%swap3A_2076, %swap3A_2077] {strides = array<i32>} : memref<512x64xf32, #tpu.memory_space<vmem>>, vector<16xf32>,
      tpu.vector_store %arg20[%swap3A_2076, %swap3A_2077], %add3A_2073 {strides = array<i32>} : memref<512x64xf32, #tpu.memory_space<vmem>>, vector<16xf32>,
      %mul3A_2079 = arith.mulf %add3A_2073, %get3A_2057 : vector<16xf32>
      %add3A_2080 = arith.addf %get3A_2022, %get3A_2042 : vector<16xf32>
      %add3A_2081 = arith.constant 15 : i32
      %add3A_2082 = arith.addi %mul3A_617, %add3A_2081 : i32
      %swap3A_2083 = arith.index_cast %add3A_2082 : i32 to index
      %swap3A_2084 = arith.constant 16 : index
      %swap3A_2085 = tpu.vector_load %arg20[%swap3A_2083, %swap3A_2084] {strides = array<i32>} : memref<512x64xf32, #tpu.memory_space<vmem>>, vector<16xf32>,
      tpu.vector_store %arg20[%swap3A_2083, %swap3A_2084], %add3A_2080 {strides = array<i32>} : memref<512x64xf32, #tpu.memory_space<vmem>>, vector<16xf32>,
      %mul3A_2086 = arith.mulf %add3A_2080, %get3A_2062 : vector<16xf32>
      %add3A_2087 = arith.addf %mul3A_2079, %mul3A_2086 : vector<16xf32>
      %add3A_2088 = arith.addf %get3A_2027, %get3A_2047 : vector<16xf32>
      %add3A_2089 = arith.constant 15 : i32
      %add3A_2090 = arith.addi %mul3A_617, %add3A_2089 : i32
      %swap3A_2091 = arith.index_cast %add3A_2090 : i32 to index
      %swap3A_2092 = arith.constant 32 : index
      %swap3A_2093 = tpu.vector_load %arg20[%swap3A_2091, %swap3A_2092] {strides = array<i32>} : memref<512x64xf32, #tpu.memory_space<vmem>>, vector<16xf32>,
      tpu.vector_store %arg20[%swap3A_2091, %swap3A_2092], %add3A_2088 {strides = array<i32>} : memref<512x64xf32, #tpu.memory_space<vmem>>, vector<16xf32>,
      %mul3A_2094 = arith.mulf %add3A_2088, %get3A_2067 : vector<16xf32>
      %add3A_2095 = arith.addf %add3A_2087, %mul3A_2094 : vector<16xf32>
      %add3A_2096 = arith.addf %get3A_2032, %get3A_2052 : vector<16xf32>
      %add3A_2097 = arith.constant 15 : i32
      %add3A_2098 = arith.addi %mul3A_617, %add3A_2097 : i32
      %swap3A_2099 = arith.index_cast %add3A_2098 : i32 to index
      %swap3A_2100 = arith.constant 48 : index
      %swap3A_2101 = tpu.vector_load %arg20[%swap3A_2099, %swap3A_2100] {strides = array<i32>} : memref<512x64xf32, #tpu.memory_space<vmem>>, vector<16xf32>,
      tpu.vector_store %arg20[%swap3A_2099, %swap3A_2100], %add3A_2096 {strides = array<i32>} : memref<512x64xf32, #tpu.memory_space<vmem>>, vector<16xf32>,
      %mul3A_2102 = arith.mulf %add3A_2096, %get3A_2072 : vector<16xf32>
      %add3A_2103 = arith.addf %add3A_2095, %mul3A_2102 : vector<16xf32>
      %swap3A_2104 = arith.constant 255 : index
      %swap3A_2105 = tpu.vector_load %arg27[%swap3A_2104] {strides = array<i32>} : memref<272xf32, #tpu.memory_space<vmem>>, vector<16xf32>,
      tpu.vector_store %arg27[%swap3A_2104], %add3A_2103 {strides = array<i32>} : memref<272xf32, #tpu.memory_space<vmem>>, vector<16xf32>,
      %get3A_2106 = arith.index_cast %mul3A_617 : i32 to index
      %get3A_2107 = tpu.vector_load %arg23[%get3A_2106] {strides = array<i32>} : memref<512xf32, #tpu.memory_space<vmem>>, vector<16xf32>,
      %get3A_2108 = arith.index_cast %mul3A_617 : i32 to index
      %get3A_2109 = tpu.vector_load %arg24[%get3A_2108] {strides = array<i32>} : memref<512xf32, #tpu.memory_space<vmem>>, vector<16xf32>,
      %add3A_2110 = arith.addf %get3A_2107, %get3A_2109 : vector<16xf32>
      %add3A_2111 = arith.constant 0 : i32
      %add3A_2112 = vector.broadcast %add3A_2111 : i32 to vector<16xi32>
      %add3A_2113 = arith.addi %mul3A_608, %add3A_2112 : vector<16xi32>
      %gather3A = tpu.vector_load_idx %arg27[%add3A_2113] : memref<272xf32, #tpu.memory_space<vmem>>[vector<16xi32>], vector<16xf32>,
      %add3A_2114 = arith.addf %add3A_2110, %gather3A : vector<16xf32>
      %add3A_2115 = arith.constant 1 : i32
      %add3A_2116 = vector.broadcast %add3A_2115 : i32 to vector<16xi32>
      %add3A_2117 = arith.addi %mul3A_608, %add3A_2116 : vector<16xi32>
      %gather3A_2118 = tpu.vector_load_idx %arg27[%add3A_2117] : memref<272xf32, #tpu.memory_space<vmem>>[vector<16xi32>], vector<16xf32>,
      %add3A_2119 = arith.addf %add3A_2114, %gather3A_2118 : vector<16xf32>
      %add3A_2120 = arith.constant 2 : i32
      %add3A_2121 = vector.broadcast %add3A_2120 : i32 to vector<16xi32>
      %add3A_2122 = arith.addi %mul3A_608, %add3A_2121 : vector<16xi32>
      %gather3A_2123 = tpu.vector_load_idx %arg27[%add3A_2122] : memref<272xf32, #tpu.memory_space<vmem>>[vector<16xi32>], vector<16xf32>,
      %add3A_2124 = arith.addf %add3A_2119, %gather3A_2123 : vector<16xf32>
      %add3A_2125 = arith.constant 3 : i32
      %add3A_2126 = vector.broadcast %add3A_2125 : i32 to vector<16xi32>
      %add3A_2127 = arith.addi %mul3A_608, %add3A_2126 : vector<16xi32>
      %gather3A_2128 = tpu.vector_load_idx %arg27[%add3A_2127] : memref<272xf32, #tpu.memory_space<vmem>>[vector<16xi32>], vector<16xf32>,
      %add3A_2129 = arith.addf %add3A_2124, %gather3A_2128 : vector<16xf32>
      %add3A_2130 = arith.constant 4 : i32
      %add3A_2131 = vector.broadcast %add3A_2130 : i32 to vector<16xi32>
      %add3A_2132 = arith.addi %mul3A_608, %add3A_2131 : vector<16xi32>
      %gather3A_2133 = tpu.vector_load_idx %arg27[%add3A_2132] : memref<272xf32, #tpu.memory_space<vmem>>[vector<16xi32>], vector<16xf32>,
      %add3A_2134 = arith.addf %add3A_2129, %gather3A_2133 : vector<16xf32>
      %add3A_2135 = arith.constant 5 : i32
      %add3A_2136 = vector.broadcast %add3A_2135 : i32 to vector<16xi32>
      %add3A_2137 = arith.addi %mul3A_608, %add3A_2136 : vector<16xi32>
      %gather3A_2138 = tpu.vector_load_idx %arg27[%add3A_2137] : memref<272xf32, #tpu.memory_space<vmem>>[vector<16xi32>], vector<16xf32>,
      %add3A_2139 = arith.addf %add3A_2134, %gather3A_2138 : vector<16xf32>
      %add3A_2140 = arith.constant 6 : i32
      %add3A_2141 = vector.broadcast %add3A_2140 : i32 to vector<16xi32>
      %add3A_2142 = arith.addi %mul3A_608, %add3A_2141 : vector<16xi32>
      %gather3A_2143 = tpu.vector_load_idx %arg27[%add3A_2142] : memref<272xf32, #tpu.memory_space<vmem>>[vector<16xi32>], vector<16xf32>,
      %add3A_2144 = arith.addf %add3A_2139, %gather3A_2143 : vector<16xf32>
      %add3A_2145 = arith.constant 7 : i32
      %add3A_2146 = vector.broadcast %add3A_2145 : i32 to vector<16xi32>
      %add3A_2147 = arith.addi %mul3A_608, %add3A_2146 : vector<16xi32>
      %gather3A_2148 = tpu.vector_load_idx %arg27[%add3A_2147] : memref<272xf32, #tpu.memory_space<vmem>>[vector<16xi32>], vector<16xf32>,
      %add3A_2149 = arith.addf %add3A_2144, %gather3A_2148 : vector<16xf32>
      %add3A_2150 = arith.constant 8 : i32
      %add3A_2151 = vector.broadcast %add3A_2150 : i32 to vector<16xi32>
      %add3A_2152 = arith.addi %mul3A_608, %add3A_2151 : vector<16xi32>
      %gather3A_2153 = tpu.vector_load_idx %arg27[%add3A_2152] : memref<272xf32, #tpu.memory_space<vmem>>[vector<16xi32>], vector<16xf32>,
      %add3A_2154 = arith.addf %add3A_2149, %gather3A_2153 : vector<16xf32>
      %add3A_2155 = arith.constant 9 : i32
      %add3A_2156 = vector.broadcast %add3A_2155 : i32 to vector<16xi32>
      %add3A_2157 = arith.addi %mul3A_608, %add3A_2156 : vector<16xi32>
      %gather3A_2158 = tpu.vector_load_idx %arg27[%add3A_2157] : memref<272xf32, #tpu.memory_space<vmem>>[vector<16xi32>], vector<16xf32>,
      %add3A_2159 = arith.addf %add3A_2154, %gather3A_2158 : vector<16xf32>
      %add3A_2160 = arith.constant 10 : i32
      %add3A_2161 = vector.broadcast %add3A_2160 : i32 to vector<16xi32>
      %add3A_2162 = arith.addi %mul3A_608, %add3A_2161 : vector<16xi32>
      %gather3A_2163 = tpu.vector_load_idx %arg27[%add3A_2162] : memref<272xf32, #tpu.memory_space<vmem>>[vector<16xi32>], vector<16xf32>,
      %add3A_2164 = arith.addf %add3A_2159, %gather3A_2163 : vector<16xf32>
      %add3A_2165 = arith.constant 11 : i32
      %add3A_2166 = vector.broadcast %add3A_2165 : i32 to vector<16xi32>
      %add3A_2167 = arith.addi %mul3A_608, %add3A_2166 : vector<16xi32>
      %gather3A_2168 = tpu.vector_load_idx %arg27[%add3A_2167] : memref<272xf32, #tpu.memory_space<vmem>>[vector<16xi32>], vector<16xf32>,
      %add3A_2169 = arith.addf %add3A_2164, %gather3A_2168 : vector<16xf32>
      %add3A_2170 = arith.constant 12 : i32
      %add3A_2171 = vector.broadcast %add3A_2170 : i32 to vector<16xi32>
      %add3A_2172 = arith.addi %mul3A_608, %add3A_2171 : vector<16xi32>
      %gather3A_2173 = tpu.vector_load_idx %arg27[%add3A_2172] : memref<272xf32, #tpu.memory_space<vmem>>[vector<16xi32>], vector<16xf32>,
      %add3A_2174 = arith.addf %add3A_2169, %gather3A_2173 : vector<16xf32>
      %add3A_2175 = arith.constant 13 : i32
      %add3A_2176 = vector.broadcast %add3A_2175 : i32 to vector<16xi32>
      %add3A_2177 = arith.addi %mul3A_608, %add3A_2176 : vector<16xi32>
      %gather3A_2178 = tpu.vector_load_idx %arg27[%add3A_2177] : memref<272xf32, #tpu.memory_space<vmem>>[vector<16xi32>], vector<16xf32>,
      %add3A_2179 = arith.addf %add3A_2174, %gather3A_2178 : vector<16xf32>
      %add3A_2180 = arith.constant 14 : i32
      %add3A_2181 = vector.broadcast %add3A_2180 : i32 to vector<16xi32>
      %add3A_2182 = arith.addi %mul3A_608, %add3A_2181 : vector<16xi32>
      %gather3A_2183 = tpu.vector_load_idx %arg27[%add3A_2182] : memref<272xf32, #tpu.memory_space<vmem>>[vector<16xi32>], vector<16xf32>,
      %add3A_2184 = arith.addf %add3A_2179, %gather3A_2183 : vector<16xf32>
      %add3A_2185 = arith.constant 15 : i32
      %add3A_2186 = vector.broadcast %add3A_2185 : i32 to vector<16xi32>
      %add3A_2187 = arith.addi %mul3A_608, %add3A_2186 : vector<16xi32>
      %gather3A_2188 = tpu.vector_load_idx %arg27[%add3A_2187] : memref<272xf32, #tpu.memory_space<vmem>>[vector<16xi32>], vector<16xf32>,
      %add3A_2189 = arith.addf %add3A_2184, %gather3A_2188 : vector<16xf32>
      %swap3A_2190 = arith.index_cast %mul3A_617 : i32 to index
      %swap3A_2191 = tpu.vector_load %arg28[%swap3A_2190] {strides = array<i32>} : memref<512xf32, #tpu.memory_space<vmem>>, vector<16xf32>,
      tpu.vector_store %arg28[%swap3A_2190], %add3A_2189 {strides = array<i32>} : memref<512xf32, #tpu.memory_space<vmem>>, vector<16xf32>,
    }
    %scan3A_614 = arith.constant 32 : i32
    "tpu.region"() ({
      %run_scoped3A = tpu.sem_alloc : memref<!tpu.dma_semaphore, #tpu.memory_space<semaphore_mem>>
      %dma_start3A_615 = arith.constant 0 : i32
      %dma_start3A_616 = tpu.memref_slice %arg12[%mul3A_2, %dma_start3A_615] : memref<16384x64xf32, #tpu.memory_space<hbm>> -> memref<512x64xf32, #tpu.memory_space<hbm>>
      %dma_start3A_617 = arith.constant 0 : i32
      %dma_start3A_618 = tpu.memref_slice %arg12[%mul3A_2, %dma_start3A_617] : memref<16384x64xf32, #tpu.memory_space<hbm>> -> memref<512x64xf32, #tpu.memory_space<hbm>>
      tpu.enqueue_dma source(%arg20 : memref<512x64xf32, #tpu.memory_space<vmem>>) target(%dma_start3A_618 : memref<512x64xf32, #tpu.memory_space<hbm>>) target_semaphore(%run_scoped3A : memref<!tpu.dma_semaphore, #tpu.memory_space<semaphore_mem>>)
      %dma_wait3A_619 = arith.constant 0 : i32
      %dma_wait3A_620 = tpu.memref_slice %arg12[%mul3A_2, %dma_wait3A_619] : memref<16384x64xf32, #tpu.memory_space<hbm>> -> memref<512x64xf32, #tpu.memory_space<hbm>>
      %dma_wait3A_621 = arith.constant 0 : i32
      %dma_wait3A_622 = tpu.memref_slice %arg12[%mul3A_2, %dma_wait3A_621] : memref<16384x64xf32, #tpu.memory_space<hbm>> -> memref<512x64xf32, #tpu.memory_space<hbm>>
      tpu.wait_dma2 semaphore(%run_scoped3A : memref<!tpu.dma_semaphore, #tpu.memory_space<semaphore_mem>>) src(%arg20 : memref<512x64xf32, #tpu.memory_space<vmem>>) dst(%dma_wait3A_622 : memref<512x64xf32, #tpu.memory_space<hbm>>)
      tpu.yield
    }) : () -> ()
    "tpu.region"() ({
      %run_scoped3A = tpu.sem_alloc : memref<!tpu.dma_semaphore, #tpu.memory_space<semaphore_mem>>
      %dma_start3A_615 = tpu.memref_slice %arg13[%mul3A_2] : memref<16384xf32, #tpu.memory_space<hbm>> -> memref<512xf32, #tpu.memory_space<hbm>>
      %dma_start3A_616 = tpu.memref_slice %arg13[%mul3A_2] : memref<16384xf32, #tpu.memory_space<hbm>> -> memref<512xf32, #tpu.memory_space<hbm>>
      tpu.enqueue_dma source(%arg28 : memref<512xf32, #tpu.memory_space<vmem>>) target(%dma_start3A_616 : memref<512xf32, #tpu.memory_space<hbm>>) target_semaphore(%run_scoped3A : memref<!tpu.dma_semaphore, #tpu.memory_space<semaphore_mem>>)
      %dma_wait3A_617 = tpu.memref_slice %arg13[%mul3A_2] : memref<16384xf32, #tpu.memory_space<hbm>> -> memref<512xf32, #tpu.memory_space<hbm>>
      %dma_wait3A_618 = tpu.memref_slice %arg13[%mul3A_2] : memref<16384xf32, #tpu.memory_space<hbm>> -> memref<512xf32, #tpu.memory_space<hbm>>
      tpu.wait_dma2 semaphore(%run_scoped3A : memref<!tpu.dma_semaphore, #tpu.memory_space<semaphore_mem>>) src(%arg28 : memref<512xf32, #tpu.memory_space<vmem>>) dst(%dma_wait3A_618 : memref<512xf32, #tpu.memory_space<hbm>>)
      tpu.yield
    }) : () -> ()
    return
  }
}

module attributes {stable_mosaic.version = 14 : i64} {
  func.func @_tc_body(%arg0: i32, %arg1: memref<1xf32, #tpu.memory_space<smem>>, %arg2: memref<2048x64xf32, #tpu.memory_space<vmem>>, %arg3: memref<2048x19xf32, #tpu.memory_space<vmem>>, %arg4: memref<64x19xf32, #tpu.memory_space<vmem>>, %arg5: memref<2048xf32, #tpu.memory_space<vmem>>, %arg6: memref<2048xf32, #tpu.memory_space<vmem>>) attributes {dimension_semantics = [#tpu.dimension_semantics<arbitrary>], iteration_bounds = array<i64: 8>, scalar_prefetch = 0 : i64, scratch_operands = 0 : i64, tpu.core_type = #tpu.core_type<tc>, window_params = [{transform_indices = @transform_0, window_bounds = array<i64: 1>}, {transform_indices = @transform_1, window_bounds = array<i64: 2048, 64>}, {transform_indices = @transform_2, window_bounds = array<i64: 2048, 19>}, {pipeline_mode = #tpu.pipeline_mode<synchronous>, transform_indices = @transform_3, window_bounds = array<i64: 64, 19>}, {transform_indices = @transform_4, window_bounds = array<i64: 2048>}, {transform_indices = @transform_5, window_bounds = array<i64: 2048>}]} {
    %get3A = arith.constant 0 : index
    %get3A_0 = arith.constant 0 : index
    %get3A_1 = vector.load %arg2[%get3A, %get3A_0] : memref<2048x64xf32, #tpu.memory_space<vmem>>, vector<2048x64xf32>
    %get3A_2 = arith.constant 0 : index
    %get3A_3 = arith.constant 0 : index
    %get3A_4 = vector.load %arg4[%get3A_2, %get3A_3] : memref<64x19xf32, #tpu.memory_space<vmem>>, vector<64x19xf32>
    %dot_general3A = arith.constant dense<0.000000e+00> : vector<2048x19xf32>
    %dot_general3A_5 = tpu.matmul %get3A_1, %get3A_4, %dot_general3A {dimension_numbers = #tpu.dot_dimension_numbers<[1], [0], [0], [1], [0, 0, 1, 1], [], []>, transpose_lhs_hint = false} : vector<2048x64xf32>, vector<64x19xf32>, vector<2048x19xf32> -> vector<2048x19xf32>
    %get3A_6 = arith.constant 0 : index
    %get3A_7 = vector.load %arg5[%get3A_6] : memref<2048xf32, #tpu.memory_space<vmem>>, vector<2048xf32>
    %get3A_8 = arith.constant 0 : index
    %get3A_9 = memref.load %arg1[%get3A_8] : memref<1xf32, #tpu.memory_space<smem>>
    %add3A = vector.broadcast %get3A_9 : f32 to vector<2048xf32>
    %add3A_10 = arith.addf %get3A_7, %add3A : vector<2048xf32>
    %get3A_11 = arith.constant 0 : index
    %get3A_12 = arith.constant 0 : index
    %get3A_13 = vector.load %arg3[%get3A_11, %get3A_12] : memref<2048x19xf32, #tpu.memory_space<vmem>>, vector<2048x19xf32>
    %mul3A = arith.mulf %dot_general3A_5, %get3A_13 : vector<2048x19xf32>
    %reduce_sum3A = arith.constant dense<0.000000e+00> : vector<2048xf32>
    %reduce_sum3A_14 = vector.multi_reduction <add>, %mul3A, %reduce_sum3A [1] : vector<2048x19xf32> to vector<2048xf32>
    %add3A_15 = arith.addf %add3A_10, %reduce_sum3A_14 : vector<2048xf32>
    %swap3A = arith.constant 0 : index
    %swap3A_16 = vector.load %arg6[%swap3A] : memref<2048xf32, #tpu.memory_space<vmem>>, vector<2048xf32>
    tpu.vector_store %arg6[%swap3A], %add3A_15 {strides = array<i32>} : memref<2048xf32, #tpu.memory_space<vmem>>, vector<2048xf32>,
    return
  }
  func.func @transform_0(%arg0: i32) -> i32 {
    %c0_i32 = arith.constant 0 : i32
    %c0_i32_0 = arith.constant 0 : i32
    return %c0_i32 : i32
  }
  func.func @transform_1(%arg0: i32) -> (i32, i32) {
    %c0_i32 = arith.constant 0 : i32
    %c0_i32_0 = arith.constant 0 : i32
    return %arg0, %c0_i32 : i32, i32
  }
  func.func @transform_2(%arg0: i32) -> (i32, i32) {
    %c0_i32 = arith.constant 0 : i32
    %c0_i32_0 = arith.constant 0 : i32
    return %arg0, %c0_i32 : i32, i32
  }
  func.func @transform_3(%arg0: i32) -> (i32, i32) {
    %c0_i32 = arith.constant 0 : i32
    %c0_i32_0 = arith.constant 0 : i32
    %c0_i32_1 = arith.constant 0 : i32
    return %c0_i32, %c0_i32_0 : i32, i32
  }
  func.func @transform_4(%arg0: i32) -> i32 {
    %c0_i32 = arith.constant 0 : i32
    return %arg0 : i32
  }
  func.func @transform_5(%arg0: i32) -> i32 {
    %c0_i32 = arith.constant 0 : i32
    return %arg0 : i32
  }
}

</mosaic_0001>

<sc_bundles>
// kernel: kernel.4.cloned.1.call-start
scs
__scs_entry_jumppad:
0x0: {  	(pc) =	sbr.rel $0x88, $3  }
0x1: {  	(tag) =	ssettag $0x0;
	lr =	simm.s32 $0x1  }
0x2: {  	[smem:$0x3F92] =	sst lr;
	_ =	strace $0xD0000000  }
0x3: {  	_ = 	snop  }
0x4: {  	_ = 	snop  }
0x5: {  	_ = 	snop  }
0x6: {  	_ = 	snop  }
0x7: {  	_ = 	snop  }
__scs_overlays_trampoline_lowered:
0x8: {  	[smem:$0x3FA1] =	sst s0  }
0x9: {  	[smem:$0x3FA2] =	sst s1  }
0xa: {  	[smem:$0x3FA3] =	sst s2  }
0xb: {  	[smem:$0x3FA4] =	sst s3  }
0xc: {  	[smem:$0x3FA5] =	sst s4  }
0xd: {  	[smem:$0x3FA6] =	sst s5  }
0xe: {  	[smem:$0x3FA7] =	sst s6  }
0xf: {  	[smem:$0x3FA8] =	sst s7  }
0x10: {  	[smem:$0x3FA9] =	sst s8  }
0x11: {  	[smem:$0x3FAA] =	sst s9;
	s0 =	simm.s32 @!p0 $0x0  }
0x12: {  	s1 =	sld [smem:$0x3F90];
	s0 =	simm.s32 @p0 $0x1  }
0x13: {  	[smem:$0x3FAB] =	sst s0;
	s0 =	simm.s32 @!p1 $0x0  }
0x14: {  	s2 =	sld [smem:$0x3F8F];
	s0 =	simm.s32 @p1 $0x1  }
0x15: {  	[smem:$0x3FAC] =	sst s0;
	s0 =	simm.s32 @!p2 $0x0  }
0x16: {  	s3 =	sld [smem:$0x3FDB];
	s0 =	simm.s32 @p2 $0x1  }
0x17: {  	s4 =	simm.s32 $0x1BF5;
	[smem:$0x3FAE] =	sst s0  }
0x18: {  	s0 =	sld [smem:$0x3F91];
	_ =	swait.ge [sflag:s4], $0x0  }
0x19: {  	s7 =	sld [smem:$0x3F92]  }
0x1a: {  	s8 =	sadd.s32 $0xFFFFE003, lr  }
0x1b: {  	s9 =	sadd.s32 $0xFFFFFEF7, lr;
	s5 =	simm.s32 $0xFFFFFFFF;
	p2 =	slt.u32 s8, $0xFFFFF086  }
0x1c: {  	p1 =	slt.u32 s9, $0xF7A;
	s5 =	simm.s32 @!p2 $0x0  }
0x1d: {  	s5 =	simm.s32 @p1 $0x1;
	p0 =	seq.s32 s7, s2  }
0x1e: {  	s7 =	smul.u32 @!p0 $0xF7A, s2;
	p2 =	seq.s32 @!p0 s5, $0x0  }
0x1f: {  	s9 =	smul.u32 $0xF7A, s1;
	s8 =	simm.s32 @!p0 $0x1BF5;
	p2 =	por !p2, p0  }
0x20: {  	[sflag:s8] =	ssyncset.s32 @!p0 $0xFFFFF086;
	s6 =	sadd.s32 @!p0 s3, s7;
	s7 =	simm.s32 @!p0 $0x108  }
0x21: {  	s3 =	sadd.s32 s3, s9;
	s6 =	sadd.s32 @!p0 $0x88, s6;
	s7 =	simm.s32 @p2 $0x1082  }
0x22: {  	[simem:s7], [sflag:s8] =	dma.local @!p0 [hbm:s6], $0xF7A  }
0x23: {  	s9 =	sor.u32 $0xD0000000, s2;
	s6 =	simm.s32 $0x108;
	_ =	swait.ge @!p0 [sflag:s8], $0x0  }
0x24: {  	s3 =	sadd.s32 $0x88, s3;
	s6 =	simm.s32 @!p1 $0x1082;
	[sflag:s4] =	ssyncset.s32 $0xFFFFF086  }
0x25: {  	[simem:s6], [sflag:s4] =	dma.local [hbm:s3], $0xF7A  }
0x26: {  	[smem:$0x3F92] =	sst s1;
	(tag) =	ssettag s2;
	_ =	strace s9  }
0x27: {  	s1 =	sld [smem:$0x3FA2]  }
0x28: {  	s2 =	sld [smem:$0x3FA3]  }
0x29: {  	s4 =	sld [smem:$0x3FA5]  }
0x2a: {  	p0 =	seq.s32 s5, $0x0;
	s5 =	sld [smem:$0x3FA6]  }
0x2b: {  	s6 =	sld [smem:$0x3FA7]  }
0x2c: {  	s7 =	sld [smem:$0x3FA8]  }
0x2d: {  	s3 =	simm.s32 $0x108;
	s8 =	sld [smem:$0x3FA9]  }
0x2e: {  	s3 =	simm.s32 @!p0 $0x1082;
	s9 =	sld [smem:$0x3FAA]  }
0x2f: {  	lr =	sadd.s32 s0, s3;
	s0 =	sld [smem:$0x3FA1]  }
0x30: {  	s3 =	sld [smem:$0x3FA4]  }
0x31: {  	[smem:$0x3FAD] =	sst s10  }
0x32: {  	s10 =	sld [smem:$0x3FAB];
	_ =	sdelay $0x3  }
0x33: {  	p0 =	seq.s32 s10, $0x1;
	s10 =	sld [smem:$0x3FAD];
	_ =	sdelay $0x3  }
0x34: {  	[smem:$0x3FAD] =	sst s10  }
0x35: {  	s10 =	sld [smem:$0x3FAC];
	_ =	sdelay $0x3  }
0x36: {  	p1 =	seq.s32 s10, $0x1;
	s10 =	sld [smem:$0x3FAD];
	_ =	sdelay $0x3  }
0x37: {  	[smem:$0x3FAD] =	sst s10  }
0x38: {  	s10 =	sld [smem:$0x3FAE]  }
0x39: {  	_ = 	snop;
	(pc) =	sbr.ind lr, $3  }
0x3a: {  	_ = 	snop  }
0x3b: {  	_ = 	snop  }
0x3c: {  	p2 =	seq.s32 s10, $0x1;
	s10 =	sld [smem:$0x3FAD]  }
0x3d: {  	_ =	shalt  }
0x3e: {  	_ =	shalt  }
0x3f: {  	_ =	shalt  }
0x40: {  	_ =	shalt  }
0x41: {  	_ =	shalt  }
0x42: {  	_ =	shalt  }
0x43: {  	_ =	shalt  }
0x44: {  	_ =	shalt  }
0x45: {  	_ =	shalt  }
0x46: {  	_ =	shalt  }
0x47: {  	_ =	shalt  }
0x48: {  	_ =	shalt  }
0x49: {  	_ =	shalt  }
0x4a: {  	_ =	shalt  }
0x4b: {  	_ =	shalt  }
0x4c: {  	_ =	shalt  }
0x4d: {  	_ =	shalt  }
0x4e: {  	_ =	shalt  }
0x4f: {  	_ =	shalt  }
0x50: {  	_ =	shalt  }
0x51: {  	_ =	shalt  }
0x52: {  	_ =	shalt  }
0x53: {  	_ =	shalt  }
0x54: {  	_ =	shalt  }
0x55: {  	_ =	shalt  }
0x56: {  	_ =	shalt  }
0x57: {  	_ =	shalt  }
0x58: {  	_ =	shalt  }
0x59: {  	_ =	shalt  }
0x5a: {  	_ =	shalt  }
0x5b: {  	_ =	shalt  }
0x5c: {  	_ =	shalt  }
0x5d: {  	_ =	shalt  }
0x5e: {  	_ =	shalt  }
0x5f: {  	_ =	shalt  }
0x60: {  	_ =	shalt  }
0x61: {  	_ =	shalt  }
0x62: {  	_ =	shalt  }
0x63: {  	_ =	shalt  }
0x64: {  	_ =	shalt  }
0x65: {  	_ =	shalt  }
0x66: {  	_ =	shalt  }
0x67: {  	_ =	shalt  }
0x68: {  	_ =	shalt  }
0x69: {  	_ =	shalt  }
0x6a: {  	_ =	shalt  }
0x6b: {  	_ =	shalt  }
0x6c: {  	_ =	shalt  }
0x6d: {  	_ =	shalt  }
0x6e: {  	_ =	shalt  }
0x6f: {  	_ =	shalt  }
0x70: {  	_ =	shalt  }
0x71: {  	_ =	shalt  }
0x72: {  	_ =	shalt  }
0x73: {  	_ =	shalt  }
0x74: {  	_ =	shalt  }
0x75: {  	_ =	shalt  }
0x76: {  	_ =	shalt  }
0x77: {  	_ =	shalt  }
0x78: {  	_ =	shalt  }
0x79: {  	_ =	shalt  }
0x7a: {  	_ =	shalt  }
0x7b: {  	_ =	shalt  }
0x7c: {  	_ =	shalt  }
0x7d: {  	_ =	shalt  }
0x7e: {  	_ =	shalt  }
0x7f: {  	_ =	shalt  }
0x80: {  	_ =	shalt  }
0x81: {  	_ =	shalt  }
0x82: {  	_ =	shalt  }
0x83: {  	_ =	shalt  }
0x84: {  	_ =	shalt  }
0x85: {  	_ =	shalt  }
0x86: {  	_ =	shalt  }
0x87: {  	_ =	shalt  }
.Lfunc_end0:
.L_simem_size_0:
called_computation_lowered:
.L_overlay_start_0:
0x88: {  	s2 =	sld [smem:$0x3FD9]  }
0x89: {  	s3 =	sld [smem:$0x3FFE];
	_ =	sdelay $0x1  }
0x8a: {  	s1 =	srdreg.scid  }
0x8b: {  	s0 =	sand.u32 $0x1, s1  }
0x8c: {  	s17 =	sshll.u32 s0, $0xA;
	s2 =	sadd.s32 s3, s2  }
0x8d: {  	s2 =	sadd.s32 s2, s17  }
0x8e: {  	[smem:$0x3FB9] =	sst s2  }
0x8f: {  	_ = 	snop  }
0x90: {  	s2 =	sld [smem:$0x3FC9]  }
0x91: {  	s18 =	sld [smem:$0x3FC8]  }
0x92: {  	s4 =	sld [smem:$0x3FC7]  }
0x93: {  	s5 =	sld [smem:$0x3FC6]  }
0x94: {  	s6 =	sld [smem:$0x3FC5]  }
0x95: {  	s7 =	sld [smem:$0x3FD0];
	(tm) =	ssettm $0x1  }
0x96: {  	s8 =	sld [smem:$0x3FFB];
	_ =	sdelay $0x3  }
0x97: {  	_ =	strace s8  }
0x98: {  	s8 =	sld [smem:$0x3FFC];
	_ =	sdelay $0x3  }
0x99: {  	_ =	strace s8  }
0x9a: {  	s8 =	sld [smem:$0x3FFD];
	_ =	sdelay $0x3  }
0x9b: {  	_ =	strace s8  }
0x9c: {  	_ =	strace $0x8FFFFFFF  }
0x9d: {  	s19 =	sld [smem:$0x3FDB];
	_ =	sdelay $0x1  }
0x9e: {  	s9 =	simm.s32 $_scs_section_size  }
0x9f: {  	s10 =	simm.s32 $_size__tile_overlayer_lowered;
	s11 =	simm.s32 $_tile_overlayer_lowered  }
0xa0: {  	s22 =	simm.s32 $0x1BFF;
	s21 =	sshll.u32 s11, $0x1;
	s8 =	sadd.s32 s9, s19  }
0xa1: {  	s12 =	simm.s32 $0x0;
	s20 =	sshll.u32 s10, $0x1;
	s10 =	sadd.s32 s21, s8  }
0xa2: {  	[timem:s12], [sflag:s22] =	dma.local [hbm:s10], s20  }
0xa3: {  	_ =	swait.ge [sflag:s22], s20  }
0xa4: {  	s9 =	ssub.s32 $0x0, s20;
	[sflag:s22] =	ssyncset.done $0x0  }
0xa5: {  	[sflag:s22] =	ssyncadd.s32 s9;
	_ =	sdelay $0x1  }
0xa6: {  	s23 =	simm.s32 $0x1B8B  }
0xa7: {  	_ =	swait.ge [sflag:s23], $0x1  }
0xa8: {  	[sflag:s23] =	ssyncset.done $0x0  }
0xa9: {  	s25 =	simm.s32 $0x1B8E;
	s24 =	sld [smem:$0x3FFE];
	[sflag:s23] =	ssyncadd.s32 $0xFFFFFFFF  }
0xaa: {  	s26 =	simm.s32 $execute0_lowered;
	[smem:$0x3FD2] =	sst s25  }
0xab: {  	s10 =	sshll.u32 s26, $0x1;
	_ =	strace $0x80000046;
	[dreg:$0x1] =	wrdreg $0xFFFFFFFF  }
0xac: {  	s28 =	simm.s32 $_size_execute0_lowered;
	s8 =	sadd.s32 s8, s10;
	[dreg:$0x0] =	wrdreg $0x0  }
0xad: {  	s10 =	sshll.u32 s28, $0x1;
	[dreg:$0x2] =	wrdreg s8  }
0xae: {  	[dreg:$0x3] =	wrdreg s10  }
0xaf: {  	[dreg:$0x4] =	wrdreg $0xC0  }
0xb0: {  	_ =	task [dreg:s12], $0x5FFFF  }
0xb1: {  	[dreg:$0x1] =	wrdreg $0xFFFFFFFF  }
0xb2: {  	[dreg:$0x0] =	wrdreg $0x60  }
0xb3: {  	[dreg:$0x2] =	wrdreg s2  }
0xb4: {  	[dreg:$0x3] =	wrdreg s18  }
0xb5: {  	[dreg:$0x4] =	wrdreg s5  }
0xb6: {  	[dreg:$0x5] =	wrdreg s6  }
0xb7: {  	[dreg:$0x6] =	wrdreg s4  }
0xb8: {  	[dreg:$0x7] =	wrdreg s24  }
0xb9: {  	[dreg:$0x8] =	wrdreg s7  }
0xba: {  	[dreg:$0x9] =	wrdreg $0x1A0100  }
0xbb: {  	[dreg:$0xa] =	wrdreg $0x9  }
0xbc: {  	_ =	task.clear_ibuf [dreg:s12], $0xBFFFF;
	_ =	strace $0x90000046  }
0xbd: {  	s29 =	simm.s32 $0x9;
	_ =	strace $0x80000048  }
0xbe: {  	_ =	swait.ge [sflag:s29], $0x1  }
0xbf: {  	[sflag:s29] =	ssyncadd.s32 $0xFFFFFFFF  }
0xc0: {  	_ =	strace $0x90000048  }
0xc1: {  	_ =	sfence  }
0xc2: {  	s30 =	sld [smem:$0x0];
	_ =	sdelay $0x2  }
0xc3: {  	s31 =	sshll.u32 s1, $0xD;
	s1 =	sshrl.u32 s1, $0x2  }
0xc4: {  	s3 =	sand.u32 $0x4000, s31;
	s1 =	sadd.s32 s1, s30  }
0xc5: {  	s0 =	sor.u32 s3, s0;
	s1 =	sshll.u32 s1, $0x11  }
0xc6: {  	s0 =	sor.u32 s1, s0  }
0xc7: {  	s0 =	sadd.s32 $0x8F2B, s0  }
0xc8: {  	[sflag:s0] =	ssyncadd.remote.s32 $0x1  }
0xc9: {  	_ =	sfence.sel $0xFFFF  }
0xca: {  	[dreg:$0x0] =	wrdreg $0xFFFFFFFF;
	(pc) =	sbr.abs _section_cstart, $3  }
0xcb: {  	[dreg:$0x1] =	wrdreg $0xFFFFFFFF  }
0xcc: {  	_ =	task.clear_ibuf [dreg:s12], $0x2FFFF;
	_ =	strace $0x9FFFFFFF  }
0xcd: {  	(tm) =	ssettm $0x7FFFFFFF  }
tec
execute0_lowered:
.L_overlay_start_1:
0x0: {  	(tag) =	ssettag $0x1  }
0x1: {  	s0 =	rddreg [dreg:$0x0]  }
0x2: {  	s1 =	rddreg [dreg:$0x1]  }
0x3: {  	s2 =	rddreg [dreg:$0x2]  }
0x4: {  	s4 =	rddreg [dreg:$0x3]  }
0x5: {  	s5 =	rddreg [dreg:$0x4]  }
0x6: {  	s6 =	rddreg [dreg:$0x5]  }
0x7: {  	s7 =	rddreg [dreg:$0x6]  }
0x8: {  	s11 =	rddreg [dreg:$0x7]  }
0x9: {  	s3 =	simm.s32 $0x0;
	s8 =	srdreg.scid;
	s12 =	stileid.u32  }
0xa: {  	[smem:$0x7FF] =	sst s3;
	s8 =	sand.u32 $0x1, s8;
	s9 =	sadd.s32 $0x24CA00, s6  }
0xb: {  	s20 =	sshll.u32 s12, $0xA;
	s13 =	sadd.s32 $0x189400, s6;
	s21 =	sadd.s32 $0x8E00, s6  }
0xc: {  	s22 =	sadd.s32 $0x5C00, s6;
	_ =	strace $0x80000047;
	[dreg:$0x9] =	wrdreg s9  }
0xd: {  	s24 =	sadd.s32 $0x2A00, s6;
	s26 =	smul.u32 $0x1500, s12;
	[dreg:$0xa] =	wrdreg s13  }
0xe: {  	s17 =	sshll.u32 s12, $0x5;
	s18 =	sshll.u32 s12, $0x6;
	[dreg:$0xb] =	wrdreg s21  }
0xf: {  	s12 =	simm.s32 $0xC00;
	s10 =	sshll.u32 s8, $0x9;
	[dreg:$0xc] =	wrdreg s22  }
0x10: {  	s8 =	ssub.s32 $0x2, s8;
	[dreg:$0xd] =	wrdreg s24;
	s9 =	sor.u32 s10, s20  }
0x11: {  	s25 =	sshrl.u32 s8, $0x1;
	s23 =	sshll.u32 s9, $0x3;
	s9 =	sshrl.u32 s9, $0x3  }
0x12: {  	s16 =	sshrl.u32 s26, $0x2;
	s10 =	simm.s32 $0x6;
	s0 =	sadd.s32 s0, s9  }
0x13: {  	s8 =	ssub.s32 s8, s25;
	s1 =	sadd.s32 s1, s9;
	[dreg:$0xe] =	wrdreg s0  }
0x14: {  	s6 =	sadd.s32 s23, s6;
	s13 =	sadd.s32 s2, s9;
	[dreg:$0xf] =	wrdreg s1  }
0x15: {  	s14 =	sadd.s32 s4, s9;
	s15 =	sadd.s32 s5, s9;
	[dreg:$0x10] =	wrdreg s13  }
0x16: {  	s23 =	sadd.s32 s7, s9;
	s26 =	smax.u32 s8, $0x1;
	[dreg:$0x11] =	wrdreg s14  }
0x17: {  	[dreg:$0x12] =	wrdreg s15;
	s14 =	sadd.s32 s16, s11;
	s15 =	sand.u32 $0x1C0, s17  }
0x18: {  	s16 =	sand.u32 $0x40, s18;
	[dreg:$0x18] =	wrdreg s23;
	s25 =	sadd.s32 $0x9000, s6  }
0x19: {  	[dreg:$0x1b] =	wrdreg s26;
	s11 =	simm.s32 $0x200;
	s13 =	simm.s32 $0x1  }
0x1a: {  	s17 =	simm.s32 $0x2;
	s18 =	simm.s32 $0x3;
	s0 =	sadd.s32 $0x40, s14  }
0x1b: {  	s19 =	sadd.s32 $0x80, s14;
	s20 =	sadd.s32 $0xC0, s14;
	s21 =	sadd.s32 $0x100, s14  }
0x1c: {  	s22 =	sadd.s32 $0x140, s14;
	s24 =	sadd.s32 $0x180, s14;
	[dreg:$0x1a] =	wrdreg s25  }
0x1d: {  	v0 =	vlaneseq.u32;
	s26 =	sadd.s32 $0x1C0, s14;
	s28 =	sadd.s32 $0x200, s14;
	s29 =	sadd.s32 $0x240, s14  }
0x1e: {  	v0 =	vmul.u32 $0x11, v0;
	s30 =	sadd.s32 $0x280, s14;
	s31 =	sadd.s32 $0x2C0, s14;
	[dreg:$0x13] =	wrdreg s0  }
0x1f: {  	s2 =	sadd.s32 $0x340, s14;
	s1 =	sadd.s32 $0x380, s14;
	[dreg:$0x14] =	wrdreg s19  }
0x20: {  	v1 =	vadd.s32 $0x1, v0;
	v2 =	vadd.s32 $0x2, v0;
	v3 =	vadd.s32 $0x3, v0;
	s4 =	sadd.s32 $0x3C0, s14;
	s5 =	sadd.s32 $0x400, s14;
	[dreg:$0x15] =	wrdreg s20  }
0x21: {  	v4 =	vadd.s32 $0x4, v0;
	v5 =	vadd.s32 $0x5, v0;
	v6 =	vadd.s32 $0x6, v0;
	s6 =	sadd.s32 $0x440, s14;
	s7 =	sadd.s32 $0x480, s14;
	[dreg:$0x16] =	wrdreg s21  }
0x22: {  	v7 =	vadd.s32 $0x7, v0;
	v8 =	vadd.s32 $0x8, v0;
	v9 =	vadd.s32 $0x9, v0;
	s8 =	sadd.s32 $0x4C0, s14;
	s9 =	sadd.s32 $0x500, s14;
	[dreg:$0x17] =	wrdreg s22  }
0x23: {  	v10 =	vadd.s32 $0xA, v0;
	v11 =	vadd.s32 $0xB, v0;
	v12 =	vadd.s32 $0xC, v0;
	[dreg:$0x19] =	wrdreg s24;
	s0 =	sadd.s32 $0x300, s14;
	s19 =	simm.s32 $0x4  }
0x24: {  	v13 =	vadd.s32 $0xD, v0;
	v14 =	vadd.s32 $0xE, v0;
	v15 =	vadd.s32 $0xF, v0;
	s20 =	simm.s32 $0x5;
	s21 =	simm.s32 $0x19D00;
	s22 =	simm.s32 $0x0  }
.LBB2_1:
0x25: {  	s23 =	rddreg [dreg:$0xe]  }
0x26: {  	[tilespmem:s3], [sflag:$0x6] =	stream.linear.gather [hbm4b:s23+s3], $0x200, $0x38;
	[tilespmem:$0x1A550] =	vst v63  }
0x27: {  	_ =	swait.ge [sflag:s10], $0x200  }
0x28: {  	[sflag:s10] =	ssyncset.done $0x0  }
0x29: {  	s25 =	rddreg [dreg:$0xf];
	[sflag:s10] =	ssyncadd.s32 $0xFFFFFE00  }
0x2a: {  	[tilespmem:s11], [sflag:$0x6] =	stream.linear.gather [hbm4b:s25+s3], $0x200, $0x38;
	[tilespmem:$0x1A550] =	vst v63  }
0x2b: {  	_ =	swait.ge [sflag:s10], $0x200  }
0x2c: {  	[sflag:s10] =	ssyncset.done $0x0  }
0x2d: {  	s24 =	rddreg [dreg:$0x9];
	[sflag:s10] =	ssyncadd.s32 $0xFFFFFE00  }
0x2e: {  	[tilespmem:s12], [sflag:$0x1] =	stream.indirect.gather [hbm4b:s24+s11], $0x40, s3, s11, $0xb8;
	[tilespmem:$0x1A550] =	vst v63  }
0x2f: {  	s25 =	rddreg [dreg:$0xa];
	s24 =	simm.s32 $0x8C00  }
0x30: {  	[tilespmem:s24], [sflag:$0x2] =	stream.indirect.gather [hbm4b:s25+s11], $0x40, s11, s11, $0xb8;
	[tilespmem:$0x1A550] =	vst v63  }
0x31: {  	s24 =	rddreg [dreg:$0xc];
	s25 =	simm.s32 $0x18C00  }
0x32: {  	[tilespmem:s25], [sflag:$0x3] =	stream.indirect.gather [hbm4b:s24+s11], $0x1, s3, s11, $0xb8;
	[tilespmem:$0x1A550] =	vst v63  }
0x33: {  	s24 =	rddreg [dreg:$0xd];
	s25 =	simm.s32 $0x18E00  }
0x34: {  	[tilespmem:s25], [sflag:$0x4] =	stream.indirect.gather [hbm4b:s24+s11], $0x1, s11, s11, $0xb8;
	[tilespmem:$0x1A550] =	vst v63  }
0x35: {  	s24 =	rddreg [dreg:$0x10];
	s25 =	simm.s32 $0x400  }
0x36: {  	[tilespmem:s25], [sflag:$0x6] =	stream.linear.gather [hbm4b:s24+s3], $0x200, $0x38;
	[tilespmem:$0x1A550] =	vst v63  }
0x37: {  	_ =	swait.ge [sflag:s10], $0x200  }
0x38: {  	[sflag:s10] =	ssyncset.done $0x0  }
0x39: {  	s25 =	simm.s32 $0x600;
	s24 =	rddreg [dreg:$0x11];
	[sflag:s10] =	ssyncadd.s32 $0xFFFFFE00  }
0x3a: {  	[tilespmem:s25], [sflag:$0x6] =	stream.linear.gather [hbm4b:s24+s3], $0x200, $0x38;
	[tilespmem:$0x1A550] =	vst v63  }
0x3b: {  	_ =	swait.ge [sflag:s10], $0x200  }
0x3c: {  	[sflag:s10] =	ssyncset.done $0x0  }
0x3d: {  	s25 =	simm.s32 $0x800;
	s24 =	rddreg [dreg:$0x12];
	[sflag:s10] =	ssyncadd.s32 $0xFFFFFE00  }
0x3e: {  	[tilespmem:s25], [sflag:$0x6] =	stream.linear.gather [hbm4b:s24+s3], $0x200, $0x38;
	[tilespmem:$0x1A550] =	vst v63  }
0x3f: {  	_ =	swait.ge [sflag:s10], $0x200  }
0x40: {  	[sflag:s10] =	ssyncset.done $0x0  }
0x41: {  	s25 =	simm.s32 $0x19000;
	s24 =	rddreg [dreg:$0xb];
	[sflag:s10] =	ssyncadd.s32 $0xFFFFFE00  }
0x42: {  	[tilespmem:s25], [sflag:$0x6] =	stream.linear.gather [hbm4b:s24+s3], $0x7C0, $0x38;
	[tilespmem:$0x1A550] =	vst v63  }
0x43: {  	_ =	swait.ge [sflag:s10], $0x7C0  }
0x44: {  	[sflag:s10] =	ssyncset.done $0x0  }
0x45: {  	[sflag:s10] =	ssyncadd.s32 $0xFFFFF840  }
0x46: {  	v16 =	vld [tilespmem:s15+$0x19000]  }
0x47: {  	v17 =	vld [tilespmem:s16+$0x19200]  }
0x48: {  	v18 =	vld [tilespmem:s15+$0x19010]  }
0x49: {  	v19 =	vld [tilespmem:s16+$0x19210]  }
0x4a: {  	v20 =	vld [tilespmem:s15+$0x19020]  }
0x4b: {  	v21 =	vld [tilespmem:s16+$0x19220]  }
0x4c: {  	v22 =	vld [tilespmem:s15+$0x19030]  }
0x4d: {  	v23 =	vld [tilespmem:s16+$0x19230]  }
0x4e: {  	v24 =	vld [tilespmem:$0x19280]  }
0x4f: {  	v25 =	vld [tilespmem:$0x19290]  }
0x50: {  	v26 =	vld [tilespmem:$0x192A0]  }
0x51: {  	v27 =	vld [tilespmem:$0x192B0]  }
0x52: {  	v55 =	vld [tilespmem:$0x192D0];
	v16 =	vadd.f32 v17, v16  }
0x53: {  	v61 =	vld [tilespmem:$0x19310];
	v17 =	vadd.f32 v19, v18;
	v18 =	vadd.f32 v21, v20  }
0x54: {  	v63 =	vld [tilespmem:$0x19330];
	v19 =	vadd.f32 v23, v22;
	v20 =	vadd.f32 v24, v16  }
0x55: {  	v28 =	vld [tilespmem:$0x192C0];
	v56 =	vadd.f32 v25, v17  }
0x56: {  	v30 =	vld [tilespmem:$0x19350];
	v59 =	vadd.f32 v27, v19;
	[tilespmem:$0x197C0] =	vst v20  }
0x57: {  	v57 =	vld [tilespmem:$0x192E0];
	v21 =	vadd.f32 v55, v17;
	[tilespmem:$0x197D0] =	vst v56  }
0x58: {  	v33 =	vld [tilespmem:$0x19370];
	v31 =	vadd.f32 v61, v17;
	[tilespmem:$0x197F0] =	vst v59  }
0x59: {  	v58 =	vld [tilespmem:$0x192F0];
	v34 =	vadd.f32 v63, v19;
	[tilespmem:$0x19810] =	vst v21  }
0x5a: {  	v36 =	vld [tilespmem:$0x19390];
	v20 =	vadd.f32 v26, v18;
	[tilespmem:$0x19850] =	vst v31  }
0x5b: {  	v60 =	vld [tilespmem:$0x19300];
	v37 =	vadd.f32 v30, v17;
	[tilespmem:$0x19870] =	vst v34  }
0x5c: {  	v39 =	vld [tilespmem:$0x193B0];
	[tilespmem:$0x197E0] =	vst v20;
	v20 =	vadd.f32 v28, v16  }
0x5d: {  	v62 =	vld [tilespmem:$0x19320];
	v40 =	vadd.f32 v33, v19;
	[tilespmem:$0x19890] =	vst v37  }
0x5e: {  	v42 =	vld [tilespmem:$0x193D0];
	[tilespmem:$0x19800] =	vst v20;
	v20 =	vadd.f32 v57, v18  }
0x5f: {  	v29 =	vld [tilespmem:$0x19340];
	v43 =	vadd.f32 v36, v17;
	[tilespmem:$0x198B0] =	vst v40  }
0x60: {  	v45 =	vld [tilespmem:$0x193F0];
	[tilespmem:$0x19820] =	vst v20;
	v20 =	vadd.f32 v60, v16  }
0x61: {  	v32 =	vld [tilespmem:$0x19360];
	v46 =	vadd.f32 v39, v19;
	[tilespmem:$0x198D0] =	vst v43  }
0x62: {  	v48 =	vld [tilespmem:$0x19410];
	[tilespmem:$0x19840] =	vst v20;
	v20 =	vadd.f32 v62, v18  }
0x63: {  	v35 =	vld [tilespmem:$0x19380];
	v49 =	vadd.f32 v42, v17;
	[tilespmem:$0x198F0] =	vst v46  }
0x64: {  	v54 =	vld [tilespmem:$0x19450];
	[tilespmem:$0x19860] =	vst v20;
	v20 =	vadd.f32 v29, v16  }
0x65: {  	v38 =	vld [tilespmem:$0x193A0];
	v52 =	vadd.f32 v45, v19;
	[tilespmem:$0x19910] =	vst v49  }
0x66: {  	v41 =	vld [tilespmem:$0x193C0];
	[tilespmem:$0x19880] =	vst v20;
	v20 =	vadd.f32 v32, v18  }
0x67: {  	v44 =	vld [tilespmem:$0x193E0];
	v55 =	vadd.f32 v48, v17;
	[tilespmem:$0x19930] =	vst v52  }
0x68: {  	v51 =	vld [tilespmem:$0x19430];
	[tilespmem:$0x198A0] =	vst v20;
	v20 =	vadd.f32 v35, v16  }
0x69: {  	v47 =	vld [tilespmem:$0x19400];
	v61 =	vadd.f32 v54, v17;
	[tilespmem:$0x19950] =	vst v55  }
0x6a: {  	v63 =	vld [tilespmem:$0x194B0];
	[tilespmem:$0x198C0] =	vst v20;
	v20 =	vadd.f32 v38, v18  }
0x6b: {  	v50 =	vld [tilespmem:$0x19420];
	[tilespmem:$0x19990] =	vst v61;
	v28 =	vadd.f32 v58, v19  }
0x6c: {  	v30 =	vld [tilespmem:$0x194D0];
	[tilespmem:$0x198E0] =	vst v20;
	v20 =	vadd.f32 v41, v16  }
0x6d: {  	v53 =	vld [tilespmem:$0x19440];
	v58 =	vadd.f32 v51, v19;
	[tilespmem:$0x19830] =	vst v28  }
0x6e: {  	v33 =	vld [tilespmem:$0x194F0];
	[tilespmem:$0x19900] =	vst v20;
	v20 =	vadd.f32 v44, v18  }
0x6f: {  	v36 =	vld [tilespmem:$0x19510];
	v34 =	vadd.f32 v63, v19;
	[tilespmem:$0x19970] =	vst v58  }
0x70: {  	v39 =	vld [tilespmem:$0x19530];
	[tilespmem:$0x19920] =	vst v20;
	v20 =	vadd.f32 v47, v16  }
0x71: {  	v56 =	vld [tilespmem:$0x19460];
	v37 =	vadd.f32 v30, v17;
	[tilespmem:$0x199F0] =	vst v34  }
0x72: {  	v42 =	vld [tilespmem:$0x19550];
	[tilespmem:$0x19940] =	vst v20;
	v20 =	vadd.f32 v50, v18  }
0x73: {  	v59 =	vld [tilespmem:$0x19480];
	v40 =	vadd.f32 v33, v19;
	[tilespmem:$0x19A10] =	vst v37  }
0x74: {  	v45 =	vld [tilespmem:$0x19570];
	[tilespmem:$0x19960] =	vst v20;
	v20 =	vadd.f32 v53, v16  }
0x75: {  	v43 =	vadd.f32 v36, v17;
	[tilespmem:$0x19A30] =	vst v40;
	v62 =	vld [tilespmem:$0x194A0]  }
0x76: {  	v48 =	vld [tilespmem:$0x19590];
	[tilespmem:$0x19980] =	vst v20;
	v20 =	vadd.f32 v56, v18  }
0x77: {  	v46 =	vadd.f32 v39, v19;
	[tilespmem:$0x19A50] =	vst v43;
	v29 =	vld [tilespmem:$0x194C0]  }
0x78: {  	v54 =	vld [tilespmem:$0x195D0];
	[tilespmem:$0x199A0] =	vst v20;
	v20 =	vadd.f32 v59, v16  }
0x79: {  	v49 =	vadd.f32 v42, v17;
	[tilespmem:$0x19A70] =	vst v46;
	v32 =	vld [tilespmem:$0x194E0]  }
0x7a: {  	v51 =	vld [tilespmem:$0x195B0];
	[tilespmem:$0x199C0] =	vst v20;
	v20 =	vadd.f32 v62, v18  }
0x7b: {  	v52 =	vadd.f32 v45, v19;
	[tilespmem:$0x19A90] =	vst v49;
	v35 =	vld [tilespmem:$0x19500]  }
0x7c: {  	v63 =	vld [tilespmem:$0x19630];
	[tilespmem:$0x199E0] =	vst v20;
	v20 =	vadd.f32 v29, v16  }
0x7d: {  	v55 =	vadd.f32 v48, v17;
	[tilespmem:$0x19AB0] =	vst v52;
	v38 =	vld [tilespmem:$0x19520]  }
0x7e: {  	v57 =	vld [tilespmem:$0x19470];
	[tilespmem:$0x19A00] =	vst v20;
	v20 =	vadd.f32 v32, v18  }
0x7f: {  	v61 =	vadd.f32 v54, v17;
	[tilespmem:$0x19AD0] =	vst v55;
	v41 =	vld [tilespmem:$0x19540]  }
0x80: {  	v60 =	vld [tilespmem:$0x19490];
	[tilespmem:$0x19A20] =	vst v20;
	v20 =	vadd.f32 v35, v16  }
0x81: {  	[tilespmem:$0x19B10] =	vst v61;
	v58 =	vadd.f32 v51, v19;
	v44 =	vld [tilespmem:$0x19560]  }
0x82: {  	[tilespmem:$0x19A40] =	vst v20;
	v20 =	vadd.f32 v38, v18  }
0x83: {  	v33 =	vadd.f32 v63, v19;
	[tilespmem:$0x19AF0] =	vst v58;
	v47 =	vld [tilespmem:$0x19580]  }
0x84: {  	v28 =	vadd.f32 v57, v19;
	v57 =	vld [tilespmem:$0x195F0];
	[tilespmem:$0x19A60] =	vst v20;
	v20 =	vadd.f32 v41, v16  }
0x85: {  	[tilespmem:$0x19B70] =	vst v33;
	v50 =	vld [tilespmem:$0x195A0]  }
0x86: {  	v31 =	vadd.f32 v60, v17;
	v60 =	vld [tilespmem:$0x19610];
	[tilespmem:$0x19A80] =	vst v20;
	v20 =	vadd.f32 v44, v18  }
0x87: {  	[tilespmem:$0x199B0] =	vst v28;
	v53 =	vld [tilespmem:$0x195C0]  }
0x88: {  	v29 =	vld [tilespmem:$0x19650];
	[tilespmem:$0x19AA0] =	vst v20;
	v20 =	vadd.f32 v47, v16  }
0x89: {  	[tilespmem:$0x199D0] =	vst v31;
	v27 =	vadd.f32 v57, v19;
	v56 =	vld [tilespmem:$0x195E0]  }
0x8a: {  	v32 =	vld [tilespmem:$0x19670];
	[tilespmem:$0x19AC0] =	vst v20;
	v20 =	vadd.f32 v50, v18  }
0x8b: {  	[tilespmem:$0x19B30] =	vst v27;
	v30 =	vadd.f32 v60, v17;
	v59 =	vld [tilespmem:$0x19600]  }
0x8c: {  	v35 =	vld [tilespmem:$0x19690];
	[tilespmem:$0x19AE0] =	vst v20;
	v20 =	vadd.f32 v53, v16  }
0x8d: {  	[tilespmem:$0x19B50] =	vst v30;
	v62 =	vld [tilespmem:$0x19620];
	v36 =	vadd.f32 v29, v17  }
0x8e: {  	v38 =	vld [tilespmem:$0x196B0];
	[tilespmem:$0x19B00] =	vst v20;
	v20 =	vadd.f32 v56, v18  }
0x8f: {  	v28 =	vld [tilespmem:$0x19640];
	[tilespmem:$0x19B90] =	vst v36;
	v39 =	vadd.f32 v32, v19  }
0x90: {  	v41 =	vld [tilespmem:$0x196D0];
	[tilespmem:$0x19B20] =	vst v20;
	v20 =	vadd.f32 v59, v16  }
0x91: {  	v31 =	vld [tilespmem:$0x19660];
	[tilespmem:$0x19BB0] =	vst v39;
	v42 =	vadd.f32 v35, v17  }
0x92: {  	v44 =	vld [tilespmem:$0x196F0];
	[tilespmem:$0x19B40] =	vst v20;
	v20 =	vadd.f32 v62, v18  }
0x93: {  	v34 =	vld [tilespmem:$0x19680];
	[tilespmem:$0x19BD0] =	vst v42;
	v45 =	vadd.f32 v38, v19  }
0x94: {  	v47 =	vld [tilespmem:$0x19710];
	[tilespmem:$0x19B60] =	vst v20;
	v20 =	vadd.f32 v28, v16  }
0x95: {  	v37 =	vld [tilespmem:$0x196A0];
	[tilespmem:$0x19BF0] =	vst v45;
	v48 =	vadd.f32 v41, v17  }
0x96: {  	v50 =	vld [tilespmem:$0x19730];
	[tilespmem:$0x19B80] =	vst v20;
	v20 =	vadd.f32 v31, v18  }
0x97: {  	v40 =	vld [tilespmem:$0x196C0];
	[tilespmem:$0x19C10] =	vst v48;
	v51 =	vadd.f32 v44, v19  }
0x98: {  	v53 =	vld [tilespmem:$0x19750];
	[tilespmem:$0x19BA0] =	vst v20;
	v20 =	vadd.f32 v34, v16  }
0x99: {  	v43 =	vld [tilespmem:$0x196E0];
	[tilespmem:$0x19C30] =	vst v51;
	v54 =	vadd.f32 v47, v17  }
0x9a: {  	v56 =	vld [tilespmem:$0x19770];
	[tilespmem:$0x19BC0] =	vst v20;
	v20 =	vadd.f32 v37, v18  }
0x9b: {  	v46 =	vld [tilespmem:$0x19700];
	[tilespmem:$0x19C50] =	vst v54;
	v57 =	vadd.f32 v50, v19  }
0x9c: {  	v59 =	vld [tilespmem:$0x19790];
	[tilespmem:$0x19BE0] =	vst v20;
	v20 =	vadd.f32 v40, v16  }
0x9d: {  	v49 =	vld [tilespmem:$0x19720];
	[tilespmem:$0x19C70] =	vst v57;
	v60 =	vadd.f32 v53, v17  }
0x9e: {  	v62 =	vld [tilespmem:$0x197B0];
	[tilespmem:$0x19C00] =	vst v20;
	v20 =	vadd.f32 v43, v18  }
0x9f: {  	v52 =	vld [tilespmem:$0x19740];
	[tilespmem:$0x19C90] =	vst v60;
	v63 =	vadd.f32 v56, v19  }
0xa0: {  	v58 =	vld [tilespmem:$0x19780];
	[tilespmem:$0x19C20] =	vst v20;
	v20 =	vadd.f32 v46, v16  }
0xa1: {  	v55 =	vld [tilespmem:$0x19760];
	[tilespmem:$0x19CB0] =	vst v63;
	v17 =	vadd.f32 v59, v17  }
0xa2: {  	v61 =	vld [tilespmem:$0x197A0];
	[tilespmem:$0x19C40] =	vst v20;
	v20 =	vadd.f32 v49, v18  }
0xa3: {  	[tilespmem:$0x19CD0] =	vst v17;
	v17 =	vadd.f32 v62, v19  }
0xa4: {  	[tilespmem:$0x19C60] =	vst v20;
	v20 =	vadd.f32 v52, v16  }
0xa5: {  	[tilespmem:$0x19CF0] =	vst v17;
	v16 =	vadd.f32 v58, v16  }
0xa6: {  	[tilespmem:$0x19C80] =	vst v20;
	v20 =	vadd.f32 v55, v18  }
0xa7: {  	[tilespmem:$0x19CC0] =	vst v16;
	v16 =	vadd.f32 v61, v18  }
0xa8: {  	[tilespmem:$0x19CA0] =	vst v20  }
0xa9: {  	s25 =	simm.s32 $0x197C0;
	[tilespmem:$0x19CE0] =	vst v16  }
0xaa: {  	[spmem:s14] =	stream.linear.scatter [tilespmem:s25], [sflag:$0x6], $0x40, $0x38;
	[tilespmem:$0x1A550] =	vst v63  }
0xab: {  	_ =	swait.ge [sflag:s10], $0x40  }
0xac: {  	[sflag:s10] =	ssyncset.done $0x0  }
0xad: {  	s25 =	simm.s32 $0x19800;
	s24 =	rddreg [dreg:$0x13];
	[sflag:s10] =	ssyncadd.s32 $0xFFFFFFC0  }
0xae: {  	[spmem:s24] =	stream.linear.scatter [tilespmem:s25], [sflag:$0x6], $0x40, $0x38;
	[tilespmem:$0x1A550] =	vst v63  }
0xaf: {  	_ =	swait.ge [sflag:s10], $0x40  }
0xb0: {  	[sflag:s10] =	ssyncset.done $0x0  }
0xb1: {  	s25 =	simm.s32 $0x19840;
	s24 =	rddreg [dreg:$0x14];
	[sflag:s10] =	ssyncadd.s32 $0xFFFFFFC0  }
0xb2: {  	[spmem:s24] =	stream.linear.scatter [tilespmem:s25], [sflag:$0x6], $0x40, $0x38;
	[tilespmem:$0x1A550] =	vst v63  }
0xb3: {  	_ =	swait.ge [sflag:s10], $0x40  }
0xb4: {  	[sflag:s10] =	ssyncset.done $0x0  }
0xb5: {  	s25 =	simm.s32 $0x19880;
	s24 =	rddreg [dreg:$0x15];
	[sflag:s10] =	ssyncadd.s32 $0xFFFFFFC0  }
0xb6: {  	[spmem:s24] =	stream.linear.scatter [tilespmem:s25], [sflag:$0x6], $0x40, $0x38;
	[tilespmem:$0x1A550] =	vst v63  }
0xb7: {  	_ =	swait.ge [sflag:s10], $0x40  }
0xb8: {  	[sflag:s10] =	ssyncset.done $0x0  }
0xb9: {  	s25 =	simm.s32 $0x198C0;
	s24 =	rddreg [dreg:$0x16];
	[sflag:s10] =	ssyncadd.s32 $0xFFFFFFC0  }
0xba: {  	[spmem:s24] =	stream.linear.scatter [tilespmem:s25], [sflag:$0x6], $0x40, $0x38;
	[tilespmem:$0x1A550] =	vst v63  }
0xbb: {  	_ =	swait.ge [sflag:s10], $0x40  }
0xbc: {  	[sflag:s10] =	ssyncset.done $0x0  }
0xbd: {  	s25 =	simm.s32 $0x19900;
	s24 =	rddreg [dreg:$0x17];
	[sflag:s10] =	ssyncadd.s32 $0xFFFFFFC0  }
0xbe: {  	[spmem:s24] =	stream.linear.scatter [tilespmem:s25], [sflag:$0x6], $0x40, $0x38;
	[tilespmem:$0x1A550] =	vst v63  }
0xbf: {  	_ =	swait.ge [sflag:s10], $0x40  }
0xc0: {  	[sflag:s10] =	ssyncset.done $0x0  }
0xc1: {  	s25 =	simm.s32 $0x19940;
	s24 =	rddreg [dreg:$0x19];
	[sflag:s10] =	ssyncadd.s32 $0xFFFFFFC0  }
0xc2: {  	[spmem:s24] =	stream.linear.scatter [tilespmem:s25], [sflag:$0x6], $0x40, $0x38;
	[tilespmem:$0x1A550] =	vst v63  }
0xc3: {  	_ =	swait.ge [sflag:s10], $0x40  }
0xc4: {  	[sflag:s10] =	ssyncset.done $0x0  }
0xc5: {  	s24 =	simm.s32 $0x19980;
	[sflag:s10] =	ssyncadd.s32 $0xFFFFFFC0  }
0xc6: {  	[spmem:s26] =	stream.linear.scatter [tilespmem:s24], [sflag:$0x6], $0x40, $0x38;
	[tilespmem:$0x1A550] =	vst v63  }
0xc7: {  	_ =	swait.ge [sflag:s10], $0x40  }
0xc8: {  	[sflag:s10] =	ssyncset.done $0x0  }
0xc9: {  	s25 =	simm.s32 $0x199C0;
	[sflag:s10] =	ssyncadd.s32 $0xFFFFFFC0  }
0xca: {  	[spmem:s28] =	stream.linear.scatter [tilespmem:s25], [sflag:$0x6], $0x40, $0x38;
	[tilespmem:$0x1A550] =	vst v63  }
0xcb: {  	_ =	swait.ge [sflag:s10], $0x40  }
0xcc: {  	[sflag:s10] =	ssyncset.done $0x0  }
0xcd: {  	s24 =	simm.s32 $0x19A00;
	[sflag:s10] =	ssyncadd.s32 $0xFFFFFFC0  }
0xce: {  	[spmem:s29] =	stream.linear.scatter [tilespmem:s24], [sflag:$0x6], $0x40, $0x38;
	[tilespmem:$0x1A550] =	vst v63  }
0xcf: {  	_ =	swait.ge [sflag:s10], $0x40  }
0xd0: {  	[sflag:s10] =	ssyncset.done $0x0  }
0xd1: {  	s25 =	simm.s32 $0x19A40;
	[sflag:s10] =	ssyncadd.s32 $0xFFFFFFC0  }
0xd2: {  	[spmem:s30] =	stream.linear.scatter [tilespmem:s25], [sflag:$0x6], $0x40, $0x38;
	[tilespmem:$0x1A550] =	vst v63  }
0xd3: {  	_ =	swait.ge [sflag:s10], $0x40  }
0xd4: {  	[sflag:s10] =	ssyncset.done $0x0  }
0xd5: {  	s24 =	simm.s32 $0x19A80;
	[sflag:s10] =	ssyncadd.s32 $0xFFFFFFC0  }
0xd6: {  	[spmem:s31] =	stream.linear.scatter [tilespmem:s24], [sflag:$0x6], $0x40, $0x38;
	[tilespmem:$0x1A550] =	vst v63  }
0xd7: {  	_ =	swait.ge [sflag:s10], $0x40  }
0xd8: {  	[sflag:s10] =	ssyncset.done $0x0  }
0xd9: {  	s25 =	simm.s32 $0x19AC0;
	[sflag:s10] =	ssyncadd.s32 $0xFFFFFFC0  }
0xda: {  	[spmem:s0] =	stream.linear.scatter [tilespmem:s25], [sflag:$0x6], $0x40, $0x38;
	[tilespmem:$0x1A550] =	vst v63  }
0xdb: {  	_ =	swait.ge [sflag:s10], $0x40  }
0xdc: {  	[sflag:s10] =	ssyncset.done $0x0  }
0xdd: {  	s24 =	simm.s32 $0x19B00;
	[sflag:s10] =	ssyncadd.s32 $0xFFFFFFC0  }
0xde: {  	[spmem:s2] =	stream.linear.scatter [tilespmem:s24], [sflag:$0x6], $0x40, $0x38;
	[tilespmem:$0x1A550] =	vst v63  }
0xdf: {  	_ =	swait.ge [sflag:s10], $0x40  }
0xe0: {  	[sflag:s10] =	ssyncset.done $0x0  }
0xe1: {  	s25 =	simm.s32 $0x19B40;
	[sflag:s10] =	ssyncadd.s32 $0xFFFFFFC0  }
0xe2: {  	[spmem:s1] =	stream.linear.scatter [tilespmem:s25], [sflag:$0x6], $0x40, $0x38;
	[tilespmem:$0x1A550] =	vst v63  }
0xe3: {  	_ =	swait.ge [sflag:s10], $0x40  }
0xe4: {  	[sflag:s10] =	ssyncset.done $0x0  }
0xe5: {  	s24 =	simm.s32 $0x19B80;
	[sflag:s10] =	ssyncadd.s32 $0xFFFFFFC0  }
0xe6: {  	[spmem:s4] =	stream.linear.scatter [tilespmem:s24], [sflag:$0x6], $0x40, $0x38;
	[tilespmem:$0x1A550] =	vst v63  }
0xe7: {  	_ =	swait.ge [sflag:s10], $0x40  }
0xe8: {  	[sflag:s10] =	ssyncset.done $0x0  }
0xe9: {  	s25 =	simm.s32 $0x19BC0;
	[sflag:s10] =	ssyncadd.s32 $0xFFFFFFC0  }
0xea: {  	[spmem:s5] =	stream.linear.scatter [tilespmem:s25], [sflag:$0x6], $0x40, $0x38;
	[tilespmem:$0x1A550] =	vst v63  }
0xeb: {  	_ =	swait.ge [sflag:s10], $0x40  }
0xec: {  	[sflag:s10] =	ssyncset.done $0x0  }
0xed: {  	s24 =	simm.s32 $0x19C00;
	[sflag:s10] =	ssyncadd.s32 $0xFFFFFFC0  }
0xee: {  	[spmem:s6] =	stream.linear.scatter [tilespmem:s24], [sflag:$0x6], $0x40, $0x38;
	[tilespmem:$0x1A550] =	vst v63  }
0xef: {  	_ =	swait.ge [sflag:s10], $0x40  }
0xf0: {  	[sflag:s10] =	ssyncset.done $0x0  }
0xf1: {  	s25 =	simm.s32 $0x19C40;
	[sflag:s10] =	ssyncadd.s32 $0xFFFFFFC0  }
0xf2: {  	[spmem:s7] =	stream.linear.scatter [tilespmem:s25], [sflag:$0x6], $0x40, $0x38;
	[tilespmem:$0x1A550] =	vst v63  }
0xf3: {  	_ =	swait.ge [sflag:s10], $0x40  }
0xf4: {  	[sflag:s10] =	ssyncset.done $0x0  }
0xf5: {  	s24 =	simm.s32 $0x19C80;
	[sflag:s10] =	ssyncadd.s32 $0xFFFFFFC0  }
0xf6: {  	[spmem:s8] =	stream.linear.scatter [tilespmem:s24], [sflag:$0x6], $0x40, $0x38;
	[tilespmem:$0x1A550] =	vst v63  }
0xf7: {  	_ =	swait.ge [sflag:s10], $0x40  }
0xf8: {  	[sflag:s10] =	ssyncset.done $0x0  }
0xf9: {  	s25 =	simm.s32 $0x19CC0;
	[sflag:s10] =	ssyncadd.s32 $0xFFFFFFC0  }
0xfa: {  	[spmem:s9] =	stream.linear.scatter [tilespmem:s25], [sflag:$0x6], $0x40, $0x38;
	[tilespmem:$0x1A550] =	vst v63  }
0xfb: {  	_ =	swait.ge [sflag:s10], $0x40  }
0xfc: {  	[sflag:s10] =	ssyncset.done $0x0  }
0xfd: {  	s23 =	simm.s32 $0x0;
	[sflag:s10] =	ssyncadd.s32 $0xFFFFFFC0  }
0xfe: {  	v16 =	vld [tilespmem:s23+$0x400]  }
0xff: {  	v17 =	vld [tilespmem:s23+$0x600];
	_ =	sdelay $0x2  }
0x100: {  	s24 =	simm.s32 $0x40;
	v18 =	vld [tilespmem:s23+$0x800]  }
.LBB2_2:
0x101: {  	s25 =	sshra.s32 s24, $0x2;
	p0 =	sne.s32 s24, $0x7C0;
	s24 =	sadd.s32 $0x40, s24;
	v19 =	vshll.u32 v16, $0x1  }
.Ltmp0:
0x102: {  	v16 =	vld [tilespmem:s25+$0x400];
	v19 =	vadd.s32 v17, v19;
	(pc) =	sbr.rel @p0 .LBB2_2-.Ltmp0, $3  }
0x103: {  	v17 =	vld [tilespmem:s25+$0x600];
	v19 =	vmul.u32 $0x15, v19;
	_ =	sdelay $0x1  }
0x104: {  	v19 =	vadd.s32 v18, v19  }
0x105: {  	v18 =	vld [tilespmem:s25+$0x800];
	[tilespmem:s23+$0xA00] =	vst v19;
	s23 =	smov.u32 s25  }
0x106: {  	v16 =	vshll.u32 v16, $0x1  }
0x107: {  	v16 =	vadd.s32 v17, v16  }
0x108: {  	v16 =	vmul.u32 $0x15, v16;
	_ =	sdelay $0x1  }
0x109: {  	v16 =	vadd.s32 v18, v16  }
0x10a: {  	[tilespmem:s23+$0xA00] =	vst v16  }
0x10b: {  	[bflag:$0x0] =	sbarrier.arrive $0xFFFF  }
0x10c: {  	s24 =	simm.s32 $0xA00;
	s25 =	simm.s32 $0x10C00;
	s23 =	rddreg [dreg:$0x7]  }
0x10d: {  	[tilespmem:s25], [sflag:$0x5] =	stream.indirect.gather [spmem:s23], $0x40, s24, s11, $0xb8;
	[tilespmem:$0x1A550] =	vst v63  }
0x10e: {  	_ =	swait.ge [sflag:s13], $0x8000  }
0x10f: {  	[sflag:s13] =	ssyncset.done $0x0  }
0x110: {  	[sflag:s13] =	ssyncadd.s32 $0xFFFF8000  }
0x111: {  	_ =	swait.ge [sflag:s17], $0x8000  }
0x112: {  	[sflag:s17] =	ssyncset.done $0x0  }
0x113: {  	[sflag:s17] =	ssyncadd.s32 $0xFFFF8000  }
0x114: {  	_ =	swait.ge [sflag:s18], $0x200  }
0x115: {  	[sflag:s18] =	ssyncset.done $0x0  }
0x116: {  	[sflag:s18] =	ssyncadd.s32 $0xFFFFFE00  }
0x117: {  	_ =	swait.ge [sflag:s19], $0x200  }
0x118: {  	[sflag:s19] =	ssyncset.done $0x0  }
0x119: {  	[sflag:s19] =	ssyncadd.s32 $0xFFFFFE00  }
0x11a: {  	_ =	swait.ge [sflag:s20], $0x8000  }
0x11b: {  	[sflag:s20] =	ssyncset.done $0x0  }
0x11c: {  	s23 =	simm.s32 $0x0;
	[sflag:s20] =	ssyncadd.s32 $0xFFFF8000  }
.LBB2_4:
0x11d: {  	s24 =	sshll.u32 s23, $0xA  }
0x11e: {  	v16 =	vld [tilespmem:s24+$0xC00]  }
0x11f: {  	v17 =	vld [tilespmem:s24+$0xC10]  }
0x120: {  	v18 =	vld [tilespmem:s24+$0xC20]  }
0x121: {  	v19 =	vld [tilespmem:s24+$0xC30]  }
0x122: {  	v20 =	vld [tilespmem:s24+$0x10C00]  }
0x123: {  	v21 =	vld [tilespmem:s24+$0x10C10]  }
0x124: {  	v22 =	vld [tilespmem:s24+$0x10C20]  }
0x125: {  	v23 =	vld [tilespmem:s24+$0x8C00]  }
0x126: {  	v24 =	vld [tilespmem:s24+$0x8C10]  }
0x127: {  	v25 =	vld [tilespmem:s24+$0x10C30]  }
0x128: {  	v26 =	vld [tilespmem:s24+$0x8C20]  }
0x129: {  	v16 =	vadd.f32 v20, v16;
	v17 =	vadd.f32 v21, v17  }
0x12a: {  	v52 =	vld [tilespmem:s24+$0x8C30]  }
0x12b: {  	v18 =	vadd.f32 v22, v18;
	v53 =	vmul.f32 v23, v16;
	v54 =	vmul.f32 v24, v17;
	_ =	sdelay $0x1  }
0x12c: {  	v19 =	vadd.f32 v25, v19;
	v22 =	vmul.f32 v26, v18;
	v21 =	vadd.f32 v54, v53;
	_ =	sdelay $0x1  }
0x12d: {  	[tilespmem:s24+$0xC00] =	vst v16;
	v20 =	vmul.f32 v52, v19;
	v16 =	vadd.f32 v22, v21  }
0x12e: {  	[tilespmem:s24+$0xC10] =	vst v17  }
0x12f: {  	[tilespmem:s24+$0xC20] =	vst v18;
	v16 =	vadd.f32 v20, v16  }
0x130: {  	[tilespmem:s24+$0xC30] =	vst v19  }
0x131: {  	[tilespmem:$0x19D00] =	vst v16  }
0x132: {  	v16 =	vld [tilespmem:s24+$0xC40]  }
0x133: {  	v17 =	vld [tilespmem:s24+$0xC50]  }
0x134: {  	v55 =	vld [tilespmem:s24+$0xC60]  }
0x135: {  	v56 =	vld [tilespmem:s24+$0xC70]  }
0x136: {  	v57 =	vld [tilespmem:s24+$0x10C40]  }
0x137: {  	v58 =	vld [tilespmem:s24+$0x10C50]  }
0x138: {  	v59 =	vld [tilespmem:s24+$0x10C60]  }
0x139: {  	v60 =	vld [tilespmem:s24+$0x8C40]  }
0x13a: {  	v61 =	vld [tilespmem:s24+$0x8C50]  }
0x13b: {  	v62 =	vld [tilespmem:s24+$0x10C70]  }
0x13c: {  	v63 =	vld [tilespmem:s24+$0x8C60]  }
0x13d: {  	v16 =	vadd.f32 v57, v16;
	v17 =	vadd.f32 v58, v17  }
0x13e: {  	v28 =	vld [tilespmem:s24+$0x8C70]  }
0x13f: {  	v18 =	vadd.f32 v59, v55;
	v29 =	vmul.f32 v60, v16;
	v30 =	vmul.f32 v61, v17;
	_ =	sdelay $0x1  }
0x140: {  	v19 =	vadd.f32 v62, v56;
	v22 =	vmul.f32 v63, v18;
	v21 =	vadd.f32 v30, v29;
	_ =	sdelay $0x1  }
0x141: {  	[tilespmem:s24+$0xC40] =	vst v16;
	v20 =	vmul.f32 v28, v19;
	v16 =	vadd.f32 v22, v21  }
0x142: {  	[tilespmem:s24+$0xC50] =	vst v17  }
0x143: {  	[tilespmem:s24+$0xC60] =	vst v18;
	v16 =	vadd.f32 v20, v16  }
0x144: {  	[tilespmem:s24+$0xC70] =	vst v19  }
0x145: {  	[tilespmem:$0x19D11] =	vst v16  }
0x146: {  	v16 =	vld [tilespmem:s24+$0xC80]  }
0x147: {  	v17 =	vld [tilespmem:s24+$0xC90]  }
0x148: {  	v31 =	vld [tilespmem:s24+$0xCA0]  }
0x149: {  	v32 =	vld [tilespmem:s24+$0xCB0]  }
0x14a: {  	v33 =	vld [tilespmem:s24+$0x10C80]  }
0x14b: {  	v34 =	vld [tilespmem:s24+$0x10C90]  }
0x14c: {  	v35 =	vld [tilespmem:s24+$0x10CA0]  }
0x14d: {  	v36 =	vld [tilespmem:s24+$0x8C80]  }
0x14e: {  	v37 =	vld [tilespmem:s24+$0x8C90]  }
0x14f: {  	v38 =	vld [tilespmem:s24+$0x10CB0]  }
0x150: {  	v39 =	vld [tilespmem:s24+$0x8CA0]  }
0x151: {  	v16 =	vadd.f32 v33, v16;
	v17 =	vadd.f32 v34, v17  }
0x152: {  	v40 =	vld [tilespmem:s24+$0x8CB0]  }
0x153: {  	v18 =	vadd.f32 v35, v31;
	v41 =	vmul.f32 v36, v16;
	v42 =	vmul.f32 v37, v17;
	_ =	sdelay $0x1  }
0x154: {  	v19 =	vadd.f32 v38, v32;
	v22 =	vmul.f32 v39, v18;
	v21 =	vadd.f32 v42, v41;
	_ =	sdelay $0x1  }
0x155: {  	[tilespmem:s24+$0xC80] =	vst v16;
	v20 =	vmul.f32 v40, v19;
	v16 =	vadd.f32 v22, v21  }
0x156: {  	[tilespmem:s24+$0xC90] =	vst v17  }
0x157: {  	[tilespmem:s24+$0xCA0] =	vst v18;
	v16 =	vadd.f32 v20, v16  }
0x158: {  	[tilespmem:s24+$0xCB0] =	vst v19  }
0x159: {  	[tilespmem:$0x19D22] =	vst v16  }
0x15a: {  	v16 =	vld [tilespmem:s24+$0xCC0]  }
0x15b: {  	v17 =	vld [tilespmem:s24+$0xCD0]  }
0x15c: {  	v43 =	vld [tilespmem:s24+$0xCE0]  }
0x15d: {  	v44 =	vld [tilespmem:s24+$0xCF0]  }
0x15e: {  	v45 =	vld [tilespmem:s24+$0x10CC0]  }
0x15f: {  	v46 =	vld [tilespmem:s24+$0x10CD0]  }
0x160: {  	v47 =	vld [tilespmem:s24+$0x10CE0]  }
0x161: {  	v48 =	vld [tilespmem:s24+$0x8CC0]  }
0x162: {  	v49 =	vld [tilespmem:s24+$0x8CD0]  }
0x163: {  	v50 =	vld [tilespmem:s24+$0x10CF0]  }
0x164: {  	v51 =	vld [tilespmem:s24+$0x8CE0]  }
0x165: {  	v16 =	vadd.f32 v45, v16;
	v17 =	vadd.f32 v46, v17  }
0x166: {  	v52 =	vld [tilespmem:s24+$0x8CF0]  }
0x167: {  	v18 =	vadd.f32 v47, v43;
	v53 =	vmul.f32 v48, v16;
	v54 =	vmul.f32 v49, v17;
	_ =	sdelay $0x1  }
0x168: {  	v19 =	vadd.f32 v50, v44;
	v22 =	vmul.f32 v51, v18;
	v21 =	vadd.f32 v54, v53;
	_ =	sdelay $0x1  }
0x169: {  	[tilespmem:s24+$0xCC0] =	vst v16;
	v20 =	vmul.f32 v52, v19;
	v16 =	vadd.f32 v22, v21  }
0x16a: {  	[tilespmem:s24+$0xCD0] =	vst v17  }
0x16b: {  	[tilespmem:s24+$0xCE0] =	vst v18;
	v16 =	vadd.f32 v20, v16  }
0x16c: {  	[tilespmem:s24+$0xCF0] =	vst v19  }
0x16d: {  	[tilespmem:$0x19D33] =	vst v16  }
0x16e: {  	v16 =	vld [tilespmem:s24+$0xD00]  }
0x16f: {  	v17 =	vld [tilespmem:s24+$0xD10]  }
0x170: {  	v55 =	vld [tilespmem:s24+$0xD20]  }
0x171: {  	v56 =	vld [tilespmem:s24+$0xD30]  }
0x172: {  	v57 =	vld [tilespmem:s24+$0x10D00]  }
0x173: {  	v58 =	vld [tilespmem:s24+$0x10D10]  }
0x174: {  	v59 =	vld [tilespmem:s24+$0x10D20]  }
0x175: {  	v60 =	vld [tilespmem:s24+$0x8D00]  }
0x176: {  	v61 =	vld [tilespmem:s24+$0x8D10]  }
0x177: {  	v62 =	vld [tilespmem:s24+$0x10D30]  }
0x178: {  	v63 =	vld [tilespmem:s24+$0x8D20]  }
0x179: {  	v16 =	vadd.f32 v57, v16;
	v17 =	vadd.f32 v58, v17  }
0x17a: {  	v28 =	vld [tilespmem:s24+$0x8D30]  }
0x17b: {  	v18 =	vadd.f32 v59, v55;
	v29 =	vmul.f32 v60, v16;
	v30 =	vmul.f32 v61, v17;
	_ =	sdelay $0x1  }
0x17c: {  	v19 =	vadd.f32 v62, v56;
	v22 =	vmul.f32 v63, v18;
	v21 =	vadd.f32 v30, v29;
	_ =	sdelay $0x1  }
0x17d: {  	[tilespmem:s24+$0xD00] =	vst v16;
	v20 =	vmul.f32 v28, v19;
	v16 =	vadd.f32 v22, v21  }
0x17e: {  	[tilespmem:s24+$0xD10] =	vst v17  }
0x17f: {  	[tilespmem:s24+$0xD20] =	vst v18;
	v16 =	vadd.f32 v20, v16  }
0x180: {  	[tilespmem:s24+$0xD30] =	vst v19  }
0x181: {  	[tilespmem:$0x19D44] =	vst v16  }
0x182: {  	v16 =	vld [tilespmem:s24+$0xD40]  }
0x183: {  	v17 =	vld [tilespmem:s24+$0xD50]  }
0x184: {  	v31 =	vld [tilespmem:s24+$0xD60]  }
0x185: {  	v32 =	vld [tilespmem:s24+$0xD70]  }
0x186: {  	v33 =	vld [tilespmem:s24+$0x10D40]  }
0x187: {  	v34 =	vld [tilespmem:s24+$0x10D50]  }
0x188: {  	v35 =	vld [tilespmem:s24+$0x10D60]  }
0x189: {  	v36 =	vld [tilespmem:s24+$0x8D40]  }
0x18a: {  	v37 =	vld [tilespmem:s24+$0x8D50]  }
0x18b: {  	v38 =	vld [tilespmem:s24+$0x10D70]  }
0x18c: {  	v39 =	vld [tilespmem:s24+$0x8D60]  }
0x18d: {  	v16 =	vadd.f32 v33, v16;
	v17 =	vadd.f32 v34, v17  }
0x18e: {  	v40 =	vld [tilespmem:s24+$0x8D70]  }
0x18f: {  	v18 =	vadd.f32 v35, v31;
	v41 =	vmul.f32 v36, v16;
	v42 =	vmul.f32 v37, v17;
	_ =	sdelay $0x1  }
0x190: {  	v19 =	vadd.f32 v38, v32;
	v22 =	vmul.f32 v39, v18;
	v21 =	vadd.f32 v42, v41;
	_ =	sdelay $0x1  }
0x191: {  	[tilespmem:s24+$0xD40] =	vst v16;
	v20 =	vmul.f32 v40, v19;
	v16 =	vadd.f32 v22, v21  }
0x192: {  	[tilespmem:s24+$0xD50] =	vst v17  }
0x193: {  	[tilespmem:s24+$0xD60] =	vst v18;
	v16 =	vadd.f32 v20, v16  }
0x194: {  	[tilespmem:s24+$0xD70] =	vst v19  }
0x195: {  	[tilespmem:$0x19D55] =	vst v16  }
0x196: {  	v16 =	vld [tilespmem:s24+$0xD80]  }
0x197: {  	v17 =	vld [tilespmem:s24+$0xD90]  }
0x198: {  	v43 =	vld [tilespmem:s24+$0xDA0]  }
0x199: {  	v44 =	vld [tilespmem:s24+$0xDB0]  }
0x19a: {  	v45 =	vld [tilespmem:s24+$0x10D80]  }
0x19b: {  	v46 =	vld [tilespmem:s24+$0x10D90]  }
0x19c: {  	v47 =	vld [tilespmem:s24+$0x10DA0]  }
0x19d: {  	v48 =	vld [tilespmem:s24+$0x8D80]  }
0x19e: {  	v49 =	vld [tilespmem:s24+$0x8D90]  }
0x19f: {  	v50 =	vld [tilespmem:s24+$0x10DB0]  }
0x1a0: {  	v51 =	vld [tilespmem:s24+$0x8DA0]  }
0x1a1: {  	v16 =	vadd.f32 v45, v16;
	v17 =	vadd.f32 v46, v17  }
0x1a2: {  	v52 =	vld [tilespmem:s24+$0x8DB0]  }
0x1a3: {  	v18 =	vadd.f32 v47, v43;
	v53 =	vmul.f32 v48, v16;
	v54 =	vmul.f32 v49, v17;
	_ =	sdelay $0x1  }
0x1a4: {  	v19 =	vadd.f32 v50, v44;
	v22 =	vmul.f32 v51, v18;
	v21 =	vadd.f32 v54, v53;
	_ =	sdelay $0x1  }
0x1a5: {  	[tilespmem:s24+$0xD80] =	vst v16;
	v20 =	vmul.f32 v52, v19;
	v16 =	vadd.f32 v22, v21  }
0x1a6: {  	[tilespmem:s24+$0xD90] =	vst v17  }
0x1a7: {  	[tilespmem:s24+$0xDA0] =	vst v18;
	v16 =	vadd.f32 v20, v16  }
0x1a8: {  	[tilespmem:s24+$0xDB0] =	vst v19  }
0x1a9: {  	[tilespmem:$0x19D66] =	vst v16  }
0x1aa: {  	v16 =	vld [tilespmem:s24+$0xDC0]  }
0x1ab: {  	v17 =	vld [tilespmem:s24+$0xDD0]  }
0x1ac: {  	v55 =	vld [tilespmem:s24+$0xDE0]  }
0x1ad: {  	v56 =	vld [tilespmem:s24+$0xDF0]  }
0x1ae: {  	v57 =	vld [tilespmem:s24+$0x10DC0]  }
0x1af: {  	v58 =	vld [tilespmem:s24+$0x10DD0]  }
0x1b0: {  	v59 =	vld [tilespmem:s24+$0x10DE0]  }
0x1b1: {  	v60 =	vld [tilespmem:s24+$0x8DC0]  }
0x1b2: {  	v61 =	vld [tilespmem:s24+$0x8DD0]  }
0x1b3: {  	v62 =	vld [tilespmem:s24+$0x10DF0]  }
0x1b4: {  	v63 =	vld [tilespmem:s24+$0x8DE0]  }
0x1b5: {  	v16 =	vadd.f32 v57, v16;
	v17 =	vadd.f32 v58, v17  }
0x1b6: {  	v28 =	vld [tilespmem:s24+$0x8DF0]  }
0x1b7: {  	v18 =	vadd.f32 v59, v55;
	v29 =	vmul.f32 v60, v16;
	v30 =	vmul.f32 v61, v17;
	_ =	sdelay $0x1  }
0x1b8: {  	v19 =	vadd.f32 v62, v56;
	v22 =	vmul.f32 v63, v18;
	v21 =	vadd.f32 v30, v29;
	_ =	sdelay $0x1  }
0x1b9: {  	[tilespmem:s24+$0xDC0] =	vst v16;
	v20 =	vmul.f32 v28, v19;
	v16 =	vadd.f32 v22, v21  }
0x1ba: {  	[tilespmem:s24+$0xDD0] =	vst v17  }
0x1bb: {  	[tilespmem:s24+$0xDE0] =	vst v18;
	v16 =	vadd.f32 v20, v16  }
0x1bc: {  	[tilespmem:s24+$0xDF0] =	vst v19  }
0x1bd: {  	[tilespmem:$0x19D77] =	vst v16  }
0x1be: {  	v16 =	vld [tilespmem:s24+$0xE00]  }
0x1bf: {  	v17 =	vld [tilespmem:s24+$0xE10]  }
0x1c0: {  	v31 =	vld [tilespmem:s24+$0xE20]  }
0x1c1: {  	v32 =	vld [tilespmem:s24+$0xE30]  }
0x1c2: {  	v33 =	vld [tilespmem:s24+$0x10E00]  }
0x1c3: {  	v34 =	vld [tilespmem:s24+$0x10E10]  }
0x1c4: {  	v35 =	vld [tilespmem:s24+$0x10E20]  }
0x1c5: {  	v36 =	vld [tilespmem:s24+$0x8E00]  }
0x1c6: {  	v37 =	vld [tilespmem:s24+$0x8E10]  }
0x1c7: {  	v38 =	vld [tilespmem:s24+$0x10E30]  }
0x1c8: {  	v39 =	vld [tilespmem:s24+$0x8E20]  }
0x1c9: {  	v16 =	vadd.f32 v33, v16;
	v17 =	vadd.f32 v34, v17  }
0x1ca: {  	v40 =	vld [tilespmem:s24+$0x8E30]  }
0x1cb: {  	v18 =	vadd.f32 v35, v31;
	v41 =	vmul.f32 v36, v16;
	v42 =	vmul.f32 v37, v17;
	_ =	sdelay $0x1  }
0x1cc: {  	v19 =	vadd.f32 v38, v32;
	v22 =	vmul.f32 v39, v18;
	v21 =	vadd.f32 v42, v41;
	_ =	sdelay $0x1  }
0x1cd: {  	[tilespmem:s24+$0xE00] =	vst v16;
	v20 =	vmul.f32 v40, v19;
	v16 =	vadd.f32 v22, v21  }
0x1ce: {  	[tilespmem:s24+$0xE10] =	vst v17  }
0x1cf: {  	[tilespmem:s24+$0xE20] =	vst v18;
	v16 =	vadd.f32 v20, v16  }
0x1d0: {  	[tilespmem:s24+$0xE30] =	vst v19  }
0x1d1: {  	[tilespmem:$0x19D88] =	vst v16  }
0x1d2: {  	v16 =	vld [tilespmem:s24+$0xE40]  }
0x1d3: {  	v17 =	vld [tilespmem:s24+$0xE50]  }
0x1d4: {  	v43 =	vld [tilespmem:s24+$0xE60]  }
0x1d5: {  	v44 =	vld [tilespmem:s24+$0xE70]  }
0x1d6: {  	v45 =	vld [tilespmem:s24+$0x10E40]  }
0x1d7: {  	v46 =	vld [tilespmem:s24+$0x10E50]  }
0x1d8: {  	v47 =	vld [tilespmem:s24+$0x10E60]  }
0x1d9: {  	v48 =	vld [tilespmem:s24+$0x8E40]  }
0x1da: {  	v49 =	vld [tilespmem:s24+$0x8E50]  }
0x1db: {  	v50 =	vld [tilespmem:s24+$0x10E70]  }
0x1dc: {  	v51 =	vld [tilespmem:s24+$0x8E60]  }
0x1dd: {  	v16 =	vadd.f32 v45, v16;
	v17 =	vadd.f32 v46, v17  }
0x1de: {  	v52 =	vld [tilespmem:s24+$0x8E70]  }
0x1df: {  	v18 =	vadd.f32 v47, v43;
	v53 =	vmul.f32 v48, v16;
	v54 =	vmul.f32 v49, v17;
	_ =	sdelay $0x1  }
0x1e0: {  	v19 =	vadd.f32 v50, v44;
	v22 =	vmul.f32 v51, v18;
	v21 =	vadd.f32 v54, v53;
	_ =	sdelay $0x1  }
0x1e1: {  	[tilespmem:s24+$0xE40] =	vst v16;
	v20 =	vmul.f32 v52, v19;
	v16 =	vadd.f32 v22, v21  }
0x1e2: {  	[tilespmem:s24+$0xE50] =	vst v17  }
0x1e3: {  	[tilespmem:s24+$0xE60] =	vst v18;
	v16 =	vadd.f32 v20, v16  }
0x1e4: {  	[tilespmem:s24+$0xE70] =	vst v19  }
0x1e5: {  	[tilespmem:$0x19D99] =	vst v16  }
0x1e6: {  	v16 =	vld [tilespmem:s24+$0xE80]  }
0x1e7: {  	v17 =	vld [tilespmem:s24+$0xE90]  }
0x1e8: {  	v55 =	vld [tilespmem:s24+$0xEA0]  }
0x1e9: {  	v56 =	vld [tilespmem:s24+$0xEB0]  }
0x1ea: {  	v57 =	vld [tilespmem:s24+$0x10E80]  }
0x1eb: {  	v58 =	vld [tilespmem:s24+$0x10E90]  }
0x1ec: {  	v59 =	vld [tilespmem:s24+$0x10EA0]  }
0x1ed: {  	v60 =	vld [tilespmem:s24+$0x8E80]  }
0x1ee: {  	v61 =	vld [tilespmem:s24+$0x8E90]  }
0x1ef: {  	v62 =	vld [tilespmem:s24+$0x10EB0]  }
0x1f0: {  	v63 =	vld [tilespmem:s24+$0x8EA0]  }
0x1f1: {  	v16 =	vadd.f32 v57, v16;
	v17 =	vadd.f32 v58, v17  }
0x1f2: {  	v28 =	vld [tilespmem:s24+$0x8EB0]  }
0x1f3: {  	v18 =	vadd.f32 v59, v55;
	v29 =	vmul.f32 v60, v16;
	v30 =	vmul.f32 v61, v17;
	_ =	sdelay $0x1  }
0x1f4: {  	v19 =	vadd.f32 v62, v56;
	v22 =	vmul.f32 v63, v18;
	v21 =	vadd.f32 v30, v29;
	_ =	sdelay $0x1  }
0x1f5: {  	[tilespmem:s24+$0xE80] =	vst v16;
	v20 =	vmul.f32 v28, v19;
	v16 =	vadd.f32 v22, v21  }
0x1f6: {  	[tilespmem:s24+$0xE90] =	vst v17  }
0x1f7: {  	[tilespmem:s24+$0xEA0] =	vst v18;
	v16 =	vadd.f32 v20, v16  }
0x1f8: {  	[tilespmem:s24+$0xEB0] =	vst v19  }
0x1f9: {  	[tilespmem:$0x19DAA] =	vst v16  }
0x1fa: {  	v16 =	vld [tilespmem:s24+$0xEC0]  }
0x1fb: {  	v17 =	vld [tilespmem:s24+$0xED0]  }
0x1fc: {  	v31 =	vld [tilespmem:s24+$0xEE0]  }
0x1fd: {  	v32 =	vld [tilespmem:s24+$0xEF0]  }
0x1fe: {  	v33 =	vld [tilespmem:s24+$0x10EC0]  }
0x1ff: {  	v34 =	vld [tilespmem:s24+$0x10ED0]  }
0x200: {  	v35 =	vld [tilespmem:s24+$0x10EE0]  }
0x201: {  	v36 =	vld [tilespmem:s24+$0x8EC0]  }
0x202: {  	v37 =	vld [tilespmem:s24+$0x8ED0]  }
0x203: {  	v38 =	vld [tilespmem:s24+$0x10EF0]  }
0x204: {  	v39 =	vld [tilespmem:s24+$0x8EE0]  }
0x205: {  	v16 =	vadd.f32 v33, v16;
	v17 =	vadd.f32 v34, v17  }
0x206: {  	v40 =	vld [tilespmem:s24+$0x8EF0]  }
0x207: {  	v18 =	vadd.f32 v35, v31;
	v41 =	vmul.f32 v36, v16;
	v42 =	vmul.f32 v37, v17;
	_ =	sdelay $0x1  }
0x208: {  	v19 =	vadd.f32 v38, v32;
	v22 =	vmul.f32 v39, v18;
	v21 =	vadd.f32 v42, v41;
	_ =	sdelay $0x1  }
0x209: {  	[tilespmem:s24+$0xEC0] =	vst v16;
	v20 =	vmul.f32 v40, v19;
	v16 =	vadd.f32 v22, v21  }
0x20a: {  	[tilespmem:s24+$0xED0] =	vst v17  }
0x20b: {  	[tilespmem:s24+$0xEE0] =	vst v18;
	v16 =	vadd.f32 v20, v16  }
0x20c: {  	[tilespmem:s24+$0xEF0] =	vst v19  }
0x20d: {  	[tilespmem:$0x19DBB] =	vst v16  }
0x20e: {  	v16 =	vld [tilespmem:s24+$0xF00]  }
0x20f: {  	v17 =	vld [tilespmem:s24+$0xF10]  }
0x210: {  	v43 =	vld [tilespmem:s24+$0xF20]  }
0x211: {  	v44 =	vld [tilespmem:s24+$0xF30]  }
0x212: {  	v45 =	vld [tilespmem:s24+$0x10F00]  }
0x213: {  	v46 =	vld [tilespmem:s24+$0x10F10]  }
0x214: {  	v47 =	vld [tilespmem:s24+$0x10F20]  }
0x215: {  	v48 =	vld [tilespmem:s24+$0x8F00]  }
0x216: {  	v49 =	vld [tilespmem:s24+$0x8F10]  }
0x217: {  	v50 =	vld [tilespmem:s24+$0x10F30]  }
0x218: {  	v51 =	vld [tilespmem:s24+$0x8F20]  }
0x219: {  	v16 =	vadd.f32 v45, v16;
	v17 =	vadd.f32 v46, v17  }
0x21a: {  	v52 =	vld [tilespmem:s24+$0x8F30]  }
0x21b: {  	v18 =	vadd.f32 v47, v43;
	v53 =	vmul.f32 v48, v16;
	v54 =	vmul.f32 v49, v17;
	_ =	sdelay $0x1  }
0x21c: {  	v19 =	vadd.f32 v50, v44;
	v22 =	vmul.f32 v51, v18;
	v21 =	vadd.f32 v54, v53;
	_ =	sdelay $0x1  }
0x21d: {  	[tilespmem:s24+$0xF00] =	vst v16;
	v20 =	vmul.f32 v52, v19;
	v16 =	vadd.f32 v22, v21  }
0x21e: {  	[tilespmem:s24+$0xF10] =	vst v17  }
0x21f: {  	[tilespmem:s24+$0xF20] =	vst v18;
	v16 =	vadd.f32 v20, v16  }
0x220: {  	[tilespmem:s24+$0xF30] =	vst v19  }
0x221: {  	[tilespmem:$0x19DCC] =	vst v16  }
0x222: {  	v16 =	vld [tilespmem:s24+$0xF40]  }
0x223: {  	v17 =	vld [tilespmem:s24+$0xF50]  }
0x224: {  	v55 =	vld [tilespmem:s24+$0xF60]  }
0x225: {  	v56 =	vld [tilespmem:s24+$0xF70]  }
0x226: {  	v57 =	vld [tilespmem:s24+$0x10F40]  }
0x227: {  	v58 =	vld [tilespmem:s24+$0x10F50]  }
0x228: {  	v59 =	vld [tilespmem:s24+$0x10F60]  }
0x229: {  	v60 =	vld [tilespmem:s24+$0x8F40]  }
0x22a: {  	v61 =	vld [tilespmem:s24+$0x8F50]  }
0x22b: {  	v62 =	vld [tilespmem:s24+$0x10F70]  }
0x22c: {  	v63 =	vld [tilespmem:s24+$0x8F60]  }
0x22d: {  	v16 =	vadd.f32 v57, v16;
	v17 =	vadd.f32 v58, v17  }
0x22e: {  	v28 =	vld [tilespmem:s24+$0x8F70]  }
0x22f: {  	v18 =	vadd.f32 v59, v55;
	v29 =	vmul.f32 v60, v16;
	v30 =	vmul.f32 v61, v17;
	_ =	sdelay $0x1  }
0x230: {  	v19 =	vadd.f32 v62, v56;
	v22 =	vmul.f32 v63, v18;
	v21 =	vadd.f32 v30, v29;
	_ =	sdelay $0x1  }
0x231: {  	[tilespmem:s24+$0xF40] =	vst v16;
	v20 =	vmul.f32 v28, v19;
	v16 =	vadd.f32 v22, v21  }
0x232: {  	[tilespmem:s24+$0xF50] =	vst v17  }
0x233: {  	[tilespmem:s24+$0xF60] =	vst v18;
	v16 =	vadd.f32 v20, v16  }
0x234: {  	[tilespmem:s24+$0xF70] =	vst v19  }
0x235: {  	[tilespmem:$0x19DDD] =	vst v16  }
0x236: {  	v16 =	vld [tilespmem:s24+$0xF80]  }
0x237: {  	v17 =	vld [tilespmem:s24+$0xF90]  }
0x238: {  	v31 =	vld [tilespmem:s24+$0xFA0]  }
0x239: {  	v32 =	vld [tilespmem:s24+$0xFB0]  }
0x23a: {  	v33 =	vld [tilespmem:s24+$0x10F80]  }
0x23b: {  	v34 =	vld [tilespmem:s24+$0x10F90]  }
0x23c: {  	v35 =	vld [tilespmem:s24+$0x10FA0]  }
0x23d: {  	v36 =	vld [tilespmem:s24+$0x8F80]  }
0x23e: {  	v37 =	vld [tilespmem:s24+$0x8F90]  }
0x23f: {  	v38 =	vld [tilespmem:s24+$0x10FB0]  }
0x240: {  	v39 =	vld [tilespmem:s24+$0x8FA0]  }
0x241: {  	v16 =	vadd.f32 v33, v16;
	v17 =	vadd.f32 v34, v17  }
0x242: {  	v40 =	vld [tilespmem:s24+$0x8FB0]  }
0x243: {  	v18 =	vadd.f32 v35, v31;
	v41 =	vmul.f32 v36, v16;
	v42 =	vmul.f32 v37, v17;
	_ =	sdelay $0x1  }
0x244: {  	v19 =	vadd.f32 v38, v32;
	v22 =	vmul.f32 v39, v18;
	v21 =	vadd.f32 v42, v41;
	_ =	sdelay $0x1  }
0x245: {  	[tilespmem:s24+$0xF80] =	vst v16;
	v20 =	vmul.f32 v40, v19;
	v16 =	vadd.f32 v22, v21  }
0x246: {  	[tilespmem:s24+$0xF90] =	vst v17  }
0x247: {  	[tilespmem:s24+$0xFA0] =	vst v18;
	v16 =	vadd.f32 v20, v16  }
0x248: {  	[tilespmem:s24+$0xFB0] =	vst v19  }
0x249: {  	[tilespmem:$0x19DEE] =	vst v16  }
0x24a: {  	v16 =	vld [tilespmem:s24+$0xFC0]  }
0x24b: {  	v17 =	vld [tilespmem:s24+$0xFD0]  }
0x24c: {  	v43 =	vld [tilespmem:s24+$0xFE0]  }
0x24d: {  	v44 =	vld [tilespmem:s24+$0xFF0]  }
0x24e: {  	v45 =	vld [tilespmem:s24+$0x10FC0]  }
0x24f: {  	v46 =	vld [tilespmem:s24+$0x10FD0]  }
0x250: {  	v47 =	vld [tilespmem:s24+$0x10FE0]  }
0x251: {  	v48 =	vld [tilespmem:s24+$0x8FC0]  }
0x252: {  	v49 =	vld [tilespmem:s24+$0x8FD0]  }
0x253: {  	v50 =	vld [tilespmem:s24+$0x10FF0]  }
0x254: {  	v51 =	vld [tilespmem:s24+$0x8FE0]  }
0x255: {  	v16 =	vadd.f32 v45, v16;
	v17 =	vadd.f32 v46, v17  }
0x256: {  	v52 =	vld [tilespmem:s24+$0x8FF0]  }
0x257: {  	v18 =	vadd.f32 v47, v43;
	v53 =	vmul.f32 v48, v16;
	v54 =	vmul.f32 v49, v17;
	_ =	sdelay $0x1  }
0x258: {  	v19 =	vadd.f32 v50, v44;
	v22 =	vmul.f32 v51, v18;
	v21 =	vadd.f32 v54, v53;
	_ =	sdelay $0x1  }
0x259: {  	[tilespmem:s24+$0xFC0] =	vst v16;
	v20 =	vmul.f32 v52, v19;
	v16 =	vadd.f32 v22, v21  }
0x25a: {  	[tilespmem:s24+$0xFD0] =	vst v17  }
0x25b: {  	[tilespmem:s24+$0xFE0] =	vst v18;
	v16 =	vadd.f32 v20, v16  }
0x25c: {  	[tilespmem:s24+$0xFF0] =	vst v19  }
0x25d: {  	s25 =	sshll.u32 s23, $0x4;
	[tilespmem:$0x19DFF] =	vst v16  }
0x25e: {  	v16 =	vld [tilespmem:s25+$0x18C00]  }
0x25f: {  	v17 =	vld [tilespmem:s25+$0x18E00];
	_ =	sdelay $0x1  }
0x260: {  	v18 =	vld.idx.msk [tilespmem:v0+s21+$0x0], $0xffff;
	_ =	sdelay $0x1  }
0x261: {  	v19 =	vld.idx.msk [tilespmem:v1+s21+$0x0], $0xffff  }
0x262: {  	v16 =	vadd.f32 v17, v16  }
0x263: {  	v17 =	vld.idx.msk [tilespmem:v2+s21+$0x0], $0xffff  }
0x264: {  	v16 =	vadd.f32 v18, v16  }
0x265: {  	v55 =	vld.idx.msk [tilespmem:v3+s21+$0x0], $0xffff  }
0x266: {  	v16 =	vadd.f32 v19, v16  }
0x267: {  	v56 =	vld.idx.msk [tilespmem:v4+s21+$0x0], $0xffff  }
0x268: {  	v16 =	vadd.f32 v17, v16  }
0x269: {  	v17 =	vld.idx.msk [tilespmem:v5+s21+$0x0], $0xffff  }
0x26a: {  	v16 =	vadd.f32 v55, v16  }
0x26b: {  	v57 =	vld.idx.msk [tilespmem:v6+s21+$0x0], $0xffff  }
0x26c: {  	v16 =	vadd.f32 v56, v16  }
0x26d: {  	v58 =	vld.idx.msk [tilespmem:v7+s21+$0x0], $0xffff  }
0x26e: {  	v16 =	vadd.f32 v17, v16  }
0x26f: {  	v17 =	vld.idx.msk [tilespmem:v8+s21+$0x0], $0xffff  }
0x270: {  	v16 =	vadd.f32 v57, v16  }
0x271: {  	v59 =	vld.idx.msk [tilespmem:v9+s21+$0x0], $0xffff  }
0x272: {  	v16 =	vadd.f32 v58, v16  }
0x273: {  	v60 =	vld.idx.msk [tilespmem:v10+s21+$0x0], $0xffff  }
0x274: {  	v16 =	vadd.f32 v17, v16  }
0x275: {  	v17 =	vld.idx.msk [tilespmem:v11+s21+$0x0], $0xffff  }
0x276: {  	v16 =	vadd.f32 v59, v16  }
0x277: {  	v61 =	vld.idx.msk [tilespmem:v12+s21+$0x0], $0xffff  }
0x278: {  	v16 =	vadd.f32 v60, v16  }
0x279: {  	v62 =	vld.idx.msk [tilespmem:v13+s21+$0x0], $0xffff  }
0x27a: {  	v16 =	vadd.f32 v17, v16  }
0x27b: {  	v17 =	vld.idx.msk [tilespmem:v14+s21+$0x0], $0xffff  }
0x27c: {  	v16 =	vadd.f32 v61, v16  }
0x27d: {  	v63 =	vld.idx.msk [tilespmem:v15+s21+$0x0], $0xffff  }
0x27e: {  	v16 =	vadd.f32 v62, v16  }
0x27f: {  	p0 =	sne.s32 s23, $0x1F  }
.Ltmp1:
0x280: {  	v16 =	vadd.f32 v17, v16;
	(pc) =	sbr.rel @p0 .LBB2_4-.Ltmp1, $3  }
0x281: {  	_ = 	snop  }
0x282: {  	v16 =	vadd.f32 v63, v16;
	_ =	sdelay $0x1  }
0x283: {  	s23 =	sadd.s32 $0x1, s23;
	[tilespmem:s25+$0x19E10] =	vst v16  }
0x284: {  	s23 =	rddreg [dreg:$0x1a]  }
0x285: {  	[hbm4b:s23+s3] =	stream.linear.scatter [tilespmem:s12], [sflag:$0x6], $0x8000, $0x38;
	[tilespmem:$0x1A550] =	vst v63  }
0x286: {  	_ =	swait.ge [sflag:s10], $0x8000  }
0x287: {  	[sflag:s10] =	ssyncset.done $0x0  }
0x288: {  	s24 =	simm.s32 $0x19E10;
	s25 =	rddreg [dreg:$0x18];
	[sflag:s10] =	ssyncadd.s32 $0xFFFF8000  }
0x289: {  	[hbm4b:s25+s3] =	stream.linear.scatter [tilespmem:s24], [sflag:$0x6], $0x200, $0x38;
	[tilespmem:$0x1A550] =	vst v63  }
0x28a: {  	_ =	swait.ge [sflag:s10], $0x200  }
0x28b: {  	s22 =	sadd.s32 $0x1, s22;
	s25 =	rddreg [dreg:$0x1b]  }
0x28c: {  	p0 =	sne.s32 s22, s25  }
.Ltmp2:
0x28d: {  	_ = 	snop;
	(pc) =	sbr.rel @p0 .LBB2_1-.Ltmp2, $3  }
0x28e: {  	_ =	sdelay $0x1  }
0x28f: {  	[sflag:s10] =	ssyncset.done $0x0  }
0x290: {  	[sflag:s10] =	ssyncadd.s32 $0xFFFFFE00  }
0x291: {  	_ =	sfence.sel $0x180000  }
0x292: {  	[bflag:$0x0] =	sbarrier.arrive $0xFFFF  }
0x293: {  	_ =	strace $0x90000047  }
0x294: {  	s0 =	stileid.u32;
	[bflag:$0x2] =	sbarrier.arrive $0xFFFF  }
0x295: {  	p0 =	sne.s32 s0, $0x0;
	s0 =	rddreg [dreg:$0x8]  }
0x296: {  	s0 =	sadd.s32 @!p0 $0x100000, s0  }
0x297: {  	[sflag:s0] =	ssyncadd.tile.s32 @!p0 $0x1;
	_ =	shalt  }
.Lfunc_end2:
_tile_overlayer_lowered:
.L_overlay_start_2:
0x298: {  	(tag) =	ssettag $0x2  }
0x299: {  	s0 =	rddreg [dreg:$0x0];
	s2 =	stileid.u32  }
0x29a: {  	s1 =	rddreg [dreg:$0x1];
	p0 =	sne.s32 s2, $0x0  }
0x29b: {  	s3 =	rddreg [dreg:$0x2];
	[bflag:$0x3] =	sbarrier.arrive $0xFFFF;
	s2 =	simm.s32 @!p0 $0x1C06  }
0x29c: {  	[timem:s3], [sflag:s2] =	dma.local @!p0 [hbm:s0], s1  }
0x29d: {  	s0 =	simm.s32 @!p0 $0x6  }
0x29e: {  	_ =	swait.ge @!p0 [sflag:s0], s1  }
0x29f: {  	s1 =	ssub.s32 @!p0 $0x0, s1;
	[sflag:s0] =	ssyncset.done @!p0 $0x0  }
0x2a0: {  	[sflag:s0] =	ssyncadd.s32 @!p0 s1  }
0x2a1: {  	[bflag:$0x3] =	sbarrier.arrive $0xFFFF  }
0x2a2: {  	_ =	shalt  }

</sc_bundles>
